<compile_context>
chip_gen: v7x
topology: tpu7x:2x2x1
jax: 0.10.2.dev20260603
libtpu: 0.0.44.dev20260713+nightly
codegen_flags: <defaults>
</compile_context>

<pallas_src>
import functools

import jax
import jax.numpy as jnp
import numpy as np
from jax.experimental import pallas as pl
from jax.experimental.pallas import tpu as pltpu
from jax.experimental.pallas import tpu_sc as plsc

K = 16
DM = 256
XP = 32
TD = 2 * DM + 128
NC, NS = 2, 16
NW = NC * NS
BIGF = np.float32(1e30)
BN_INV = np.float32(1.0 / np.sqrt(1.0 + 1e-5))
SM_SCALE = np.float32(1.0 / 16.0)



def _sqdist(qb, xt):
    return (jnp.sum(qb * qb, axis=1, keepdims=True)
            + jnp.sum(xt * xt, axis=0, keepdims=True)
            - 2.0 * jnp.dot(qb, xt, preferred_element_type=jnp.float32,
                            precision=jax.lax.Precision.HIGHEST))


def _topk_cols(d, k):
    cols = jax.lax.broadcasted_iota(jnp.int32, d.shape, 1).astype(jnp.float32)
    outs = []
    for _ in range(k):
        m = jnp.min(d, axis=1, keepdims=True)
        idx = jnp.min(jnp.where(d <= m, cols, BIGF), axis=1, keepdims=True)
        outs.append(idx)
        d = jnp.where(cols == idx, BIGF, d)
    return outs


_BDOT = lambda a, b: jnp.dot(a.astype(jnp.bfloat16), b.astype(jnp.bfloat16),
                             preferred_element_type=jnp.float32)


def _attn_core(qx, p1, kk, vv, wd2, bd2, wg1, bg1, wg2, bg2, m):
    bdot = _BDOT
    pos = bdot(p1, wd2) + bd2
    t = qx - kk + pos
    a1 = jnp.maximum(bdot(t, wg1) + bg1, 0.0)
    lg = (bdot(a1, wg2) + bg2) * SM_SCALE
    lg3 = lg.reshape(m, K, DM)
    mx = jnp.max(lg3, axis=1, keepdims=True)
    e = jnp.exp(lg3 - mx)
    s = jnp.sum(e, axis=1, keepdims=True)
    vp = (vv + pos).reshape(m, K, DM)
    return jnp.sum((e / s) * vp, axis=1)


def _tu_core(xf8, xct, pc, ff, w1, b1, g1, t1, w2, b2, g2, t2):
    f2 = jnp.maximum(
        (jnp.dot(ff, w2, preferred_element_type=jnp.float32)
         + b2) * (g2 * BN_INV) + t2, 0.0)
    f1 = jnp.maximum(
        (jnp.dot(pc, w1, preferred_element_type=jnp.float32)
         + b1) * (g1 * BN_INV) + t1, 0.0)
    d = jnp.maximum(_sqdist(xf8, xct), 0.0)
    cols = jax.lax.broadcasted_iota(jnp.int32, d.shape, 1).astype(jnp.float32)
    recs, sels = [], []
    for _ in range(3):
        mn = jnp.min(d, axis=1, keepdims=True)
        idx = jnp.min(jnp.where(d <= mn, cols, BIGF), axis=1, keepdims=True)
        recs.append(1.0 / (mn + 1e-8))
        sels.append(cols == idx)
        d = jnp.where(cols == idx, BIGF, d)
    norm = recs[0] + recs[1] + recs[2]
    w = (jnp.where(sels[0], recs[0] / norm, 0.0)
         + jnp.where(sels[1], recs[1] / norm, 0.0)
         + jnp.where(sels[2], recs[2] / norm, 0.0))
    return jnp.dot(w, f1, preferred_element_type=jnp.float32) + f2



def _knn_body(q_ref, xt_ref, o_ref, *, k):
    d = _sqdist(q_ref[...], xt_ref[...])
    outs = _topk_cols(d, k)
    o_ref[...] = jnp.concatenate(outs, axis=1).astype(jnp.int32)


def _knn(xyz8, xyz8t, k):
    n = xyz8.shape[0]
    m = min(256, n)
    return pl.pallas_call(
        functools.partial(_knn_body, k=k),
        grid=(n // m,),
        in_specs=[
            pl.BlockSpec((m, 8), lambda i: (i, 0)),
            pl.BlockSpec((8, n), lambda i: (0, 0)),
        ],
        out_specs=pl.BlockSpec((m, k), lambda i: (i, 0)),
        out_shape=jax.ShapeDtypeStruct((n, k), jnp.int32),
        compiler_params=pltpu.CompilerParams(dimension_semantics=("parallel",)),
    )(xyz8, xyz8t)



def _pre_body(f_ref, xyz_ref, wf_ref, bf_ref, wq_ref, wk_ref, wv_ref,
              q_ref, t_ref):
    x = jnp.dot(f_ref[...], wf_ref[...],
                preferred_element_type=jnp.float32) + bf_ref[...]
    q_ref[...] = jnp.dot(x, wq_ref[...], preferred_element_type=jnp.float32)
    t_ref[:, 0:DM] = jnp.dot(x, wk_ref[...], preferred_element_type=jnp.float32)
    t_ref[:, DM:2 * DM] = jnp.dot(x, wv_ref[...],
                                  preferred_element_type=jnp.float32)
    t_ref[:, 2 * DM:TD] = xyz_ref[...]


def _pre(feats, xyz128, wf, bf, wq, wk, wv):
    n, c = feats.shape
    m = min(512, n)
    return pl.pallas_call(
        _pre_body,
        grid=(n // m,),
        in_specs=[
            pl.BlockSpec((m, c), lambda i: (i, 0)),
            pl.BlockSpec((m, 128), lambda i: (i, 0)),
            pl.BlockSpec((c, DM), lambda i: (0, 0)),
            pl.BlockSpec((1, DM), lambda i: (0, 0)),
            pl.BlockSpec((DM, DM), lambda i: (0, 0)),
            pl.BlockSpec((DM, DM), lambda i: (0, 0)),
            pl.BlockSpec((DM, DM), lambda i: (0, 0)),
        ],
        out_specs=[
            pl.BlockSpec((m, DM), lambda i: (i, 0)),
            pl.BlockSpec((m, TD), lambda i: (i, 0)),
        ],
        out_shape=[
            jax.ShapeDtypeStruct((n, DM), jnp.float32),
            jax.ShapeDtypeStruct((n, TD), jnp.float32),
        ],
        compiler_params=pltpu.CompilerParams(dimension_semantics=("parallel",)),
    )(feats, xyz128, wf, bf, wq, wk, wv)



def _make_sc_gather(n, b):
    bpw = b // NW
    ch = min(bpw, 64)
    nloop = bpw // ch
    mesh = plsc.VectorSubcoreMesh(core_axis_name="c", subcore_axis_name="s",
                                  num_cores=NC, num_subcores=NS)

    def body(tab_ref, idx_ref, out_ref, idx0, idx1, r0, r1, semg, semo):
        wid = jax.lax.axis_index("s") * NC + jax.lax.axis_index("c")
        base = wid * bpw
        idx_b = (idx0, idx1)
        rows_b = (r0, r1)

        def drain(bsel):
            pltpu.make_async_copy(
                rows_b[bsel], out_ref.at[pl.ds(base, ch)], semo).wait()

        def run(i, bsel):
            off = base + i * ch
            pltpu.sync_copy(idx_ref.at[pl.ds(off, ch)], idx_b[bsel])
            pltpu.async_copy(tab_ref.at[idx_b[bsel]], rows_b[bsel],
                             semg).wait()
            pltpu.async_copy(rows_b[bsel], out_ref.at[pl.ds(off, ch)], semo)

        if nloop == 1:
            run(0, 0)
            drain(0)
            return

        @pl.loop(0, nloop, step=2)
        def _outer(i0):
            for bsel in range(2):
                i = i0 + bsel

                @pl.when(i >= 2)
                def _drain():
                    drain(bsel)

                run(i, bsel)

        for bsel in range(2):
            drain(bsel)

    return pl.kernel(
        body,
        out_type=jax.ShapeDtypeStruct((b, TD), jnp.float32),
        mesh=mesh,
        scratch_types=[
            pltpu.VMEM((ch,), jnp.int32),
            pltpu.VMEM((ch,), jnp.int32),
            pltpu.VMEM((ch, TD), jnp.float32),
            pltpu.VMEM((ch, TD), jnp.float32),
            pltpu.SemaphoreType.DMA,
            pltpu.SemaphoreType.DMA,
        ],
    )


def _sc_gather(table, flat_idx):
    n = table.shape[0]
    b = flat_idx.shape[0]
    return _make_sc_gather(n, b)(table, flat_idx)



def _attn_body(g_ref, q_ref, xyz_ref, pre_ref, wd1, bd1, wd2, bd2,
               wg1, bg1, wg2, bg2, wo, bo, o_ref, *, m):
    kk = g_ref[:, 0:DM]
    vv = g_ref[:, DM:2 * DM]
    gx = g_ref[:, 2 * DM:TD]
    qx = jnp.broadcast_to(q_ref[...][:, None, :], (m, K, DM)).reshape(m * K, DM)
    xq = jnp.broadcast_to(xyz_ref[...][:, None, :],
                          (m, K, 128)).reshape(m * K, 128)
    dv = xq - gx
    p1 = jnp.maximum(_BDOT(dv, wd1[...]) + bd1[...], 0.0)
    r = _attn_core(qx, p1, kk, vv, wd2[...], bd2[...],
                   wg1[...], bg1[...], wg2[...], bg2[...], m)
    o_ref[...] = (jnp.dot(r, wo[...], preferred_element_type=jnp.float32)
                  + bo[...] + pre_ref[...])


def _attn(g, q, xyz128, pre, wd1, bd1, wd2, bd2, wg1, bg1, wg2, bg2, wo, bo):
    n, c = pre.shape
    m = min(128, n)
    return pl.pallas_call(
        functools.partial(_attn_body, m=m),
        grid=(n // m,),
        in_specs=[
            pl.BlockSpec((m * K, TD), lambda i: (i, 0)),
            pl.BlockSpec((m, DM), lambda i: (i, 0)),
            pl.BlockSpec((m, 128), lambda i: (i, 0)),
            pl.BlockSpec((m, c), lambda i: (i, 0)),
            pl.BlockSpec((128, DM), lambda i: (0, 0)),
            pl.BlockSpec((1, DM), lambda i: (0, 0)),
            pl.BlockSpec((DM, DM), lambda i: (0, 0)),
            pl.BlockSpec((1, DM), lambda i: (0, 0)),
            pl.BlockSpec((DM, DM), lambda i: (0, 0)),
            pl.BlockSpec((1, DM), lambda i: (0, 0)),
            pl.BlockSpec((DM, DM), lambda i: (0, 0)),
            pl.BlockSpec((1, DM), lambda i: (0, 0)),
            pl.BlockSpec((DM, c), lambda i: (0, 0)),
            pl.BlockSpec((1, c), lambda i: (0, 0)),
        ],
        out_specs=pl.BlockSpec((m, c), lambda i: (i, 0)),
        out_shape=jax.ShapeDtypeStruct((n, c), jnp.float32),
        compiler_params=pltpu.CompilerParams(dimension_semantics=("parallel",)),
    )(g, q, xyz128, pre, wd1, bd1, wd2, bd2, wg1, bg1, wg2, bg2, wo, bo)



def _tu_body(xf_ref, xct_ref, pc_ref, ff_ref, w1, b1, g1, t1,
             w2, b2, g2, t2, o_ref):
    o_ref[...] = _tu_core(xf_ref[...], xct_ref[...], pc_ref[...], ff_ref[...],
                          w1[...], b1[...], g1[...], t1[...],
                          w2[...], b2[...], g2[...], t2[...])


def _tu(p, xyzf8, xyzc8t, points_coarse, feats_fine):
    nf, c = feats_fine.shape
    s = points_coarse.shape[0]
    mf = min(256, nf)
    c2 = points_coarse.shape[1]
    r2 = lambda a: a.reshape(1, -1)
    return pl.pallas_call(
        _tu_body,
        grid=(nf // mf,),
        in_specs=[
            pl.BlockSpec((mf, 8), lambda i: (i, 0)),
            pl.BlockSpec((8, s), lambda i: (0, 0)),
            pl.BlockSpec((s, c2), lambda i: (0, 0)),
            pl.BlockSpec((mf, c), lambda i: (i, 0)),
        ] + [pl.BlockSpec(bs, lambda i: (0, 0)) for bs in
             [(c2, c), (1, c), (1, c), (1, c),
              (c, c), (1, c), (1, c), (1, c)]],
        out_specs=pl.BlockSpec((mf, c), lambda i: (i, 0)),
        out_shape=jax.ShapeDtypeStruct((nf, c), jnp.float32),
        compiler_params=pltpu.CompilerParams(dimension_semantics=("parallel",)),
    )(xyzf8, xyzc8t, points_coarse, feats_fine,
      p["fc1"]["w"], r2(p["fc1"]["b"]), r2(p["bn1"]["gamma"]), r2(p["bn1"]["beta"]),
      p["fc2"]["w"], r2(p["fc2"]["b"]), r2(p["bn2"]["gamma"]), r2(p["bn2"]["beta"]))



def _mlp_body(x_ref, w1, b1, w2, b2, w3, b3, o_ref):
    h = jnp.maximum(jnp.dot(x_ref[...], w1[...],
                            preferred_element_type=jnp.float32) + b1[...], 0.0)
    h = jnp.maximum(jnp.dot(h, w2[...],
                            preferred_element_type=jnp.float32) + b2[...], 0.0)
    o_ref[...] = jnp.dot(h, w3[...],
                         preferred_element_type=jnp.float32) + b3[...]


def _mlp(x, f):
    n, c = x.shape
    r2 = lambda a: a.reshape(1, -1)
    return pl.pallas_call(
        _mlp_body,
        out_shape=jax.ShapeDtypeStruct((n, c), jnp.float32),
    )(x, f["l1"]["w"], r2(f["l1"]["b"]), f["l2"]["w"], r2(f["l2"]["b"]),
      f["l3"]["w"], r2(f["l3"]["b"]))



def _f16_body(pts_ref, xyz_ref, l1w, l1b, l2w, l2b, l3w, l3b,
              wf, bf, wq, wk, wv, wd1, bd1, wd2, bd2,
              wg1, bg1, wg2, bg2, wo, bo, o_ref):
    dot = lambda a, b: jnp.dot(a, b, preferred_element_type=jnp.float32)
    n = 16
    hh = jnp.maximum(dot(pts_ref[...], l1w[...]) + l1b[...], 0.0)
    hh = jnp.maximum(dot(hh, l2w[...]) + l2b[...], 0.0)
    h = dot(hh, l3w[...]) + l3b[...]
    x = dot(h, wf[...]) + bf[...]
    q = dot(x, wq[...])
    kx = dot(x, wk[...])
    vx = dot(x, wv[...])
    e = dot(xyz_ref[...], wd1[...])
    qx = jnp.broadcast_to(q[:, None, :], (n, K, DM)).reshape(n * K, DM)
    eqx = jnp.broadcast_to(e[:, None, :], (n, K, DM)).reshape(n * K, DM)
    kk = jnp.broadcast_to(kx[None, :, :], (n, K, DM)).reshape(n * K, DM)
    vv = jnp.broadcast_to(vx[None, :, :], (n, K, DM)).reshape(n * K, DM)
    ee = jnp.broadcast_to(e[None, :, :], (n, K, DM)).reshape(n * K, DM)
    p1 = jnp.maximum(eqx - ee + bd1[...], 0.0)
    r = _attn_core(qx, p1, kk, vv, wd2[...], bd2[...],
                   wg1[...], bg1[...], wg2[...], bg2[...], n)
    o_ref[...] = dot(r, wo[...]) + bo[...] + h


def _f16(points, xyz32, f, p):
    n, c = points.shape
    r2 = lambda a: a.reshape(1, -1)
    wd1 = jnp.pad(p["delta1"]["w"], ((0, XP - 3), (0, 0)))
    return pl.pallas_call(
        _f16_body,
        out_shape=jax.ShapeDtypeStruct((n, c), jnp.float32),
    )(points, xyz32,
      f["l1"]["w"], r2(f["l1"]["b"]), f["l2"]["w"], r2(f["l2"]["b"]),
      f["l3"]["w"], r2(f["l3"]["b"]),
      p["fc1"]["w"], r2(p["fc1"]["b"]), p["wq"]["w"], p["wk"]["w"],
      p["wv"]["w"], wd1, r2(p["delta1"]["b"]), p["delta2"]["w"],
      r2(p["delta2"]["b"]), p["gamma1"]["w"], r2(p["gamma1"]["b"]),
      p["gamma2"]["w"], r2(p["gamma2"]["b"]), p["fc2"]["w"], r2(p["fc2"]["b"]))


def _fsm_body(xf_ref, xct_ref, pc_ref, ff_ref,
              w1, b1, g1, t1, w2, b2, g2, t2,
              xft_ref, xyz_ref, wf, bf, wq, wk, wv, wd1, bd1, wd2, bd2,
              wg1, bg1, wg2, bg2, wo, bo, o_ref, *, n):
    dot = lambda a, b: jnp.dot(a, b, preferred_element_type=jnp.float32)
    pts = _tu_core(xf_ref[...], xct_ref[...], pc_ref[...], ff_ref[...],
                   w1[...], b1[...], g1[...], t1[...],
                   w2[...], b2[...], g2[...], t2[...])
    d = _sqdist(xf_ref[...], xft_ref[...])
    idxc = jnp.concatenate(_topk_cols(d, K), axis=1)
    x = dot(pts, wf[...]) + bf[...]
    q = dot(x, wq[...])
    kx = dot(x, wk[...])
    vx = dot(x, wv[...])
    e = dot(xyz_ref[...], wd1[...])
    iota3 = jax.lax.broadcasted_iota(jnp.int32, (n, K, n), 2).astype(
        jnp.float32)
    oh = jnp.where(idxc[:, :, None] == iota3, 1.0, 0.0).reshape(n * K, n)
    kk = dot(oh, kx)
    vv = dot(oh, vx)
    ee = dot(oh, e)
    qx = jnp.broadcast_to(q[:, None, :], (n, K, DM)).reshape(n * K, DM)
    eqx = jnp.broadcast_to(e[:, None, :], (n, K, DM)).reshape(n * K, DM)
    p1 = jnp.maximum(eqx - ee + bd1[...], 0.0)
    r = _attn_core(qx, p1, kk, vv, wd2[...], bd2[...],
                   wg1[...], bg1[...], wg2[...], bg2[...], n)
    o_ref[...] = dot(r, wo[...]) + bo[...] + pts


def _fsm(xyzf8, xyzc8t, pc, ff, tu_p, xyzf8t, xyz32, tb_p):
    n, c = ff.shape
    r2 = lambda a: a.reshape(1, -1)
    wd1 = jnp.pad(tb_p["delta1"]["w"], ((0, XP - 3), (0, 0)))
    return pl.pallas_call(
        functools.partial(_fsm_body, n=n),
        out_shape=jax.ShapeDtypeStruct((n, c), jnp.float32),
    )(xyzf8, xyzc8t, pc, ff,
      tu_p["fc1"]["w"], r2(tu_p["fc1"]["b"]), r2(tu_p["bn1"]["gamma"]),
      r2(tu_p["bn1"]["beta"]), tu_p["fc2"]["w"], r2(tu_p["fc2"]["b"]),
      r2(tu_p["bn2"]["gamma"]), r2(tu_p["bn2"]["beta"]),
      xyzf8t, xyz32,
      tb_p["fc1"]["w"], r2(tb_p["fc1"]["b"]), tb_p["wq"]["w"],
      tb_p["wk"]["w"], tb_p["wv"]["w"], wd1, r2(tb_p["delta1"]["b"]),
      tb_p["delta2"]["w"], r2(tb_p["delta2"]["b"]),
      tb_p["gamma1"]["w"], r2(tb_p["gamma1"]["b"]),
      tb_p["gamma2"]["w"], r2(tb_p["gamma2"]["b"]),
      tb_p["fc2"]["w"], r2(tb_p["fc2"]["b"]))



def _tb(p, idx, xyz128, feats):
    r2 = lambda a: a.reshape(1, -1)
    wd1 = jnp.pad(p["delta1"]["w"], ((0, 128 - 3), (0, 0)))
    q, table = _pre(feats, xyz128, p["fc1"]["w"], r2(p["fc1"]["b"]),
                    p["wq"]["w"], p["wk"]["w"], p["wv"]["w"])
    g = _sc_gather(table, idx.reshape(-1))
    return _attn(g, q, xyz128, feats,
                 wd1, r2(p["delta1"]["b"]), p["delta2"]["w"],
                 r2(p["delta2"]["b"]),
                 p["gamma1"]["w"], r2(p["gamma1"]["b"]),
                 p["gamma2"]["w"], r2(p["gamma2"]["b"]),
                 p["fc2"]["w"], r2(p["fc2"]["b"]))


def kernel(points, xyz0, xyz1, xyz2, xyz3, xyz4, feats0, feats1, feats2,
           feats3, params):
    xyzs = [x[0] for x in (xyz0, xyz1, xyz2, xyz3, xyz4)]
    featss = [f[0] for f in (feats0, feats1, feats2, feats3)]
    pad8 = [jnp.pad(x, ((0, 0), (0, 8 - 3))) for x in xyzs]
    pad8t = [x.T for x in pad8]
    pad32 = [jnp.pad(x, ((0, 0), (0, XP - 3))) for x in xyzs]
    pad128 = [jnp.pad(xyzs[l], ((0, 0), (0, 128 - 3))) for l in (0, 1)]

    idx1024 = _knn(pad8[1], pad8t[1], K)

    pts = _f16(points[0], pad32[4], params["fc"], params["transformer"])
    pts = _fsm(pad8[3], pad8t[4], pts, featss[3], params["tu"][0],
               pad8t[3], pad32[3], params["tr"][0])
    pts = _fsm(pad8[2], pad8t[3], pts, featss[2], params["tu"][1],
               pad8t[2], pad32[2], params["tr"][1])

    pts = _tu(params["tu"][2], pad8[1], pad8t[2], pts, featss[1])
    idx4096 = _knn(pad8[0], pad8t[0], K)
    pts = _tb(params["tr"][2], idx1024, pad128[1], pts)
    pts = _tu(params["tu"][3], pad8[0], pad8t[1], pts, featss[0])
    pts = _tb(params["tr"][3], idx4096, pad128[0], pts)
    return pts[None]

# --- scband reference (transcript-rebuilt; emitter-appended) ---
"""Pipeline reference for scband-point-transformer-decoder-51737176047788 (READ-ONLY COPY).

The authoritative reference and input builder live on the scoring server;
editing this copy changes nothing except your own understanding.
"""

import jax, jax.numpy as jnp
import numpy as np

EMB = 32
NBLOCKS = 4
K = 16
DMODEL = 256
LEVELS = [4096, 1024, 256, 64, 16]
B = 1


def _linear_params(key, din, dout, bias=True):
    k1, k2 = jax.random.split(key)
    p = {"w": jax.random.normal(k1, (din, dout), jnp.float32) * 0.02}
    if bias:
        p["b"] = jax.random.normal(k2, (dout,), jnp.float32) * 0.02
    return p


def _bn_params(key, c):
    k1, k2 = jax.random.split(key)
    return {"gamma": 1.0 + 0.02 * jax.random.normal(k1, (c,), jnp.float32),
            "beta": 0.02 * jax.random.normal(k2, (c,), jnp.float32)}


def _tb_params(key, d_points, d_model):
    ks = jax.random.split(key, 9)
    return {
        "fc1": _linear_params(ks[0], d_points, d_model),
        "fc2": _linear_params(ks[1], d_model, d_points),
        "delta1": _linear_params(ks[2], 3, d_model),
        "delta2": _linear_params(ks[3], d_model, d_model),
        "gamma1": _linear_params(ks[4], d_model, d_model),
        "gamma2": _linear_params(ks[5], d_model, d_model),
        "wq": _linear_params(ks[6], d_model, d_model, bias=False),
        "wk": _linear_params(ks[7], d_model, d_model, bias=False),
        "wv": _linear_params(ks[8], d_model, d_model, bias=False),
    }


def _make_params(key):
    dmax = EMB * 2 ** NBLOCKS
    ks = jax.random.split(key, 4 + 2 * NBLOCKS)
    params = {
        "fc": {
            "l1": _linear_params(ks[0], dmax, DMODEL),
            "l2": _linear_params(ks[1], DMODEL, DMODEL),
            "l3": _linear_params(ks[2], DMODEL, dmax),
        },
        "transformer": _tb_params(ks[3], dmax, DMODEL),
        "tu": [],
        "tr": [],
    }
    idx = 4
    for i in reversed(range(NBLOCKS)):
        c = EMB * 2 ** i
        ku = jax.random.split(ks[idx], 4)
        params["tu"].append({
            "fc1": _linear_params(ku[0], 2 * c, c),
            "bn1": _bn_params(ku[1], c),
            "fc2": _linear_params(ku[2], c, c),
            "bn2": _bn_params(ku[3], c),
        })
        params["tr"].append(_tb_params(ks[idx + 1], c, DMODEL))
        idx += 2
    return params


def linear(p, x):
    y = x @ p["w"]
    if "b" in p:
        y = y + p["b"]
    return y


def bn_eval(p, x):
    # BatchNorm1d in eval mode, running_mean=0, running_var=1 (channel-last)
    return (x / jnp.sqrt(1.0 + 1e-5)) * p["gamma"] + p["beta"]


def square_distance(src, dst):
    return jnp.sum((src[:, :, None, :] - dst[:, None, :, :]) ** 2, axis=-1)


def index_points(points, idx):
    raw = idx.shape
    flat = idx.reshape(raw[0], -1)
    gi = jnp.broadcast_to(flat[:, :, None], (raw[0], flat.shape[1], points.shape[-1]))
    res = jnp.take_along_axis(points, gi, axis=1)
    return res.reshape(tuple(raw) + (points.shape[-1],))


def transformer_block(p, xyz, features, k):
    dists = square_distance(xyz, xyz)
    knn_idx = jnp.argsort(dists, axis=-1)[:, :, :k]
    knn_xyz = index_points(xyz, knn_idx)
    pre = features
    x = linear(p["fc1"], features)
    q = linear(p["wq"], x)
    kk = index_points(linear(p["wk"], x), knn_idx)
    v = index_points(linear(p["wv"], x), knn_idx)
    d = xyz[:, :, None, :] - knn_xyz
    pos_enc = linear(p["delta2"], jax.nn.relu(linear(p["delta1"], d)))
    attn = linear(p["gamma2"], jax.nn.relu(linear(p["gamma1"], q[:, :, None, :] - kk + pos_enc)))
    attn = jax.nn.softmax(attn / np.sqrt(kk.shape[-1]), axis=-2)
    res = jnp.einsum("bmnf,bmnf->bmf", attn, v + pos_enc)
    res = linear(p["fc2"], res) + pre
    return res


def transition_up(p, xyz_coarse, points_coarse, xyz_fine, feats_fine):
    feats1 = jax.nn.relu(bn_eval(p["bn1"], linear(p["fc1"], points_coarse)))  # [B,S,c]
    feats2 = jax.nn.relu(bn_eval(p["bn2"], linear(p["fc2"], feats_fine)))  # [B,N,c]
    # PointNetFeaturePropagation with empty mlp: inverse-distance 3-NN interpolation
    dists = square_distance(xyz_fine, xyz_coarse)
    idx = jnp.argsort(dists, axis=-1)[:, :, :3]
    d3 = jnp.take_along_axis(dists, idx, axis=-1)
    dist_recip = 1.0 / (d3 + 1e-8)
    norm = jnp.sum(dist_recip, axis=2, keepdims=True)
    weight = dist_recip / norm
    interp = jnp.sum(index_points(feats1, idx) * weight[..., None], axis=2)
    return interp + feats2


def decoder(params, points, xyzs, featss):
    xyz = xyzs[-1]
    f = params["fc"]
    h = linear(f["l3"], jax.nn.relu(linear(f["l2"], jax.nn.relu(linear(f["l1"], points)))))
    pts = transformer_block(params["transformer"], xyz, h, K)
    for i in range(NBLOCKS):
        fine_xyz = xyzs[NBLOCKS - 1 - i]
        fine_feats = featss[NBLOCKS - 1 - i]
        pts = transition_up(params["tu"][i], xyz, pts, fine_xyz, fine_feats)
        xyz = fine_xyz
        pts = transformer_block(params["tr"][i], xyz, pts, K)
    return pts


def setup_inputs(seed: int = 0) -> dict:
    key = jax.random.key(seed)
    ks = jax.random.split(key, 16)
    inp = {}
    inp["points"] = jax.random.normal(ks[0], (B, LEVELS[-1], EMB * 2 ** NBLOCKS), jnp.float32)
    for lv in range(5):
        inp["xyz%d" % lv] = jax.random.uniform(ks[1 + lv], (B, LEVELS[lv], 3), jnp.float32)
    for lv in range(4):
        inp["feats%d" % lv] = jax.random.normal(ks[6 + lv], (B, LEVELS[lv], EMB * 2 ** lv), jnp.float32)
    inp["params"] = _make_params(ks[10])
    return inp


def reference(points, xyz0, xyz1, xyz2, xyz3, xyz4, feats0, feats1, feats2, feats3, params):
    xyzs = [xyz0, xyz1, xyz2, xyz3, xyz4]
    featss = [feats0, feats1, feats2, feats3]
    return decoder(params, points, xyzs, featss)

if __name__ == "__main__":
    import jax
    _d = setup_inputs()
    print(jax.jit(kernel)(*tuple(_d.values())))

</pallas_src>

<mosaic_0001>
#map = affine_map<(d0, d1) -> (0, 0)>
#map1 = affine_map<(d0, d1) -> (0)>
module attributes {stable_mosaic.version = 14 : i64} {
  func.func @body(%arg0: i32, %arg1: i32, %arg2: memref<1024x640xf32, #tpu.memory_space<hbm>>, %arg3: memref<16384xi32, #tpu.memory_space<hbm>>, %arg4: memref<16384x640xf32, #tpu.memory_space<hbm>>, %arg5: memref<64xi32, #tpu.memory_space<vmem>>, %arg6: memref<64xi32, #tpu.memory_space<vmem>>, %arg7: memref<64x640xf32, #tpu.memory_space<vmem>>, %arg8: memref<64x640xf32, #tpu.memory_space<vmem>>, %arg9: memref<!tpu.dma_semaphore, #tpu.memory_space<semaphore_mem>>, %arg10: memref<!tpu.dma_semaphore, #tpu.memory_space<semaphore_mem>>) attributes {dimension_semantics = [#tpu.dimension_semantics<core_parallel>, #tpu.dimension_semantics<subcore_parallel>], iteration_bounds = array<i64: 2, 16>, scalar_prefetch = 0 : i64, scratch_operands = 6 : i64, tpu.core_type = #tpu.core_type<sc_vector_subcore>, window_params = [{transform_indices = #map}, {transform_indices = #map1}, {transform_indices = #map}]} {
    %mul3A = arith.constant 2 : i32
    %mul3A_0 = arith.muli %arg1, %mul3A : i32
    %add3A = arith.addi %mul3A_0, %arg0 : i32
    %mul3A_1 = arith.constant 512 : i32
    %mul3A_2 = arith.muli %add3A, %mul3A_1 : i32
    %scan3A = arith.constant 0 : i32
    %scan3A_3 = arith.constant 4 : i32
    %scan3A_4 = arith.addi %scan3A, %scan3A_3 : i32
    %scan3A_5 = arith.constant 1 : i32
    scf.for %scan3A_14 = %scan3A to %scan3A_4 step %scan3A_5  : i32 {
      %mul3A_15 = arith.constant 2 : i32
      %mul3A_16 = arith.muli %scan3A_14, %mul3A_15 : i32
      %add3A_17 = arith.constant 0 : i32
      %add3A_18 = arith.addi %add3A_17, %mul3A_16 : i32
      %add3A_19 = arith.constant 0 : i32
      %add3A_20 = arith.addi %add3A_18, %add3A_19 : i32
      %ge3A = arith.constant 2 : i32
      %ge3A_21 = arith.cmpi sge, %add3A_20, %ge3A : i32
      %convert_element_type3A = arith.extui %ge3A_21 : i1 to i32
      %cond3A = arith.constant 0 : i32
      %cond3A_22 = arith.cmpi ne, %convert_element_type3A, %cond3A : i32
      scf.if %cond3A_22 {
        %dma_wait3A_55 = arith.constant 0 : i32
        %dma_wait3A_56 = tpu.memref_slice %arg4[%mul3A_2, %dma_wait3A_55] : memref<16384x640xf32, #tpu.memory_space<hbm>> -> memref<64x640xf32, #tpu.memory_space<hbm>>
        %dma_wait3A_57 = arith.constant 0 : i32
        %dma_wait3A_58 = tpu.memref_slice %arg4[%mul3A_2, %dma_wait3A_57] : memref<16384x640xf32, #tpu.memory_space<hbm>> -> memref<64x640xf32, #tpu.memory_space<hbm>>
        tpu.wait_dma2 semaphore(%arg10 : memref<!tpu.dma_semaphore, #tpu.memory_space<semaphore_mem>>) src(%arg7 : memref<64x640xf32, #tpu.memory_space<vmem>>) dst(%dma_wait3A_58 : memref<64x640xf32, #tpu.memory_space<hbm>>)
      } else {
      }
      %mul3A_23 = arith.constant 64 : i32
      %mul3A_24 = arith.muli %add3A_20, %mul3A_23 : i32
      %add3A_25 = arith.addi %mul3A_2, %mul3A_24 : i32
      "tpu.region"() ({
        %run_scoped3A = tpu.sem_alloc : memref<!tpu.dma_semaphore, #tpu.memory_space<semaphore_mem>>
        %dma_start3A_55 = tpu.memref_slice %arg3[%add3A_25] : memref<16384xi32, #tpu.memory_space<hbm>> -> memref<64xi32, #tpu.memory_space<hbm>>
        %dma_start3A_56 = tpu.memref_slice %arg3[%add3A_25] : memref<16384xi32, #tpu.memory_space<hbm>> -> memref<64xi32, #tpu.memory_space<hbm>>
        tpu.enqueue_dma source(%dma_start3A_56 : memref<64xi32, #tpu.memory_space<hbm>>) target(%arg5 : memref<64xi32, #tpu.memory_space<vmem>>) target_semaphore(%run_scoped3A : memref<!tpu.dma_semaphore, #tpu.memory_space<semaphore_mem>>)
        %dma_wait3A_57 = tpu.memref_slice %arg3[%add3A_25] : memref<16384xi32, #tpu.memory_space<hbm>> -> memref<64xi32, #tpu.memory_space<hbm>>
        %dma_wait3A_58 = tpu.memref_slice %arg3[%add3A_25] : memref<16384xi32, #tpu.memory_space<hbm>> -> memref<64xi32, #tpu.memory_space<hbm>>
        tpu.wait_dma2 semaphore(%run_scoped3A : memref<!tpu.dma_semaphore, #tpu.memory_space<semaphore_mem>>) src(%dma_wait3A_58 : memref<64xi32, #tpu.memory_space<hbm>>) dst(%arg5 : memref<64xi32, #tpu.memory_space<vmem>>)
        tpu.yield
      }) : () -> ()
      %dma_start3A = arith.constant 0 : i32
      %dma_start3A_26 = arith.constant 0 : i32
      %dma_start3A_27 = tpu.memref_slice %arg2[%dma_start3A, %dma_start3A_26] : memref<1024x640xf32, #tpu.memory_space<hbm>> -> memref<1024x640xf32, #tpu.memory_space<hbm>>
      tpu.enqueue_indirect_dma source(%dma_start3A_27 : memref<1024x640xf32, #tpu.memory_space<hbm>>) target(%arg7 : memref<64x640xf32, #tpu.memory_space<vmem>>) offsets(%arg5 : memref<64xi32, #tpu.memory_space<vmem>>) semaphore(%arg9 : memref<!tpu.dma_semaphore, #tpu.memory_space<semaphore_mem>>)
      %dma_wait3A_28 = arith.constant 0 : i32
      %dma_wait3A_29 = arith.constant 0 : i32
      %dma_wait3A_30 = tpu.memref_slice %arg2[%dma_wait3A_28, %dma_wait3A_29] : memref<1024x640xf32, #tpu.memory_space<hbm>> -> memref<1024x640xf32, #tpu.memory_space<hbm>>
      tpu.wait_indirect_dma semaphore(%arg9 : memref<!tpu.dma_semaphore, #tpu.memory_space<semaphore_mem>>) src(%dma_wait3A_30 : memref<1024x640xf32, #tpu.memory_space<hbm>>) dst(%arg7 : memref<64x640xf32, #tpu.memory_space<vmem>>)
      %dma_start3A_31 = arith.constant 0 : i32
      %dma_start3A_32 = tpu.memref_slice %arg4[%add3A_25, %dma_start3A_31] : memref<16384x640xf32, #tpu.memory_space<hbm>> -> memref<64x640xf32, #tpu.memory_space<hbm>>
      %dma_start3A_33 = arith.constant 0 : i32
      %dma_start3A_34 = tpu.memref_slice %arg4[%add3A_25, %dma_start3A_33] : memref<16384x640xf32, #tpu.memory_space<hbm>> -> memref<64x640xf32, #tpu.memory_space<hbm>>
      tpu.enqueue_dma source(%arg7 : memref<64x640xf32, #tpu.memory_space<vmem>>) target(%dma_start3A_34 : memref<64x640xf32, #tpu.memory_space<hbm>>) target_semaphore(%arg10 : memref<!tpu.dma_semaphore, #tpu.memory_space<semaphore_mem>>)
      %add3A_35 = arith.constant 1 : i32
      %add3A_36 = arith.addi %add3A_18, %add3A_35 : i32
      %ge3A_37 = arith.constant 2 : i32
      %ge3A_38 = arith.cmpi sge, %add3A_36, %ge3A_37 : i32
      %convert_element_type3A_39 = arith.extui %ge3A_38 : i1 to i32
      %cond3A_40 = arith.constant 0 : i32
      %cond3A_41 = arith.cmpi ne, %convert_element_type3A_39, %cond3A_40 : i32
      scf.if %cond3A_41 {
        %dma_wait3A_55 = arith.constant 0 : i32
        %dma_wait3A_56 = tpu.memref_slice %arg4[%mul3A_2, %dma_wait3A_55] : memref<16384x640xf32, #tpu.memory_space<hbm>> -> memref<64x640xf32, #tpu.memory_space<hbm>>
        %dma_wait3A_57 = arith.constant 0 : i32
        %dma_wait3A_58 = tpu.memref_slice %arg4[%mul3A_2, %dma_wait3A_57] : memref<16384x640xf32, #tpu.memory_space<hbm>> -> memref<64x640xf32, #tpu.memory_space<hbm>>
        tpu.wait_dma2 semaphore(%arg10 : memref<!tpu.dma_semaphore, #tpu.memory_space<semaphore_mem>>) src(%arg8 : memref<64x640xf32, #tpu.memory_space<vmem>>) dst(%dma_wait3A_58 : memref<64x640xf32, #tpu.memory_space<hbm>>)
      } else {
      }
      %mul3A_42 = arith.constant 64 : i32
      %mul3A_43 = arith.muli %add3A_36, %mul3A_42 : i32
      %add3A_44 = arith.addi %mul3A_2, %mul3A_43 : i32
      "tpu.region"() ({
        %run_scoped3A = tpu.sem_alloc : memref<!tpu.dma_semaphore, #tpu.memory_space<semaphore_mem>>
        %dma_start3A_55 = tpu.memref_slice %arg3[%add3A_44] : memref<16384xi32, #tpu.memory_space<hbm>> -> memref<64xi32, #tpu.memory_space<hbm>>
        %dma_start3A_56 = tpu.memref_slice %arg3[%add3A_44] : memref<16384xi32, #tpu.memory_space<hbm>> -> memref<64xi32, #tpu.memory_space<hbm>>
        tpu.enqueue_dma source(%dma_start3A_56 : memref<64xi32, #tpu.memory_space<hbm>>) target(%arg6 : memref<64xi32, #tpu.memory_space<vmem>>) target_semaphore(%run_scoped3A : memref<!tpu.dma_semaphore, #tpu.memory_space<semaphore_mem>>)
        %dma_wait3A_57 = tpu.memref_slice %arg3[%add3A_44] : memref<16384xi32, #tpu.memory_space<hbm>> -> memref<64xi32, #tpu.memory_space<hbm>>
        %dma_wait3A_58 = tpu.memref_slice %arg3[%add3A_44] : memref<16384xi32, #tpu.memory_space<hbm>> -> memref<64xi32, #tpu.memory_space<hbm>>
        tpu.wait_dma2 semaphore(%run_scoped3A : memref<!tpu.dma_semaphore, #tpu.memory_space<semaphore_mem>>) src(%dma_wait3A_58 : memref<64xi32, #tpu.memory_space<hbm>>) dst(%arg6 : memref<64xi32, #tpu.memory_space<vmem>>)
        tpu.yield
      }) : () -> ()
      %dma_start3A_45 = arith.constant 0 : i32
      %dma_start3A_46 = arith.constant 0 : i32
      %dma_start3A_47 = tpu.memref_slice %arg2[%dma_start3A_45, %dma_start3A_46] : memref<1024x640xf32, #tpu.memory_space<hbm>> -> memref<1024x640xf32, #tpu.memory_space<hbm>>
      tpu.enqueue_indirect_dma source(%dma_start3A_47 : memref<1024x640xf32, #tpu.memory_space<hbm>>) target(%arg8 : memref<64x640xf32, #tpu.memory_space<vmem>>) offsets(%arg6 : memref<64xi32, #tpu.memory_space<vmem>>) semaphore(%arg9 : memref<!tpu.dma_semaphore, #tpu.memory_space<semaphore_mem>>)
      %dma_wait3A_48 = arith.constant 0 : i32
      %dma_wait3A_49 = arith.constant 0 : i32
      %dma_wait3A_50 = tpu.memref_slice %arg2[%dma_wait3A_48, %dma_wait3A_49] : memref<1024x640xf32, #tpu.memory_space<hbm>> -> memref<1024x640xf32, #tpu.memory_space<hbm>>
      tpu.wait_indirect_dma semaphore(%arg9 : memref<!tpu.dma_semaphore, #tpu.memory_space<semaphore_mem>>) src(%dma_wait3A_50 : memref<1024x640xf32, #tpu.memory_space<hbm>>) dst(%arg8 : memref<64x640xf32, #tpu.memory_space<vmem>>)
      %dma_start3A_51 = arith.constant 0 : i32
      %dma_start3A_52 = tpu.memref_slice %arg4[%add3A_44, %dma_start3A_51] : memref<16384x640xf32, #tpu.memory_space<hbm>> -> memref<64x640xf32, #tpu.memory_space<hbm>>
      %dma_start3A_53 = arith.constant 0 : i32
      %dma_start3A_54 = tpu.memref_slice %arg4[%add3A_44, %dma_start3A_53] : memref<16384x640xf32, #tpu.memory_space<hbm>> -> memref<64x640xf32, #tpu.memory_space<hbm>>
      tpu.enqueue_dma source(%arg8 : memref<64x640xf32, #tpu.memory_space<vmem>>) target(%dma_start3A_54 : memref<64x640xf32, #tpu.memory_space<hbm>>) target_semaphore(%arg10 : memref<!tpu.dma_semaphore, #tpu.memory_space<semaphore_mem>>)
    }
    %scan3A_6 = arith.constant 4 : i32
    %dma_wait3A = arith.constant 0 : i32
    %dma_wait3A_7 = tpu.memref_slice %arg4[%mul3A_2, %dma_wait3A] : memref<16384x640xf32, #tpu.memory_space<hbm>> -> memref<64x640xf32, #tpu.memory_space<hbm>>
    %dma_wait3A_8 = arith.constant 0 : i32
    %dma_wait3A_9 = tpu.memref_slice %arg4[%mul3A_2, %dma_wait3A_8] : memref<16384x640xf32, #tpu.memory_space<hbm>> -> memref<64x640xf32, #tpu.memory_space<hbm>>
    tpu.wait_dma2 semaphore(%arg10 : memref<!tpu.dma_semaphore, #tpu.memory_space<semaphore_mem>>) src(%arg7 : memref<64x640xf32, #tpu.memory_space<vmem>>) dst(%dma_wait3A_9 : memref<64x640xf32, #tpu.memory_space<hbm>>)
    %dma_wait3A_10 = arith.constant 0 : i32
    %dma_wait3A_11 = tpu.memref_slice %arg4[%mul3A_2, %dma_wait3A_10] : memref<16384x640xf32, #tpu.memory_space<hbm>> -> memref<64x640xf32, #tpu.memory_space<hbm>>
    %dma_wait3A_12 = arith.constant 0 : i32
    %dma_wait3A_13 = tpu.memref_slice %arg4[%mul3A_2, %dma_wait3A_12] : memref<16384x640xf32, #tpu.memory_space<hbm>> -> memref<64x640xf32, #tpu.memory_space<hbm>>
    tpu.wait_dma2 semaphore(%arg10 : memref<!tpu.dma_semaphore, #tpu.memory_space<semaphore_mem>>) src(%arg8 : memref<64x640xf32, #tpu.memory_space<vmem>>) dst(%dma_wait3A_13 : memref<64x640xf32, #tpu.memory_space<hbm>>)
    return
  }
}

#map = affine_map<(d0, d1) -> (0, 0)>
#map1 = affine_map<(d0, d1) -> (0)>
module attributes {stable_mosaic.version = 14 : i64} {
  func.func @body(%arg0: i32, %arg1: i32, %arg2: memref<4096x640xf32, #tpu.memory_space<hbm>>, %arg3: memref<65536xi32, #tpu.memory_space<hbm>>, %arg4: memref<65536x640xf32, #tpu.memory_space<hbm>>, %arg5: memref<64xi32, #tpu.memory_space<vmem>>, %arg6: memref<64xi32, #tpu.memory_space<vmem>>, %arg7: memref<64x640xf32, #tpu.memory_space<vmem>>, %arg8: memref<64x640xf32, #tpu.memory_space<vmem>>, %arg9: memref<!tpu.dma_semaphore, #tpu.memory_space<semaphore_mem>>, %arg10: memref<!tpu.dma_semaphore, #tpu.memory_space<semaphore_mem>>) attributes {dimension_semantics = [#tpu.dimension_semantics<core_parallel>, #tpu.dimension_semantics<subcore_parallel>], iteration_bounds = array<i64: 2, 16>, scalar_prefetch = 0 : i64, scratch_operands = 6 : i64, tpu.core_type = #tpu.core_type<sc_vector_subcore>, window_params = [{transform_indices = #map}, {transform_indices = #map1}, {transform_indices = #map}]} {
    %mul3A = arith.constant 2 : i32
    %mul3A_0 = arith.muli %arg1, %mul3A : i32
    %add3A = arith.addi %mul3A_0, %arg0 : i32
    %mul3A_1 = arith.constant 2048 : i32
    %mul3A_2 = arith.muli %add3A, %mul3A_1 : i32
    %scan3A = arith.constant 0 : i32
    %scan3A_3 = arith.constant 16 : i32
    %scan3A_4 = arith.addi %scan3A, %scan3A_3 : i32
    %scan3A_5 = arith.constant 1 : i32
    scf.for %scan3A_14 = %scan3A to %scan3A_4 step %scan3A_5  : i32 {
      %mul3A_15 = arith.constant 2 : i32
      %mul3A_16 = arith.muli %scan3A_14, %mul3A_15 : i32
      %add3A_17 = arith.constant 0 : i32
      %add3A_18 = arith.addi %add3A_17, %mul3A_16 : i32
      %add3A_19 = arith.constant 0 : i32
      %add3A_20 = arith.addi %add3A_18, %add3A_19 : i32
      %ge3A = arith.constant 2 : i32
      %ge3A_21 = arith.cmpi sge, %add3A_20, %ge3A : i32
      %convert_element_type3A = arith.extui %ge3A_21 : i1 to i32
      %cond3A = arith.constant 0 : i32
      %cond3A_22 = arith.cmpi ne, %convert_element_type3A, %cond3A : i32
      scf.if %cond3A_22 {
        %dma_wait3A_55 = arith.constant 0 : i32
        %dma_wait3A_56 = tpu.memref_slice %arg4[%mul3A_2, %dma_wait3A_55] : memref<65536x640xf32, #tpu.memory_space<hbm>> -> memref<64x640xf32, #tpu.memory_space<hbm>>
        %dma_wait3A_57 = arith.constant 0 : i32
        %dma_wait3A_58 = tpu.memref_slice %arg4[%mul3A_2, %dma_wait3A_57] : memref<65536x640xf32, #tpu.memory_space<hbm>> -> memref<64x640xf32, #tpu.memory_space<hbm>>
        tpu.wait_dma2 semaphore(%arg10 : memref<!tpu.dma_semaphore, #tpu.memory_space<semaphore_mem>>) src(%arg7 : memref<64x640xf32, #tpu.memory_space<vmem>>) dst(%dma_wait3A_58 : memref<64x640xf32, #tpu.memory_space<hbm>>)
      } else {
      }
      %mul3A_23 = arith.constant 64 : i32
      %mul3A_24 = arith.muli %add3A_20, %mul3A_23 : i32
      %add3A_25 = arith.addi %mul3A_2, %mul3A_24 : i32
      "tpu.region"() ({
        %run_scoped3A = tpu.sem_alloc : memref<!tpu.dma_semaphore, #tpu.memory_space<semaphore_mem>>
        %dma_start3A_55 = tpu.memref_slice %arg3[%add3A_25] : memref<65536xi32, #tpu.memory_space<hbm>> -> memref<64xi32, #tpu.memory_space<hbm>>
        %dma_start3A_56 = tpu.memref_slice %arg3[%add3A_25] : memref<65536xi32, #tpu.memory_space<hbm>> -> memref<64xi32, #tpu.memory_space<hbm>>
        tpu.enqueue_dma source(%dma_start3A_56 : memref<64xi32, #tpu.memory_space<hbm>>) target(%arg5 : memref<64xi32, #tpu.memory_space<vmem>>) target_semaphore(%run_scoped3A : memref<!tpu.dma_semaphore, #tpu.memory_space<semaphore_mem>>)
        %dma_wait3A_57 = tpu.memref_slice %arg3[%add3A_25] : memref<65536xi32, #tpu.memory_space<hbm>> -> memref<64xi32, #tpu.memory_space<hbm>>
        %dma_wait3A_58 = tpu.memref_slice %arg3[%add3A_25] : memref<65536xi32, #tpu.memory_space<hbm>> -> memref<64xi32, #tpu.memory_space<hbm>>
        tpu.wait_dma2 semaphore(%run_scoped3A : memref<!tpu.dma_semaphore, #tpu.memory_space<semaphore_mem>>) src(%dma_wait3A_58 : memref<64xi32, #tpu.memory_space<hbm>>) dst(%arg5 : memref<64xi32, #tpu.memory_space<vmem>>)
        tpu.yield
      }) : () -> ()
      %dma_start3A = arith.constant 0 : i32
      %dma_start3A_26 = arith.constant 0 : i32
      %dma_start3A_27 = tpu.memref_slice %arg2[%dma_start3A, %dma_start3A_26] : memref<4096x640xf32, #tpu.memory_space<hbm>> -> memref<4096x640xf32, #tpu.memory_space<hbm>>
      tpu.enqueue_indirect_dma source(%dma_start3A_27 : memref<4096x640xf32, #tpu.memory_space<hbm>>) target(%arg7 : memref<64x640xf32, #tpu.memory_space<vmem>>) offsets(%arg5 : memref<64xi32, #tpu.memory_space<vmem>>) semaphore(%arg9 : memref<!tpu.dma_semaphore, #tpu.memory_space<semaphore_mem>>)
      %dma_wait3A_28 = arith.constant 0 : i32
      %dma_wait3A_29 = arith.constant 0 : i32
      %dma_wait3A_30 = tpu.memref_slice %arg2[%dma_wait3A_28, %dma_wait3A_29] : memref<4096x640xf32, #tpu.memory_space<hbm>> -> memref<4096x640xf32, #tpu.memory_space<hbm>>
      tpu.wait_indirect_dma semaphore(%arg9 : memref<!tpu.dma_semaphore, #tpu.memory_space<semaphore_mem>>) src(%dma_wait3A_30 : memref<4096x640xf32, #tpu.memory_space<hbm>>) dst(%arg7 : memref<64x640xf32, #tpu.memory_space<vmem>>)
      %dma_start3A_31 = arith.constant 0 : i32
      %dma_start3A_32 = tpu.memref_slice %arg4[%add3A_25, %dma_start3A_31] : memref<65536x640xf32, #tpu.memory_space<hbm>> -> memref<64x640xf32, #tpu.memory_space<hbm>>
      %dma_start3A_33 = arith.constant 0 : i32
      %dma_start3A_34 = tpu.memref_slice %arg4[%add3A_25, %dma_start3A_33] : memref<65536x640xf32, #tpu.memory_space<hbm>> -> memref<64x640xf32, #tpu.memory_space<hbm>>
      tpu.enqueue_dma source(%arg7 : memref<64x640xf32, #tpu.memory_space<vmem>>) target(%dma_start3A_34 : memref<64x640xf32, #tpu.memory_space<hbm>>) target_semaphore(%arg10 : memref<!tpu.dma_semaphore, #tpu.memory_space<semaphore_mem>>)
      %add3A_35 = arith.constant 1 : i32
      %add3A_36 = arith.addi %add3A_18, %add3A_35 : i32
      %ge3A_37 = arith.constant 2 : i32
      %ge3A_38 = arith.cmpi sge, %add3A_36, %ge3A_37 : i32
      %convert_element_type3A_39 = arith.extui %ge3A_38 : i1 to i32
      %cond3A_40 = arith.constant 0 : i32
      %cond3A_41 = arith.cmpi ne, %convert_element_type3A_39, %cond3A_40 : i32
      scf.if %cond3A_41 {
        %dma_wait3A_55 = arith.constant 0 : i32
        %dma_wait3A_56 = tpu.memref_slice %arg4[%mul3A_2, %dma_wait3A_55] : memref<65536x640xf32, #tpu.memory_space<hbm>> -> memref<64x640xf32, #tpu.memory_space<hbm>>
        %dma_wait3A_57 = arith.constant 0 : i32
        %dma_wait3A_58 = tpu.memref_slice %arg4[%mul3A_2, %dma_wait3A_57] : memref<65536x640xf32, #tpu.memory_space<hbm>> -> memref<64x640xf32, #tpu.memory_space<hbm>>
        tpu.wait_dma2 semaphore(%arg10 : memref<!tpu.dma_semaphore, #tpu.memory_space<semaphore_mem>>) src(%arg8 : memref<64x640xf32, #tpu.memory_space<vmem>>) dst(%dma_wait3A_58 : memref<64x640xf32, #tpu.memory_space<hbm>>)
      } else {
      }
      %mul3A_42 = arith.constant 64 : i32
      %mul3A_43 = arith.muli %add3A_36, %mul3A_42 : i32
      %add3A_44 = arith.addi %mul3A_2, %mul3A_43 : i32
      "tpu.region"() ({
        %run_scoped3A = tpu.sem_alloc : memref<!tpu.dma_semaphore, #tpu.memory_space<semaphore_mem>>
        %dma_start3A_55 = tpu.memref_slice %arg3[%add3A_44] : memref<65536xi32, #tpu.memory_space<hbm>> -> memref<64xi32, #tpu.memory_space<hbm>>
        %dma_start3A_56 = tpu.memref_slice %arg3[%add3A_44] : memref<65536xi32, #tpu.memory_space<hbm>> -> memref<64xi32, #tpu.memory_space<hbm>>
        tpu.enqueue_dma source(%dma_start3A_56 : memref<64xi32, #tpu.memory_space<hbm>>) target(%arg6 : memref<64xi32, #tpu.memory_space<vmem>>) target_semaphore(%run_scoped3A : memref<!tpu.dma_semaphore, #tpu.memory_space<semaphore_mem>>)
        %dma_wait3A_57 = tpu.memref_slice %arg3[%add3A_44] : memref<65536xi32, #tpu.memory_space<hbm>> -> memref<64xi32, #tpu.memory_space<hbm>>
        %dma_wait3A_58 = tpu.memref_slice %arg3[%add3A_44] : memref<65536xi32, #tpu.memory_space<hbm>> -> memref<64xi32, #tpu.memory_space<hbm>>
        tpu.wait_dma2 semaphore(%run_scoped3A : memref<!tpu.dma_semaphore, #tpu.memory_space<semaphore_mem>>) src(%dma_wait3A_58 : memref<64xi32, #tpu.memory_space<hbm>>) dst(%arg6 : memref<64xi32, #tpu.memory_space<vmem>>)
        tpu.yield
      }) : () -> ()
      %dma_start3A_45 = arith.constant 0 : i32
      %dma_start3A_46 = arith.constant 0 : i32
      %dma_start3A_47 = tpu.memref_slice %arg2[%dma_start3A_45, %dma_start3A_46] : memref<4096x640xf32, #tpu.memory_space<hbm>> -> memref<4096x640xf32, #tpu.memory_space<hbm>>
      tpu.enqueue_indirect_dma source(%dma_start3A_47 : memref<4096x640xf32, #tpu.memory_space<hbm>>) target(%arg8 : memref<64x640xf32, #tpu.memory_space<vmem>>) offsets(%arg6 : memref<64xi32, #tpu.memory_space<vmem>>) semaphore(%arg9 : memref<!tpu.dma_semaphore, #tpu.memory_space<semaphore_mem>>)
      %dma_wait3A_48 = arith.constant 0 : i32
      %dma_wait3A_49 = arith.constant 0 : i32
      %dma_wait3A_50 = tpu.memref_slice %arg2[%dma_wait3A_48, %dma_wait3A_49] : memref<4096x640xf32, #tpu.memory_space<hbm>> -> memref<4096x640xf32, #tpu.memory_space<hbm>>
      tpu.wait_indirect_dma semaphore(%arg9 : memref<!tpu.dma_semaphore, #tpu.memory_space<semaphore_mem>>) src(%dma_wait3A_50 : memref<4096x640xf32, #tpu.memory_space<hbm>>) dst(%arg8 : memref<64x640xf32, #tpu.memory_space<vmem>>)
      %dma_start3A_51 = arith.constant 0 : i32
      %dma_start3A_52 = tpu.memref_slice %arg4[%add3A_44, %dma_start3A_51] : memref<65536x640xf32, #tpu.memory_space<hbm>> -> memref<64x640xf32, #tpu.memory_space<hbm>>
      %dma_start3A_53 = arith.constant 0 : i32
      %dma_start3A_54 = tpu.memref_slice %arg4[%add3A_44, %dma_start3A_53] : memref<65536x640xf32, #tpu.memory_space<hbm>> -> memref<64x640xf32, #tpu.memory_space<hbm>>
      tpu.enqueue_dma source(%arg8 : memref<64x640xf32, #tpu.memory_space<vmem>>) target(%dma_start3A_54 : memref<64x640xf32, #tpu.memory_space<hbm>>) target_semaphore(%arg10 : memref<!tpu.dma_semaphore, #tpu.memory_space<semaphore_mem>>)
    }
    %scan3A_6 = arith.constant 16 : i32
    %dma_wait3A = arith.constant 0 : i32
    %dma_wait3A_7 = tpu.memref_slice %arg4[%mul3A_2, %dma_wait3A] : memref<65536x640xf32, #tpu.memory_space<hbm>> -> memref<64x640xf32, #tpu.memory_space<hbm>>
    %dma_wait3A_8 = arith.constant 0 : i32
    %dma_wait3A_9 = tpu.memref_slice %arg4[%mul3A_2, %dma_wait3A_8] : memref<65536x640xf32, #tpu.memory_space<hbm>> -> memref<64x640xf32, #tpu.memory_space<hbm>>
    tpu.wait_dma2 semaphore(%arg10 : memref<!tpu.dma_semaphore, #tpu.memory_space<semaphore_mem>>) src(%arg7 : memref<64x640xf32, #tpu.memory_space<vmem>>) dst(%dma_wait3A_9 : memref<64x640xf32, #tpu.memory_space<hbm>>)
    %dma_wait3A_10 = arith.constant 0 : i32
    %dma_wait3A_11 = tpu.memref_slice %arg4[%mul3A_2, %dma_wait3A_10] : memref<65536x640xf32, #tpu.memory_space<hbm>> -> memref<64x640xf32, #tpu.memory_space<hbm>>
    %dma_wait3A_12 = arith.constant 0 : i32
    %dma_wait3A_13 = tpu.memref_slice %arg4[%mul3A_2, %dma_wait3A_12] : memref<65536x640xf32, #tpu.memory_space<hbm>> -> memref<64x640xf32, #tpu.memory_space<hbm>>
    tpu.wait_dma2 semaphore(%arg10 : memref<!tpu.dma_semaphore, #tpu.memory_space<semaphore_mem>>) src(%arg8 : memref<64x640xf32, #tpu.memory_space<vmem>>) dst(%dma_wait3A_13 : memref<64x640xf32, #tpu.memory_space<hbm>>)
    return
  }
}

module attributes {stable_mosaic.version = 14 : i64} {
  func.func @_knn_body(%arg0: i32, %arg1: memref<256x8xf32, #tpu.memory_space<vmem>>, %arg2: memref<8x1024xf32, #tpu.memory_space<vmem>>, %arg3: memref<256x16xi32, #tpu.memory_space<vmem>>) attributes {dimension_semantics = [#tpu.dimension_semantics<parallel>], iteration_bounds = array<i64: 4>, scalar_prefetch = 0 : i64, scratch_operands = 0 : i64, tpu.core_type = #tpu.core_type<tc>, window_params = [{transform_indices = @transform_0, window_bounds = array<i64: 256, 8>}, {pipeline_mode = #tpu.pipeline_mode<synchronous>, transform_indices = @transform_1, window_bounds = array<i64: 8, 1024>}, {transform_indices = @transform_2, window_bounds = array<i64: 256, 16>}]} {
    %get3A = arith.constant 0 : index
    %get3A_0 = arith.constant 0 : index
    %get3A_1 = vector.load %arg1[%get3A, %get3A_0] : memref<256x8xf32, #tpu.memory_space<vmem>>, vector<256x8xf32>
    %get3A_2 = arith.constant 0 : index
    %get3A_3 = arith.constant 0 : index
    %get3A_4 = vector.load %arg2[%get3A_2, %get3A_3] : memref<8x1024xf32, #tpu.memory_space<vmem>>, vector<8x1024xf32>
    %mul3A = arith.mulf %get3A_1, %get3A_1 : vector<256x8xf32>
    %reduce_sum3A = arith.constant dense<0.000000e+00> : vector<256xf32>
    %reduce_sum3A_5 = vector.multi_reduction <add>, %mul3A, %reduce_sum3A [1] : vector<256x8xf32> to vector<256xf32>
    %broadcast_in_dim3A = vector.shape_cast %reduce_sum3A_5 : vector<256xf32> to vector<256x1xf32>
    %mul3A_6 = arith.mulf %get3A_4, %get3A_4 : vector<8x1024xf32>
    %reduce_sum3A_7 = arith.constant dense<0.000000e+00> : vector<1024xf32>
    %reduce_sum3A_8 = vector.multi_reduction <add>, %mul3A_6, %reduce_sum3A_7 [0] : vector<8x1024xf32> to vector<1024xf32>
    %broadcast_in_dim3A_9 = vector.shape_cast %reduce_sum3A_8 : vector<1024xf32> to vector<1x1024xf32>
    %add3A = vector.broadcast %broadcast_in_dim3A : vector<256x1xf32> to vector<256x1024xf32>
    %add3A_10 = vector.broadcast %broadcast_in_dim3A_9 : vector<1x1024xf32> to vector<256x1024xf32>
    %add3A_11 = arith.addf %add3A, %add3A_10 : vector<256x1024xf32>
    %dot_general3A = arith.constant dense<0.000000e+00> : vector<256x1024xf32>
    %dot_general3A_12 = tpu.matmul %get3A_1, %get3A_4, %dot_general3A {dimension_numbers = #tpu.dot_dimension_numbers<[1], [0], [0], [1], [0, 0, 1, 1], [], []>, precision = #tpu.contract_precision<fp32>, transpose_lhs_hint = false} : vector<256x8xf32>, vector<8x1024xf32>, vector<256x1024xf32> -> vector<256x1024xf32>
    %mul3A_13 = arith.constant 2.000000e+00 : f32
    %mul3A_14 = vector.broadcast %mul3A_13 : f32 to vector<256x1024xf32>
    %mul3A_15 = arith.mulf %mul3A_14, %dot_general3A_12 : vector<256x1024xf32>
    %sub3A = arith.subf %add3A_11, %mul3A_15 : vector<256x1024xf32>
    %iota3A = tpu.iota {dimensions = array<i32: 1>} : vector<256x1024xi32>
    %convert_element_type3A = arith.sitofp %iota3A : vector<256x1024xi32> to vector<256x1024xf32>
    %reduce_min3A = arith.constant dense<0x7F800000> : vector<256xf32>
    %reduce_min3A_16 = vector.multi_reduction <minimumf>, %sub3A, %reduce_min3A [1] : vector<256x1024xf32> to vector<256xf32>
    %broadcast_in_dim3A_17 = vector.shape_cast %reduce_min3A_16 : vector<256xf32> to vector<256x1xf32>
    %le3A = vector.broadcast %broadcast_in_dim3A_17 : vector<256x1xf32> to vector<256x1024xf32>
    %le3A_18 = arith.cmpf ole, %sub3A, %le3A : vector<256x1024xf32>
    %jit3A = arith.constant 1.000000e+30 : f32
    %broadcast_in_dim3A_19 = vector.broadcast %jit3A : f32 to vector<256x1024xf32>
    %select_n3A = arith.select %le3A_18, %convert_element_type3A, %broadcast_in_dim3A_19 : vector<256x1024xi1>, vector<256x1024xf32>
    %reduce_min3A_20 = arith.constant dense<0x7F800000> : vector<256xf32>
    %reduce_min3A_21 = vector.multi_reduction <minimumf>, %select_n3A, %reduce_min3A_20 [1] : vector<256x1024xf32> to vector<256xf32>
    %broadcast_in_dim3A_22 = vector.shape_cast %reduce_min3A_21 : vector<256xf32> to vector<256x1xf32>
    %eq3A = vector.broadcast %broadcast_in_dim3A_22 : vector<256x1xf32> to vector<256x1024xf32>
    %eq3A_23 = arith.cmpf oeq, %convert_element_type3A, %eq3A : vector<256x1024xf32>
    %jit3A_24 = arith.constant 1.000000e+30 : f32
    %broadcast_in_dim3A_25 = vector.broadcast %jit3A_24 : f32 to vector<256x1024xf32>
    %select_n3A_26 = arith.select %eq3A_23, %broadcast_in_dim3A_25, %sub3A : vector<256x1024xi1>, vector<256x1024xf32>
    %reduce_min3A_27 = arith.constant dense<0x7F800000> : vector<256xf32>
    %reduce_min3A_28 = vector.multi_reduction <minimumf>, %select_n3A_26, %reduce_min3A_27 [1] : vector<256x1024xf32> to vector<256xf32>
    %broadcast_in_dim3A_29 = vector.shape_cast %reduce_min3A_28 : vector<256xf32> to vector<256x1xf32>
    %le3A_30 = vector.broadcast %broadcast_in_dim3A_29 : vector<256x1xf32> to vector<256x1024xf32>
    %le3A_31 = arith.cmpf ole, %select_n3A_26, %le3A_30 : vector<256x1024xf32>
    %jit3A_32 = arith.constant 1.000000e+30 : f32
    %broadcast_in_dim3A_33 = vector.broadcast %jit3A_32 : f32 to vector<256x1024xf32>
    %select_n3A_34 = arith.select %le3A_31, %convert_element_type3A, %broadcast_in_dim3A_33 : vector<256x1024xi1>, vector<256x1024xf32>
    %reduce_min3A_35 = arith.constant dense<0x7F800000> : vector<256xf32>
    %reduce_min3A_36 = vector.multi_reduction <minimumf>, %select_n3A_34, %reduce_min3A_35 [1] : vector<256x1024xf32> to vector<256xf32>
    %broadcast_in_dim3A_37 = vector.shape_cast %reduce_min3A_36 : vector<256xf32> to vector<256x1xf32>
    %eq3A_38 = vector.broadcast %broadcast_in_dim3A_37 : vector<256x1xf32> to vector<256x1024xf32>
    %eq3A_39 = arith.cmpf oeq, %convert_element_type3A, %eq3A_38 : vector<256x1024xf32>
    %jit3A_40 = arith.constant 1.000000e+30 : f32
    %broadcast_in_dim3A_41 = vector.broadcast %jit3A_40 : f32 to vector<256x1024xf32>
    %select_n3A_42 = arith.select %eq3A_39, %broadcast_in_dim3A_41, %select_n3A_26 : vector<256x1024xi1>, vector<256x1024xf32>
    %reduce_min3A_43 = arith.constant dense<0x7F800000> : vector<256xf32>
    %reduce_min3A_44 = vector.multi_reduction <minimumf>, %select_n3A_42, %reduce_min3A_43 [1] : vector<256x1024xf32> to vector<256xf32>
    %broadcast_in_dim3A_45 = vector.shape_cast %reduce_min3A_44 : vector<256xf32> to vector<256x1xf32>
    %le3A_46 = vector.broadcast %broadcast_in_dim3A_45 : vector<256x1xf32> to vector<256x1024xf32>
    %le3A_47 = arith.cmpf ole, %select_n3A_42, %le3A_46 : vector<256x1024xf32>
    %jit3A_48 = arith.constant 1.000000e+30 : f32
    %broadcast_in_dim3A_49 = vector.broadcast %jit3A_48 : f32 to vector<256x1024xf32>
    %select_n3A_50 = arith.select %le3A_47, %convert_element_type3A, %broadcast_in_dim3A_49 : vector<256x1024xi1>, vector<256x1024xf32>
    %reduce_min3A_51 = arith.constant dense<0x7F800000> : vector<256xf32>
    %reduce_min3A_52 = vector.multi_reduction <minimumf>, %select_n3A_50, %reduce_min3A_51 [1] : vector<256x1024xf32> to vector<256xf32>
    %broadcast_in_dim3A_53 = vector.shape_cast %reduce_min3A_52 : vector<256xf32> to vector<256x1xf32>
    %eq3A_54 = vector.broadcast %broadcast_in_dim3A_53 : vector<256x1xf32> to vector<256x1024xf32>
    %eq3A_55 = arith.cmpf oeq, %convert_element_type3A, %eq3A_54 : vector<256x1024xf32>
    %jit3A_56 = arith.constant 1.000000e+30 : f32
    %broadcast_in_dim3A_57 = vector.broadcast %jit3A_56 : f32 to vector<256x1024xf32>
    %select_n3A_58 = arith.select %eq3A_55, %broadcast_in_dim3A_57, %select_n3A_42 : vector<256x1024xi1>, vector<256x1024xf32>
    %reduce_min3A_59 = arith.constant dense<0x7F800000> : vector<256xf32>
    %reduce_min3A_60 = vector.multi_reduction <minimumf>, %select_n3A_58, %reduce_min3A_59 [1] : vector<256x1024xf32> to vector<256xf32>
    %broadcast_in_dim3A_61 = vector.shape_cast %reduce_min3A_60 : vector<256xf32> to vector<256x1xf32>
    %le3A_62 = vector.broadcast %broadcast_in_dim3A_61 : vector<256x1xf32> to vector<256x1024xf32>
    %le3A_63 = arith.cmpf ole, %select_n3A_58, %le3A_62 : vector<256x1024xf32>
    %jit3A_64 = arith.constant 1.000000e+30 : f32
    %broadcast_in_dim3A_65 = vector.broadcast %jit3A_64 : f32 to vector<256x1024xf32>
    %select_n3A_66 = arith.select %le3A_63, %convert_element_type3A, %broadcast_in_dim3A_65 : vector<256x1024xi1>, vector<256x1024xf32>
    %reduce_min3A_67 = arith.constant dense<0x7F800000> : vector<256xf32>
    %reduce_min3A_68 = vector.multi_reduction <minimumf>, %select_n3A_66, %reduce_min3A_67 [1] : vector<256x1024xf32> to vector<256xf32>
    %broadcast_in_dim3A_69 = vector.shape_cast %reduce_min3A_68 : vector<256xf32> to vector<256x1xf32>
    %eq3A_70 = vector.broadcast %broadcast_in_dim3A_69 : vector<256x1xf32> to vector<256x1024xf32>
    %eq3A_71 = arith.cmpf oeq, %convert_element_type3A, %eq3A_70 : vector<256x1024xf32>
    %jit3A_72 = arith.constant 1.000000e+30 : f32
    %broadcast_in_dim3A_73 = vector.broadcast %jit3A_72 : f32 to vector<256x1024xf32>
    %select_n3A_74 = arith.select %eq3A_71, %broadcast_in_dim3A_73, %select_n3A_58 : vector<256x1024xi1>, vector<256x1024xf32>
    %reduce_min3A_75 = arith.constant dense<0x7F800000> : vector<256xf32>
    %reduce_min3A_76 = vector.multi_reduction <minimumf>, %select_n3A_74, %reduce_min3A_75 [1] : vector<256x1024xf32> to vector<256xf32>
    %broadcast_in_dim3A_77 = vector.shape_cast %reduce_min3A_76 : vector<256xf32> to vector<256x1xf32>
    %le3A_78 = vector.broadcast %broadcast_in_dim3A_77 : vector<256x1xf32> to vector<256x1024xf32>
    %le3A_79 = arith.cmpf ole, %select_n3A_74, %le3A_78 : vector<256x1024xf32>
    %jit3A_80 = arith.constant 1.000000e+30 : f32
    %broadcast_in_dim3A_81 = vector.broadcast %jit3A_80 : f32 to vector<256x1024xf32>
    %select_n3A_82 = arith.select %le3A_79, %convert_element_type3A, %broadcast_in_dim3A_81 : vector<256x1024xi1>, vector<256x1024xf32>
    %reduce_min3A_83 = arith.constant dense<0x7F800000> : vector<256xf32>
    %reduce_min3A_84 = vector.multi_reduction <minimumf>, %select_n3A_82, %reduce_min3A_83 [1] : vector<256x1024xf32> to vector<256xf32>
    %broadcast_in_dim3A_85 = vector.shape_cast %reduce_min3A_84 : vector<256xf32> to vector<256x1xf32>
    %eq3A_86 = vector.broadcast %broadcast_in_dim3A_85 : vector<256x1xf32> to vector<256x1024xf32>
    %eq3A_87 = arith.cmpf oeq, %convert_element_type3A, %eq3A_86 : vector<256x1024xf32>
    %jit3A_88 = arith.constant 1.000000e+30 : f32
    %broadcast_in_dim3A_89 = vector.broadcast %jit3A_88 : f32 to vector<256x1024xf32>
    %select_n3A_90 = arith.select %eq3A_87, %broadcast_in_dim3A_89, %select_n3A_74 : vector<256x1024xi1>, vector<256x1024xf32>
    %reduce_min3A_91 = arith.constant dense<0x7F800000> : vector<256xf32>
    %reduce_min3A_92 = vector.multi_reduction <minimumf>, %select_n3A_90, %reduce_min3A_91 [1] : vector<256x1024xf32> to vector<256xf32>
    %broadcast_in_dim3A_93 = vector.shape_cast %reduce_min3A_92 : vector<256xf32> to vector<256x1xf32>
    %le3A_94 = vector.broadcast %broadcast_in_dim3A_93 : vector<256x1xf32> to vector<256x1024xf32>
    %le3A_95 = arith.cmpf ole, %select_n3A_90, %le3A_94 : vector<256x1024xf32>
    %jit3A_96 = arith.constant 1.000000e+30 : f32
    %broadcast_in_dim3A_97 = vector.broadcast %jit3A_96 : f32 to vector<256x1024xf32>
    %select_n3A_98 = arith.select %le3A_95, %convert_element_type3A, %broadcast_in_dim3A_97 : vector<256x1024xi1>, vector<256x1024xf32>
    %reduce_min3A_99 = arith.constant dense<0x7F800000> : vector<256xf32>
    %reduce_min3A_100 = vector.multi_reduction <minimumf>, %select_n3A_98, %reduce_min3A_99 [1] : vector<256x1024xf32> to vector<256xf32>
    %broadcast_in_dim3A_101 = vector.shape_cast %reduce_min3A_100 : vector<256xf32> to vector<256x1xf32>
    %eq3A_102 = vector.broadcast %broadcast_in_dim3A_101 : vector<256x1xf32> to vector<256x1024xf32>
    %eq3A_103 = arith.cmpf oeq, %convert_element_type3A, %eq3A_102 : vector<256x1024xf32>
    %jit3A_104 = arith.constant 1.000000e+30 : f32
    %broadcast_in_dim3A_105 = vector.broadcast %jit3A_104 : f32 to vector<256x1024xf32>
    %select_n3A_106 = arith.select %eq3A_103, %broadcast_in_dim3A_105, %select_n3A_90 : vector<256x1024xi1>, vector<256x1024xf32>
    %reduce_min3A_107 = arith.constant dense<0x7F800000> : vector<256xf32>
    %reduce_min3A_108 = vector.multi_reduction <minimumf>, %select_n3A_106, %reduce_min3A_107 [1] : vector<256x1024xf32> to vector<256xf32>
    %broadcast_in_dim3A_109 = vector.shape_cast %reduce_min3A_108 : vector<256xf32> to vector<256x1xf32>
    %le3A_110 = vector.broadcast %broadcast_in_dim3A_109 : vector<256x1xf32> to vector<256x1024xf32>
    %le3A_111 = arith.cmpf ole, %select_n3A_106, %le3A_110 : vector<256x1024xf32>
    %jit3A_112 = arith.constant 1.000000e+30 : f32
    %broadcast_in_dim3A_113 = vector.broadcast %jit3A_112 : f32 to vector<256x1024xf32>
    %select_n3A_114 = arith.select %le3A_111, %convert_element_type3A, %broadcast_in_dim3A_113 : vector<256x1024xi1>, vector<256x1024xf32>
    %reduce_min3A_115 = arith.constant dense<0x7F800000> : vector<256xf32>
    %reduce_min3A_116 = vector.multi_reduction <minimumf>, %select_n3A_114, %reduce_min3A_115 [1] : vector<256x1024xf32> to vector<256xf32>
    %broadcast_in_dim3A_117 = vector.shape_cast %reduce_min3A_116 : vector<256xf32> to vector<256x1xf32>
    %eq3A_118 = vector.broadcast %broadcast_in_dim3A_117 : vector<256x1xf32> to vector<256x1024xf32>
    %eq3A_119 = arith.cmpf oeq, %convert_element_type3A, %eq3A_118 : vector<256x1024xf32>
    %jit3A_120 = arith.constant 1.000000e+30 : f32
    %broadcast_in_dim3A_121 = vector.broadcast %jit3A_120 : f32 to vector<256x1024xf32>
    %select_n3A_122 = arith.select %eq3A_119, %broadcast_in_dim3A_121, %select_n3A_106 : vector<256x1024xi1>, vector<256x1024xf32>
    %reduce_min3A_123 = arith.constant dense<0x7F800000> : vector<256xf32>
    %reduce_min3A_124 = vector.multi_reduction <minimumf>, %select_n3A_122, %reduce_min3A_123 [1] : vector<256x1024xf32> to vector<256xf32>
    %broadcast_in_dim3A_125 = vector.shape_cast %reduce_min3A_124 : vector<256xf32> to vector<256x1xf32>
    %le3A_126 = vector.broadcast %broadcast_in_dim3A_125 : vector<256x1xf32> to vector<256x1024xf32>
    %le3A_127 = arith.cmpf ole, %select_n3A_122, %le3A_126 : vector<256x1024xf32>
    %jit3A_128 = arith.constant 1.000000e+30 : f32
    %broadcast_in_dim3A_129 = vector.broadcast %jit3A_128 : f32 to vector<256x1024xf32>
    %select_n3A_130 = arith.select %le3A_127, %convert_element_type3A, %broadcast_in_dim3A_129 : vector<256x1024xi1>, vector<256x1024xf32>
    %reduce_min3A_131 = arith.constant dense<0x7F800000> : vector<256xf32>
    %reduce_min3A_132 = vector.multi_reduction <minimumf>, %select_n3A_130, %reduce_min3A_131 [1] : vector<256x1024xf32> to vector<256xf32>
    %broadcast_in_dim3A_133 = vector.shape_cast %reduce_min3A_132 : vector<256xf32> to vector<256x1xf32>
    %eq3A_134 = vector.broadcast %broadcast_in_dim3A_133 : vector<256x1xf32> to vector<256x1024xf32>
    %eq3A_135 = arith.cmpf oeq, %convert_element_type3A, %eq3A_134 : vector<256x1024xf32>
    %jit3A_136 = arith.constant 1.000000e+30 : f32
    %broadcast_in_dim3A_137 = vector.broadcast %jit3A_136 : f32 to vector<256x1024xf32>
    %select_n3A_138 = arith.select %eq3A_135, %broadcast_in_dim3A_137, %select_n3A_122 : vector<256x1024xi1>, vector<256x1024xf32>
    %reduce_min3A_139 = arith.constant dense<0x7F800000> : vector<256xf32>
    %reduce_min3A_140 = vector.multi_reduction <minimumf>, %select_n3A_138, %reduce_min3A_139 [1] : vector<256x1024xf32> to vector<256xf32>
    %broadcast_in_dim3A_141 = vector.shape_cast %reduce_min3A_140 : vector<256xf32> to vector<256x1xf32>
    %le3A_142 = vector.broadcast %broadcast_in_dim3A_141 : vector<256x1xf32> to vector<256x1024xf32>
    %le3A_143 = arith.cmpf ole, %select_n3A_138, %le3A_142 : vector<256x1024xf32>
    %jit3A_144 = arith.constant 1.000000e+30 : f32
    %broadcast_in_dim3A_145 = vector.broadcast %jit3A_144 : f32 to vector<256x1024xf32>
    %select_n3A_146 = arith.select %le3A_143, %convert_element_type3A, %broadcast_in_dim3A_145 : vector<256x1024xi1>, vector<256x1024xf32>
    %reduce_min3A_147 = arith.constant dense<0x7F800000> : vector<256xf32>
    %reduce_min3A_148 = vector.multi_reduction <minimumf>, %select_n3A_146, %reduce_min3A_147 [1] : vector<256x1024xf32> to vector<256xf32>
    %broadcast_in_dim3A_149 = vector.shape_cast %reduce_min3A_148 : vector<256xf32> to vector<256x1xf32>
    %eq3A_150 = vector.broadcast %broadcast_in_dim3A_149 : vector<256x1xf32> to vector<256x1024xf32>
    %eq3A_151 = arith.cmpf oeq, %convert_element_type3A, %eq3A_150 : vector<256x1024xf32>
    %jit3A_152 = arith.constant 1.000000e+30 : f32
    %broadcast_in_dim3A_153 = vector.broadcast %jit3A_152 : f32 to vector<256x1024xf32>
    %select_n3A_154 = arith.select %eq3A_151, %broadcast_in_dim3A_153, %select_n3A_138 : vector<256x1024xi1>, vector<256x1024xf32>
    %reduce_min3A_155 = arith.constant dense<0x7F800000> : vector<256xf32>
    %reduce_min3A_156 = vector.multi_reduction <minimumf>, %select_n3A_154, %reduce_min3A_155 [1] : vector<256x1024xf32> to vector<256xf32>
    %broadcast_in_dim3A_157 = vector.shape_cast %reduce_min3A_156 : vector<256xf32> to vector<256x1xf32>
    %le3A_158 = vector.broadcast %broadcast_in_dim3A_157 : vector<256x1xf32> to vector<256x1024xf32>
    %le3A_159 = arith.cmpf ole, %select_n3A_154, %le3A_158 : vector<256x1024xf32>
    %jit3A_160 = arith.constant 1.000000e+30 : f32
    %broadcast_in_dim3A_161 = vector.broadcast %jit3A_160 : f32 to vector<256x1024xf32>
    %select_n3A_162 = arith.select %le3A_159, %convert_element_type3A, %broadcast_in_dim3A_161 : vector<256x1024xi1>, vector<256x1024xf32>
    %reduce_min3A_163 = arith.constant dense<0x7F800000> : vector<256xf32>
    %reduce_min3A_164 = vector.multi_reduction <minimumf>, %select_n3A_162, %reduce_min3A_163 [1] : vector<256x1024xf32> to vector<256xf32>
    %broadcast_in_dim3A_165 = vector.shape_cast %reduce_min3A_164 : vector<256xf32> to vector<256x1xf32>
    %eq3A_166 = vector.broadcast %broadcast_in_dim3A_165 : vector<256x1xf32> to vector<256x1024xf32>
    %eq3A_167 = arith.cmpf oeq, %convert_element_type3A, %eq3A_166 : vector<256x1024xf32>
    %jit3A_168 = arith.constant 1.000000e+30 : f32
    %broadcast_in_dim3A_169 = vector.broadcast %jit3A_168 : f32 to vector<256x1024xf32>
    %select_n3A_170 = arith.select %eq3A_167, %broadcast_in_dim3A_169, %select_n3A_154 : vector<256x1024xi1>, vector<256x1024xf32>
    %reduce_min3A_171 = arith.constant dense<0x7F800000> : vector<256xf32>
    %reduce_min3A_172 = vector.multi_reduction <minimumf>, %select_n3A_170, %reduce_min3A_171 [1] : vector<256x1024xf32> to vector<256xf32>
    %broadcast_in_dim3A_173 = vector.shape_cast %reduce_min3A_172 : vector<256xf32> to vector<256x1xf32>
    %le3A_174 = vector.broadcast %broadcast_in_dim3A_173 : vector<256x1xf32> to vector<256x1024xf32>
    %le3A_175 = arith.cmpf ole, %select_n3A_170, %le3A_174 : vector<256x1024xf32>
    %jit3A_176 = arith.constant 1.000000e+30 : f32
    %broadcast_in_dim3A_177 = vector.broadcast %jit3A_176 : f32 to vector<256x1024xf32>
    %select_n3A_178 = arith.select %le3A_175, %convert_element_type3A, %broadcast_in_dim3A_177 : vector<256x1024xi1>, vector<256x1024xf32>
    %reduce_min3A_179 = arith.constant dense<0x7F800000> : vector<256xf32>
    %reduce_min3A_180 = vector.multi_reduction <minimumf>, %select_n3A_178, %reduce_min3A_179 [1] : vector<256x1024xf32> to vector<256xf32>
    %broadcast_in_dim3A_181 = vector.shape_cast %reduce_min3A_180 : vector<256xf32> to vector<256x1xf32>
    %eq3A_182 = vector.broadcast %broadcast_in_dim3A_181 : vector<256x1xf32> to vector<256x1024xf32>
    %eq3A_183 = arith.cmpf oeq, %convert_element_type3A, %eq3A_182 : vector<256x1024xf32>
    %jit3A_184 = arith.constant 1.000000e+30 : f32
    %broadcast_in_dim3A_185 = vector.broadcast %jit3A_184 : f32 to vector<256x1024xf32>
    %select_n3A_186 = arith.select %eq3A_183, %broadcast_in_dim3A_185, %select_n3A_170 : vector<256x1024xi1>, vector<256x1024xf32>
    %reduce_min3A_187 = arith.constant dense<0x7F800000> : vector<256xf32>
    %reduce_min3A_188 = vector.multi_reduction <minimumf>, %select_n3A_186, %reduce_min3A_187 [1] : vector<256x1024xf32> to vector<256xf32>
    %broadcast_in_dim3A_189 = vector.shape_cast %reduce_min3A_188 : vector<256xf32> to vector<256x1xf32>
    %le3A_190 = vector.broadcast %broadcast_in_dim3A_189 : vector<256x1xf32> to vector<256x1024xf32>
    %le3A_191 = arith.cmpf ole, %select_n3A_186, %le3A_190 : vector<256x1024xf32>
    %jit3A_192 = arith.constant 1.000000e+30 : f32
    %broadcast_in_dim3A_193 = vector.broadcast %jit3A_192 : f32 to vector<256x1024xf32>
    %select_n3A_194 = arith.select %le3A_191, %convert_element_type3A, %broadcast_in_dim3A_193 : vector<256x1024xi1>, vector<256x1024xf32>
    %reduce_min3A_195 = arith.constant dense<0x7F800000> : vector<256xf32>
    %reduce_min3A_196 = vector.multi_reduction <minimumf>, %select_n3A_194, %reduce_min3A_195 [1] : vector<256x1024xf32> to vector<256xf32>
    %broadcast_in_dim3A_197 = vector.shape_cast %reduce_min3A_196 : vector<256xf32> to vector<256x1xf32>
    %eq3A_198 = vector.broadcast %broadcast_in_dim3A_197 : vector<256x1xf32> to vector<256x1024xf32>
    %eq3A_199 = arith.cmpf oeq, %convert_element_type3A, %eq3A_198 : vector<256x1024xf32>
    %jit3A_200 = arith.constant 1.000000e+30 : f32
    %broadcast_in_dim3A_201 = vector.broadcast %jit3A_200 : f32 to vector<256x1024xf32>
    %select_n3A_202 = arith.select %eq3A_199, %broadcast_in_dim3A_201, %select_n3A_186 : vector<256x1024xi1>, vector<256x1024xf32>
    %reduce_min3A_203 = arith.constant dense<0x7F800000> : vector<256xf32>
    %reduce_min3A_204 = vector.multi_reduction <minimumf>, %select_n3A_202, %reduce_min3A_203 [1] : vector<256x1024xf32> to vector<256xf32>
    %broadcast_in_dim3A_205 = vector.shape_cast %reduce_min3A_204 : vector<256xf32> to vector<256x1xf32>
    %le3A_206 = vector.broadcast %broadcast_in_dim3A_205 : vector<256x1xf32> to vector<256x1024xf32>
    %le3A_207 = arith.cmpf ole, %select_n3A_202, %le3A_206 : vector<256x1024xf32>
    %jit3A_208 = arith.constant 1.000000e+30 : f32
    %broadcast_in_dim3A_209 = vector.broadcast %jit3A_208 : f32 to vector<256x1024xf32>
    %select_n3A_210 = arith.select %le3A_207, %convert_element_type3A, %broadcast_in_dim3A_209 : vector<256x1024xi1>, vector<256x1024xf32>
    %reduce_min3A_211 = arith.constant dense<0x7F800000> : vector<256xf32>
    %reduce_min3A_212 = vector.multi_reduction <minimumf>, %select_n3A_210, %reduce_min3A_211 [1] : vector<256x1024xf32> to vector<256xf32>
    %broadcast_in_dim3A_213 = vector.shape_cast %reduce_min3A_212 : vector<256xf32> to vector<256x1xf32>
    %eq3A_214 = vector.broadcast %broadcast_in_dim3A_213 : vector<256x1xf32> to vector<256x1024xf32>
    %eq3A_215 = arith.cmpf oeq, %convert_element_type3A, %eq3A_214 : vector<256x1024xf32>
    %jit3A_216 = arith.constant 1.000000e+30 : f32
    %broadcast_in_dim3A_217 = vector.broadcast %jit3A_216 : f32 to vector<256x1024xf32>
    %select_n3A_218 = arith.select %eq3A_215, %broadcast_in_dim3A_217, %select_n3A_202 : vector<256x1024xi1>, vector<256x1024xf32>
    %reduce_min3A_219 = arith.constant dense<0x7F800000> : vector<256xf32>
    %reduce_min3A_220 = vector.multi_reduction <minimumf>, %select_n3A_218, %reduce_min3A_219 [1] : vector<256x1024xf32> to vector<256xf32>
    %broadcast_in_dim3A_221 = vector.shape_cast %reduce_min3A_220 : vector<256xf32> to vector<256x1xf32>
    %le3A_222 = vector.broadcast %broadcast_in_dim3A_221 : vector<256x1xf32> to vector<256x1024xf32>
    %le3A_223 = arith.cmpf ole, %select_n3A_218, %le3A_222 : vector<256x1024xf32>
    %jit3A_224 = arith.constant 1.000000e+30 : f32
    %broadcast_in_dim3A_225 = vector.broadcast %jit3A_224 : f32 to vector<256x1024xf32>
    %select_n3A_226 = arith.select %le3A_223, %convert_element_type3A, %broadcast_in_dim3A_225 : vector<256x1024xi1>, vector<256x1024xf32>
    %reduce_min3A_227 = arith.constant dense<0x7F800000> : vector<256xf32>
    %reduce_min3A_228 = vector.multi_reduction <minimumf>, %select_n3A_226, %reduce_min3A_227 [1] : vector<256x1024xf32> to vector<256xf32>
    %broadcast_in_dim3A_229 = vector.shape_cast %reduce_min3A_228 : vector<256xf32> to vector<256x1xf32>
    %eq3A_230 = vector.broadcast %broadcast_in_dim3A_229 : vector<256x1xf32> to vector<256x1024xf32>
    %eq3A_231 = arith.cmpf oeq, %convert_element_type3A, %eq3A_230 : vector<256x1024xf32>
    %jit3A_232 = arith.constant 1.000000e+30 : f32
    %broadcast_in_dim3A_233 = vector.broadcast %jit3A_232 : f32 to vector<256x1024xf32>
    %select_n3A_234 = arith.select %eq3A_231, %broadcast_in_dim3A_233, %select_n3A_218 : vector<256x1024xi1>, vector<256x1024xf32>
    %reduce_min3A_235 = arith.constant dense<0x7F800000> : vector<256xf32>
    %reduce_min3A_236 = vector.multi_reduction <minimumf>, %select_n3A_234, %reduce_min3A_235 [1] : vector<256x1024xf32> to vector<256xf32>
    %broadcast_in_dim3A_237 = vector.shape_cast %reduce_min3A_236 : vector<256xf32> to vector<256x1xf32>
    %le3A_238 = vector.broadcast %broadcast_in_dim3A_237 : vector<256x1xf32> to vector<256x1024xf32>
    %le3A_239 = arith.cmpf ole, %select_n3A_234, %le3A_238 : vector<256x1024xf32>
    %jit3A_240 = arith.constant 1.000000e+30 : f32
    %broadcast_in_dim3A_241 = vector.broadcast %jit3A_240 : f32 to vector<256x1024xf32>
    %select_n3A_242 = arith.select %le3A_239, %convert_element_type3A, %broadcast_in_dim3A_241 : vector<256x1024xi1>, vector<256x1024xf32>
    %reduce_min3A_243 = arith.constant dense<0x7F800000> : vector<256xf32>
    %reduce_min3A_244 = vector.multi_reduction <minimumf>, %select_n3A_242, %reduce_min3A_243 [1] : vector<256x1024xf32> to vector<256xf32>
    %broadcast_in_dim3A_245 = vector.shape_cast %reduce_min3A_244 : vector<256xf32> to vector<256x1xf32>
    %eq3A_246 = vector.broadcast %broadcast_in_dim3A_245 : vector<256x1xf32> to vector<256x1024xf32>
    %eq3A_247 = arith.cmpf oeq, %convert_element_type3A, %eq3A_246 : vector<256x1024xf32>
    %jit3A_248 = arith.constant 1.000000e+30 : f32
    %broadcast_in_dim3A_249 = vector.broadcast %jit3A_248 : f32 to vector<256x1024xf32>
    %select_n3A_250 = arith.select %eq3A_247, %broadcast_in_dim3A_249, %select_n3A_234 : vector<256x1024xi1>, vector<256x1024xf32>
    %reduce_min3A_251 = arith.constant dense<0x7F800000> : vector<256xf32>
    %reduce_min3A_252 = vector.multi_reduction <minimumf>, %select_n3A_250, %reduce_min3A_251 [1] : vector<256x1024xf32> to vector<256xf32>
    %broadcast_in_dim3A_253 = vector.shape_cast %reduce_min3A_252 : vector<256xf32> to vector<256x1xf32>
    %le3A_254 = vector.broadcast %broadcast_in_dim3A_253 : vector<256x1xf32> to vector<256x1024xf32>
    %le3A_255 = arith.cmpf ole, %select_n3A_250, %le3A_254 : vector<256x1024xf32>
    %jit3A_256 = arith.constant 1.000000e+30 : f32
    %broadcast_in_dim3A_257 = vector.broadcast %jit3A_256 : f32 to vector<256x1024xf32>
    %select_n3A_258 = arith.select %le3A_255, %convert_element_type3A, %broadcast_in_dim3A_257 : vector<256x1024xi1>, vector<256x1024xf32>
    %reduce_min3A_259 = arith.constant dense<0x7F800000> : vector<256xf32>
    %reduce_min3A_260 = vector.multi_reduction <minimumf>, %select_n3A_258, %reduce_min3A_259 [1] : vector<256x1024xf32> to vector<256xf32>
    %broadcast_in_dim3A_261 = vector.shape_cast %reduce_min3A_260 : vector<256xf32> to vector<256x1xf32>
    %concatenate3A = tpu.concatenate %broadcast_in_dim3A_22, %broadcast_in_dim3A_37, %broadcast_in_dim3A_53, %broadcast_in_dim3A_69, %broadcast_in_dim3A_85, %broadcast_in_dim3A_101, %broadcast_in_dim3A_117, %broadcast_in_dim3A_133, %broadcast_in_dim3A_149, %broadcast_in_dim3A_165, %broadcast_in_dim3A_181, %broadcast_in_dim3A_197, %broadcast_in_dim3A_213, %broadcast_in_dim3A_229, %broadcast_in_dim3A_245, %broadcast_in_dim3A_261 in 1 : vector<256x1xf32>, vector<256x1xf32>, vector<256x1xf32>, vector<256x1xf32>, vector<256x1xf32>, vector<256x1xf32>, vector<256x1xf32>, vector<256x1xf32>, vector<256x1xf32>, vector<256x1xf32>, vector<256x1xf32>, vector<256x1xf32>, vector<256x1xf32>, vector<256x1xf32>, vector<256x1xf32>, vector<256x1xf32> -> vector<256x16xf32>
    %convert_element_type3A_262 = arith.fptosi %concatenate3A : vector<256x16xf32> to vector<256x16xi32>
    %swap3A = arith.constant 0 : index
    %swap3A_263 = arith.constant 0 : index
    %swap3A_264 = vector.load %arg3[%swap3A, %swap3A_263] : memref<256x16xi32, #tpu.memory_space<vmem>>, vector<256x16xi32>
    tpu.vector_store %arg3[%swap3A, %swap3A_263], %convert_element_type3A_262 {strides = array<i32>} : memref<256x16xi32, #tpu.memory_space<vmem>>, vector<256x16xi32>,
    return
  }
  func.func @transform_0(%arg0: i32) -> (i32, i32) {
    %c0_i32 = arith.constant 0 : i32
    %c0_i32_0 = arith.constant 0 : i32
    return %arg0, %c0_i32 : i32, i32
  }
  func.func @transform_1(%arg0: i32) -> (i32, i32) {
    %c0_i32 = arith.constant 0 : i32
    %c0_i32_0 = arith.constant 0 : i32
    %c0_i32_1 = arith.constant 0 : i32
    return %c0_i32, %c0_i32_0 : i32, i32
  }
  func.func @transform_2(%arg0: i32) -> (i32, i32) {
    %c0_i32 = arith.constant 0 : i32
    %c0_i32_0 = arith.constant 0 : i32
    return %arg0, %c0_i32 : i32, i32
  }
}

module attributes {stable_mosaic.version = 14 : i64} {
  func.func @_fsm_body(%arg0: memref<64x8xf32, #tpu.memory_space<vmem>>, %arg1: memref<8x16xf32, #tpu.memory_space<vmem>>, %arg2: memref<16x512xf32, #tpu.memory_space<vmem>>, %arg3: memref<64x256xf32, #tpu.memory_space<vmem>>, %arg4: memref<512x256xf32, #tpu.memory_space<vmem>>, %arg5: memref<1x256xf32, #tpu.memory_space<vmem>>, %arg6: memref<1x256xf32, #tpu.memory_space<vmem>>, %arg7: memref<1x256xf32, #tpu.memory_space<vmem>>, %arg8: memref<256x256xf32, #tpu.memory_space<vmem>>, %arg9: memref<1x256xf32, #tpu.memory_space<vmem>>, %arg10: memref<1x256xf32, #tpu.memory_space<vmem>>, %arg11: memref<1x256xf32, #tpu.memory_space<vmem>>, %arg12: memref<8x64xf32, #tpu.memory_space<vmem>>, %arg13: memref<64x32xf32, #tpu.memory_space<vmem>>, %arg14: memref<256x256xf32, #tpu.memory_space<vmem>>, %arg15: memref<1x256xf32, #tpu.memory_space<vmem>>, %arg16: memref<256x256xf32, #tpu.memory_space<vmem>>, %arg17: memref<256x256xf32, #tpu.memory_space<vmem>>, %arg18: memref<256x256xf32, #tpu.memory_space<vmem>>, %arg19: memref<32x256xf32, #tpu.memory_space<vmem>>, %arg20: memref<1x256xf32, #tpu.memory_space<vmem>>, %arg21: memref<256x256xf32, #tpu.memory_space<vmem>>, %arg22: memref<1x256xf32, #tpu.memory_space<vmem>>, %arg23: memref<256x256xf32, #tpu.memory_space<vmem>>, %arg24: memref<1x256xf32, #tpu.memory_space<vmem>>, %arg25: memref<256x256xf32, #tpu.memory_space<vmem>>, %arg26: memref<1x256xf32, #tpu.memory_space<vmem>>, %arg27: memref<256x256xf32, #tpu.memory_space<vmem>>, %arg28: memref<1x256xf32, #tpu.memory_space<vmem>>, %arg29: memref<64x256xf32, #tpu.memory_space<vmem>>) attributes {dimension_semantics = [], scalar_prefetch = 0 : i64, scratch_operands = 0 : i64, tpu.core_type = #tpu.core_type<tc>} {
    %get3A = arith.constant 0 : index
    %get3A_0 = arith.constant 0 : index
    %get3A_1 = vector.load %arg0[%get3A, %get3A_0] : memref<64x8xf32, #tpu.memory_space<vmem>>, vector<64x8xf32>
    %get3A_2 = arith.constant 0 : index
    %get3A_3 = arith.constant 0 : index
    %get3A_4 = vector.load %arg1[%get3A_2, %get3A_3] : memref<8x16xf32, #tpu.memory_space<vmem>>, vector<8x16xf32>
    %get3A_5 = arith.constant 0 : index
    %get3A_6 = arith.constant 0 : index
    %get3A_7 = vector.load %arg2[%get3A_5, %get3A_6] : memref<16x512xf32, #tpu.memory_space<vmem>>, vector<16x512xf32>
    %get3A_8 = arith.constant 0 : index
    %get3A_9 = arith.constant 0 : index
    %get3A_10 = vector.load %arg3[%get3A_8, %get3A_9] : memref<64x256xf32, #tpu.memory_space<vmem>>, vector<64x256xf32>
    %get3A_11 = arith.constant 0 : index
    %get3A_12 = arith.constant 0 : index
    %get3A_13 = vector.load %arg4[%get3A_11, %get3A_12] : memref<512x256xf32, #tpu.memory_space<vmem>>, vector<512x256xf32>
    %get3A_14 = arith.constant 0 : index
    %get3A_15 = arith.constant 0 : index
    %get3A_16 = vector.load %arg5[%get3A_14, %get3A_15] : memref<1x256xf32, #tpu.memory_space<vmem>>, vector<1x256xf32>
    %get3A_17 = arith.constant 0 : index
    %get3A_18 = arith.constant 0 : index
    %get3A_19 = vector.load %arg6[%get3A_17, %get3A_18] : memref<1x256xf32, #tpu.memory_space<vmem>>, vector<1x256xf32>
    %get3A_20 = arith.constant 0 : index
    %get3A_21 = arith.constant 0 : index
    %get3A_22 = vector.load %arg7[%get3A_20, %get3A_21] : memref<1x256xf32, #tpu.memory_space<vmem>>, vector<1x256xf32>
    %get3A_23 = arith.constant 0 : index
    %get3A_24 = arith.constant 0 : index
    %get3A_25 = vector.load %arg8[%get3A_23, %get3A_24] : memref<256x256xf32, #tpu.memory_space<vmem>>, vector<256x256xf32>
    %get3A_26 = arith.constant 0 : index
    %get3A_27 = arith.constant 0 : index
    %get3A_28 = vector.load %arg9[%get3A_26, %get3A_27] : memref<1x256xf32, #tpu.memory_space<vmem>>, vector<1x256xf32>
    %get3A_29 = arith.constant 0 : index
    %get3A_30 = arith.constant 0 : index
    %get3A_31 = vector.load %arg10[%get3A_29, %get3A_30] : memref<1x256xf32, #tpu.memory_space<vmem>>, vector<1x256xf32>
    %get3A_32 = arith.constant 0 : index
    %get3A_33 = arith.constant 0 : index
    %get3A_34 = vector.load %arg11[%get3A_32, %get3A_33] : memref<1x256xf32, #tpu.memory_space<vmem>>, vector<1x256xf32>
    %dot_general3A = arith.constant dense<0.000000e+00> : vector<64x256xf32>
    %dot_general3A_35 = tpu.matmul %get3A_10, %get3A_25, %dot_general3A {dimension_numbers = #tpu.dot_dimension_numbers<[1], [0], [0], [1], [0, 0, 1, 1], [], []>, transpose_lhs_hint = false} : vector<64x256xf32>, vector<256x256xf32>, vector<64x256xf32> -> vector<64x256xf32>
    %add3A = vector.broadcast %get3A_28 : vector<1x256xf32> to vector<64x256xf32>
    %add3A_36 = arith.addf %dot_general3A_35, %add3A : vector<64x256xf32>
    %mul3A = arith.constant 0.999994993 : f32
    %mul3A_37 = vector.broadcast %mul3A : f32 to vector<1x256xf32>
    %mul3A_38 = arith.mulf %get3A_31, %mul3A_37 : vector<1x256xf32>
    %mul3A_39 = vector.broadcast %mul3A_38 : vector<1x256xf32> to vector<64x256xf32>
    %mul3A_40 = arith.mulf %add3A_36, %mul3A_39 : vector<64x256xf32>
    %add3A_41 = vector.broadcast %get3A_34 : vector<1x256xf32> to vector<64x256xf32>
    %add3A_42 = arith.addf %mul3A_40, %add3A_41 : vector<64x256xf32>
    %max3A = arith.constant 0.000000e+00 : f32
    %max3A_43 = vector.broadcast %max3A : f32 to vector<64x256xf32>
    %max3A_44 = arith.maximumf %add3A_42, %max3A_43 : vector<64x256xf32>
    %dot_general3A_45 = arith.constant dense<0.000000e+00> : vector<16x256xf32>
    %dot_general3A_46 = tpu.matmul %get3A_7, %get3A_13, %dot_general3A_45 {dimension_numbers = #tpu.dot_dimension_numbers<[1], [0], [0], [1], [0, 0, 1, 1], [], []>, transpose_lhs_hint = false} : vector<16x512xf32>, vector<512x256xf32>, vector<16x256xf32> -> vector<16x256xf32>
    %add3A_47 = vector.broadcast %get3A_16 : vector<1x256xf32> to vector<16x256xf32>
    %add3A_48 = arith.addf %dot_general3A_46, %add3A_47 : vector<16x256xf32>
    %mul3A_49 = arith.constant 0.999994993 : f32
    %mul3A_50 = vector.broadcast %mul3A_49 : f32 to vector<1x256xf32>
    %mul3A_51 = arith.mulf %get3A_19, %mul3A_50 : vector<1x256xf32>
    %mul3A_52 = vector.broadcast %mul3A_51 : vector<1x256xf32> to vector<16x256xf32>
    %mul3A_53 = arith.mulf %add3A_48, %mul3A_52 : vector<16x256xf32>
    %add3A_54 = vector.broadcast %get3A_22 : vector<1x256xf32> to vector<16x256xf32>
    %add3A_55 = arith.addf %mul3A_53, %add3A_54 : vector<16x256xf32>
    %max3A_56 = arith.constant 0.000000e+00 : f32
    %max3A_57 = vector.broadcast %max3A_56 : f32 to vector<16x256xf32>
    %max3A_58 = arith.maximumf %add3A_55, %max3A_57 : vector<16x256xf32>
    %mul3A_59 = arith.mulf %get3A_1, %get3A_1 : vector<64x8xf32>
    %reduce_sum3A = arith.constant dense<0.000000e+00> : vector<64xf32>
    %reduce_sum3A_60 = vector.multi_reduction <add>, %mul3A_59, %reduce_sum3A [1] : vector<64x8xf32> to vector<64xf32>
    %broadcast_in_dim3A = vector.shape_cast %reduce_sum3A_60 : vector<64xf32> to vector<64x1xf32>
    %mul3A_61 = arith.mulf %get3A_4, %get3A_4 : vector<8x16xf32>
    %reduce_sum3A_62 = arith.constant dense<0.000000e+00> : vector<16xf32>
    %reduce_sum3A_63 = vector.multi_reduction <add>, %mul3A_61, %reduce_sum3A_62 [0] : vector<8x16xf32> to vector<16xf32>
    %broadcast_in_dim3A_64 = vector.shape_cast %reduce_sum3A_63 : vector<16xf32> to vector<1x16xf32>
    %add3A_65 = vector.broadcast %broadcast_in_dim3A : vector<64x1xf32> to vector<64x16xf32>
    %add3A_66 = vector.broadcast %broadcast_in_dim3A_64 : vector<1x16xf32> to vector<64x16xf32>
    %add3A_67 = arith.addf %add3A_65, %add3A_66 : vector<64x16xf32>
    %dot_general3A_68 = arith.constant dense<0.000000e+00> : vector<64x16xf32>
    %dot_general3A_69 = tpu.matmul %get3A_1, %get3A_4, %dot_general3A_68 {dimension_numbers = #tpu.dot_dimension_numbers<[1], [0], [0], [1], [0, 0, 1, 1], [], []>, precision = #tpu.contract_precision<fp32>, transpose_lhs_hint = false} : vector<64x8xf32>, vector<8x16xf32>, vector<64x16xf32> -> vector<64x16xf32>
    %mul3A_70 = arith.constant 2.000000e+00 : f32
    %mul3A_71 = vector.broadcast %mul3A_70 : f32 to vector<64x16xf32>
    %mul3A_72 = arith.mulf %mul3A_71, %dot_general3A_69 : vector<64x16xf32>
    %sub3A = arith.subf %add3A_67, %mul3A_72 : vector<64x16xf32>
    %max3A_73 = arith.constant 0.000000e+00 : f32
    %max3A_74 = vector.broadcast %max3A_73 : f32 to vector<64x16xf32>
    %max3A_75 = arith.maximumf %sub3A, %max3A_74 : vector<64x16xf32>
    %iota3A = tpu.iota {dimensions = array<i32: 1>} : vector<64x16xi32>
    %convert_element_type3A = arith.sitofp %iota3A : vector<64x16xi32> to vector<64x16xf32>
    %reduce_min3A = arith.constant dense<0x7F800000> : vector<64xf32>
    %reduce_min3A_76 = vector.multi_reduction <minimumf>, %max3A_75, %reduce_min3A [1] : vector<64x16xf32> to vector<64xf32>
    %broadcast_in_dim3A_77 = vector.shape_cast %reduce_min3A_76 : vector<64xf32> to vector<64x1xf32>
    %le3A = vector.broadcast %broadcast_in_dim3A_77 : vector<64x1xf32> to vector<64x16xf32>
    %le3A_78 = arith.cmpf ole, %max3A_75, %le3A : vector<64x16xf32>
    %jit3A = arith.constant 1.000000e+30 : f32
    %broadcast_in_dim3A_79 = vector.broadcast %jit3A : f32 to vector<64x16xf32>
    %select_n3A = arith.select %le3A_78, %convert_element_type3A, %broadcast_in_dim3A_79 : vector<64x16xi1>, vector<64x16xf32>
    %reduce_min3A_80 = arith.constant dense<0x7F800000> : vector<64xf32>
    %reduce_min3A_81 = vector.multi_reduction <minimumf>, %select_n3A, %reduce_min3A_80 [1] : vector<64x16xf32> to vector<64xf32>
    %broadcast_in_dim3A_82 = vector.shape_cast %reduce_min3A_81 : vector<64xf32> to vector<64x1xf32>
    %add3A_83 = arith.constant 9.99999993E-9 : f32
    %add3A_84 = vector.broadcast %add3A_83 : f32 to vector<64x1xf32>
    %add3A_85 = arith.addf %broadcast_in_dim3A_77, %add3A_84 : vector<64x1xf32>
    %div3A = arith.constant 1.000000e+00 : f32
    %div3A_86 = vector.broadcast %div3A : f32 to vector<64x1xf32>
    %div3A_87 = arith.divf %div3A_86, %add3A_85 : vector<64x1xf32>
    %eq3A = vector.broadcast %broadcast_in_dim3A_82 : vector<64x1xf32> to vector<64x16xf32>
    %eq3A_88 = arith.cmpf oeq, %convert_element_type3A, %eq3A : vector<64x16xf32>
    %eq3A_89 = vector.broadcast %broadcast_in_dim3A_82 : vector<64x1xf32> to vector<64x16xf32>
    %eq3A_90 = arith.cmpf oeq, %convert_element_type3A, %eq3A_89 : vector<64x16xf32>
    %jit3A_91 = arith.constant 1.000000e+30 : f32
    %broadcast_in_dim3A_92 = vector.broadcast %jit3A_91 : f32 to vector<64x16xf32>
    %select_n3A_93 = arith.select %eq3A_90, %broadcast_in_dim3A_92, %max3A_75 : vector<64x16xi1>, vector<64x16xf32>
    %reduce_min3A_94 = arith.constant dense<0x7F800000> : vector<64xf32>
    %reduce_min3A_95 = vector.multi_reduction <minimumf>, %select_n3A_93, %reduce_min3A_94 [1] : vector<64x16xf32> to vector<64xf32>
    %broadcast_in_dim3A_96 = vector.shape_cast %reduce_min3A_95 : vector<64xf32> to vector<64x1xf32>
    %le3A_97 = vector.broadcast %broadcast_in_dim3A_96 : vector<64x1xf32> to vector<64x16xf32>
    %le3A_98 = arith.cmpf ole, %select_n3A_93, %le3A_97 : vector<64x16xf32>
    %jit3A_99 = arith.constant 1.000000e+30 : f32
    %broadcast_in_dim3A_100 = vector.broadcast %jit3A_99 : f32 to vector<64x16xf32>
    %select_n3A_101 = arith.select %le3A_98, %convert_element_type3A, %broadcast_in_dim3A_100 : vector<64x16xi1>, vector<64x16xf32>
    %reduce_min3A_102 = arith.constant dense<0x7F800000> : vector<64xf32>
    %reduce_min3A_103 = vector.multi_reduction <minimumf>, %select_n3A_101, %reduce_min3A_102 [1] : vector<64x16xf32> to vector<64xf32>
    %broadcast_in_dim3A_104 = vector.shape_cast %reduce_min3A_103 : vector<64xf32> to vector<64x1xf32>
    %add3A_105 = arith.constant 9.99999993E-9 : f32
    %add3A_106 = vector.broadcast %add3A_105 : f32 to vector<64x1xf32>
    %add3A_107 = arith.addf %broadcast_in_dim3A_96, %add3A_106 : vector<64x1xf32>
    %div3A_108 = arith.constant 1.000000e+00 : f32
    %div3A_109 = vector.broadcast %div3A_108 : f32 to vector<64x1xf32>
    %div3A_110 = arith.divf %div3A_109, %add3A_107 : vector<64x1xf32>
    %eq3A_111 = vector.broadcast %broadcast_in_dim3A_104 : vector<64x1xf32> to vector<64x16xf32>
    %eq3A_112 = arith.cmpf oeq, %convert_element_type3A, %eq3A_111 : vector<64x16xf32>
    %eq3A_113 = vector.broadcast %broadcast_in_dim3A_104 : vector<64x1xf32> to vector<64x16xf32>
    %eq3A_114 = arith.cmpf oeq, %convert_element_type3A, %eq3A_113 : vector<64x16xf32>
    %jit3A_115 = arith.constant 1.000000e+30 : f32
    %broadcast_in_dim3A_116 = vector.broadcast %jit3A_115 : f32 to vector<64x16xf32>
    %select_n3A_117 = arith.select %eq3A_114, %broadcast_in_dim3A_116, %select_n3A_93 : vector<64x16xi1>, vector<64x16xf32>
    %reduce_min3A_118 = arith.constant dense<0x7F800000> : vector<64xf32>
    %reduce_min3A_119 = vector.multi_reduction <minimumf>, %select_n3A_117, %reduce_min3A_118 [1] : vector<64x16xf32> to vector<64xf32>
    %broadcast_in_dim3A_120 = vector.shape_cast %reduce_min3A_119 : vector<64xf32> to vector<64x1xf32>
    %le3A_121 = vector.broadcast %broadcast_in_dim3A_120 : vector<64x1xf32> to vector<64x16xf32>
    %le3A_122 = arith.cmpf ole, %select_n3A_117, %le3A_121 : vector<64x16xf32>
    %jit3A_123 = arith.constant 1.000000e+30 : f32
    %broadcast_in_dim3A_124 = vector.broadcast %jit3A_123 : f32 to vector<64x16xf32>
    %select_n3A_125 = arith.select %le3A_122, %convert_element_type3A, %broadcast_in_dim3A_124 : vector<64x16xi1>, vector<64x16xf32>
    %reduce_min3A_126 = arith.constant dense<0x7F800000> : vector<64xf32>
    %reduce_min3A_127 = vector.multi_reduction <minimumf>, %select_n3A_125, %reduce_min3A_126 [1] : vector<64x16xf32> to vector<64xf32>
    %broadcast_in_dim3A_128 = vector.shape_cast %reduce_min3A_127 : vector<64xf32> to vector<64x1xf32>
    %add3A_129 = arith.constant 9.99999993E-9 : f32
    %add3A_130 = vector.broadcast %add3A_129 : f32 to vector<64x1xf32>
    %add3A_131 = arith.addf %broadcast_in_dim3A_120, %add3A_130 : vector<64x1xf32>
    %div3A_132 = arith.constant 1.000000e+00 : f32
    %div3A_133 = vector.broadcast %div3A_132 : f32 to vector<64x1xf32>
    %div3A_134 = arith.divf %div3A_133, %add3A_131 : vector<64x1xf32>
    %eq3A_135 = vector.broadcast %broadcast_in_dim3A_128 : vector<64x1xf32> to vector<64x16xf32>
    %eq3A_136 = arith.cmpf oeq, %convert_element_type3A, %eq3A_135 : vector<64x16xf32>
    %add3A_137 = arith.addf %div3A_87, %div3A_110 : vector<64x1xf32>
    %add3A_138 = arith.addf %add3A_137, %div3A_134 : vector<64x1xf32>
    %div3A_139 = arith.divf %div3A_87, %add3A_138 : vector<64x1xf32>
    %jit3A_140 = arith.constant 0.000000e+00 : f32
    %broadcast_in_dim3A_141 = vector.shape_cast %div3A_139 : vector<64x1xf32> to vector<64x1xf32>
    %broadcast_in_dim3A_142 = vector.broadcast %broadcast_in_dim3A_141 : vector<64x1xf32> to vector<64x16xf32>
    %broadcast_in_dim3A_143 = vector.broadcast %jit3A_140 : f32 to vector<64x16xf32>
    %select_n3A_144 = arith.select %eq3A_88, %broadcast_in_dim3A_142, %broadcast_in_dim3A_143 : vector<64x16xi1>, vector<64x16xf32>
    %div3A_145 = arith.divf %div3A_110, %add3A_138 : vector<64x1xf32>
    %jit3A_146 = arith.constant 0.000000e+00 : f32
    %broadcast_in_dim3A_147 = vector.shape_cast %div3A_145 : vector<64x1xf32> to vector<64x1xf32>
    %broadcast_in_dim3A_148 = vector.broadcast %broadcast_in_dim3A_147 : vector<64x1xf32> to vector<64x16xf32>
    %broadcast_in_dim3A_149 = vector.broadcast %jit3A_146 : f32 to vector<64x16xf32>
    %select_n3A_150 = arith.select %eq3A_112, %broadcast_in_dim3A_148, %broadcast_in_dim3A_149 : vector<64x16xi1>, vector<64x16xf32>
    %add3A_151 = arith.addf %select_n3A_144, %select_n3A_150 : vector<64x16xf32>
    %div3A_152 = arith.divf %div3A_134, %add3A_138 : vector<64x1xf32>
    %jit3A_153 = arith.constant 0.000000e+00 : f32
    %broadcast_in_dim3A_154 = vector.shape_cast %div3A_152 : vector<64x1xf32> to vector<64x1xf32>
    %broadcast_in_dim3A_155 = vector.broadcast %broadcast_in_dim3A_154 : vector<64x1xf32> to vector<64x16xf32>
    %broadcast_in_dim3A_156 = vector.broadcast %jit3A_153 : f32 to vector<64x16xf32>
    %select_n3A_157 = arith.select %eq3A_136, %broadcast_in_dim3A_155, %broadcast_in_dim3A_156 : vector<64x16xi1>, vector<64x16xf32>
    %add3A_158 = arith.addf %add3A_151, %select_n3A_157 : vector<64x16xf32>
    %dot_general3A_159 = arith.constant dense<0.000000e+00> : vector<64x256xf32>
    %dot_general3A_160 = tpu.matmul %add3A_158, %max3A_58, %dot_general3A_159 {dimension_numbers = #tpu.dot_dimension_numbers<[1], [0], [0], [1], [0, 0, 1, 1], [], []>, transpose_lhs_hint = false} : vector<64x16xf32>, vector<16x256xf32>, vector<64x256xf32> -> vector<64x256xf32>
    %add3A_161 = arith.addf %dot_general3A_160, %max3A_44 : vector<64x256xf32>
    %get3A_162 = arith.constant 0 : index
    %get3A_163 = arith.constant 0 : index
    %get3A_164 = vector.load %arg0[%get3A_162, %get3A_163] : memref<64x8xf32, #tpu.memory_space<vmem>>, vector<64x8xf32>
    %get3A_165 = arith.constant 0 : index
    %get3A_166 = arith.constant 0 : index
    %get3A_167 = vector.load %arg12[%get3A_165, %get3A_166] : memref<8x64xf32, #tpu.memory_space<vmem>>, vector<8x64xf32>
    %mul3A_168 = arith.mulf %get3A_164, %get3A_164 : vector<64x8xf32>
    %reduce_sum3A_169 = arith.constant dense<0.000000e+00> : vector<64xf32>
    %reduce_sum3A_170 = vector.multi_reduction <add>, %mul3A_168, %reduce_sum3A_169 [1] : vector<64x8xf32> to vector<64xf32>
    %broadcast_in_dim3A_171 = vector.shape_cast %reduce_sum3A_170 : vector<64xf32> to vector<64x1xf32>
    %mul3A_172 = arith.mulf %get3A_167, %get3A_167 : vector<8x64xf32>
    %reduce_sum3A_173 = arith.constant dense<0.000000e+00> : vector<64xf32>
    %reduce_sum3A_174 = vector.multi_reduction <add>, %mul3A_172, %reduce_sum3A_173 [0] : vector<8x64xf32> to vector<64xf32>
    %broadcast_in_dim3A_175 = vector.shape_cast %reduce_sum3A_174 : vector<64xf32> to vector<1x64xf32>
    %add3A_176 = vector.broadcast %broadcast_in_dim3A_171 : vector<64x1xf32> to vector<64x64xf32>
    %add3A_177 = vector.broadcast %broadcast_in_dim3A_175 : vector<1x64xf32> to vector<64x64xf32>
    %add3A_178 = arith.addf %add3A_176, %add3A_177 : vector<64x64xf32>
    %dot_general3A_179 = arith.constant dense<0.000000e+00> : vector<64x64xf32>
    %dot_general3A_180 = tpu.matmul %get3A_164, %get3A_167, %dot_general3A_179 {dimension_numbers = #tpu.dot_dimension_numbers<[1], [0], [0], [1], [0, 0, 1, 1], [], []>, precision = #tpu.contract_precision<fp32>, transpose_lhs_hint = false} : vector<64x8xf32>, vector<8x64xf32>, vector<64x64xf32> -> vector<64x64xf32>
    %mul3A_181 = arith.constant 2.000000e+00 : f32
    %mul3A_182 = vector.broadcast %mul3A_181 : f32 to vector<64x64xf32>
    %mul3A_183 = arith.mulf %mul3A_182, %dot_general3A_180 : vector<64x64xf32>
    %sub3A_184 = arith.subf %add3A_178, %mul3A_183 : vector<64x64xf32>
    %iota3A_185 = tpu.iota {dimensions = array<i32: 1>} : vector<64x64xi32>
    %convert_element_type3A_186 = arith.sitofp %iota3A_185 : vector<64x64xi32> to vector<64x64xf32>
    %reduce_min3A_187 = arith.constant dense<0x7F800000> : vector<64xf32>
    %reduce_min3A_188 = vector.multi_reduction <minimumf>, %sub3A_184, %reduce_min3A_187 [1] : vector<64x64xf32> to vector<64xf32>
    %broadcast_in_dim3A_189 = vector.shape_cast %reduce_min3A_188 : vector<64xf32> to vector<64x1xf32>
    %le3A_190 = vector.broadcast %broadcast_in_dim3A_189 : vector<64x1xf32> to vector<64x64xf32>
    %le3A_191 = arith.cmpf ole, %sub3A_184, %le3A_190 : vector<64x64xf32>
    %jit3A_192 = arith.constant 1.000000e+30 : f32
    %broadcast_in_dim3A_193 = vector.broadcast %jit3A_192 : f32 to vector<64x64xf32>
    %select_n3A_194 = arith.select %le3A_191, %convert_element_type3A_186, %broadcast_in_dim3A_193 : vector<64x64xi1>, vector<64x64xf32>
    %reduce_min3A_195 = arith.constant dense<0x7F800000> : vector<64xf32>
    %reduce_min3A_196 = vector.multi_reduction <minimumf>, %select_n3A_194, %reduce_min3A_195 [1] : vector<64x64xf32> to vector<64xf32>
    %broadcast_in_dim3A_197 = vector.shape_cast %reduce_min3A_196 : vector<64xf32> to vector<64x1xf32>
    %eq3A_198 = vector.broadcast %broadcast_in_dim3A_197 : vector<64x1xf32> to vector<64x64xf32>
    %eq3A_199 = arith.cmpf oeq, %convert_element_type3A_186, %eq3A_198 : vector<64x64xf32>
    %jit3A_200 = arith.constant 1.000000e+30 : f32
    %broadcast_in_dim3A_201 = vector.broadcast %jit3A_200 : f32 to vector<64x64xf32>
    %select_n3A_202 = arith.select %eq3A_199, %broadcast_in_dim3A_201, %sub3A_184 : vector<64x64xi1>, vector<64x64xf32>
    %reduce_min3A_203 = arith.constant dense<0x7F800000> : vector<64xf32>
    %reduce_min3A_204 = vector.multi_reduction <minimumf>, %select_n3A_202, %reduce_min3A_203 [1] : vector<64x64xf32> to vector<64xf32>
    %broadcast_in_dim3A_205 = vector.shape_cast %reduce_min3A_204 : vector<64xf32> to vector<64x1xf32>
    %le3A_206 = vector.broadcast %broadcast_in_dim3A_205 : vector<64x1xf32> to vector<64x64xf32>
    %le3A_207 = arith.cmpf ole, %select_n3A_202, %le3A_206 : vector<64x64xf32>
    %jit3A_208 = arith.constant 1.000000e+30 : f32
    %broadcast_in_dim3A_209 = vector.broadcast %jit3A_208 : f32 to vector<64x64xf32>
    %select_n3A_210 = arith.select %le3A_207, %convert_element_type3A_186, %broadcast_in_dim3A_209 : vector<64x64xi1>, vector<64x64xf32>
    %reduce_min3A_211 = arith.constant dense<0x7F800000> : vector<64xf32>
    %reduce_min3A_212 = vector.multi_reduction <minimumf>, %select_n3A_210, %reduce_min3A_211 [1] : vector<64x64xf32> to vector<64xf32>
    %broadcast_in_dim3A_213 = vector.shape_cast %reduce_min3A_212 : vector<64xf32> to vector<64x1xf32>
    %eq3A_214 = vector.broadcast %broadcast_in_dim3A_213 : vector<64x1xf32> to vector<64x64xf32>
    %eq3A_215 = arith.cmpf oeq, %convert_element_type3A_186, %eq3A_214 : vector<64x64xf32>
    %jit3A_216 = arith.constant 1.000000e+30 : f32
    %broadcast_in_dim3A_217 = vector.broadcast %jit3A_216 : f32 to vector<64x64xf32>
    %select_n3A_218 = arith.select %eq3A_215, %broadcast_in_dim3A_217, %select_n3A_202 : vector<64x64xi1>, vector<64x64xf32>
    %reduce_min3A_219 = arith.constant dense<0x7F800000> : vector<64xf32>
    %reduce_min3A_220 = vector.multi_reduction <minimumf>, %select_n3A_218, %reduce_min3A_219 [1] : vector<64x64xf32> to vector<64xf32>
    %broadcast_in_dim3A_221 = vector.shape_cast %reduce_min3A_220 : vector<64xf32> to vector<64x1xf32>
    %le3A_222 = vector.broadcast %broadcast_in_dim3A_221 : vector<64x1xf32> to vector<64x64xf32>
    %le3A_223 = arith.cmpf ole, %select_n3A_218, %le3A_222 : vector<64x64xf32>
    %jit3A_224 = arith.constant 1.000000e+30 : f32
    %broadcast_in_dim3A_225 = vector.broadcast %jit3A_224 : f32 to vector<64x64xf32>
    %select_n3A_226 = arith.select %le3A_223, %convert_element_type3A_186, %broadcast_in_dim3A_225 : vector<64x64xi1>, vector<64x64xf32>
    %reduce_min3A_227 = arith.constant dense<0x7F800000> : vector<64xf32>
    %reduce_min3A_228 = vector.multi_reduction <minimumf>, %select_n3A_226, %reduce_min3A_227 [1] : vector<64x64xf32> to vector<64xf32>
    %broadcast_in_dim3A_229 = vector.shape_cast %reduce_min3A_228 : vector<64xf32> to vector<64x1xf32>
    %eq3A_230 = vector.broadcast %broadcast_in_dim3A_229 : vector<64x1xf32> to vector<64x64xf32>
    %eq3A_231 = arith.cmpf oeq, %convert_element_type3A_186, %eq3A_230 : vector<64x64xf32>
    %jit3A_232 = arith.constant 1.000000e+30 : f32
    %broadcast_in_dim3A_233 = vector.broadcast %jit3A_232 : f32 to vector<64x64xf32>
    %select_n3A_234 = arith.select %eq3A_231, %broadcast_in_dim3A_233, %select_n3A_218 : vector<64x64xi1>, vector<64x64xf32>
    %reduce_min3A_235 = arith.constant dense<0x7F800000> : vector<64xf32>
    %reduce_min3A_236 = vector.multi_reduction <minimumf>, %select_n3A_234, %reduce_min3A_235 [1] : vector<64x64xf32> to vector<64xf32>
    %broadcast_in_dim3A_237 = vector.shape_cast %reduce_min3A_236 : vector<64xf32> to vector<64x1xf32>
    %le3A_238 = vector.broadcast %broadcast_in_dim3A_237 : vector<64x1xf32> to vector<64x64xf32>
    %le3A_239 = arith.cmpf ole, %select_n3A_234, %le3A_238 : vector<64x64xf32>
    %jit3A_240 = arith.constant 1.000000e+30 : f32
    %broadcast_in_dim3A_241 = vector.broadcast %jit3A_240 : f32 to vector<64x64xf32>
    %select_n3A_242 = arith.select %le3A_239, %convert_element_type3A_186, %broadcast_in_dim3A_241 : vector<64x64xi1>, vector<64x64xf32>
    %reduce_min3A_243 = arith.constant dense<0x7F800000> : vector<64xf32>
    %reduce_min3A_244 = vector.multi_reduction <minimumf>, %select_n3A_242, %reduce_min3A_243 [1] : vector<64x64xf32> to vector<64xf32>
    %broadcast_in_dim3A_245 = vector.shape_cast %reduce_min3A_244 : vector<64xf32> to vector<64x1xf32>
    %eq3A_246 = vector.broadcast %broadcast_in_dim3A_245 : vector<64x1xf32> to vector<64x64xf32>
    %eq3A_247 = arith.cmpf oeq, %convert_element_type3A_186, %eq3A_246 : vector<64x64xf32>
    %jit3A_248 = arith.constant 1.000000e+30 : f32
    %broadcast_in_dim3A_249 = vector.broadcast %jit3A_248 : f32 to vector<64x64xf32>
    %select_n3A_250 = arith.select %eq3A_247, %broadcast_in_dim3A_249, %select_n3A_234 : vector<64x64xi1>, vector<64x64xf32>
    %reduce_min3A_251 = arith.constant dense<0x7F800000> : vector<64xf32>
    %reduce_min3A_252 = vector.multi_reduction <minimumf>, %select_n3A_250, %reduce_min3A_251 [1] : vector<64x64xf32> to vector<64xf32>
    %broadcast_in_dim3A_253 = vector.shape_cast %reduce_min3A_252 : vector<64xf32> to vector<64x1xf32>
    %le3A_254 = vector.broadcast %broadcast_in_dim3A_253 : vector<64x1xf32> to vector<64x64xf32>
    %le3A_255 = arith.cmpf ole, %select_n3A_250, %le3A_254 : vector<64x64xf32>
    %jit3A_256 = arith.constant 1.000000e+30 : f32
    %broadcast_in_dim3A_257 = vector.broadcast %jit3A_256 : f32 to vector<64x64xf32>
    %select_n3A_258 = arith.select %le3A_255, %convert_element_type3A_186, %broadcast_in_dim3A_257 : vector<64x64xi1>, vector<64x64xf32>
    %reduce_min3A_259 = arith.constant dense<0x7F800000> : vector<64xf32>
    %reduce_min3A_260 = vector.multi_reduction <minimumf>, %select_n3A_258, %reduce_min3A_259 [1] : vector<64x64xf32> to vector<64xf32>
    %broadcast_in_dim3A_261 = vector.shape_cast %reduce_min3A_260 : vector<64xf32> to vector<64x1xf32>
    %eq3A_262 = vector.broadcast %broadcast_in_dim3A_261 : vector<64x1xf32> to vector<64x64xf32>
    %eq3A_263 = arith.cmpf oeq, %convert_element_type3A_186, %eq3A_262 : vector<64x64xf32>
    %jit3A_264 = arith.constant 1.000000e+30 : f32
    %broadcast_in_dim3A_265 = vector.broadcast %jit3A_264 : f32 to vector<64x64xf32>
    %select_n3A_266 = arith.select %eq3A_263, %broadcast_in_dim3A_265, %select_n3A_250 : vector<64x64xi1>, vector<64x64xf32>
    %reduce_min3A_267 = arith.constant dense<0x7F800000> : vector<64xf32>
    %reduce_min3A_268 = vector.multi_reduction <minimumf>, %select_n3A_266, %reduce_min3A_267 [1] : vector<64x64xf32> to vector<64xf32>
    %broadcast_in_dim3A_269 = vector.shape_cast %reduce_min3A_268 : vector<64xf32> to vector<64x1xf32>
    %le3A_270 = vector.broadcast %broadcast_in_dim3A_269 : vector<64x1xf32> to vector<64x64xf32>
    %le3A_271 = arith.cmpf ole, %select_n3A_266, %le3A_270 : vector<64x64xf32>
    %jit3A_272 = arith.constant 1.000000e+30 : f32
    %broadcast_in_dim3A_273 = vector.broadcast %jit3A_272 : f32 to vector<64x64xf32>
    %select_n3A_274 = arith.select %le3A_271, %convert_element_type3A_186, %broadcast_in_dim3A_273 : vector<64x64xi1>, vector<64x64xf32>
    %reduce_min3A_275 = arith.constant dense<0x7F800000> : vector<64xf32>
    %reduce_min3A_276 = vector.multi_reduction <minimumf>, %select_n3A_274, %reduce_min3A_275 [1] : vector<64x64xf32> to vector<64xf32>
    %broadcast_in_dim3A_277 = vector.shape_cast %reduce_min3A_276 : vector<64xf32> to vector<64x1xf32>
    %eq3A_278 = vector.broadcast %broadcast_in_dim3A_277 : vector<64x1xf32> to vector<64x64xf32>
    %eq3A_279 = arith.cmpf oeq, %convert_element_type3A_186, %eq3A_278 : vector<64x64xf32>
    %jit3A_280 = arith.constant 1.000000e+30 : f32
    %broadcast_in_dim3A_281 = vector.broadcast %jit3A_280 : f32 to vector<64x64xf32>
    %select_n3A_282 = arith.select %eq3A_279, %broadcast_in_dim3A_281, %select_n3A_266 : vector<64x64xi1>, vector<64x64xf32>
    %reduce_min3A_283 = arith.constant dense<0x7F800000> : vector<64xf32>
    %reduce_min3A_284 = vector.multi_reduction <minimumf>, %select_n3A_282, %reduce_min3A_283 [1] : vector<64x64xf32> to vector<64xf32>
    %broadcast_in_dim3A_285 = vector.shape_cast %reduce_min3A_284 : vector<64xf32> to vector<64x1xf32>
    %le3A_286 = vector.broadcast %broadcast_in_dim3A_285 : vector<64x1xf32> to vector<64x64xf32>
    %le3A_287 = arith.cmpf ole, %select_n3A_282, %le3A_286 : vector<64x64xf32>
    %jit3A_288 = arith.constant 1.000000e+30 : f32
    %broadcast_in_dim3A_289 = vector.broadcast %jit3A_288 : f32 to vector<64x64xf32>
    %select_n3A_290 = arith.select %le3A_287, %convert_element_type3A_186, %broadcast_in_dim3A_289 : vector<64x64xi1>, vector<64x64xf32>
    %reduce_min3A_291 = arith.constant dense<0x7F800000> : vector<64xf32>
    %reduce_min3A_292 = vector.multi_reduction <minimumf>, %select_n3A_290, %reduce_min3A_291 [1] : vector<64x64xf32> to vector<64xf32>
    %broadcast_in_dim3A_293 = vector.shape_cast %reduce_min3A_292 : vector<64xf32> to vector<64x1xf32>
    %eq3A_294 = vector.broadcast %broadcast_in_dim3A_293 : vector<64x1xf32> to vector<64x64xf32>
    %eq3A_295 = arith.cmpf oeq, %convert_element_type3A_186, %eq3A_294 : vector<64x64xf32>
    %jit3A_296 = arith.constant 1.000000e+30 : f32
    %broadcast_in_dim3A_297 = vector.broadcast %jit3A_296 : f32 to vector<64x64xf32>
    %select_n3A_298 = arith.select %eq3A_295, %broadcast_in_dim3A_297, %select_n3A_282 : vector<64x64xi1>, vector<64x64xf32>
    %reduce_min3A_299 = arith.constant dense<0x7F800000> : vector<64xf32>
    %reduce_min3A_300 = vector.multi_reduction <minimumf>, %select_n3A_298, %reduce_min3A_299 [1] : vector<64x64xf32> to vector<64xf32>
    %broadcast_in_dim3A_301 = vector.shape_cast %reduce_min3A_300 : vector<64xf32> to vector<64x1xf32>
    %le3A_302 = vector.broadcast %broadcast_in_dim3A_301 : vector<64x1xf32> to vector<64x64xf32>
    %le3A_303 = arith.cmpf ole, %select_n3A_298, %le3A_302 : vector<64x64xf32>
    %jit3A_304 = arith.constant 1.000000e+30 : f32
    %broadcast_in_dim3A_305 = vector.broadcast %jit3A_304 : f32 to vector<64x64xf32>
    %select_n3A_306 = arith.select %le3A_303, %convert_element_type3A_186, %broadcast_in_dim3A_305 : vector<64x64xi1>, vector<64x64xf32>
    %reduce_min3A_307 = arith.constant dense<0x7F800000> : vector<64xf32>
    %reduce_min3A_308 = vector.multi_reduction <minimumf>, %select_n3A_306, %reduce_min3A_307 [1] : vector<64x64xf32> to vector<64xf32>
    %broadcast_in_dim3A_309 = vector.shape_cast %reduce_min3A_308 : vector<64xf32> to vector<64x1xf32>
    %eq3A_310 = vector.broadcast %broadcast_in_dim3A_309 : vector<64x1xf32> to vector<64x64xf32>
    %eq3A_311 = arith.cmpf oeq, %convert_element_type3A_186, %eq3A_310 : vector<64x64xf32>
    %jit3A_312 = arith.constant 1.000000e+30 : f32
    %broadcast_in_dim3A_313 = vector.broadcast %jit3A_312 : f32 to vector<64x64xf32>
    %select_n3A_314 = arith.select %eq3A_311, %broadcast_in_dim3A_313, %select_n3A_298 : vector<64x64xi1>, vector<64x64xf32>
    %reduce_min3A_315 = arith.constant dense<0x7F800000> : vector<64xf32>
    %reduce_min3A_316 = vector.multi_reduction <minimumf>, %select_n3A_314, %reduce_min3A_315 [1] : vector<64x64xf32> to vector<64xf32>
    %broadcast_in_dim3A_317 = vector.shape_cast %reduce_min3A_316 : vector<64xf32> to vector<64x1xf32>
    %le3A_318 = vector.broadcast %broadcast_in_dim3A_317 : vector<64x1xf32> to vector<64x64xf32>
    %le3A_319 = arith.cmpf ole, %select_n3A_314, %le3A_318 : vector<64x64xf32>
    %jit3A_320 = arith.constant 1.000000e+30 : f32
    %broadcast_in_dim3A_321 = vector.broadcast %jit3A_320 : f32 to vector<64x64xf32>
    %select_n3A_322 = arith.select %le3A_319, %convert_element_type3A_186, %broadcast_in_dim3A_321 : vector<64x64xi1>, vector<64x64xf32>
    %reduce_min3A_323 = arith.constant dense<0x7F800000> : vector<64xf32>
    %reduce_min3A_324 = vector.multi_reduction <minimumf>, %select_n3A_322, %reduce_min3A_323 [1] : vector<64x64xf32> to vector<64xf32>
    %broadcast_in_dim3A_325 = vector.shape_cast %reduce_min3A_324 : vector<64xf32> to vector<64x1xf32>
    %eq3A_326 = vector.broadcast %broadcast_in_dim3A_325 : vector<64x1xf32> to vector<64x64xf32>
    %eq3A_327 = arith.cmpf oeq, %convert_element_type3A_186, %eq3A_326 : vector<64x64xf32>
    %jit3A_328 = arith.constant 1.000000e+30 : f32
    %broadcast_in_dim3A_329 = vector.broadcast %jit3A_328 : f32 to vector<64x64xf32>
    %select_n3A_330 = arith.select %eq3A_327, %broadcast_in_dim3A_329, %select_n3A_314 : vector<64x64xi1>, vector<64x64xf32>
    %reduce_min3A_331 = arith.constant dense<0x7F800000> : vector<64xf32>
    %reduce_min3A_332 = vector.multi_reduction <minimumf>, %select_n3A_330, %reduce_min3A_331 [1] : vector<64x64xf32> to vector<64xf32>
    %broadcast_in_dim3A_333 = vector.shape_cast %reduce_min3A_332 : vector<64xf32> to vector<64x1xf32>
    %le3A_334 = vector.broadcast %broadcast_in_dim3A_333 : vector<64x1xf32> to vector<64x64xf32>
    %le3A_335 = arith.cmpf ole, %select_n3A_330, %le3A_334 : vector<64x64xf32>
    %jit3A_336 = arith.constant 1.000000e+30 : f32
    %broadcast_in_dim3A_337 = vector.broadcast %jit3A_336 : f32 to vector<64x64xf32>
    %select_n3A_338 = arith.select %le3A_335, %convert_element_type3A_186, %broadcast_in_dim3A_337 : vector<64x64xi1>, vector<64x64xf32>
    %reduce_min3A_339 = arith.constant dense<0x7F800000> : vector<64xf32>
    %reduce_min3A_340 = vector.multi_reduction <minimumf>, %select_n3A_338, %reduce_min3A_339 [1] : vector<64x64xf32> to vector<64xf32>
    %broadcast_in_dim3A_341 = vector.shape_cast %reduce_min3A_340 : vector<64xf32> to vector<64x1xf32>
    %eq3A_342 = vector.broadcast %broadcast_in_dim3A_341 : vector<64x1xf32> to vector<64x64xf32>
    %eq3A_343 = arith.cmpf oeq, %convert_element_type3A_186, %eq3A_342 : vector<64x64xf32>
    %jit3A_344 = arith.constant 1.000000e+30 : f32
    %broadcast_in_dim3A_345 = vector.broadcast %jit3A_344 : f32 to vector<64x64xf32>
    %select_n3A_346 = arith.select %eq3A_343, %broadcast_in_dim3A_345, %select_n3A_330 : vector<64x64xi1>, vector<64x64xf32>
    %reduce_min3A_347 = arith.constant dense<0x7F800000> : vector<64xf32>
    %reduce_min3A_348 = vector.multi_reduction <minimumf>, %select_n3A_346, %reduce_min3A_347 [1] : vector<64x64xf32> to vector<64xf32>
    %broadcast_in_dim3A_349 = vector.shape_cast %reduce_min3A_348 : vector<64xf32> to vector<64x1xf32>
    %le3A_350 = vector.broadcast %broadcast_in_dim3A_349 : vector<64x1xf32> to vector<64x64xf32>
    %le3A_351 = arith.cmpf ole, %select_n3A_346, %le3A_350 : vector<64x64xf32>
    %jit3A_352 = arith.constant 1.000000e+30 : f32
    %broadcast_in_dim3A_353 = vector.broadcast %jit3A_352 : f32 to vector<64x64xf32>
    %select_n3A_354 = arith.select %le3A_351, %convert_element_type3A_186, %broadcast_in_dim3A_353 : vector<64x64xi1>, vector<64x64xf32>
    %reduce_min3A_355 = arith.constant dense<0x7F800000> : vector<64xf32>
    %reduce_min3A_356 = vector.multi_reduction <minimumf>, %select_n3A_354, %reduce_min3A_355 [1] : vector<64x64xf32> to vector<64xf32>
    %broadcast_in_dim3A_357 = vector.shape_cast %reduce_min3A_356 : vector<64xf32> to vector<64x1xf32>
    %eq3A_358 = vector.broadcast %broadcast_in_dim3A_357 : vector<64x1xf32> to vector<64x64xf32>
    %eq3A_359 = arith.cmpf oeq, %convert_element_type3A_186, %eq3A_358 : vector<64x64xf32>
    %jit3A_360 = arith.constant 1.000000e+30 : f32
    %broadcast_in_dim3A_361 = vector.broadcast %jit3A_360 : f32 to vector<64x64xf32>
    %select_n3A_362 = arith.select %eq3A_359, %broadcast_in_dim3A_361, %select_n3A_346 : vector<64x64xi1>, vector<64x64xf32>
    %reduce_min3A_363 = arith.constant dense<0x7F800000> : vector<64xf32>
    %reduce_min3A_364 = vector.multi_reduction <minimumf>, %select_n3A_362, %reduce_min3A_363 [1] : vector<64x64xf32> to vector<64xf32>
    %broadcast_in_dim3A_365 = vector.shape_cast %reduce_min3A_364 : vector<64xf32> to vector<64x1xf32>
    %le3A_366 = vector.broadcast %broadcast_in_dim3A_365 : vector<64x1xf32> to vector<64x64xf32>
    %le3A_367 = arith.cmpf ole, %select_n3A_362, %le3A_366 : vector<64x64xf32>
    %jit3A_368 = arith.constant 1.000000e+30 : f32
    %broadcast_in_dim3A_369 = vector.broadcast %jit3A_368 : f32 to vector<64x64xf32>
    %select_n3A_370 = arith.select %le3A_367, %convert_element_type3A_186, %broadcast_in_dim3A_369 : vector<64x64xi1>, vector<64x64xf32>
    %reduce_min3A_371 = arith.constant dense<0x7F800000> : vector<64xf32>
    %reduce_min3A_372 = vector.multi_reduction <minimumf>, %select_n3A_370, %reduce_min3A_371 [1] : vector<64x64xf32> to vector<64xf32>
    %broadcast_in_dim3A_373 = vector.shape_cast %reduce_min3A_372 : vector<64xf32> to vector<64x1xf32>
    %eq3A_374 = vector.broadcast %broadcast_in_dim3A_373 : vector<64x1xf32> to vector<64x64xf32>
    %eq3A_375 = arith.cmpf oeq, %convert_element_type3A_186, %eq3A_374 : vector<64x64xf32>
    %jit3A_376 = arith.constant 1.000000e+30 : f32
    %broadcast_in_dim3A_377 = vector.broadcast %jit3A_376 : f32 to vector<64x64xf32>
    %select_n3A_378 = arith.select %eq3A_375, %broadcast_in_dim3A_377, %select_n3A_362 : vector<64x64xi1>, vector<64x64xf32>
    %reduce_min3A_379 = arith.constant dense<0x7F800000> : vector<64xf32>
    %reduce_min3A_380 = vector.multi_reduction <minimumf>, %select_n3A_378, %reduce_min3A_379 [1] : vector<64x64xf32> to vector<64xf32>
    %broadcast_in_dim3A_381 = vector.shape_cast %reduce_min3A_380 : vector<64xf32> to vector<64x1xf32>
    %le3A_382 = vector.broadcast %broadcast_in_dim3A_381 : vector<64x1xf32> to vector<64x64xf32>
    %le3A_383 = arith.cmpf ole, %select_n3A_378, %le3A_382 : vector<64x64xf32>
    %jit3A_384 = arith.constant 1.000000e+30 : f32
    %broadcast_in_dim3A_385 = vector.broadcast %jit3A_384 : f32 to vector<64x64xf32>
    %select_n3A_386 = arith.select %le3A_383, %convert_element_type3A_186, %broadcast_in_dim3A_385 : vector<64x64xi1>, vector<64x64xf32>
    %reduce_min3A_387 = arith.constant dense<0x7F800000> : vector<64xf32>
    %reduce_min3A_388 = vector.multi_reduction <minimumf>, %select_n3A_386, %reduce_min3A_387 [1] : vector<64x64xf32> to vector<64xf32>
    %broadcast_in_dim3A_389 = vector.shape_cast %reduce_min3A_388 : vector<64xf32> to vector<64x1xf32>
    %eq3A_390 = vector.broadcast %broadcast_in_dim3A_389 : vector<64x1xf32> to vector<64x64xf32>
    %eq3A_391 = arith.cmpf oeq, %convert_element_type3A_186, %eq3A_390 : vector<64x64xf32>
    %jit3A_392 = arith.constant 1.000000e+30 : f32
    %broadcast_in_dim3A_393 = vector.broadcast %jit3A_392 : f32 to vector<64x64xf32>
    %select_n3A_394 = arith.select %eq3A_391, %broadcast_in_dim3A_393, %select_n3A_378 : vector<64x64xi1>, vector<64x64xf32>
    %reduce_min3A_395 = arith.constant dense<0x7F800000> : vector<64xf32>
    %reduce_min3A_396 = vector.multi_reduction <minimumf>, %select_n3A_394, %reduce_min3A_395 [1] : vector<64x64xf32> to vector<64xf32>
    %broadcast_in_dim3A_397 = vector.shape_cast %reduce_min3A_396 : vector<64xf32> to vector<64x1xf32>
    %le3A_398 = vector.broadcast %broadcast_in_dim3A_397 : vector<64x1xf32> to vector<64x64xf32>
    %le3A_399 = arith.cmpf ole, %select_n3A_394, %le3A_398 : vector<64x64xf32>
    %jit3A_400 = arith.constant 1.000000e+30 : f32
    %broadcast_in_dim3A_401 = vector.broadcast %jit3A_400 : f32 to vector<64x64xf32>
    %select_n3A_402 = arith.select %le3A_399, %convert_element_type3A_186, %broadcast_in_dim3A_401 : vector<64x64xi1>, vector<64x64xf32>
    %reduce_min3A_403 = arith.constant dense<0x7F800000> : vector<64xf32>
    %reduce_min3A_404 = vector.multi_reduction <minimumf>, %select_n3A_402, %reduce_min3A_403 [1] : vector<64x64xf32> to vector<64xf32>
    %broadcast_in_dim3A_405 = vector.shape_cast %reduce_min3A_404 : vector<64xf32> to vector<64x1xf32>
    %eq3A_406 = vector.broadcast %broadcast_in_dim3A_405 : vector<64x1xf32> to vector<64x64xf32>
    %eq3A_407 = arith.cmpf oeq, %convert_element_type3A_186, %eq3A_406 : vector<64x64xf32>
    %jit3A_408 = arith.constant 1.000000e+30 : f32
    %broadcast_in_dim3A_409 = vector.broadcast %jit3A_408 : f32 to vector<64x64xf32>
    %select_n3A_410 = arith.select %eq3A_407, %broadcast_in_dim3A_409, %select_n3A_394 : vector<64x64xi1>, vector<64x64xf32>
    %reduce_min3A_411 = arith.constant dense<0x7F800000> : vector<64xf32>
    %reduce_min3A_412 = vector.multi_reduction <minimumf>, %select_n3A_410, %reduce_min3A_411 [1] : vector<64x64xf32> to vector<64xf32>
    %broadcast_in_dim3A_413 = vector.shape_cast %reduce_min3A_412 : vector<64xf32> to vector<64x1xf32>
    %le3A_414 = vector.broadcast %broadcast_in_dim3A_413 : vector<64x1xf32> to vector<64x64xf32>
    %le3A_415 = arith.cmpf ole, %select_n3A_410, %le3A_414 : vector<64x64xf32>
    %jit3A_416 = arith.constant 1.000000e+30 : f32
    %broadcast_in_dim3A_417 = vector.broadcast %jit3A_416 : f32 to vector<64x64xf32>
    %select_n3A_418 = arith.select %le3A_415, %convert_element_type3A_186, %broadcast_in_dim3A_417 : vector<64x64xi1>, vector<64x64xf32>
    %reduce_min3A_419 = arith.constant dense<0x7F800000> : vector<64xf32>
    %reduce_min3A_420 = vector.multi_reduction <minimumf>, %select_n3A_418, %reduce_min3A_419 [1] : vector<64x64xf32> to vector<64xf32>
    %broadcast_in_dim3A_421 = vector.shape_cast %reduce_min3A_420 : vector<64xf32> to vector<64x1xf32>
    %eq3A_422 = vector.broadcast %broadcast_in_dim3A_421 : vector<64x1xf32> to vector<64x64xf32>
    %eq3A_423 = arith.cmpf oeq, %convert_element_type3A_186, %eq3A_422 : vector<64x64xf32>
    %jit3A_424 = arith.constant 1.000000e+30 : f32
    %broadcast_in_dim3A_425 = vector.broadcast %jit3A_424 : f32 to vector<64x64xf32>
    %select_n3A_426 = arith.select %eq3A_423, %broadcast_in_dim3A_425, %select_n3A_410 : vector<64x64xi1>, vector<64x64xf32>
    %reduce_min3A_427 = arith.constant dense<0x7F800000> : vector<64xf32>
    %reduce_min3A_428 = vector.multi_reduction <minimumf>, %select_n3A_426, %reduce_min3A_427 [1] : vector<64x64xf32> to vector<64xf32>
    %broadcast_in_dim3A_429 = vector.shape_cast %reduce_min3A_428 : vector<64xf32> to vector<64x1xf32>
    %le3A_430 = vector.broadcast %broadcast_in_dim3A_429 : vector<64x1xf32> to vector<64x64xf32>
    %le3A_431 = arith.cmpf ole, %select_n3A_426, %le3A_430 : vector<64x64xf32>
    %jit3A_432 = arith.constant 1.000000e+30 : f32
    %broadcast_in_dim3A_433 = vector.broadcast %jit3A_432 : f32 to vector<64x64xf32>
    %select_n3A_434 = arith.select %le3A_431, %convert_element_type3A_186, %broadcast_in_dim3A_433 : vector<64x64xi1>, vector<64x64xf32>
    %reduce_min3A_435 = arith.constant dense<0x7F800000> : vector<64xf32>
    %reduce_min3A_436 = vector.multi_reduction <minimumf>, %select_n3A_434, %reduce_min3A_435 [1] : vector<64x64xf32> to vector<64xf32>
    %broadcast_in_dim3A_437 = vector.shape_cast %reduce_min3A_436 : vector<64xf32> to vector<64x1xf32>
    %concatenate3A = tpu.concatenate %broadcast_in_dim3A_197, %broadcast_in_dim3A_213, %broadcast_in_dim3A_229, %broadcast_in_dim3A_245, %broadcast_in_dim3A_261, %broadcast_in_dim3A_277, %broadcast_in_dim3A_293, %broadcast_in_dim3A_309, %broadcast_in_dim3A_325, %broadcast_in_dim3A_341, %broadcast_in_dim3A_357, %broadcast_in_dim3A_373, %broadcast_in_dim3A_389, %broadcast_in_dim3A_405, %broadcast_in_dim3A_421, %broadcast_in_dim3A_437 in 1 : vector<64x1xf32>, vector<64x1xf32>, vector<64x1xf32>, vector<64x1xf32>, vector<64x1xf32>, vector<64x1xf32>, vector<64x1xf32>, vector<64x1xf32>, vector<64x1xf32>, vector<64x1xf32>, vector<64x1xf32>, vector<64x1xf32>, vector<64x1xf32>, vector<64x1xf32>, vector<64x1xf32>, vector<64x1xf32> -> vector<64x16xf32>
    %get3A_438 = arith.constant 0 : index
    %get3A_439 = arith.constant 0 : index
    %get3A_440 = vector.load %arg14[%get3A_438, %get3A_439] : memref<256x256xf32, #tpu.memory_space<vmem>>, vector<256x256xf32>
    %dot_general3A_441 = arith.constant dense<0.000000e+00> : vector<64x256xf32>
    %dot_general3A_442 = tpu.matmul %add3A_161, %get3A_440, %dot_general3A_441 {dimension_numbers = #tpu.dot_dimension_numbers<[1], [0], [0], [1], [0, 0, 1, 1], [], []>, transpose_lhs_hint = false} : vector<64x256xf32>, vector<256x256xf32>, vector<64x256xf32> -> vector<64x256xf32>
    %get3A_443 = arith.constant 0 : index
    %get3A_444 = arith.constant 0 : index
    %get3A_445 = vector.load %arg15[%get3A_443, %get3A_444] : memref<1x256xf32, #tpu.memory_space<vmem>>, vector<1x256xf32>
    %add3A_446 = vector.broadcast %get3A_445 : vector<1x256xf32> to vector<64x256xf32>
    %add3A_447 = arith.addf %dot_general3A_442, %add3A_446 : vector<64x256xf32>
    %get3A_448 = arith.constant 0 : index
    %get3A_449 = arith.constant 0 : index
    %get3A_450 = vector.load %arg16[%get3A_448, %get3A_449] : memref<256x256xf32, #tpu.memory_space<vmem>>, vector<256x256xf32>
    %dot_general3A_451 = arith.constant dense<0.000000e+00> : vector<64x256xf32>
    %dot_general3A_452 = tpu.matmul %add3A_447, %get3A_450, %dot_general3A_451 {dimension_numbers = #tpu.dot_dimension_numbers<[1], [0], [0], [1], [0, 0, 1, 1], [], []>, transpose_lhs_hint = false} : vector<64x256xf32>, vector<256x256xf32>, vector<64x256xf32> -> vector<64x256xf32>
    %get3A_453 = arith.constant 0 : index
    %get3A_454 = arith.constant 0 : index
    %get3A_455 = vector.load %arg17[%get3A_453, %get3A_454] : memref<256x256xf32, #tpu.memory_space<vmem>>, vector<256x256xf32>
    %dot_general3A_456 = arith.constant dense<0.000000e+00> : vector<64x256xf32>
    %dot_general3A_457 = tpu.matmul %add3A_447, %get3A_455, %dot_general3A_456 {dimension_numbers = #tpu.dot_dimension_numbers<[1], [0], [0], [1], [0, 0, 1, 1], [], []>, transpose_lhs_hint = false} : vector<64x256xf32>, vector<256x256xf32>, vector<64x256xf32> -> vector<64x256xf32>
    %get3A_458 = arith.constant 0 : index
    %get3A_459 = arith.constant 0 : index
    %get3A_460 = vector.load %arg18[%get3A_458, %get3A_459] : memref<256x256xf32, #tpu.memory_space<vmem>>, vector<256x256xf32>
    %dot_general3A_461 = arith.constant dense<0.000000e+00> : vector<64x256xf32>
    %dot_general3A_462 = tpu.matmul %add3A_447, %get3A_460, %dot_general3A_461 {dimension_numbers = #tpu.dot_dimension_numbers<[1], [0], [0], [1], [0, 0, 1, 1], [], []>, transpose_lhs_hint = false} : vector<64x256xf32>, vector<256x256xf32>, vector<64x256xf32> -> vector<64x256xf32>
    %get3A_463 = arith.constant 0 : index
    %get3A_464 = arith.constant 0 : index
    %get3A_465 = vector.load %arg13[%get3A_463, %get3A_464] : memref<64x32xf32, #tpu.memory_space<vmem>>, vector<64x32xf32>
    %get3A_466 = arith.constant 0 : index
    %get3A_467 = arith.constant 0 : index
    %get3A_468 = vector.load %arg19[%get3A_466, %get3A_467] : memref<32x256xf32, #tpu.memory_space<vmem>>, vector<32x256xf32>
    %dot_general3A_469 = arith.constant dense<0.000000e+00> : vector<64x256xf32>
    %dot_general3A_470 = tpu.matmul %get3A_465, %get3A_468, %dot_general3A_469 {dimension_numbers = #tpu.dot_dimension_numbers<[1], [0], [0], [1], [0, 0, 1, 1], [], []>, transpose_lhs_hint = false} : vector<64x32xf32>, vector<32x256xf32>, vector<64x256xf32> -> vector<64x256xf32>
    %iota3A_471 = tpu.iota {dimensions = array<i32: 2>} : vector<64x16x64xi32>
    %convert_element_type3A_472 = arith.sitofp %iota3A_471 : vector<64x16x64xi32> to vector<64x16x64xf32>
    %broadcast_in_dim3A_473 = vector.shape_cast %concatenate3A : vector<64x16xf32> to vector<64x16x1xf32>
    %eq3A_474 = vector.broadcast %broadcast_in_dim3A_473 : vector<64x16x1xf32> to vector<64x16x64xf32>
    %eq3A_475 = arith.cmpf oeq, %eq3A_474, %convert_element_type3A_472 : vector<64x16x64xf32>
    %jit3A_476 = arith.constant 1.000000e+00 : f32
    %jit3A_477 = arith.constant 0.000000e+00 : f32
    %broadcast_in_dim3A_478 = vector.broadcast %jit3A_476 : f32 to vector<64x16x64xf32>
    %broadcast_in_dim3A_479 = vector.broadcast %jit3A_477 : f32 to vector<64x16x64xf32>
    %select_n3A_480 = arith.select %eq3A_475, %broadcast_in_dim3A_478, %broadcast_in_dim3A_479 : vector<64x16x64xi1>, vector<64x16x64xf32>
    %reshape3A = vector.shape_cast %select_n3A_480 : vector<64x16x64xf32> to vector<1024x64xf32>
    %dot_general3A_481 = arith.constant dense<0.000000e+00> : vector<1024x256xf32>
    %dot_general3A_482 = tpu.matmul %reshape3A, %dot_general3A_457, %dot_general3A_481 {dimension_numbers = #tpu.dot_dimension_numbers<[1], [0], [0], [1], [0, 0, 1, 1], [], []>, transpose_lhs_hint = false} : vector<1024x64xf32>, vector<64x256xf32>, vector<1024x256xf32> -> vector<1024x256xf32>
    %dot_general3A_483 = arith.constant dense<0.000000e+00> : vector<1024x256xf32>
    %dot_general3A_484 = tpu.matmul %reshape3A, %dot_general3A_462, %dot_general3A_483 {dimension_numbers = #tpu.dot_dimension_numbers<[1], [0], [0], [1], [0, 0, 1, 1], [], []>, transpose_lhs_hint = false} : vector<1024x64xf32>, vector<64x256xf32>, vector<1024x256xf32> -> vector<1024x256xf32>
    %dot_general3A_485 = arith.constant dense<0.000000e+00> : vector<1024x256xf32>
    %dot_general3A_486 = tpu.matmul %reshape3A, %dot_general3A_470, %dot_general3A_485 {dimension_numbers = #tpu.dot_dimension_numbers<[1], [0], [0], [1], [0, 0, 1, 1], [], []>, transpose_lhs_hint = false} : vector<1024x64xf32>, vector<64x256xf32>, vector<1024x256xf32> -> vector<1024x256xf32>
    %broadcast_in_dim3A_487 = vector.shape_cast %dot_general3A_452 : vector<64x256xf32> to vector<64x1x256xf32>
    %broadcast_in_dim3A_488 = vector.shape_cast %broadcast_in_dim3A_487 : vector<64x1x256xf32> to vector<64x1x256xf32>
    %broadcast_in_dim3A_489 = vector.broadcast %broadcast_in_dim3A_488 : vector<64x1x256xf32> to vector<64x16x256xf32>
    %reshape3A_490 = vector.shape_cast %broadcast_in_dim3A_489 : vector<64x16x256xf32> to vector<1024x256xf32>
    %broadcast_in_dim3A_491 = vector.shape_cast %dot_general3A_470 : vector<64x256xf32> to vector<64x1x256xf32>
    %broadcast_in_dim3A_492 = vector.shape_cast %broadcast_in_dim3A_491 : vector<64x1x256xf32> to vector<64x1x256xf32>
    %broadcast_in_dim3A_493 = vector.broadcast %broadcast_in_dim3A_492 : vector<64x1x256xf32> to vector<64x16x256xf32>
    %reshape3A_494 = vector.shape_cast %broadcast_in_dim3A_493 : vector<64x16x256xf32> to vector<1024x256xf32>
    %sub3A_495 = arith.subf %reshape3A_494, %dot_general3A_486 : vector<1024x256xf32>
    %get3A_496 = arith.constant 0 : index
    %get3A_497 = arith.constant 0 : index
    %get3A_498 = vector.load %arg20[%get3A_496, %get3A_497] : memref<1x256xf32, #tpu.memory_space<vmem>>, vector<1x256xf32>
    %add3A_499 = vector.broadcast %get3A_498 : vector<1x256xf32> to vector<1024x256xf32>
    %add3A_500 = arith.addf %sub3A_495, %add3A_499 : vector<1024x256xf32>
    %max3A_501 = arith.constant 0.000000e+00 : f32
    %max3A_502 = vector.broadcast %max3A_501 : f32 to vector<1024x256xf32>
    %max3A_503 = arith.maximumf %add3A_500, %max3A_502 : vector<1024x256xf32>
    %get3A_504 = arith.constant 0 : index
    %get3A_505 = arith.constant 0 : index
    %get3A_506 = vector.load %arg21[%get3A_504, %get3A_505] : memref<256x256xf32, #tpu.memory_space<vmem>>, vector<256x256xf32>
    %get3A_507 = arith.constant 0 : index
    %get3A_508 = arith.constant 0 : index
    %get3A_509 = vector.load %arg22[%get3A_507, %get3A_508] : memref<1x256xf32, #tpu.memory_space<vmem>>, vector<1x256xf32>
    %get3A_510 = arith.constant 0 : index
    %get3A_511 = arith.constant 0 : index
    %get3A_512 = vector.load %arg23[%get3A_510, %get3A_511] : memref<256x256xf32, #tpu.memory_space<vmem>>, vector<256x256xf32>
    %get3A_513 = arith.constant 0 : index
    %get3A_514 = arith.constant 0 : index
    %get3A_515 = vector.load %arg24[%get3A_513, %get3A_514] : memref<1x256xf32, #tpu.memory_space<vmem>>, vector<1x256xf32>
    %get3A_516 = arith.constant 0 : index
    %get3A_517 = arith.constant 0 : index
    %get3A_518 = vector.load %arg25[%get3A_516, %get3A_517] : memref<256x256xf32, #tpu.memory_space<vmem>>, vector<256x256xf32>
    %get3A_519 = arith.constant 0 : index
    %get3A_520 = arith.constant 0 : index
    %get3A_521 = vector.load %arg26[%get3A_519, %get3A_520] : memref<1x256xf32, #tpu.memory_space<vmem>>, vector<1x256xf32>
    %convert_element_type3A_522 = arith.truncf %max3A_503 : vector<1024x256xf32> to vector<1024x256xbf16>
    %convert_element_type3A_523 = arith.truncf %get3A_506 : vector<256x256xf32> to vector<256x256xbf16>
    %dot_general3A_524 = arith.constant dense<0.000000e+00> : vector<1024x256xf32>
    %dot_general3A_525 = tpu.matmul %convert_element_type3A_522, %convert_element_type3A_523, %dot_general3A_524 {dimension_numbers = #tpu.dot_dimension_numbers<[1], [0], [0], [1], [0, 0, 1, 1], [], []>, transpose_lhs_hint = false} : vector<1024x256xbf16>, vector<256x256xbf16>, vector<1024x256xf32> -> vector<1024x256xf32>
    %add3A_526 = vector.broadcast %get3A_509 : vector<1x256xf32> to vector<1024x256xf32>
    %add3A_527 = arith.addf %dot_general3A_525, %add3A_526 : vector<1024x256xf32>
    %sub3A_528 = arith.subf %reshape3A_490, %dot_general3A_482 : vector<1024x256xf32>
    %add3A_529 = arith.addf %sub3A_528, %add3A_527 : vector<1024x256xf32>
    %convert_element_type3A_530 = arith.truncf %add3A_529 : vector<1024x256xf32> to vector<1024x256xbf16>
    %convert_element_type3A_531 = arith.truncf %get3A_512 : vector<256x256xf32> to vector<256x256xbf16>
    %dot_general3A_532 = arith.constant dense<0.000000e+00> : vector<1024x256xf32>
    %dot_general3A_533 = tpu.matmul %convert_element_type3A_530, %convert_element_type3A_531, %dot_general3A_532 {dimension_numbers = #tpu.dot_dimension_numbers<[1], [0], [0], [1], [0, 0, 1, 1], [], []>, transpose_lhs_hint = false} : vector<1024x256xbf16>, vector<256x256xbf16>, vector<1024x256xf32> -> vector<1024x256xf32>
    %add3A_534 = vector.broadcast %get3A_515 : vector<1x256xf32> to vector<1024x256xf32>
    %add3A_535 = arith.addf %dot_general3A_533, %add3A_534 : vector<1024x256xf32>
    %max3A_536 = arith.constant 0.000000e+00 : f32
    %max3A_537 = vector.broadcast %max3A_536 : f32 to vector<1024x256xf32>
    %max3A_538 = arith.maximumf %add3A_535, %max3A_537 : vector<1024x256xf32>
    %convert_element_type3A_539 = arith.truncf %max3A_538 : vector<1024x256xf32> to vector<1024x256xbf16>
    %convert_element_type3A_540 = arith.truncf %get3A_518 : vector<256x256xf32> to vector<256x256xbf16>
    %dot_general3A_541 = arith.constant dense<0.000000e+00> : vector<1024x256xf32>
    %dot_general3A_542 = tpu.matmul %convert_element_type3A_539, %convert_element_type3A_540, %dot_general3A_541 {dimension_numbers = #tpu.dot_dimension_numbers<[1], [0], [0], [1], [0, 0, 1, 1], [], []>, transpose_lhs_hint = false} : vector<1024x256xbf16>, vector<256x256xbf16>, vector<1024x256xf32> -> vector<1024x256xf32>
    %add3A_543 = vector.broadcast %get3A_521 : vector<1x256xf32> to vector<1024x256xf32>
    %add3A_544 = arith.addf %dot_general3A_542, %add3A_543 : vector<1024x256xf32>
    %mul3A_545 = arith.constant 6.250000e-02 : f32
    %mul3A_546 = vector.broadcast %mul3A_545 : f32 to vector<1024x256xf32>
    %mul3A_547 = arith.mulf %add3A_544, %mul3A_546 : vector<1024x256xf32>
    %reshape3A_548 = vector.shape_cast %mul3A_547 : vector<1024x256xf32> to vector<64x16x256xf32>
    %reduce_max3A = arith.constant dense<0xFF800000> : vector<64x256xf32>
    %reduce_max3A_549 = vector.multi_reduction <maximumf>, %reshape3A_548, %reduce_max3A [1] : vector<64x16x256xf32> to vector<64x256xf32>
    %broadcast_in_dim3A_550 = vector.shape_cast %reduce_max3A_549 : vector<64x256xf32> to vector<64x1x256xf32>
    %sub3A_551 = vector.broadcast %broadcast_in_dim3A_550 : vector<64x1x256xf32> to vector<64x16x256xf32>
    %sub3A_552 = arith.subf %reshape3A_548, %sub3A_551 : vector<64x16x256xf32>
    %exp3A = math.exp %sub3A_552 : vector<64x16x256xf32>
    %reduce_sum3A_553 = arith.constant dense<0.000000e+00> : vector<64x256xf32>
    %reduce_sum3A_554 = vector.multi_reduction <add>, %exp3A, %reduce_sum3A_553 [1] : vector<64x16x256xf32> to vector<64x256xf32>
    %broadcast_in_dim3A_555 = vector.shape_cast %reduce_sum3A_554 : vector<64x256xf32> to vector<64x1x256xf32>
    %add3A_556 = arith.addf %dot_general3A_484, %add3A_527 : vector<1024x256xf32>
    %reshape3A_557 = vector.shape_cast %add3A_556 : vector<1024x256xf32> to vector<64x16x256xf32>
    %div3A_558 = vector.broadcast %broadcast_in_dim3A_555 : vector<64x1x256xf32> to vector<64x16x256xf32>
    %div3A_559 = arith.divf %exp3A, %div3A_558 : vector<64x16x256xf32>
    %mul3A_560 = arith.mulf %div3A_559, %reshape3A_557 : vector<64x16x256xf32>
    %reduce_sum3A_561 = arith.constant dense<0.000000e+00> : vector<64x256xf32>
    %reduce_sum3A_562 = vector.multi_reduction <add>, %mul3A_560, %reduce_sum3A_561 [1] : vector<64x16x256xf32> to vector<64x256xf32>
    %get3A_563 = arith.constant 0 : index
    %get3A_564 = arith.constant 0 : index
    %get3A_565 = vector.load %arg27[%get3A_563, %get3A_564] : memref<256x256xf32, #tpu.memory_space<vmem>>, vector<256x256xf32>
    %dot_general3A_566 = arith.constant dense<0.000000e+00> : vector<64x256xf32>
    %dot_general3A_567 = tpu.matmul %reduce_sum3A_562, %get3A_565, %dot_general3A_566 {dimension_numbers = #tpu.dot_dimension_numbers<[1], [0], [0], [1], [0, 0, 1, 1], [], []>, transpose_lhs_hint = false} : vector<64x256xf32>, vector<256x256xf32>, vector<64x256xf32> -> vector<64x256xf32>
    %get3A_568 = arith.constant 0 : index
    %get3A_569 = arith.constant 0 : index
    %get3A_570 = vector.load %arg28[%get3A_568, %get3A_569] : memref<1x256xf32, #tpu.memory_space<vmem>>, vector<1x256xf32>
    %add3A_571 = vector.broadcast %get3A_570 : vector<1x256xf32> to vector<64x256xf32>
    %add3A_572 = arith.addf %dot_general3A_567, %add3A_571 : vector<64x256xf32>
    %add3A_573 = arith.addf %add3A_572, %add3A_161 : vector<64x256xf32>
    %swap3A = arith.constant 0 : index
    %swap3A_574 = arith.constant 0 : index
    %swap3A_575 = vector.load %arg29[%swap3A, %swap3A_574] : memref<64x256xf32, #tpu.memory_space<vmem>>, vector<64x256xf32>
    tpu.vector_store %arg29[%swap3A, %swap3A_574], %add3A_573 {strides = array<i32>} : memref<64x256xf32, #tpu.memory_space<vmem>>, vector<64x256xf32>,
    return
  }
}

module attributes {stable_mosaic.version = 14 : i64} {
  func.func @_fsm_body(%arg0: memref<256x8xf32, #tpu.memory_space<vmem>>, %arg1: memref<8x64xf32, #tpu.memory_space<vmem>>, %arg2: memref<64x256xf32, #tpu.memory_space<vmem>>, %arg3: memref<256x128xf32, #tpu.memory_space<vmem>>, %arg4: memref<256x128xf32, #tpu.memory_space<vmem>>, %arg5: memref<1x128xf32, #tpu.memory_space<vmem>>, %arg6: memref<1x128xf32, #tpu.memory_space<vmem>>, %arg7: memref<1x128xf32, #tpu.memory_space<vmem>>, %arg8: memref<128x128xf32, #tpu.memory_space<vmem>>, %arg9: memref<1x128xf32, #tpu.memory_space<vmem>>, %arg10: memref<1x128xf32, #tpu.memory_space<vmem>>, %arg11: memref<1x128xf32, #tpu.memory_space<vmem>>, %arg12: memref<8x256xf32, #tpu.memory_space<vmem>>, %arg13: memref<256x32xf32, #tpu.memory_space<vmem>>, %arg14: memref<128x256xf32, #tpu.memory_space<vmem>>, %arg15: memref<1x256xf32, #tpu.memory_space<vmem>>, %arg16: memref<256x256xf32, #tpu.memory_space<vmem>>, %arg17: memref<256x256xf32, #tpu.memory_space<vmem>>, %arg18: memref<256x256xf32, #tpu.memory_space<vmem>>, %arg19: memref<32x256xf32, #tpu.memory_space<vmem>>, %arg20: memref<1x256xf32, #tpu.memory_space<vmem>>, %arg21: memref<256x256xf32, #tpu.memory_space<vmem>>, %arg22: memref<1x256xf32, #tpu.memory_space<vmem>>, %arg23: memref<256x256xf32, #tpu.memory_space<vmem>>, %arg24: memref<1x256xf32, #tpu.memory_space<vmem>>, %arg25: memref<256x256xf32, #tpu.memory_space<vmem>>, %arg26: memref<1x256xf32, #tpu.memory_space<vmem>>, %arg27: memref<256x128xf32, #tpu.memory_space<vmem>>, %arg28: memref<1x128xf32, #tpu.memory_space<vmem>>, %arg29: memref<256x128xf32, #tpu.memory_space<vmem>>) attributes {dimension_semantics = [], scalar_prefetch = 0 : i64, scratch_operands = 0 : i64, tpu.core_type = #tpu.core_type<tc>} {
    %get3A = arith.constant 0 : index
    %get3A_0 = arith.constant 0 : index
    %get3A_1 = vector.load %arg0[%get3A, %get3A_0] : memref<256x8xf32, #tpu.memory_space<vmem>>, vector<256x8xf32>
    %get3A_2 = arith.constant 0 : index
    %get3A_3 = arith.constant 0 : index
    %get3A_4 = vector.load %arg1[%get3A_2, %get3A_3] : memref<8x64xf32, #tpu.memory_space<vmem>>, vector<8x64xf32>
    %get3A_5 = arith.constant 0 : index
    %get3A_6 = arith.constant 0 : index
    %get3A_7 = vector.load %arg2[%get3A_5, %get3A_6] : memref<64x256xf32, #tpu.memory_space<vmem>>, vector<64x256xf32>
    %get3A_8 = arith.constant 0 : index
    %get3A_9 = arith.constant 0 : index
    %get3A_10 = vector.load %arg3[%get3A_8, %get3A_9] : memref<256x128xf32, #tpu.memory_space<vmem>>, vector<256x128xf32>
    %get3A_11 = arith.constant 0 : index
    %get3A_12 = arith.constant 0 : index
    %get3A_13 = vector.load %arg4[%get3A_11, %get3A_12] : memref<256x128xf32, #tpu.memory_space<vmem>>, vector<256x128xf32>
    %get3A_14 = arith.constant 0 : index
    %get3A_15 = arith.constant 0 : index
    %get3A_16 = vector.load %arg5[%get3A_14, %get3A_15] : memref<1x128xf32, #tpu.memory_space<vmem>>, vector<1x128xf32>
    %get3A_17 = arith.constant 0 : index
    %get3A_18 = arith.constant 0 : index
    %get3A_19 = vector.load %arg6[%get3A_17, %get3A_18] : memref<1x128xf32, #tpu.memory_space<vmem>>, vector<1x128xf32>
    %get3A_20 = arith.constant 0 : index
    %get3A_21 = arith.constant 0 : index
    %get3A_22 = vector.load %arg7[%get3A_20, %get3A_21] : memref<1x128xf32, #tpu.memory_space<vmem>>, vector<1x128xf32>
    %get3A_23 = arith.constant 0 : index
    %get3A_24 = arith.constant 0 : index
    %get3A_25 = vector.load %arg8[%get3A_23, %get3A_24] : memref<128x128xf32, #tpu.memory_space<vmem>>, vector<128x128xf32>
    %get3A_26 = arith.constant 0 : index
    %get3A_27 = arith.constant 0 : index
    %get3A_28 = vector.load %arg9[%get3A_26, %get3A_27] : memref<1x128xf32, #tpu.memory_space<vmem>>, vector<1x128xf32>
    %get3A_29 = arith.constant 0 : index
    %get3A_30 = arith.constant 0 : index
    %get3A_31 = vector.load %arg10[%get3A_29, %get3A_30] : memref<1x128xf32, #tpu.memory_space<vmem>>, vector<1x128xf32>
    %get3A_32 = arith.constant 0 : index
    %get3A_33 = arith.constant 0 : index
    %get3A_34 = vector.load %arg11[%get3A_32, %get3A_33] : memref<1x128xf32, #tpu.memory_space<vmem>>, vector<1x128xf32>
    %dot_general3A = arith.constant dense<0.000000e+00> : vector<256x128xf32>
    %dot_general3A_35 = tpu.matmul %get3A_10, %get3A_25, %dot_general3A {dimension_numbers = #tpu.dot_dimension_numbers<[1], [0], [0], [1], [0, 0, 1, 1], [], []>, transpose_lhs_hint = false} : vector<256x128xf32>, vector<128x128xf32>, vector<256x128xf32> -> vector<256x128xf32>
    %add3A = vector.broadcast %get3A_28 : vector<1x128xf32> to vector<256x128xf32>
    %add3A_36 = arith.addf %dot_general3A_35, %add3A : vector<256x128xf32>
    %mul3A = arith.constant 0.999994993 : f32
    %mul3A_37 = vector.broadcast %mul3A : f32 to vector<1x128xf32>
    %mul3A_38 = arith.mulf %get3A_31, %mul3A_37 : vector<1x128xf32>
    %mul3A_39 = vector.broadcast %mul3A_38 : vector<1x128xf32> to vector<256x128xf32>
    %mul3A_40 = arith.mulf %add3A_36, %mul3A_39 : vector<256x128xf32>
    %add3A_41 = vector.broadcast %get3A_34 : vector<1x128xf32> to vector<256x128xf32>
    %add3A_42 = arith.addf %mul3A_40, %add3A_41 : vector<256x128xf32>
    %max3A = arith.constant 0.000000e+00 : f32
    %max3A_43 = vector.broadcast %max3A : f32 to vector<256x128xf32>
    %max3A_44 = arith.maximumf %add3A_42, %max3A_43 : vector<256x128xf32>
    %dot_general3A_45 = arith.constant dense<0.000000e+00> : vector<64x128xf32>
    %dot_general3A_46 = tpu.matmul %get3A_7, %get3A_13, %dot_general3A_45 {dimension_numbers = #tpu.dot_dimension_numbers<[1], [0], [0], [1], [0, 0, 1, 1], [], []>, transpose_lhs_hint = false} : vector<64x256xf32>, vector<256x128xf32>, vector<64x128xf32> -> vector<64x128xf32>
    %add3A_47 = vector.broadcast %get3A_16 : vector<1x128xf32> to vector<64x128xf32>
    %add3A_48 = arith.addf %dot_general3A_46, %add3A_47 : vector<64x128xf32>
    %mul3A_49 = arith.constant 0.999994993 : f32
    %mul3A_50 = vector.broadcast %mul3A_49 : f32 to vector<1x128xf32>
    %mul3A_51 = arith.mulf %get3A_19, %mul3A_50 : vector<1x128xf32>
    %mul3A_52 = vector.broadcast %mul3A_51 : vector<1x128xf32> to vector<64x128xf32>
    %mul3A_53 = arith.mulf %add3A_48, %mul3A_52 : vector<64x128xf32>
    %add3A_54 = vector.broadcast %get3A_22 : vector<1x128xf32> to vector<64x128xf32>
    %add3A_55 = arith.addf %mul3A_53, %add3A_54 : vector<64x128xf32>
    %max3A_56 = arith.constant 0.000000e+00 : f32
    %max3A_57 = vector.broadcast %max3A_56 : f32 to vector<64x128xf32>
    %max3A_58 = arith.maximumf %add3A_55, %max3A_57 : vector<64x128xf32>
    %mul3A_59 = arith.mulf %get3A_1, %get3A_1 : vector<256x8xf32>
    %reduce_sum3A = arith.constant dense<0.000000e+00> : vector<256xf32>
    %reduce_sum3A_60 = vector.multi_reduction <add>, %mul3A_59, %reduce_sum3A [1] : vector<256x8xf32> to vector<256xf32>
    %broadcast_in_dim3A = vector.shape_cast %reduce_sum3A_60 : vector<256xf32> to vector<256x1xf32>
    %mul3A_61 = arith.mulf %get3A_4, %get3A_4 : vector<8x64xf32>
    %reduce_sum3A_62 = arith.constant dense<0.000000e+00> : vector<64xf32>
    %reduce_sum3A_63 = vector.multi_reduction <add>, %mul3A_61, %reduce_sum3A_62 [0] : vector<8x64xf32> to vector<64xf32>
    %broadcast_in_dim3A_64 = vector.shape_cast %reduce_sum3A_63 : vector<64xf32> to vector<1x64xf32>
    %add3A_65 = vector.broadcast %broadcast_in_dim3A : vector<256x1xf32> to vector<256x64xf32>
    %add3A_66 = vector.broadcast %broadcast_in_dim3A_64 : vector<1x64xf32> to vector<256x64xf32>
    %add3A_67 = arith.addf %add3A_65, %add3A_66 : vector<256x64xf32>
    %dot_general3A_68 = arith.constant dense<0.000000e+00> : vector<256x64xf32>
    %dot_general3A_69 = tpu.matmul %get3A_1, %get3A_4, %dot_general3A_68 {dimension_numbers = #tpu.dot_dimension_numbers<[1], [0], [0], [1], [0, 0, 1, 1], [], []>, precision = #tpu.contract_precision<fp32>, transpose_lhs_hint = false} : vector<256x8xf32>, vector<8x64xf32>, vector<256x64xf32> -> vector<256x64xf32>
    %mul3A_70 = arith.constant 2.000000e+00 : f32
    %mul3A_71 = vector.broadcast %mul3A_70 : f32 to vector<256x64xf32>
    %mul3A_72 = arith.mulf %mul3A_71, %dot_general3A_69 : vector<256x64xf32>
    %sub3A = arith.subf %add3A_67, %mul3A_72 : vector<256x64xf32>
    %max3A_73 = arith.constant 0.000000e+00 : f32
    %max3A_74 = vector.broadcast %max3A_73 : f32 to vector<256x64xf32>
    %max3A_75 = arith.maximumf %sub3A, %max3A_74 : vector<256x64xf32>
    %iota3A = tpu.iota {dimensions = array<i32: 1>} : vector<256x64xi32>
    %convert_element_type3A = arith.sitofp %iota3A : vector<256x64xi32> to vector<256x64xf32>
    %reduce_min3A = arith.constant dense<0x7F800000> : vector<256xf32>
    %reduce_min3A_76 = vector.multi_reduction <minimumf>, %max3A_75, %reduce_min3A [1] : vector<256x64xf32> to vector<256xf32>
    %broadcast_in_dim3A_77 = vector.shape_cast %reduce_min3A_76 : vector<256xf32> to vector<256x1xf32>
    %le3A = vector.broadcast %broadcast_in_dim3A_77 : vector<256x1xf32> to vector<256x64xf32>
    %le3A_78 = arith.cmpf ole, %max3A_75, %le3A : vector<256x64xf32>
    %jit3A = arith.constant 1.000000e+30 : f32
    %broadcast_in_dim3A_79 = vector.broadcast %jit3A : f32 to vector<256x64xf32>
    %select_n3A = arith.select %le3A_78, %convert_element_type3A, %broadcast_in_dim3A_79 : vector<256x64xi1>, vector<256x64xf32>
    %reduce_min3A_80 = arith.constant dense<0x7F800000> : vector<256xf32>
    %reduce_min3A_81 = vector.multi_reduction <minimumf>, %select_n3A, %reduce_min3A_80 [1] : vector<256x64xf32> to vector<256xf32>
    %broadcast_in_dim3A_82 = vector.shape_cast %reduce_min3A_81 : vector<256xf32> to vector<256x1xf32>
    %add3A_83 = arith.constant 9.99999993E-9 : f32
    %add3A_84 = vector.broadcast %add3A_83 : f32 to vector<256x1xf32>
    %add3A_85 = arith.addf %broadcast_in_dim3A_77, %add3A_84 : vector<256x1xf32>
    %div3A = arith.constant 1.000000e+00 : f32
    %div3A_86 = vector.broadcast %div3A : f32 to vector<256x1xf32>
    %div3A_87 = arith.divf %div3A_86, %add3A_85 : vector<256x1xf32>
    %eq3A = vector.broadcast %broadcast_in_dim3A_82 : vector<256x1xf32> to vector<256x64xf32>
    %eq3A_88 = arith.cmpf oeq, %convert_element_type3A, %eq3A : vector<256x64xf32>
    %eq3A_89 = vector.broadcast %broadcast_in_dim3A_82 : vector<256x1xf32> to vector<256x64xf32>
    %eq3A_90 = arith.cmpf oeq, %convert_element_type3A, %eq3A_89 : vector<256x64xf32>
    %jit3A_91 = arith.constant 1.000000e+30 : f32
    %broadcast_in_dim3A_92 = vector.broadcast %jit3A_91 : f32 to vector<256x64xf32>
    %select_n3A_93 = arith.select %eq3A_90, %broadcast_in_dim3A_92, %max3A_75 : vector<256x64xi1>, vector<256x64xf32>
    %reduce_min3A_94 = arith.constant dense<0x7F800000> : vector<256xf32>
    %reduce_min3A_95 = vector.multi_reduction <minimumf>, %select_n3A_93, %reduce_min3A_94 [1] : vector<256x64xf32> to vector<256xf32>
    %broadcast_in_dim3A_96 = vector.shape_cast %reduce_min3A_95 : vector<256xf32> to vector<256x1xf32>
    %le3A_97 = vector.broadcast %broadcast_in_dim3A_96 : vector<256x1xf32> to vector<256x64xf32>
    %le3A_98 = arith.cmpf ole, %select_n3A_93, %le3A_97 : vector<256x64xf32>
    %jit3A_99 = arith.constant 1.000000e+30 : f32
    %broadcast_in_dim3A_100 = vector.broadcast %jit3A_99 : f32 to vector<256x64xf32>
    %select_n3A_101 = arith.select %le3A_98, %convert_element_type3A, %broadcast_in_dim3A_100 : vector<256x64xi1>, vector<256x64xf32>
    %reduce_min3A_102 = arith.constant dense<0x7F800000> : vector<256xf32>
    %reduce_min3A_103 = vector.multi_reduction <minimumf>, %select_n3A_101, %reduce_min3A_102 [1] : vector<256x64xf32> to vector<256xf32>
    %broadcast_in_dim3A_104 = vector.shape_cast %reduce_min3A_103 : vector<256xf32> to vector<256x1xf32>
    %add3A_105 = arith.constant 9.99999993E-9 : f32
    %add3A_106 = vector.broadcast %add3A_105 : f32 to vector<256x1xf32>
    %add3A_107 = arith.addf %broadcast_in_dim3A_96, %add3A_106 : vector<256x1xf32>
    %div3A_108 = arith.constant 1.000000e+00 : f32
    %div3A_109 = vector.broadcast %div3A_108 : f32 to vector<256x1xf32>
    %div3A_110 = arith.divf %div3A_109, %add3A_107 : vector<256x1xf32>
    %eq3A_111 = vector.broadcast %broadcast_in_dim3A_104 : vector<256x1xf32> to vector<256x64xf32>
    %eq3A_112 = arith.cmpf oeq, %convert_element_type3A, %eq3A_111 : vector<256x64xf32>
    %eq3A_113 = vector.broadcast %broadcast_in_dim3A_104 : vector<256x1xf32> to vector<256x64xf32>
    %eq3A_114 = arith.cmpf oeq, %convert_element_type3A, %eq3A_113 : vector<256x64xf32>
    %jit3A_115 = arith.constant 1.000000e+30 : f32
    %broadcast_in_dim3A_116 = vector.broadcast %jit3A_115 : f32 to vector<256x64xf32>
    %select_n3A_117 = arith.select %eq3A_114, %broadcast_in_dim3A_116, %select_n3A_93 : vector<256x64xi1>, vector<256x64xf32>
    %reduce_min3A_118 = arith.constant dense<0x7F800000> : vector<256xf32>
    %reduce_min3A_119 = vector.multi_reduction <minimumf>, %select_n3A_117, %reduce_min3A_118 [1] : vector<256x64xf32> to vector<256xf32>
    %broadcast_in_dim3A_120 = vector.shape_cast %reduce_min3A_119 : vector<256xf32> to vector<256x1xf32>
    %le3A_121 = vector.broadcast %broadcast_in_dim3A_120 : vector<256x1xf32> to vector<256x64xf32>
    %le3A_122 = arith.cmpf ole, %select_n3A_117, %le3A_121 : vector<256x64xf32>
    %jit3A_123 = arith.constant 1.000000e+30 : f32
    %broadcast_in_dim3A_124 = vector.broadcast %jit3A_123 : f32 to vector<256x64xf32>
    %select_n3A_125 = arith.select %le3A_122, %convert_element_type3A, %broadcast_in_dim3A_124 : vector<256x64xi1>, vector<256x64xf32>
    %reduce_min3A_126 = arith.constant dense<0x7F800000> : vector<256xf32>
    %reduce_min3A_127 = vector.multi_reduction <minimumf>, %select_n3A_125, %reduce_min3A_126 [1] : vector<256x64xf32> to vector<256xf32>
    %broadcast_in_dim3A_128 = vector.shape_cast %reduce_min3A_127 : vector<256xf32> to vector<256x1xf32>
    %add3A_129 = arith.constant 9.99999993E-9 : f32
    %add3A_130 = vector.broadcast %add3A_129 : f32 to vector<256x1xf32>
    %add3A_131 = arith.addf %broadcast_in_dim3A_120, %add3A_130 : vector<256x1xf32>
    %div3A_132 = arith.constant 1.000000e+00 : f32
    %div3A_133 = vector.broadcast %div3A_132 : f32 to vector<256x1xf32>
    %div3A_134 = arith.divf %div3A_133, %add3A_131 : vector<256x1xf32>
    %eq3A_135 = vector.broadcast %broadcast_in_dim3A_128 : vector<256x1xf32> to vector<256x64xf32>
    %eq3A_136 = arith.cmpf oeq, %convert_element_type3A, %eq3A_135 : vector<256x64xf32>
    %add3A_137 = arith.addf %div3A_87, %div3A_110 : vector<256x1xf32>
    %add3A_138 = arith.addf %add3A_137, %div3A_134 : vector<256x1xf32>
    %div3A_139 = arith.divf %div3A_87, %add3A_138 : vector<256x1xf32>
    %jit3A_140 = arith.constant 0.000000e+00 : f32
    %broadcast_in_dim3A_141 = vector.shape_cast %div3A_139 : vector<256x1xf32> to vector<256x1xf32>
    %broadcast_in_dim3A_142 = vector.broadcast %broadcast_in_dim3A_141 : vector<256x1xf32> to vector<256x64xf32>
    %broadcast_in_dim3A_143 = vector.broadcast %jit3A_140 : f32 to vector<256x64xf32>
    %select_n3A_144 = arith.select %eq3A_88, %broadcast_in_dim3A_142, %broadcast_in_dim3A_143 : vector<256x64xi1>, vector<256x64xf32>
    %div3A_145 = arith.divf %div3A_110, %add3A_138 : vector<256x1xf32>
    %jit3A_146 = arith.constant 0.000000e+00 : f32
    %broadcast_in_dim3A_147 = vector.shape_cast %div3A_145 : vector<256x1xf32> to vector<256x1xf32>
    %broadcast_in_dim3A_148 = vector.broadcast %broadcast_in_dim3A_147 : vector<256x1xf32> to vector<256x64xf32>
    %broadcast_in_dim3A_149 = vector.broadcast %jit3A_146 : f32 to vector<256x64xf32>
    %select_n3A_150 = arith.select %eq3A_112, %broadcast_in_dim3A_148, %broadcast_in_dim3A_149 : vector<256x64xi1>, vector<256x64xf32>
    %add3A_151 = arith.addf %select_n3A_144, %select_n3A_150 : vector<256x64xf32>
    %div3A_152 = arith.divf %div3A_134, %add3A_138 : vector<256x1xf32>
    %jit3A_153 = arith.constant 0.000000e+00 : f32
    %broadcast_in_dim3A_154 = vector.shape_cast %div3A_152 : vector<256x1xf32> to vector<256x1xf32>
    %broadcast_in_dim3A_155 = vector.broadcast %broadcast_in_dim3A_154 : vector<256x1xf32> to vector<256x64xf32>
    %broadcast_in_dim3A_156 = vector.broadcast %jit3A_153 : f32 to vector<256x64xf32>
    %select_n3A_157 = arith.select %eq3A_136, %broadcast_in_dim3A_155, %broadcast_in_dim3A_156 : vector<256x64xi1>, vector<256x64xf32>
    %add3A_158 = arith.addf %add3A_151, %select_n3A_157 : vector<256x64xf32>
    %dot_general3A_159 = arith.constant dense<0.000000e+00> : vector<256x128xf32>
    %dot_general3A_160 = tpu.matmul %add3A_158, %max3A_58, %dot_general3A_159 {dimension_numbers = #tpu.dot_dimension_numbers<[1], [0], [0], [1], [0, 0, 1, 1], [], []>, transpose_lhs_hint = false} : vector<256x64xf32>, vector<64x128xf32>, vector<256x128xf32> -> vector<256x128xf32>
    %add3A_161 = arith.addf %dot_general3A_160, %max3A_44 : vector<256x128xf32>
    %get3A_162 = arith.constant 0 : index
    %get3A_163 = arith.constant 0 : index
    %get3A_164 = vector.load %arg0[%get3A_162, %get3A_163] : memref<256x8xf32, #tpu.memory_space<vmem>>, vector<256x8xf32>
    %get3A_165 = arith.constant 0 : index
    %get3A_166 = arith.constant 0 : index
    %get3A_167 = vector.load %arg12[%get3A_165, %get3A_166] : memref<8x256xf32, #tpu.memory_space<vmem>>, vector<8x256xf32>
    %mul3A_168 = arith.mulf %get3A_164, %get3A_164 : vector<256x8xf32>
    %reduce_sum3A_169 = arith.constant dense<0.000000e+00> : vector<256xf32>
    %reduce_sum3A_170 = vector.multi_reduction <add>, %mul3A_168, %reduce_sum3A_169 [1] : vector<256x8xf32> to vector<256xf32>
    %broadcast_in_dim3A_171 = vector.shape_cast %reduce_sum3A_170 : vector<256xf32> to vector<256x1xf32>
    %mul3A_172 = arith.mulf %get3A_167, %get3A_167 : vector<8x256xf32>
    %reduce_sum3A_173 = arith.constant dense<0.000000e+00> : vector<256xf32>
    %reduce_sum3A_174 = vector.multi_reduction <add>, %mul3A_172, %reduce_sum3A_173 [0] : vector<8x256xf32> to vector<256xf32>
    %broadcast_in_dim3A_175 = vector.shape_cast %reduce_sum3A_174 : vector<256xf32> to vector<1x256xf32>
    %add3A_176 = vector.broadcast %broadcast_in_dim3A_171 : vector<256x1xf32> to vector<256x256xf32>
    %add3A_177 = vector.broadcast %broadcast_in_dim3A_175 : vector<1x256xf32> to vector<256x256xf32>
    %add3A_178 = arith.addf %add3A_176, %add3A_177 : vector<256x256xf32>
    %dot_general3A_179 = arith.constant dense<0.000000e+00> : vector<256x256xf32>
    %dot_general3A_180 = tpu.matmul %get3A_164, %get3A_167, %dot_general3A_179 {dimension_numbers = #tpu.dot_dimension_numbers<[1], [0], [0], [1], [0, 0, 1, 1], [], []>, precision = #tpu.contract_precision<fp32>, transpose_lhs_hint = false} : vector<256x8xf32>, vector<8x256xf32>, vector<256x256xf32> -> vector<256x256xf32>
    %mul3A_181 = arith.constant 2.000000e+00 : f32
    %mul3A_182 = vector.broadcast %mul3A_181 : f32 to vector<256x256xf32>
    %mul3A_183 = arith.mulf %mul3A_182, %dot_general3A_180 : vector<256x256xf32>
    %sub3A_184 = arith.subf %add3A_178, %mul3A_183 : vector<256x256xf32>
    %iota3A_185 = tpu.iota {dimensions = array<i32: 1>} : vector<256x256xi32>
    %convert_element_type3A_186 = arith.sitofp %iota3A_185 : vector<256x256xi32> to vector<256x256xf32>
    %reduce_min3A_187 = arith.constant dense<0x7F800000> : vector<256xf32>
    %reduce_min3A_188 = vector.multi_reduction <minimumf>, %sub3A_184, %reduce_min3A_187 [1] : vector<256x256xf32> to vector<256xf32>
    %broadcast_in_dim3A_189 = vector.shape_cast %reduce_min3A_188 : vector<256xf32> to vector<256x1xf32>
    %le3A_190 = vector.broadcast %broadcast_in_dim3A_189 : vector<256x1xf32> to vector<256x256xf32>
    %le3A_191 = arith.cmpf ole, %sub3A_184, %le3A_190 : vector<256x256xf32>
    %jit3A_192 = arith.constant 1.000000e+30 : f32
    %broadcast_in_dim3A_193 = vector.broadcast %jit3A_192 : f32 to vector<256x256xf32>
    %select_n3A_194 = arith.select %le3A_191, %convert_element_type3A_186, %broadcast_in_dim3A_193 : vector<256x256xi1>, vector<256x256xf32>
    %reduce_min3A_195 = arith.constant dense<0x7F800000> : vector<256xf32>
    %reduce_min3A_196 = vector.multi_reduction <minimumf>, %select_n3A_194, %reduce_min3A_195 [1] : vector<256x256xf32> to vector<256xf32>
    %broadcast_in_dim3A_197 = vector.shape_cast %reduce_min3A_196 : vector<256xf32> to vector<256x1xf32>
    %eq3A_198 = vector.broadcast %broadcast_in_dim3A_197 : vector<256x1xf32> to vector<256x256xf32>
    %eq3A_199 = arith.cmpf oeq, %convert_element_type3A_186, %eq3A_198 : vector<256x256xf32>
    %jit3A_200 = arith.constant 1.000000e+30 : f32
    %broadcast_in_dim3A_201 = vector.broadcast %jit3A_200 : f32 to vector<256x256xf32>
    %select_n3A_202 = arith.select %eq3A_199, %broadcast_in_dim3A_201, %sub3A_184 : vector<256x256xi1>, vector<256x256xf32>
    %reduce_min3A_203 = arith.constant dense<0x7F800000> : vector<256xf32>
    %reduce_min3A_204 = vector.multi_reduction <minimumf>, %select_n3A_202, %reduce_min3A_203 [1] : vector<256x256xf32> to vector<256xf32>
    %broadcast_in_dim3A_205 = vector.shape_cast %reduce_min3A_204 : vector<256xf32> to vector<256x1xf32>
    %le3A_206 = vector.broadcast %broadcast_in_dim3A_205 : vector<256x1xf32> to vector<256x256xf32>
    %le3A_207 = arith.cmpf ole, %select_n3A_202, %le3A_206 : vector<256x256xf32>
    %jit3A_208 = arith.constant 1.000000e+30 : f32
    %broadcast_in_dim3A_209 = vector.broadcast %jit3A_208 : f32 to vector<256x256xf32>
    %select_n3A_210 = arith.select %le3A_207, %convert_element_type3A_186, %broadcast_in_dim3A_209 : vector<256x256xi1>, vector<256x256xf32>
    %reduce_min3A_211 = arith.constant dense<0x7F800000> : vector<256xf32>
    %reduce_min3A_212 = vector.multi_reduction <minimumf>, %select_n3A_210, %reduce_min3A_211 [1] : vector<256x256xf32> to vector<256xf32>
    %broadcast_in_dim3A_213 = vector.shape_cast %reduce_min3A_212 : vector<256xf32> to vector<256x1xf32>
    %eq3A_214 = vector.broadcast %broadcast_in_dim3A_213 : vector<256x1xf32> to vector<256x256xf32>
    %eq3A_215 = arith.cmpf oeq, %convert_element_type3A_186, %eq3A_214 : vector<256x256xf32>
    %jit3A_216 = arith.constant 1.000000e+30 : f32
    %broadcast_in_dim3A_217 = vector.broadcast %jit3A_216 : f32 to vector<256x256xf32>
    %select_n3A_218 = arith.select %eq3A_215, %broadcast_in_dim3A_217, %select_n3A_202 : vector<256x256xi1>, vector<256x256xf32>
    %reduce_min3A_219 = arith.constant dense<0x7F800000> : vector<256xf32>
    %reduce_min3A_220 = vector.multi_reduction <minimumf>, %select_n3A_218, %reduce_min3A_219 [1] : vector<256x256xf32> to vector<256xf32>
    %broadcast_in_dim3A_221 = vector.shape_cast %reduce_min3A_220 : vector<256xf32> to vector<256x1xf32>
    %le3A_222 = vector.broadcast %broadcast_in_dim3A_221 : vector<256x1xf32> to vector<256x256xf32>
    %le3A_223 = arith.cmpf ole, %select_n3A_218, %le3A_222 : vector<256x256xf32>
    %jit3A_224 = arith.constant 1.000000e+30 : f32
    %broadcast_in_dim3A_225 = vector.broadcast %jit3A_224 : f32 to vector<256x256xf32>
    %select_n3A_226 = arith.select %le3A_223, %convert_element_type3A_186, %broadcast_in_dim3A_225 : vector<256x256xi1>, vector<256x256xf32>
    %reduce_min3A_227 = arith.constant dense<0x7F800000> : vector<256xf32>
    %reduce_min3A_228 = vector.multi_reduction <minimumf>, %select_n3A_226, %reduce_min3A_227 [1] : vector<256x256xf32> to vector<256xf32>
    %broadcast_in_dim3A_229 = vector.shape_cast %reduce_min3A_228 : vector<256xf32> to vector<256x1xf32>
    %eq3A_230 = vector.broadcast %broadcast_in_dim3A_229 : vector<256x1xf32> to vector<256x256xf32>
    %eq3A_231 = arith.cmpf oeq, %convert_element_type3A_186, %eq3A_230 : vector<256x256xf32>
    %jit3A_232 = arith.constant 1.000000e+30 : f32
    %broadcast_in_dim3A_233 = vector.broadcast %jit3A_232 : f32 to vector<256x256xf32>
    %select_n3A_234 = arith.select %eq3A_231, %broadcast_in_dim3A_233, %select_n3A_218 : vector<256x256xi1>, vector<256x256xf32>
    %reduce_min3A_235 = arith.constant dense<0x7F800000> : vector<256xf32>
    %reduce_min3A_236 = vector.multi_reduction <minimumf>, %select_n3A_234, %reduce_min3A_235 [1] : vector<256x256xf32> to vector<256xf32>
    %broadcast_in_dim3A_237 = vector.shape_cast %reduce_min3A_236 : vector<256xf32> to vector<256x1xf32>
    %le3A_238 = vector.broadcast %broadcast_in_dim3A_237 : vector<256x1xf32> to vector<256x256xf32>
    %le3A_239 = arith.cmpf ole, %select_n3A_234, %le3A_238 : vector<256x256xf32>
    %jit3A_240 = arith.constant 1.000000e+30 : f32
    %broadcast_in_dim3A_241 = vector.broadcast %jit3A_240 : f32 to vector<256x256xf32>
    %select_n3A_242 = arith.select %le3A_239, %convert_element_type3A_186, %broadcast_in_dim3A_241 : vector<256x256xi1>, vector<256x256xf32>
    %reduce_min3A_243 = arith.constant dense<0x7F800000> : vector<256xf32>
    %reduce_min3A_244 = vector.multi_reduction <minimumf>, %select_n3A_242, %reduce_min3A_243 [1] : vector<256x256xf32> to vector<256xf32>
    %broadcast_in_dim3A_245 = vector.shape_cast %reduce_min3A_244 : vector<256xf32> to vector<256x1xf32>
    %eq3A_246 = vector.broadcast %broadcast_in_dim3A_245 : vector<256x1xf32> to vector<256x256xf32>
    %eq3A_247 = arith.cmpf oeq, %convert_element_type3A_186, %eq3A_246 : vector<256x256xf32>
    %jit3A_248 = arith.constant 1.000000e+30 : f32
    %broadcast_in_dim3A_249 = vector.broadcast %jit3A_248 : f32 to vector<256x256xf32>
    %select_n3A_250 = arith.select %eq3A_247, %broadcast_in_dim3A_249, %select_n3A_234 : vector<256x256xi1>, vector<256x256xf32>
    %reduce_min3A_251 = arith.constant dense<0x7F800000> : vector<256xf32>
    %reduce_min3A_252 = vector.multi_reduction <minimumf>, %select_n3A_250, %reduce_min3A_251 [1] : vector<256x256xf32> to vector<256xf32>
    %broadcast_in_dim3A_253 = vector.shape_cast %reduce_min3A_252 : vector<256xf32> to vector<256x1xf32>
    %le3A_254 = vector.broadcast %broadcast_in_dim3A_253 : vector<256x1xf32> to vector<256x256xf32>
    %le3A_255 = arith.cmpf ole, %select_n3A_250, %le3A_254 : vector<256x256xf32>
    %jit3A_256 = arith.constant 1.000000e+30 : f32
    %broadcast_in_dim3A_257 = vector.broadcast %jit3A_256 : f32 to vector<256x256xf32>
    %select_n3A_258 = arith.select %le3A_255, %convert_element_type3A_186, %broadcast_in_dim3A_257 : vector<256x256xi1>, vector<256x256xf32>
    %reduce_min3A_259 = arith.constant dense<0x7F800000> : vector<256xf32>
    %reduce_min3A_260 = vector.multi_reduction <minimumf>, %select_n3A_258, %reduce_min3A_259 [1] : vector<256x256xf32> to vector<256xf32>
    %broadcast_in_dim3A_261 = vector.shape_cast %reduce_min3A_260 : vector<256xf32> to vector<256x1xf32>
    %eq3A_262 = vector.broadcast %broadcast_in_dim3A_261 : vector<256x1xf32> to vector<256x256xf32>
    %eq3A_263 = arith.cmpf oeq, %convert_element_type3A_186, %eq3A_262 : vector<256x256xf32>
    %jit3A_264 = arith.constant 1.000000e+30 : f32
    %broadcast_in_dim3A_265 = vector.broadcast %jit3A_264 : f32 to vector<256x256xf32>
    %select_n3A_266 = arith.select %eq3A_263, %broadcast_in_dim3A_265, %select_n3A_250 : vector<256x256xi1>, vector<256x256xf32>
    %reduce_min3A_267 = arith.constant dense<0x7F800000> : vector<256xf32>
    %reduce_min3A_268 = vector.multi_reduction <minimumf>, %select_n3A_266, %reduce_min3A_267 [1] : vector<256x256xf32> to vector<256xf32>
    %broadcast_in_dim3A_269 = vector.shape_cast %reduce_min3A_268 : vector<256xf32> to vector<256x1xf32>
    %le3A_270 = vector.broadcast %broadcast_in_dim3A_269 : vector<256x1xf32> to vector<256x256xf32>
    %le3A_271 = arith.cmpf ole, %select_n3A_266, %le3A_270 : vector<256x256xf32>
    %jit3A_272 = arith.constant 1.000000e+30 : f32
    %broadcast_in_dim3A_273 = vector.broadcast %jit3A_272 : f32 to vector<256x256xf32>
    %select_n3A_274 = arith.select %le3A_271, %convert_element_type3A_186, %broadcast_in_dim3A_273 : vector<256x256xi1>, vector<256x256xf32>
    %reduce_min3A_275 = arith.constant dense<0x7F800000> : vector<256xf32>
    %reduce_min3A_276 = vector.multi_reduction <minimumf>, %select_n3A_274, %reduce_min3A_275 [1] : vector<256x256xf32> to vector<256xf32>
    %broadcast_in_dim3A_277 = vector.shape_cast %reduce_min3A_276 : vector<256xf32> to vector<256x1xf32>
    %eq3A_278 = vector.broadcast %broadcast_in_dim3A_277 : vector<256x1xf32> to vector<256x256xf32>
    %eq3A_279 = arith.cmpf oeq, %convert_element_type3A_186, %eq3A_278 : vector<256x256xf32>
    %jit3A_280 = arith.constant 1.000000e+30 : f32
    %broadcast_in_dim3A_281 = vector.broadcast %jit3A_280 : f32 to vector<256x256xf32>
    %select_n3A_282 = arith.select %eq3A_279, %broadcast_in_dim3A_281, %select_n3A_266 : vector<256x256xi1>, vector<256x256xf32>
    %reduce_min3A_283 = arith.constant dense<0x7F800000> : vector<256xf32>
    %reduce_min3A_284 = vector.multi_reduction <minimumf>, %select_n3A_282, %reduce_min3A_283 [1] : vector<256x256xf32> to vector<256xf32>
    %broadcast_in_dim3A_285 = vector.shape_cast %reduce_min3A_284 : vector<256xf32> to vector<256x1xf32>
    %le3A_286 = vector.broadcast %broadcast_in_dim3A_285 : vector<256x1xf32> to vector<256x256xf32>
    %le3A_287 = arith.cmpf ole, %select_n3A_282, %le3A_286 : vector<256x256xf32>
    %jit3A_288 = arith.constant 1.000000e+30 : f32
    %broadcast_in_dim3A_289 = vector.broadcast %jit3A_288 : f32 to vector<256x256xf32>
    %select_n3A_290 = arith.select %le3A_287, %convert_element_type3A_186, %broadcast_in_dim3A_289 : vector<256x256xi1>, vector<256x256xf32>
    %reduce_min3A_291 = arith.constant dense<0x7F800000> : vector<256xf32>
    %reduce_min3A_292 = vector.multi_reduction <minimumf>, %select_n3A_290, %reduce_min3A_291 [1] : vector<256x256xf32> to vector<256xf32>
    %broadcast_in_dim3A_293 = vector.shape_cast %reduce_min3A_292 : vector<256xf32> to vector<256x1xf32>
    %eq3A_294 = vector.broadcast %broadcast_in_dim3A_293 : vector<256x1xf32> to vector<256x256xf32>
    %eq3A_295 = arith.cmpf oeq, %convert_element_type3A_186, %eq3A_294 : vector<256x256xf32>
    %jit3A_296 = arith.constant 1.000000e+30 : f32
    %broadcast_in_dim3A_297 = vector.broadcast %jit3A_296 : f32 to vector<256x256xf32>
    %select_n3A_298 = arith.select %eq3A_295, %broadcast_in_dim3A_297, %select_n3A_282 : vector<256x256xi1>, vector<256x256xf32>
    %reduce_min3A_299 = arith.constant dense<0x7F800000> : vector<256xf32>
    %reduce_min3A_300 = vector.multi_reduction <minimumf>, %select_n3A_298, %reduce_min3A_299 [1] : vector<256x256xf32> to vector<256xf32>
    %broadcast_in_dim3A_301 = vector.shape_cast %reduce_min3A_300 : vector<256xf32> to vector<256x1xf32>
    %le3A_302 = vector.broadcast %broadcast_in_dim3A_301 : vector<256x1xf32> to vector<256x256xf32>
    %le3A_303 = arith.cmpf ole, %select_n3A_298, %le3A_302 : vector<256x256xf32>
    %jit3A_304 = arith.constant 1.000000e+30 : f32
    %broadcast_in_dim3A_305 = vector.broadcast %jit3A_304 : f32 to vector<256x256xf32>
    %select_n3A_306 = arith.select %le3A_303, %convert_element_type3A_186, %broadcast_in_dim3A_305 : vector<256x256xi1>, vector<256x256xf32>
    %reduce_min3A_307 = arith.constant dense<0x7F800000> : vector<256xf32>
    %reduce_min3A_308 = vector.multi_reduction <minimumf>, %select_n3A_306, %reduce_min3A_307 [1] : vector<256x256xf32> to vector<256xf32>
    %broadcast_in_dim3A_309 = vector.shape_cast %reduce_min3A_308 : vector<256xf32> to vector<256x1xf32>
    %eq3A_310 = vector.broadcast %broadcast_in_dim3A_309 : vector<256x1xf32> to vector<256x256xf32>
    %eq3A_311 = arith.cmpf oeq, %convert_element_type3A_186, %eq3A_310 : vector<256x256xf32>
    %jit3A_312 = arith.constant 1.000000e+30 : f32
    %broadcast_in_dim3A_313 = vector.broadcast %jit3A_312 : f32 to vector<256x256xf32>
    %select_n3A_314 = arith.select %eq3A_311, %broadcast_in_dim3A_313, %select_n3A_298 : vector<256x256xi1>, vector<256x256xf32>
    %reduce_min3A_315 = arith.constant dense<0x7F800000> : vector<256xf32>
    %reduce_min3A_316 = vector.multi_reduction <minimumf>, %select_n3A_314, %reduce_min3A_315 [1] : vector<256x256xf32> to vector<256xf32>
    %broadcast_in_dim3A_317 = vector.shape_cast %reduce_min3A_316 : vector<256xf32> to vector<256x1xf32>
    %le3A_318 = vector.broadcast %broadcast_in_dim3A_317 : vector<256x1xf32> to vector<256x256xf32>
    %le3A_319 = arith.cmpf ole, %select_n3A_314, %le3A_318 : vector<256x256xf32>
    %jit3A_320 = arith.constant 1.000000e+30 : f32
    %broadcast_in_dim3A_321 = vector.broadcast %jit3A_320 : f32 to vector<256x256xf32>
    %select_n3A_322 = arith.select %le3A_319, %convert_element_type3A_186, %broadcast_in_dim3A_321 : vector<256x256xi1>, vector<256x256xf32>
    %reduce_min3A_323 = arith.constant dense<0x7F800000> : vector<256xf32>
    %reduce_min3A_324 = vector.multi_reduction <minimumf>, %select_n3A_322, %reduce_min3A_323 [1] : vector<256x256xf32> to vector<256xf32>
    %broadcast_in_dim3A_325 = vector.shape_cast %reduce_min3A_324 : vector<256xf32> to vector<256x1xf32>
    %eq3A_326 = vector.broadcast %broadcast_in_dim3A_325 : vector<256x1xf32> to vector<256x256xf32>
    %eq3A_327 = arith.cmpf oeq, %convert_element_type3A_186, %eq3A_326 : vector<256x256xf32>
    %jit3A_328 = arith.constant 1.000000e+30 : f32
    %broadcast_in_dim3A_329 = vector.broadcast %jit3A_328 : f32 to vector<256x256xf32>
    %select_n3A_330 = arith.select %eq3A_327, %broadcast_in_dim3A_329, %select_n3A_314 : vector<256x256xi1>, vector<256x256xf32>
    %reduce_min3A_331 = arith.constant dense<0x7F800000> : vector<256xf32>
    %reduce_min3A_332 = vector.multi_reduction <minimumf>, %select_n3A_330, %reduce_min3A_331 [1] : vector<256x256xf32> to vector<256xf32>
    %broadcast_in_dim3A_333 = vector.shape_cast %reduce_min3A_332 : vector<256xf32> to vector<256x1xf32>
    %le3A_334 = vector.broadcast %broadcast_in_dim3A_333 : vector<256x1xf32> to vector<256x256xf32>
    %le3A_335 = arith.cmpf ole, %select_n3A_330, %le3A_334 : vector<256x256xf32>
    %jit3A_336 = arith.constant 1.000000e+30 : f32
    %broadcast_in_dim3A_337 = vector.broadcast %jit3A_336 : f32 to vector<256x256xf32>
    %select_n3A_338 = arith.select %le3A_335, %convert_element_type3A_186, %broadcast_in_dim3A_337 : vector<256x256xi1>, vector<256x256xf32>
    %reduce_min3A_339 = arith.constant dense<0x7F800000> : vector<256xf32>
    %reduce_min3A_340 = vector.multi_reduction <minimumf>, %select_n3A_338, %reduce_min3A_339 [1] : vector<256x256xf32> to vector<256xf32>
    %broadcast_in_dim3A_341 = vector.shape_cast %reduce_min3A_340 : vector<256xf32> to vector<256x1xf32>
    %eq3A_342 = vector.broadcast %broadcast_in_dim3A_341 : vector<256x1xf32> to vector<256x256xf32>
    %eq3A_343 = arith.cmpf oeq, %convert_element_type3A_186, %eq3A_342 : vector<256x256xf32>
    %jit3A_344 = arith.constant 1.000000e+30 : f32
    %broadcast_in_dim3A_345 = vector.broadcast %jit3A_344 : f32 to vector<256x256xf32>
    %select_n3A_346 = arith.select %eq3A_343, %broadcast_in_dim3A_345, %select_n3A_330 : vector<256x256xi1>, vector<256x256xf32>
    %reduce_min3A_347 = arith.constant dense<0x7F800000> : vector<256xf32>
    %reduce_min3A_348 = vector.multi_reduction <minimumf>, %select_n3A_346, %reduce_min3A_347 [1] : vector<256x256xf32> to vector<256xf32>
    %broadcast_in_dim3A_349 = vector.shape_cast %reduce_min3A_348 : vector<256xf32> to vector<256x1xf32>
    %le3A_350 = vector.broadcast %broadcast_in_dim3A_349 : vector<256x1xf32> to vector<256x256xf32>
    %le3A_351 = arith.cmpf ole, %select_n3A_346, %le3A_350 : vector<256x256xf32>
    %jit3A_352 = arith.constant 1.000000e+30 : f32
    %broadcast_in_dim3A_353 = vector.broadcast %jit3A_352 : f32 to vector<256x256xf32>
    %select_n3A_354 = arith.select %le3A_351, %convert_element_type3A_186, %broadcast_in_dim3A_353 : vector<256x256xi1>, vector<256x256xf32>
    %reduce_min3A_355 = arith.constant dense<0x7F800000> : vector<256xf32>
    %reduce_min3A_356 = vector.multi_reduction <minimumf>, %select_n3A_354, %reduce_min3A_355 [1] : vector<256x256xf32> to vector<256xf32>
    %broadcast_in_dim3A_357 = vector.shape_cast %reduce_min3A_356 : vector<256xf32> to vector<256x1xf32>
    %eq3A_358 = vector.broadcast %broadcast_in_dim3A_357 : vector<256x1xf32> to vector<256x256xf32>
    %eq3A_359 = arith.cmpf oeq, %convert_element_type3A_186, %eq3A_358 : vector<256x256xf32>
    %jit3A_360 = arith.constant 1.000000e+30 : f32
    %broadcast_in_dim3A_361 = vector.broadcast %jit3A_360 : f32 to vector<256x256xf32>
    %select_n3A_362 = arith.select %eq3A_359, %broadcast_in_dim3A_361, %select_n3A_346 : vector<256x256xi1>, vector<256x256xf32>
    %reduce_min3A_363 = arith.constant dense<0x7F800000> : vector<256xf32>
    %reduce_min3A_364 = vector.multi_reduction <minimumf>, %select_n3A_362, %reduce_min3A_363 [1] : vector<256x256xf32> to vector<256xf32>
    %broadcast_in_dim3A_365 = vector.shape_cast %reduce_min3A_364 : vector<256xf32> to vector<256x1xf32>
    %le3A_366 = vector.broadcast %broadcast_in_dim3A_365 : vector<256x1xf32> to vector<256x256xf32>
    %le3A_367 = arith.cmpf ole, %select_n3A_362, %le3A_366 : vector<256x256xf32>
    %jit3A_368 = arith.constant 1.000000e+30 : f32
    %broadcast_in_dim3A_369 = vector.broadcast %jit3A_368 : f32 to vector<256x256xf32>
    %select_n3A_370 = arith.select %le3A_367, %convert_element_type3A_186, %broadcast_in_dim3A_369 : vector<256x256xi1>, vector<256x256xf32>
    %reduce_min3A_371 = arith.constant dense<0x7F800000> : vector<256xf32>
    %reduce_min3A_372 = vector.multi_reduction <minimumf>, %select_n3A_370, %reduce_min3A_371 [1] : vector<256x256xf32> to vector<256xf32>
    %broadcast_in_dim3A_373 = vector.shape_cast %reduce_min3A_372 : vector<256xf32> to vector<256x1xf32>
    %eq3A_374 = vector.broadcast %broadcast_in_dim3A_373 : vector<256x1xf32> to vector<256x256xf32>
    %eq3A_375 = arith.cmpf oeq, %convert_element_type3A_186, %eq3A_374 : vector<256x256xf32>
    %jit3A_376 = arith.constant 1.000000e+30 : f32
    %broadcast_in_dim3A_377 = vector.broadcast %jit3A_376 : f32 to vector<256x256xf32>
    %select_n3A_378 = arith.select %eq3A_375, %broadcast_in_dim3A_377, %select_n3A_362 : vector<256x256xi1>, vector<256x256xf32>
    %reduce_min3A_379 = arith.constant dense<0x7F800000> : vector<256xf32>
    %reduce_min3A_380 = vector.multi_reduction <minimumf>, %select_n3A_378, %reduce_min3A_379 [1] : vector<256x256xf32> to vector<256xf32>
    %broadcast_in_dim3A_381 = vector.shape_cast %reduce_min3A_380 : vector<256xf32> to vector<256x1xf32>
    %le3A_382 = vector.broadcast %broadcast_in_dim3A_381 : vector<256x1xf32> to vector<256x256xf32>
    %le3A_383 = arith.cmpf ole, %select_n3A_378, %le3A_382 : vector<256x256xf32>
    %jit3A_384 = arith.constant 1.000000e+30 : f32
    %broadcast_in_dim3A_385 = vector.broadcast %jit3A_384 : f32 to vector<256x256xf32>
    %select_n3A_386 = arith.select %le3A_383, %convert_element_type3A_186, %broadcast_in_dim3A_385 : vector<256x256xi1>, vector<256x256xf32>
    %reduce_min3A_387 = arith.constant dense<0x7F800000> : vector<256xf32>
    %reduce_min3A_388 = vector.multi_reduction <minimumf>, %select_n3A_386, %reduce_min3A_387 [1] : vector<256x256xf32> to vector<256xf32>
    %broadcast_in_dim3A_389 = vector.shape_cast %reduce_min3A_388 : vector<256xf32> to vector<256x1xf32>
    %eq3A_390 = vector.broadcast %broadcast_in_dim3A_389 : vector<256x1xf32> to vector<256x256xf32>
    %eq3A_391 = arith.cmpf oeq, %convert_element_type3A_186, %eq3A_390 : vector<256x256xf32>
    %jit3A_392 = arith.constant 1.000000e+30 : f32
    %broadcast_in_dim3A_393 = vector.broadcast %jit3A_392 : f32 to vector<256x256xf32>
    %select_n3A_394 = arith.select %eq3A_391, %broadcast_in_dim3A_393, %select_n3A_378 : vector<256x256xi1>, vector<256x256xf32>
    %reduce_min3A_395 = arith.constant dense<0x7F800000> : vector<256xf32>
    %reduce_min3A_396 = vector.multi_reduction <minimumf>, %select_n3A_394, %reduce_min3A_395 [1] : vector<256x256xf32> to vector<256xf32>
    %broadcast_in_dim3A_397 = vector.shape_cast %reduce_min3A_396 : vector<256xf32> to vector<256x1xf32>
    %le3A_398 = vector.broadcast %broadcast_in_dim3A_397 : vector<256x1xf32> to vector<256x256xf32>
    %le3A_399 = arith.cmpf ole, %select_n3A_394, %le3A_398 : vector<256x256xf32>
    %jit3A_400 = arith.constant 1.000000e+30 : f32
    %broadcast_in_dim3A_401 = vector.broadcast %jit3A_400 : f32 to vector<256x256xf32>
    %select_n3A_402 = arith.select %le3A_399, %convert_element_type3A_186, %broadcast_in_dim3A_401 : vector<256x256xi1>, vector<256x256xf32>
    %reduce_min3A_403 = arith.constant dense<0x7F800000> : vector<256xf32>
    %reduce_min3A_404 = vector.multi_reduction <minimumf>, %select_n3A_402, %reduce_min3A_403 [1] : vector<256x256xf32> to vector<256xf32>
    %broadcast_in_dim3A_405 = vector.shape_cast %reduce_min3A_404 : vector<256xf32> to vector<256x1xf32>
    %eq3A_406 = vector.broadcast %broadcast_in_dim3A_405 : vector<256x1xf32> to vector<256x256xf32>
    %eq3A_407 = arith.cmpf oeq, %convert_element_type3A_186, %eq3A_406 : vector<256x256xf32>
    %jit3A_408 = arith.constant 1.000000e+30 : f32
    %broadcast_in_dim3A_409 = vector.broadcast %jit3A_408 : f32 to vector<256x256xf32>
    %select_n3A_410 = arith.select %eq3A_407, %broadcast_in_dim3A_409, %select_n3A_394 : vector<256x256xi1>, vector<256x256xf32>
    %reduce_min3A_411 = arith.constant dense<0x7F800000> : vector<256xf32>
    %reduce_min3A_412 = vector.multi_reduction <minimumf>, %select_n3A_410, %reduce_min3A_411 [1] : vector<256x256xf32> to vector<256xf32>
    %broadcast_in_dim3A_413 = vector.shape_cast %reduce_min3A_412 : vector<256xf32> to vector<256x1xf32>
    %le3A_414 = vector.broadcast %broadcast_in_dim3A_413 : vector<256x1xf32> to vector<256x256xf32>
    %le3A_415 = arith.cmpf ole, %select_n3A_410, %le3A_414 : vector<256x256xf32>
    %jit3A_416 = arith.constant 1.000000e+30 : f32
    %broadcast_in_dim3A_417 = vector.broadcast %jit3A_416 : f32 to vector<256x256xf32>
    %select_n3A_418 = arith.select %le3A_415, %convert_element_type3A_186, %broadcast_in_dim3A_417 : vector<256x256xi1>, vector<256x256xf32>
    %reduce_min3A_419 = arith.constant dense<0x7F800000> : vector<256xf32>
    %reduce_min3A_420 = vector.multi_reduction <minimumf>, %select_n3A_418, %reduce_min3A_419 [1] : vector<256x256xf32> to vector<256xf32>
    %broadcast_in_dim3A_421 = vector.shape_cast %reduce_min3A_420 : vector<256xf32> to vector<256x1xf32>
    %eq3A_422 = vector.broadcast %broadcast_in_dim3A_421 : vector<256x1xf32> to vector<256x256xf32>
    %eq3A_423 = arith.cmpf oeq, %convert_element_type3A_186, %eq3A_422 : vector<256x256xf32>
    %jit3A_424 = arith.constant 1.000000e+30 : f32
    %broadcast_in_dim3A_425 = vector.broadcast %jit3A_424 : f32 to vector<256x256xf32>
    %select_n3A_426 = arith.select %eq3A_423, %broadcast_in_dim3A_425, %select_n3A_410 : vector<256x256xi1>, vector<256x256xf32>
    %reduce_min3A_427 = arith.constant dense<0x7F800000> : vector<256xf32>
    %reduce_min3A_428 = vector.multi_reduction <minimumf>, %select_n3A_426, %reduce_min3A_427 [1] : vector<256x256xf32> to vector<256xf32>
    %broadcast_in_dim3A_429 = vector.shape_cast %reduce_min3A_428 : vector<256xf32> to vector<256x1xf32>
    %le3A_430 = vector.broadcast %broadcast_in_dim3A_429 : vector<256x1xf32> to vector<256x256xf32>
    %le3A_431 = arith.cmpf ole, %select_n3A_426, %le3A_430 : vector<256x256xf32>
    %jit3A_432 = arith.constant 1.000000e+30 : f32
    %broadcast_in_dim3A_433 = vector.broadcast %jit3A_432 : f32 to vector<256x256xf32>
    %select_n3A_434 = arith.select %le3A_431, %convert_element_type3A_186, %broadcast_in_dim3A_433 : vector<256x256xi1>, vector<256x256xf32>
    %reduce_min3A_435 = arith.constant dense<0x7F800000> : vector<256xf32>
    %reduce_min3A_436 = vector.multi_reduction <minimumf>, %select_n3A_434, %reduce_min3A_435 [1] : vector<256x256xf32> to vector<256xf32>
    %broadcast_in_dim3A_437 = vector.shape_cast %reduce_min3A_436 : vector<256xf32> to vector<256x1xf32>
    %concatenate3A = tpu.concatenate %broadcast_in_dim3A_197, %broadcast_in_dim3A_213, %broadcast_in_dim3A_229, %broadcast_in_dim3A_245, %broadcast_in_dim3A_261, %broadcast_in_dim3A_277, %broadcast_in_dim3A_293, %broadcast_in_dim3A_309, %broadcast_in_dim3A_325, %broadcast_in_dim3A_341, %broadcast_in_dim3A_357, %broadcast_in_dim3A_373, %broadcast_in_dim3A_389, %broadcast_in_dim3A_405, %broadcast_in_dim3A_421, %broadcast_in_dim3A_437 in 1 : vector<256x1xf32>, vector<256x1xf32>, vector<256x1xf32>, vector<256x1xf32>, vector<256x1xf32>, vector<256x1xf32>, vector<256x1xf32>, vector<256x1xf32>, vector<256x1xf32>, vector<256x1xf32>, vector<256x1xf32>, vector<256x1xf32>, vector<256x1xf32>, vector<256x1xf32>, vector<256x1xf32>, vector<256x1xf32> -> vector<256x16xf32>
    %get3A_438 = arith.constant 0 : index
    %get3A_439 = arith.constant 0 : index
    %get3A_440 = vector.load %arg14[%get3A_438, %get3A_439] : memref<128x256xf32, #tpu.memory_space<vmem>>, vector<128x256xf32>
    %dot_general3A_441 = arith.constant dense<0.000000e+00> : vector<256x256xf32>
    %dot_general3A_442 = tpu.matmul %add3A_161, %get3A_440, %dot_general3A_441 {dimension_numbers = #tpu.dot_dimension_numbers<[1], [0], [0], [1], [0, 0, 1, 1], [], []>, transpose_lhs_hint = false} : vector<256x128xf32>, vector<128x256xf32>, vector<256x256xf32> -> vector<256x256xf32>
    %get3A_443 = arith.constant 0 : index
    %get3A_444 = arith.constant 0 : index
    %get3A_445 = vector.load %arg15[%get3A_443, %get3A_444] : memref<1x256xf32, #tpu.memory_space<vmem>>, vector<1x256xf32>
    %add3A_446 = vector.broadcast %get3A_445 : vector<1x256xf32> to vector<256x256xf32>
    %add3A_447 = arith.addf %dot_general3A_442, %add3A_446 : vector<256x256xf32>
    %get3A_448 = arith.constant 0 : index
    %get3A_449 = arith.constant 0 : index
    %get3A_450 = vector.load %arg16[%get3A_448, %get3A_449] : memref<256x256xf32, #tpu.memory_space<vmem>>, vector<256x256xf32>
    %dot_general3A_451 = arith.constant dense<0.000000e+00> : vector<256x256xf32>
    %dot_general3A_452 = tpu.matmul %add3A_447, %get3A_450, %dot_general3A_451 {dimension_numbers = #tpu.dot_dimension_numbers<[1], [0], [0], [1], [0, 0, 1, 1], [], []>, transpose_lhs_hint = false} : vector<256x256xf32>, vector<256x256xf32>, vector<256x256xf32> -> vector<256x256xf32>
    %get3A_453 = arith.constant 0 : index
    %get3A_454 = arith.constant 0 : index
    %get3A_455 = vector.load %arg17[%get3A_453, %get3A_454] : memref<256x256xf32, #tpu.memory_space<vmem>>, vector<256x256xf32>
    %dot_general3A_456 = arith.constant dense<0.000000e+00> : vector<256x256xf32>
    %dot_general3A_457 = tpu.matmul %add3A_447, %get3A_455, %dot_general3A_456 {dimension_numbers = #tpu.dot_dimension_numbers<[1], [0], [0], [1], [0, 0, 1, 1], [], []>, transpose_lhs_hint = false} : vector<256x256xf32>, vector<256x256xf32>, vector<256x256xf32> -> vector<256x256xf32>
    %get3A_458 = arith.constant 0 : index
    %get3A_459 = arith.constant 0 : index
    %get3A_460 = vector.load %arg18[%get3A_458, %get3A_459] : memref<256x256xf32, #tpu.memory_space<vmem>>, vector<256x256xf32>
    %dot_general3A_461 = arith.constant dense<0.000000e+00> : vector<256x256xf32>
    %dot_general3A_462 = tpu.matmul %add3A_447, %get3A_460, %dot_general3A_461 {dimension_numbers = #tpu.dot_dimension_numbers<[1], [0], [0], [1], [0, 0, 1, 1], [], []>, transpose_lhs_hint = false} : vector<256x256xf32>, vector<256x256xf32>, vector<256x256xf32> -> vector<256x256xf32>
    %get3A_463 = arith.constant 0 : index
    %get3A_464 = arith.constant 0 : index
    %get3A_465 = vector.load %arg13[%get3A_463, %get3A_464] : memref<256x32xf32, #tpu.memory_space<vmem>>, vector<256x32xf32>
    %get3A_466 = arith.constant 0 : index
    %get3A_467 = arith.constant 0 : index
    %get3A_468 = vector.load %arg19[%get3A_466, %get3A_467] : memref<32x256xf32, #tpu.memory_space<vmem>>, vector<32x256xf32>
    %dot_general3A_469 = arith.constant dense<0.000000e+00> : vector<256x256xf32>
    %dot_general3A_470 = tpu.matmul %get3A_465, %get3A_468, %dot_general3A_469 {dimension_numbers = #tpu.dot_dimension_numbers<[1], [0], [0], [1], [0, 0, 1, 1], [], []>, transpose_lhs_hint = false} : vector<256x32xf32>, vector<32x256xf32>, vector<256x256xf32> -> vector<256x256xf32>
    %iota3A_471 = tpu.iota {dimensions = array<i32: 2>} : vector<256x16x256xi32>
    %convert_element_type3A_472 = arith.sitofp %iota3A_471 : vector<256x16x256xi32> to vector<256x16x256xf32>
    %broadcast_in_dim3A_473 = vector.shape_cast %concatenate3A : vector<256x16xf32> to vector<256x16x1xf32>
    %eq3A_474 = vector.broadcast %broadcast_in_dim3A_473 : vector<256x16x1xf32> to vector<256x16x256xf32>
    %eq3A_475 = arith.cmpf oeq, %eq3A_474, %convert_element_type3A_472 : vector<256x16x256xf32>
    %jit3A_476 = arith.constant 1.000000e+00 : f32
    %jit3A_477 = arith.constant 0.000000e+00 : f32
    %broadcast_in_dim3A_478 = vector.broadcast %jit3A_476 : f32 to vector<256x16x256xf32>
    %broadcast_in_dim3A_479 = vector.broadcast %jit3A_477 : f32 to vector<256x16x256xf32>
    %select_n3A_480 = arith.select %eq3A_475, %broadcast_in_dim3A_478, %broadcast_in_dim3A_479 : vector<256x16x256xi1>, vector<256x16x256xf32>
    %reshape3A = vector.shape_cast %select_n3A_480 : vector<256x16x256xf32> to vector<4096x256xf32>
    %dot_general3A_481 = arith.constant dense<0.000000e+00> : vector<4096x256xf32>
    %dot_general3A_482 = tpu.matmul %reshape3A, %dot_general3A_457, %dot_general3A_481 {dimension_numbers = #tpu.dot_dimension_numbers<[1], [0], [0], [1], [0, 0, 1, 1], [], []>, transpose_lhs_hint = false} : vector<4096x256xf32>, vector<256x256xf32>, vector<4096x256xf32> -> vector<4096x256xf32>
    %dot_general3A_483 = arith.constant dense<0.000000e+00> : vector<4096x256xf32>
    %dot_general3A_484 = tpu.matmul %reshape3A, %dot_general3A_462, %dot_general3A_483 {dimension_numbers = #tpu.dot_dimension_numbers<[1], [0], [0], [1], [0, 0, 1, 1], [], []>, transpose_lhs_hint = false} : vector<4096x256xf32>, vector<256x256xf32>, vector<4096x256xf32> -> vector<4096x256xf32>
    %dot_general3A_485 = arith.constant dense<0.000000e+00> : vector<4096x256xf32>
    %dot_general3A_486 = tpu.matmul %reshape3A, %dot_general3A_470, %dot_general3A_485 {dimension_numbers = #tpu.dot_dimension_numbers<[1], [0], [0], [1], [0, 0, 1, 1], [], []>, transpose_lhs_hint = false} : vector<4096x256xf32>, vector<256x256xf32>, vector<4096x256xf32> -> vector<4096x256xf32>
    %broadcast_in_dim3A_487 = vector.shape_cast %dot_general3A_452 : vector<256x256xf32> to vector<256x1x256xf32>
    %broadcast_in_dim3A_488 = vector.shape_cast %broadcast_in_dim3A_487 : vector<256x1x256xf32> to vector<256x1x256xf32>
    %broadcast_in_dim3A_489 = vector.broadcast %broadcast_in_dim3A_488 : vector<256x1x256xf32> to vector<256x16x256xf32>
    %reshape3A_490 = vector.shape_cast %broadcast_in_dim3A_489 : vector<256x16x256xf32> to vector<4096x256xf32>
    %broadcast_in_dim3A_491 = vector.shape_cast %dot_general3A_470 : vector<256x256xf32> to vector<256x1x256xf32>
    %broadcast_in_dim3A_492 = vector.shape_cast %broadcast_in_dim3A_491 : vector<256x1x256xf32> to vector<256x1x256xf32>
    %broadcast_in_dim3A_493 = vector.broadcast %broadcast_in_dim3A_492 : vector<256x1x256xf32> to vector<256x16x256xf32>
    %reshape3A_494 = vector.shape_cast %broadcast_in_dim3A_493 : vector<256x16x256xf32> to vector<4096x256xf32>
    %sub3A_495 = arith.subf %reshape3A_494, %dot_general3A_486 : vector<4096x256xf32>
    %get3A_496 = arith.constant 0 : index
    %get3A_497 = arith.constant 0 : index
    %get3A_498 = vector.load %arg20[%get3A_496, %get3A_497] : memref<1x256xf32, #tpu.memory_space<vmem>>, vector<1x256xf32>
    %add3A_499 = vector.broadcast %get3A_498 : vector<1x256xf32> to vector<4096x256xf32>
    %add3A_500 = arith.addf %sub3A_495, %add3A_499 : vector<4096x256xf32>
    %max3A_501 = arith.constant 0.000000e+00 : f32
    %max3A_502 = vector.broadcast %max3A_501 : f32 to vector<4096x256xf32>
    %max3A_503 = arith.maximumf %add3A_500, %max3A_502 : vector<4096x256xf32>
    %get3A_504 = arith.constant 0 : index
    %get3A_505 = arith.constant 0 : index
    %get3A_506 = vector.load %arg21[%get3A_504, %get3A_505] : memref<256x256xf32, #tpu.memory_space<vmem>>, vector<256x256xf32>
    %get3A_507 = arith.constant 0 : index
    %get3A_508 = arith.constant 0 : index
    %get3A_509 = vector.load %arg22[%get3A_507, %get3A_508] : memref<1x256xf32, #tpu.memory_space<vmem>>, vector<1x256xf32>
    %get3A_510 = arith.constant 0 : index
    %get3A_511 = arith.constant 0 : index
    %get3A_512 = vector.load %arg23[%get3A_510, %get3A_511] : memref<256x256xf32, #tpu.memory_space<vmem>>, vector<256x256xf32>
    %get3A_513 = arith.constant 0 : index
    %get3A_514 = arith.constant 0 : index
    %get3A_515 = vector.load %arg24[%get3A_513, %get3A_514] : memref<1x256xf32, #tpu.memory_space<vmem>>, vector<1x256xf32>
    %get3A_516 = arith.constant 0 : index
    %get3A_517 = arith.constant 0 : index
    %get3A_518 = vector.load %arg25[%get3A_516, %get3A_517] : memref<256x256xf32, #tpu.memory_space<vmem>>, vector<256x256xf32>
    %get3A_519 = arith.constant 0 : index
    %get3A_520 = arith.constant 0 : index
    %get3A_521 = vector.load %arg26[%get3A_519, %get3A_520] : memref<1x256xf32, #tpu.memory_space<vmem>>, vector<1x256xf32>
    %convert_element_type3A_522 = arith.truncf %max3A_503 : vector<4096x256xf32> to vector<4096x256xbf16>
    %convert_element_type3A_523 = arith.truncf %get3A_506 : vector<256x256xf32> to vector<256x256xbf16>
    %dot_general3A_524 = arith.constant dense<0.000000e+00> : vector<4096x256xf32>
    %dot_general3A_525 = tpu.matmul %convert_element_type3A_522, %convert_element_type3A_523, %dot_general3A_524 {dimension_numbers = #tpu.dot_dimension_numbers<[1], [0], [0], [1], [0, 0, 1, 1], [], []>, transpose_lhs_hint = false} : vector<4096x256xbf16>, vector<256x256xbf16>, vector<4096x256xf32> -> vector<4096x256xf32>
    %add3A_526 = vector.broadcast %get3A_509 : vector<1x256xf32> to vector<4096x256xf32>
    %add3A_527 = arith.addf %dot_general3A_525, %add3A_526 : vector<4096x256xf32>
    %sub3A_528 = arith.subf %reshape3A_490, %dot_general3A_482 : vector<4096x256xf32>
    %add3A_529 = arith.addf %sub3A_528, %add3A_527 : vector<4096x256xf32>
    %convert_element_type3A_530 = arith.truncf %add3A_529 : vector<4096x256xf32> to vector<4096x256xbf16>
    %convert_element_type3A_531 = arith.truncf %get3A_512 : vector<256x256xf32> to vector<256x256xbf16>
    %dot_general3A_532 = arith.constant dense<0.000000e+00> : vector<4096x256xf32>
    %dot_general3A_533 = tpu.matmul %convert_element_type3A_530, %convert_element_type3A_531, %dot_general3A_532 {dimension_numbers = #tpu.dot_dimension_numbers<[1], [0], [0], [1], [0, 0, 1, 1], [], []>, transpose_lhs_hint = false} : vector<4096x256xbf16>, vector<256x256xbf16>, vector<4096x256xf32> -> vector<4096x256xf32>
    %add3A_534 = vector.broadcast %get3A_515 : vector<1x256xf32> to vector<4096x256xf32>
    %add3A_535 = arith.addf %dot_general3A_533, %add3A_534 : vector<4096x256xf32>
    %max3A_536 = arith.constant 0.000000e+00 : f32
    %max3A_537 = vector.broadcast %max3A_536 : f32 to vector<4096x256xf32>
    %max3A_538 = arith.maximumf %add3A_535, %max3A_537 : vector<4096x256xf32>
    %convert_element_type3A_539 = arith.truncf %max3A_538 : vector<4096x256xf32> to vector<4096x256xbf16>
    %convert_element_type3A_540 = arith.truncf %get3A_518 : vector<256x256xf32> to vector<256x256xbf16>
    %dot_general3A_541 = arith.constant dense<0.000000e+00> : vector<4096x256xf32>
    %dot_general3A_542 = tpu.matmul %convert_element_type3A_539, %convert_element_type3A_540, %dot_general3A_541 {dimension_numbers = #tpu.dot_dimension_numbers<[1], [0], [0], [1], [0, 0, 1, 1], [], []>, transpose_lhs_hint = false} : vector<4096x256xbf16>, vector<256x256xbf16>, vector<4096x256xf32> -> vector<4096x256xf32>
    %add3A_543 = vector.broadcast %get3A_521 : vector<1x256xf32> to vector<4096x256xf32>
    %add3A_544 = arith.addf %dot_general3A_542, %add3A_543 : vector<4096x256xf32>
    %mul3A_545 = arith.constant 6.250000e-02 : f32
    %mul3A_546 = vector.broadcast %mul3A_545 : f32 to vector<4096x256xf32>
    %mul3A_547 = arith.mulf %add3A_544, %mul3A_546 : vector<4096x256xf32>
    %reshape3A_548 = vector.shape_cast %mul3A_547 : vector<4096x256xf32> to vector<256x16x256xf32>
    %reduce_max3A = arith.constant dense<0xFF800000> : vector<256x256xf32>
    %reduce_max3A_549 = vector.multi_reduction <maximumf>, %reshape3A_548, %reduce_max3A [1] : vector<256x16x256xf32> to vector<256x256xf32>
    %broadcast_in_dim3A_550 = vector.shape_cast %reduce_max3A_549 : vector<256x256xf32> to vector<256x1x256xf32>
    %sub3A_551 = vector.broadcast %broadcast_in_dim3A_550 : vector<256x1x256xf32> to vector<256x16x256xf32>
    %sub3A_552 = arith.subf %reshape3A_548, %sub3A_551 : vector<256x16x256xf32>
    %exp3A = math.exp %sub3A_552 : vector<256x16x256xf32>
    %reduce_sum3A_553 = arith.constant dense<0.000000e+00> : vector<256x256xf32>
    %reduce_sum3A_554 = vector.multi_reduction <add>, %exp3A, %reduce_sum3A_553 [1] : vector<256x16x256xf32> to vector<256x256xf32>
    %broadcast_in_dim3A_555 = vector.shape_cast %reduce_sum3A_554 : vector<256x256xf32> to vector<256x1x256xf32>
    %add3A_556 = arith.addf %dot_general3A_484, %add3A_527 : vector<4096x256xf32>
    %reshape3A_557 = vector.shape_cast %add3A_556 : vector<4096x256xf32> to vector<256x16x256xf32>
    %div3A_558 = vector.broadcast %broadcast_in_dim3A_555 : vector<256x1x256xf32> to vector<256x16x256xf32>
    %div3A_559 = arith.divf %exp3A, %div3A_558 : vector<256x16x256xf32>
    %mul3A_560 = arith.mulf %div3A_559, %reshape3A_557 : vector<256x16x256xf32>
    %reduce_sum3A_561 = arith.constant dense<0.000000e+00> : vector<256x256xf32>
    %reduce_sum3A_562 = vector.multi_reduction <add>, %mul3A_560, %reduce_sum3A_561 [1] : vector<256x16x256xf32> to vector<256x256xf32>
    %get3A_563 = arith.constant 0 : index
    %get3A_564 = arith.constant 0 : index
    %get3A_565 = vector.load %arg27[%get3A_563, %get3A_564] : memref<256x128xf32, #tpu.memory_space<vmem>>, vector<256x128xf32>
    %dot_general3A_566 = arith.constant dense<0.000000e+00> : vector<256x128xf32>
    %dot_general3A_567 = tpu.matmul %reduce_sum3A_562, %get3A_565, %dot_general3A_566 {dimension_numbers = #tpu.dot_dimension_numbers<[1], [0], [0], [1], [0, 0, 1, 1], [], []>, transpose_lhs_hint = false} : vector<256x256xf32>, vector<256x128xf32>, vector<256x128xf32> -> vector<256x128xf32>
    %get3A_568 = arith.constant 0 : index
    %get3A_569 = arith.constant 0 : index
    %get3A_570 = vector.load %arg28[%get3A_568, %get3A_569] : memref<1x128xf32, #tpu.memory_space<vmem>>, vector<1x128xf32>
    %add3A_571 = vector.broadcast %get3A_570 : vector<1x128xf32> to vector<256x128xf32>
    %add3A_572 = arith.addf %dot_general3A_567, %add3A_571 : vector<256x128xf32>
    %add3A_573 = arith.addf %add3A_572, %add3A_161 : vector<256x128xf32>
    %swap3A = arith.constant 0 : index
    %swap3A_574 = arith.constant 0 : index
    %swap3A_575 = vector.load %arg29[%swap3A, %swap3A_574] : memref<256x128xf32, #tpu.memory_space<vmem>>, vector<256x128xf32>
    tpu.vector_store %arg29[%swap3A, %swap3A_574], %add3A_573 {strides = array<i32>} : memref<256x128xf32, #tpu.memory_space<vmem>>, vector<256x128xf32>,
    return
  }
}

module attributes {stable_mosaic.version = 14 : i64} {
  func.func @_f16_body(%arg0: memref<16x512xf32, #tpu.memory_space<vmem>>, %arg1: memref<16x32xf32, #tpu.memory_space<vmem>>, %arg2: memref<512x256xf32, #tpu.memory_space<vmem>>, %arg3: memref<1x256xf32, #tpu.memory_space<vmem>>, %arg4: memref<256x256xf32, #tpu.memory_space<vmem>>, %arg5: memref<1x256xf32, #tpu.memory_space<vmem>>, %arg6: memref<256x512xf32, #tpu.memory_space<vmem>>, %arg7: memref<1x512xf32, #tpu.memory_space<vmem>>, %arg8: memref<512x256xf32, #tpu.memory_space<vmem>>, %arg9: memref<1x256xf32, #tpu.memory_space<vmem>>, %arg10: memref<256x256xf32, #tpu.memory_space<vmem>>, %arg11: memref<256x256xf32, #tpu.memory_space<vmem>>, %arg12: memref<256x256xf32, #tpu.memory_space<vmem>>, %arg13: memref<32x256xf32, #tpu.memory_space<vmem>>, %arg14: memref<1x256xf32, #tpu.memory_space<vmem>>, %arg15: memref<256x256xf32, #tpu.memory_space<vmem>>, %arg16: memref<1x256xf32, #tpu.memory_space<vmem>>, %arg17: memref<256x256xf32, #tpu.memory_space<vmem>>, %arg18: memref<1x256xf32, #tpu.memory_space<vmem>>, %arg19: memref<256x256xf32, #tpu.memory_space<vmem>>, %arg20: memref<1x256xf32, #tpu.memory_space<vmem>>, %arg21: memref<256x512xf32, #tpu.memory_space<vmem>>, %arg22: memref<1x512xf32, #tpu.memory_space<vmem>>, %arg23: memref<16x512xf32, #tpu.memory_space<vmem>>) attributes {dimension_semantics = [], scalar_prefetch = 0 : i64, scratch_operands = 0 : i64, tpu.core_type = #tpu.core_type<tc>} {
    %get3A = arith.constant 0 : index
    %get3A_0 = arith.constant 0 : index
    %get3A_1 = vector.load %arg0[%get3A, %get3A_0] : memref<16x512xf32, #tpu.memory_space<vmem>>, vector<16x512xf32>
    %get3A_2 = arith.constant 0 : index
    %get3A_3 = arith.constant 0 : index
    %get3A_4 = vector.load %arg2[%get3A_2, %get3A_3] : memref<512x256xf32, #tpu.memory_space<vmem>>, vector<512x256xf32>
    %dot_general3A = arith.constant dense<0.000000e+00> : vector<16x256xf32>
    %dot_general3A_5 = tpu.matmul %get3A_1, %get3A_4, %dot_general3A {dimension_numbers = #tpu.dot_dimension_numbers<[1], [0], [0], [1], [0, 0, 1, 1], [], []>, transpose_lhs_hint = false} : vector<16x512xf32>, vector<512x256xf32>, vector<16x256xf32> -> vector<16x256xf32>
    %get3A_6 = arith.constant 0 : index
    %get3A_7 = arith.constant 0 : index
    %get3A_8 = vector.load %arg3[%get3A_6, %get3A_7] : memref<1x256xf32, #tpu.memory_space<vmem>>, vector<1x256xf32>
    %add3A = vector.broadcast %get3A_8 : vector<1x256xf32> to vector<16x256xf32>
    %add3A_9 = arith.addf %dot_general3A_5, %add3A : vector<16x256xf32>
    %max3A = arith.constant 0.000000e+00 : f32
    %max3A_10 = vector.broadcast %max3A : f32 to vector<16x256xf32>
    %max3A_11 = arith.maximumf %add3A_9, %max3A_10 : vector<16x256xf32>
    %get3A_12 = arith.constant 0 : index
    %get3A_13 = arith.constant 0 : index
    %get3A_14 = vector.load %arg4[%get3A_12, %get3A_13] : memref<256x256xf32, #tpu.memory_space<vmem>>, vector<256x256xf32>
    %dot_general3A_15 = arith.constant dense<0.000000e+00> : vector<16x256xf32>
    %dot_general3A_16 = tpu.matmul %max3A_11, %get3A_14, %dot_general3A_15 {dimension_numbers = #tpu.dot_dimension_numbers<[1], [0], [0], [1], [0, 0, 1, 1], [], []>, transpose_lhs_hint = false} : vector<16x256xf32>, vector<256x256xf32>, vector<16x256xf32> -> vector<16x256xf32>
    %get3A_17 = arith.constant 0 : index
    %get3A_18 = arith.constant 0 : index
    %get3A_19 = vector.load %arg5[%get3A_17, %get3A_18] : memref<1x256xf32, #tpu.memory_space<vmem>>, vector<1x256xf32>
    %add3A_20 = vector.broadcast %get3A_19 : vector<1x256xf32> to vector<16x256xf32>
    %add3A_21 = arith.addf %dot_general3A_16, %add3A_20 : vector<16x256xf32>
    %max3A_22 = arith.constant 0.000000e+00 : f32
    %max3A_23 = vector.broadcast %max3A_22 : f32 to vector<16x256xf32>
    %max3A_24 = arith.maximumf %add3A_21, %max3A_23 : vector<16x256xf32>
    %get3A_25 = arith.constant 0 : index
    %get3A_26 = arith.constant 0 : index
    %get3A_27 = vector.load %arg6[%get3A_25, %get3A_26] : memref<256x512xf32, #tpu.memory_space<vmem>>, vector<256x512xf32>
    %dot_general3A_28 = arith.constant dense<0.000000e+00> : vector<16x512xf32>
    %dot_general3A_29 = tpu.matmul %max3A_24, %get3A_27, %dot_general3A_28 {dimension_numbers = #tpu.dot_dimension_numbers<[1], [0], [0], [1], [0, 0, 1, 1], [], []>, transpose_lhs_hint = false} : vector<16x256xf32>, vector<256x512xf32>, vector<16x512xf32> -> vector<16x512xf32>
    %get3A_30 = arith.constant 0 : index
    %get3A_31 = arith.constant 0 : index
    %get3A_32 = vector.load %arg7[%get3A_30, %get3A_31] : memref<1x512xf32, #tpu.memory_space<vmem>>, vector<1x512xf32>
    %add3A_33 = vector.broadcast %get3A_32 : vector<1x512xf32> to vector<16x512xf32>
    %add3A_34 = arith.addf %dot_general3A_29, %add3A_33 : vector<16x512xf32>
    %get3A_35 = arith.constant 0 : index
    %get3A_36 = arith.constant 0 : index
    %get3A_37 = vector.load %arg8[%get3A_35, %get3A_36] : memref<512x256xf32, #tpu.memory_space<vmem>>, vector<512x256xf32>
    %dot_general3A_38 = arith.constant dense<0.000000e+00> : vector<16x256xf32>
    %dot_general3A_39 = tpu.matmul %add3A_34, %get3A_37, %dot_general3A_38 {dimension_numbers = #tpu.dot_dimension_numbers<[1], [0], [0], [1], [0, 0, 1, 1], [], []>, transpose_lhs_hint = false} : vector<16x512xf32>, vector<512x256xf32>, vector<16x256xf32> -> vector<16x256xf32>
    %get3A_40 = arith.constant 0 : index
    %get3A_41 = arith.constant 0 : index
    %get3A_42 = vector.load %arg9[%get3A_40, %get3A_41] : memref<1x256xf32, #tpu.memory_space<vmem>>, vector<1x256xf32>
    %add3A_43 = vector.broadcast %get3A_42 : vector<1x256xf32> to vector<16x256xf32>
    %add3A_44 = arith.addf %dot_general3A_39, %add3A_43 : vector<16x256xf32>
    %get3A_45 = arith.constant 0 : index
    %get3A_46 = arith.constant 0 : index
    %get3A_47 = vector.load %arg10[%get3A_45, %get3A_46] : memref<256x256xf32, #tpu.memory_space<vmem>>, vector<256x256xf32>
    %dot_general3A_48 = arith.constant dense<0.000000e+00> : vector<16x256xf32>
    %dot_general3A_49 = tpu.matmul %add3A_44, %get3A_47, %dot_general3A_48 {dimension_numbers = #tpu.dot_dimension_numbers<[1], [0], [0], [1], [0, 0, 1, 1], [], []>, transpose_lhs_hint = false} : vector<16x256xf32>, vector<256x256xf32>, vector<16x256xf32> -> vector<16x256xf32>
    %get3A_50 = arith.constant 0 : index
    %get3A_51 = arith.constant 0 : index
    %get3A_52 = vector.load %arg11[%get3A_50, %get3A_51] : memref<256x256xf32, #tpu.memory_space<vmem>>, vector<256x256xf32>
    %dot_general3A_53 = arith.constant dense<0.000000e+00> : vector<16x256xf32>
    %dot_general3A_54 = tpu.matmul %add3A_44, %get3A_52, %dot_general3A_53 {dimension_numbers = #tpu.dot_dimension_numbers<[1], [0], [0], [1], [0, 0, 1, 1], [], []>, transpose_lhs_hint = false} : vector<16x256xf32>, vector<256x256xf32>, vector<16x256xf32> -> vector<16x256xf32>
    %get3A_55 = arith.constant 0 : index
    %get3A_56 = arith.constant 0 : index
    %get3A_57 = vector.load %arg12[%get3A_55, %get3A_56] : memref<256x256xf32, #tpu.memory_space<vmem>>, vector<256x256xf32>
    %dot_general3A_58 = arith.constant dense<0.000000e+00> : vector<16x256xf32>
    %dot_general3A_59 = tpu.matmul %add3A_44, %get3A_57, %dot_general3A_58 {dimension_numbers = #tpu.dot_dimension_numbers<[1], [0], [0], [1], [0, 0, 1, 1], [], []>, transpose_lhs_hint = false} : vector<16x256xf32>, vector<256x256xf32>, vector<16x256xf32> -> vector<16x256xf32>
    %get3A_60 = arith.constant 0 : index
    %get3A_61 = arith.constant 0 : index
    %get3A_62 = vector.load %arg1[%get3A_60, %get3A_61] : memref<16x32xf32, #tpu.memory_space<vmem>>, vector<16x32xf32>
    %get3A_63 = arith.constant 0 : index
    %get3A_64 = arith.constant 0 : index
    %get3A_65 = vector.load %arg13[%get3A_63, %get3A_64] : memref<32x256xf32, #tpu.memory_space<vmem>>, vector<32x256xf32>
    %dot_general3A_66 = arith.constant dense<0.000000e+00> : vector<16x256xf32>
    %dot_general3A_67 = tpu.matmul %get3A_62, %get3A_65, %dot_general3A_66 {dimension_numbers = #tpu.dot_dimension_numbers<[1], [0], [0], [1], [0, 0, 1, 1], [], []>, transpose_lhs_hint = false} : vector<16x32xf32>, vector<32x256xf32>, vector<16x256xf32> -> vector<16x256xf32>
    %broadcast_in_dim3A = vector.shape_cast %dot_general3A_49 : vector<16x256xf32> to vector<16x1x256xf32>
    %broadcast_in_dim3A_68 = vector.shape_cast %broadcast_in_dim3A : vector<16x1x256xf32> to vector<16x1x256xf32>
    %broadcast_in_dim3A_69 = vector.broadcast %broadcast_in_dim3A_68 : vector<16x1x256xf32> to vector<16x16x256xf32>
    %reshape3A = vector.shape_cast %broadcast_in_dim3A_69 : vector<16x16x256xf32> to vector<256x256xf32>
    %broadcast_in_dim3A_70 = vector.shape_cast %dot_general3A_67 : vector<16x256xf32> to vector<16x1x256xf32>
    %broadcast_in_dim3A_71 = vector.shape_cast %broadcast_in_dim3A_70 : vector<16x1x256xf32> to vector<16x1x256xf32>
    %broadcast_in_dim3A_72 = vector.broadcast %broadcast_in_dim3A_71 : vector<16x1x256xf32> to vector<16x16x256xf32>
    %reshape3A_73 = vector.shape_cast %broadcast_in_dim3A_72 : vector<16x16x256xf32> to vector<256x256xf32>
    %broadcast_in_dim3A_74 = vector.shape_cast %dot_general3A_54 : vector<16x256xf32> to vector<1x16x256xf32>
    %broadcast_in_dim3A_75 = vector.shape_cast %broadcast_in_dim3A_74 : vector<1x16x256xf32> to vector<1x16x256xf32>
    %broadcast_in_dim3A_76 = vector.broadcast %broadcast_in_dim3A_75 : vector<1x16x256xf32> to vector<16x16x256xf32>
    %reshape3A_77 = vector.shape_cast %broadcast_in_dim3A_76 : vector<16x16x256xf32> to vector<256x256xf32>
    %broadcast_in_dim3A_78 = vector.shape_cast %dot_general3A_59 : vector<16x256xf32> to vector<1x16x256xf32>
    %broadcast_in_dim3A_79 = vector.shape_cast %broadcast_in_dim3A_78 : vector<1x16x256xf32> to vector<1x16x256xf32>
    %broadcast_in_dim3A_80 = vector.broadcast %broadcast_in_dim3A_79 : vector<1x16x256xf32> to vector<16x16x256xf32>
    %reshape3A_81 = vector.shape_cast %broadcast_in_dim3A_80 : vector<16x16x256xf32> to vector<256x256xf32>
    %broadcast_in_dim3A_82 = vector.shape_cast %dot_general3A_67 : vector<16x256xf32> to vector<1x16x256xf32>
    %broadcast_in_dim3A_83 = vector.shape_cast %broadcast_in_dim3A_82 : vector<1x16x256xf32> to vector<1x16x256xf32>
    %broadcast_in_dim3A_84 = vector.broadcast %broadcast_in_dim3A_83 : vector<1x16x256xf32> to vector<16x16x256xf32>
    %reshape3A_85 = vector.shape_cast %broadcast_in_dim3A_84 : vector<16x16x256xf32> to vector<256x256xf32>
    %sub3A = arith.subf %reshape3A_73, %reshape3A_85 : vector<256x256xf32>
    %get3A_86 = arith.constant 0 : index
    %get3A_87 = arith.constant 0 : index
    %get3A_88 = vector.load %arg14[%get3A_86, %get3A_87] : memref<1x256xf32, #tpu.memory_space<vmem>>, vector<1x256xf32>
    %add3A_89 = vector.broadcast %get3A_88 : vector<1x256xf32> to vector<256x256xf32>
    %add3A_90 = arith.addf %sub3A, %add3A_89 : vector<256x256xf32>
    %max3A_91 = arith.constant 0.000000e+00 : f32
    %max3A_92 = vector.broadcast %max3A_91 : f32 to vector<256x256xf32>
    %max3A_93 = arith.maximumf %add3A_90, %max3A_92 : vector<256x256xf32>
    %get3A_94 = arith.constant 0 : index
    %get3A_95 = arith.constant 0 : index
    %get3A_96 = vector.load %arg15[%get3A_94, %get3A_95] : memref<256x256xf32, #tpu.memory_space<vmem>>, vector<256x256xf32>
    %get3A_97 = arith.constant 0 : index
    %get3A_98 = arith.constant 0 : index
    %get3A_99 = vector.load %arg16[%get3A_97, %get3A_98] : memref<1x256xf32, #tpu.memory_space<vmem>>, vector<1x256xf32>
    %get3A_100 = arith.constant 0 : index
    %get3A_101 = arith.constant 0 : index
    %get3A_102 = vector.load %arg17[%get3A_100, %get3A_101] : memref<256x256xf32, #tpu.memory_space<vmem>>, vector<256x256xf32>
    %get3A_103 = arith.constant 0 : index
    %get3A_104 = arith.constant 0 : index
    %get3A_105 = vector.load %arg18[%get3A_103, %get3A_104] : memref<1x256xf32, #tpu.memory_space<vmem>>, vector<1x256xf32>
    %get3A_106 = arith.constant 0 : index
    %get3A_107 = arith.constant 0 : index
    %get3A_108 = vector.load %arg19[%get3A_106, %get3A_107] : memref<256x256xf32, #tpu.memory_space<vmem>>, vector<256x256xf32>
    %get3A_109 = arith.constant 0 : index
    %get3A_110 = arith.constant 0 : index
    %get3A_111 = vector.load %arg20[%get3A_109, %get3A_110] : memref<1x256xf32, #tpu.memory_space<vmem>>, vector<1x256xf32>
    %convert_element_type3A = arith.truncf %max3A_93 : vector<256x256xf32> to vector<256x256xbf16>
    %convert_element_type3A_112 = arith.truncf %get3A_96 : vector<256x256xf32> to vector<256x256xbf16>
    %dot_general3A_113 = arith.constant dense<0.000000e+00> : vector<256x256xf32>
    %dot_general3A_114 = tpu.matmul %convert_element_type3A, %convert_element_type3A_112, %dot_general3A_113 {dimension_numbers = #tpu.dot_dimension_numbers<[1], [0], [0], [1], [0, 0, 1, 1], [], []>, transpose_lhs_hint = false} : vector<256x256xbf16>, vector<256x256xbf16>, vector<256x256xf32> -> vector<256x256xf32>
    %add3A_115 = vector.broadcast %get3A_99 : vector<1x256xf32> to vector<256x256xf32>
    %add3A_116 = arith.addf %dot_general3A_114, %add3A_115 : vector<256x256xf32>
    %sub3A_117 = arith.subf %reshape3A, %reshape3A_77 : vector<256x256xf32>
    %add3A_118 = arith.addf %sub3A_117, %add3A_116 : vector<256x256xf32>
    %convert_element_type3A_119 = arith.truncf %add3A_118 : vector<256x256xf32> to vector<256x256xbf16>
    %convert_element_type3A_120 = arith.truncf %get3A_102 : vector<256x256xf32> to vector<256x256xbf16>
    %dot_general3A_121 = arith.constant dense<0.000000e+00> : vector<256x256xf32>
    %dot_general3A_122 = tpu.matmul %convert_element_type3A_119, %convert_element_type3A_120, %dot_general3A_121 {dimension_numbers = #tpu.dot_dimension_numbers<[1], [0], [0], [1], [0, 0, 1, 1], [], []>, transpose_lhs_hint = false} : vector<256x256xbf16>, vector<256x256xbf16>, vector<256x256xf32> -> vector<256x256xf32>
    %add3A_123 = vector.broadcast %get3A_105 : vector<1x256xf32> to vector<256x256xf32>
    %add3A_124 = arith.addf %dot_general3A_122, %add3A_123 : vector<256x256xf32>
    %max3A_125 = arith.constant 0.000000e+00 : f32
    %max3A_126 = vector.broadcast %max3A_125 : f32 to vector<256x256xf32>
    %max3A_127 = arith.maximumf %add3A_124, %max3A_126 : vector<256x256xf32>
    %convert_element_type3A_128 = arith.truncf %max3A_127 : vector<256x256xf32> to vector<256x256xbf16>
    %convert_element_type3A_129 = arith.truncf %get3A_108 : vector<256x256xf32> to vector<256x256xbf16>
    %dot_general3A_130 = arith.constant dense<0.000000e+00> : vector<256x256xf32>
    %dot_general3A_131 = tpu.matmul %convert_element_type3A_128, %convert_element_type3A_129, %dot_general3A_130 {dimension_numbers = #tpu.dot_dimension_numbers<[1], [0], [0], [1], [0, 0, 1, 1], [], []>, transpose_lhs_hint = false} : vector<256x256xbf16>, vector<256x256xbf16>, vector<256x256xf32> -> vector<256x256xf32>
    %add3A_132 = vector.broadcast %get3A_111 : vector<1x256xf32> to vector<256x256xf32>
    %add3A_133 = arith.addf %dot_general3A_131, %add3A_132 : vector<256x256xf32>
    %mul3A = arith.constant 6.250000e-02 : f32
    %mul3A_134 = vector.broadcast %mul3A : f32 to vector<256x256xf32>
    %mul3A_135 = arith.mulf %add3A_133, %mul3A_134 : vector<256x256xf32>
    %reshape3A_136 = vector.shape_cast %mul3A_135 : vector<256x256xf32> to vector<16x16x256xf32>
    %reduce_max3A = arith.constant dense<0xFF800000> : vector<16x256xf32>
    %reduce_max3A_137 = vector.multi_reduction <maximumf>, %reshape3A_136, %reduce_max3A [1] : vector<16x16x256xf32> to vector<16x256xf32>
    %broadcast_in_dim3A_138 = vector.shape_cast %reduce_max3A_137 : vector<16x256xf32> to vector<16x1x256xf32>
    %sub3A_139 = vector.broadcast %broadcast_in_dim3A_138 : vector<16x1x256xf32> to vector<16x16x256xf32>
    %sub3A_140 = arith.subf %reshape3A_136, %sub3A_139 : vector<16x16x256xf32>
    %exp3A = math.exp %sub3A_140 : vector<16x16x256xf32>
    %reduce_sum3A = arith.constant dense<0.000000e+00> : vector<16x256xf32>
    %reduce_sum3A_141 = vector.multi_reduction <add>, %exp3A, %reduce_sum3A [1] : vector<16x16x256xf32> to vector<16x256xf32>
    %broadcast_in_dim3A_142 = vector.shape_cast %reduce_sum3A_141 : vector<16x256xf32> to vector<16x1x256xf32>
    %add3A_143 = arith.addf %reshape3A_81, %add3A_116 : vector<256x256xf32>
    %reshape3A_144 = vector.shape_cast %add3A_143 : vector<256x256xf32> to vector<16x16x256xf32>
    %div3A = vector.broadcast %broadcast_in_dim3A_142 : vector<16x1x256xf32> to vector<16x16x256xf32>
    %div3A_145 = arith.divf %exp3A, %div3A : vector<16x16x256xf32>
    %mul3A_146 = arith.mulf %div3A_145, %reshape3A_144 : vector<16x16x256xf32>
    %reduce_sum3A_147 = arith.constant dense<0.000000e+00> : vector<16x256xf32>
    %reduce_sum3A_148 = vector.multi_reduction <add>, %mul3A_146, %reduce_sum3A_147 [1] : vector<16x16x256xf32> to vector<16x256xf32>
    %get3A_149 = arith.constant 0 : index
    %get3A_150 = arith.constant 0 : index
    %get3A_151 = vector.load %arg21[%get3A_149, %get3A_150] : memref<256x512xf32, #tpu.memory_space<vmem>>, vector<256x512xf32>
    %dot_general3A_152 = arith.constant dense<0.000000e+00> : vector<16x512xf32>
    %dot_general3A_153 = tpu.matmul %reduce_sum3A_148, %get3A_151, %dot_general3A_152 {dimension_numbers = #tpu.dot_dimension_numbers<[1], [0], [0], [1], [0, 0, 1, 1], [], []>, transpose_lhs_hint = false} : vector<16x256xf32>, vector<256x512xf32>, vector<16x512xf32> -> vector<16x512xf32>
    %get3A_154 = arith.constant 0 : index
    %get3A_155 = arith.constant 0 : index
    %get3A_156 = vector.load %arg22[%get3A_154, %get3A_155] : memref<1x512xf32, #tpu.memory_space<vmem>>, vector<1x512xf32>
    %add3A_157 = vector.broadcast %get3A_156 : vector<1x512xf32> to vector<16x512xf32>
    %add3A_158 = arith.addf %dot_general3A_153, %add3A_157 : vector<16x512xf32>
    %add3A_159 = arith.addf %add3A_158, %add3A_34 : vector<16x512xf32>
    %swap3A = arith.constant 0 : index
    %swap3A_160 = arith.constant 0 : index
    %swap3A_161 = vector.load %arg23[%swap3A, %swap3A_160] : memref<16x512xf32, #tpu.memory_space<vmem>>, vector<16x512xf32>
    tpu.vector_store %arg23[%swap3A, %swap3A_160], %add3A_159 {strides = array<i32>} : memref<16x512xf32, #tpu.memory_space<vmem>>, vector<16x512xf32>,
    return
  }
}

module attributes {stable_mosaic.version = 14 : i64} {
  func.func @_tu_body(%arg0: i32, %arg1: memref<256x8xf32, #tpu.memory_space<vmem>>, %arg2: memref<8x256xf32, #tpu.memory_space<vmem>>, %arg3: memref<256x128xf32, #tpu.memory_space<vmem>>, %arg4: memref<256x64xf32, #tpu.memory_space<vmem>>, %arg5: memref<128x64xf32, #tpu.memory_space<vmem>>, %arg6: memref<1x64xf32, #tpu.memory_space<vmem>>, %arg7: memref<1x64xf32, #tpu.memory_space<vmem>>, %arg8: memref<1x64xf32, #tpu.memory_space<vmem>>, %arg9: memref<64x64xf32, #tpu.memory_space<vmem>>, %arg10: memref<1x64xf32, #tpu.memory_space<vmem>>, %arg11: memref<1x64xf32, #tpu.memory_space<vmem>>, %arg12: memref<1x64xf32, #tpu.memory_space<vmem>>, %arg13: memref<256x64xf32, #tpu.memory_space<vmem>>) attributes {dimension_semantics = [#tpu.dimension_semantics<parallel>], iteration_bounds = array<i64: 4>, scalar_prefetch = 0 : i64, scratch_operands = 0 : i64, tpu.core_type = #tpu.core_type<tc>, window_params = [{transform_indices = @transform_0, window_bounds = array<i64: 256, 8>}, {pipeline_mode = #tpu.pipeline_mode<synchronous>, transform_indices = @transform_1, window_bounds = array<i64: 8, 256>}, {pipeline_mode = #tpu.pipeline_mode<synchronous>, transform_indices = @transform_2, window_bounds = array<i64: 256, 128>}, {transform_indices = @transform_3, window_bounds = array<i64: 256, 64>}, {pipeline_mode = #tpu.pipeline_mode<synchronous>, transform_indices = @transform_4, window_bounds = array<i64: 128, 64>}, {pipeline_mode = #tpu.pipeline_mode<synchronous>, transform_indices = @transform_5, window_bounds = array<i64: 1, 64>}, {pipeline_mode = #tpu.pipeline_mode<synchronous>, transform_indices = @transform_6, window_bounds = array<i64: 1, 64>}, {pipeline_mode = #tpu.pipeline_mode<synchronous>, transform_indices = @transform_7, window_bounds = array<i64: 1, 64>}, {pipeline_mode = #tpu.pipeline_mode<synchronous>, transform_indices = @transform_8, window_bounds = array<i64: 64, 64>}, {pipeline_mode = #tpu.pipeline_mode<synchronous>, transform_indices = @transform_9, window_bounds = array<i64: 1, 64>}, {pipeline_mode = #tpu.pipeline_mode<synchronous>, transform_indices = @transform_10, window_bounds = array<i64: 1, 64>}, {pipeline_mode = #tpu.pipeline_mode<synchronous>, transform_indices = @transform_11, window_bounds = array<i64: 1, 64>}, {transform_indices = @transform_12, window_bounds = array<i64: 256, 64>}]} {
    %get3A = arith.constant 0 : index
    %get3A_0 = arith.constant 0 : index
    %get3A_1 = vector.load %arg1[%get3A, %get3A_0] : memref<256x8xf32, #tpu.memory_space<vmem>>, vector<256x8xf32>
    %get3A_2 = arith.constant 0 : index
    %get3A_3 = arith.constant 0 : index
    %get3A_4 = vector.load %arg2[%get3A_2, %get3A_3] : memref<8x256xf32, #tpu.memory_space<vmem>>, vector<8x256xf32>
    %get3A_5 = arith.constant 0 : index
    %get3A_6 = arith.constant 0 : index
    %get3A_7 = vector.load %arg3[%get3A_5, %get3A_6] : memref<256x128xf32, #tpu.memory_space<vmem>>, vector<256x128xf32>
    %get3A_8 = arith.constant 0 : index
    %get3A_9 = arith.constant 0 : index
    %get3A_10 = vector.load %arg4[%get3A_8, %get3A_9] : memref<256x64xf32, #tpu.memory_space<vmem>>, vector<256x64xf32>
    %get3A_11 = arith.constant 0 : index
    %get3A_12 = arith.constant 0 : index
    %get3A_13 = vector.load %arg5[%get3A_11, %get3A_12] : memref<128x64xf32, #tpu.memory_space<vmem>>, vector<128x64xf32>
    %get3A_14 = arith.constant 0 : index
    %get3A_15 = arith.constant 0 : index
    %get3A_16 = vector.load %arg6[%get3A_14, %get3A_15] : memref<1x64xf32, #tpu.memory_space<vmem>>, vector<1x64xf32>
    %get3A_17 = arith.constant 0 : index
    %get3A_18 = arith.constant 0 : index
    %get3A_19 = vector.load %arg7[%get3A_17, %get3A_18] : memref<1x64xf32, #tpu.memory_space<vmem>>, vector<1x64xf32>
    %get3A_20 = arith.constant 0 : index
    %get3A_21 = arith.constant 0 : index
    %get3A_22 = vector.load %arg8[%get3A_20, %get3A_21] : memref<1x64xf32, #tpu.memory_space<vmem>>, vector<1x64xf32>
    %get3A_23 = arith.constant 0 : index
    %get3A_24 = arith.constant 0 : index
    %get3A_25 = vector.load %arg9[%get3A_23, %get3A_24] : memref<64x64xf32, #tpu.memory_space<vmem>>, vector<64x64xf32>
    %get3A_26 = arith.constant 0 : index
    %get3A_27 = arith.constant 0 : index
    %get3A_28 = vector.load %arg10[%get3A_26, %get3A_27] : memref<1x64xf32, #tpu.memory_space<vmem>>, vector<1x64xf32>
    %get3A_29 = arith.constant 0 : index
    %get3A_30 = arith.constant 0 : index
    %get3A_31 = vector.load %arg11[%get3A_29, %get3A_30] : memref<1x64xf32, #tpu.memory_space<vmem>>, vector<1x64xf32>
    %get3A_32 = arith.constant 0 : index
    %get3A_33 = arith.constant 0 : index
    %get3A_34 = vector.load %arg12[%get3A_32, %get3A_33] : memref<1x64xf32, #tpu.memory_space<vmem>>, vector<1x64xf32>
    %dot_general3A = arith.constant dense<0.000000e+00> : vector<256x64xf32>
    %dot_general3A_35 = tpu.matmul %get3A_10, %get3A_25, %dot_general3A {dimension_numbers = #tpu.dot_dimension_numbers<[1], [0], [0], [1], [0, 0, 1, 1], [], []>, transpose_lhs_hint = false} : vector<256x64xf32>, vector<64x64xf32>, vector<256x64xf32> -> vector<256x64xf32>
    %add3A = vector.broadcast %get3A_28 : vector<1x64xf32> to vector<256x64xf32>
    %add3A_36 = arith.addf %dot_general3A_35, %add3A : vector<256x64xf32>
    %mul3A = arith.constant 0.999994993 : f32
    %mul3A_37 = vector.broadcast %mul3A : f32 to vector<1x64xf32>
    %mul3A_38 = arith.mulf %get3A_31, %mul3A_37 : vector<1x64xf32>
    %mul3A_39 = vector.broadcast %mul3A_38 : vector<1x64xf32> to vector<256x64xf32>
    %mul3A_40 = arith.mulf %add3A_36, %mul3A_39 : vector<256x64xf32>
    %add3A_41 = vector.broadcast %get3A_34 : vector<1x64xf32> to vector<256x64xf32>
    %add3A_42 = arith.addf %mul3A_40, %add3A_41 : vector<256x64xf32>
    %max3A = arith.constant 0.000000e+00 : f32
    %max3A_43 = vector.broadcast %max3A : f32 to vector<256x64xf32>
    %max3A_44 = arith.maximumf %add3A_42, %max3A_43 : vector<256x64xf32>
    %dot_general3A_45 = arith.constant dense<0.000000e+00> : vector<256x64xf32>
    %dot_general3A_46 = tpu.matmul %get3A_7, %get3A_13, %dot_general3A_45 {dimension_numbers = #tpu.dot_dimension_numbers<[1], [0], [0], [1], [0, 0, 1, 1], [], []>, transpose_lhs_hint = false} : vector<256x128xf32>, vector<128x64xf32>, vector<256x64xf32> -> vector<256x64xf32>
    %add3A_47 = vector.broadcast %get3A_16 : vector<1x64xf32> to vector<256x64xf32>
    %add3A_48 = arith.addf %dot_general3A_46, %add3A_47 : vector<256x64xf32>
    %mul3A_49 = arith.constant 0.999994993 : f32
    %mul3A_50 = vector.broadcast %mul3A_49 : f32 to vector<1x64xf32>
    %mul3A_51 = arith.mulf %get3A_19, %mul3A_50 : vector<1x64xf32>
    %mul3A_52 = vector.broadcast %mul3A_51 : vector<1x64xf32> to vector<256x64xf32>
    %mul3A_53 = arith.mulf %add3A_48, %mul3A_52 : vector<256x64xf32>
    %add3A_54 = vector.broadcast %get3A_22 : vector<1x64xf32> to vector<256x64xf32>
    %add3A_55 = arith.addf %mul3A_53, %add3A_54 : vector<256x64xf32>
    %max3A_56 = arith.constant 0.000000e+00 : f32
    %max3A_57 = vector.broadcast %max3A_56 : f32 to vector<256x64xf32>
    %max3A_58 = arith.maximumf %add3A_55, %max3A_57 : vector<256x64xf32>
    %mul3A_59 = arith.mulf %get3A_1, %get3A_1 : vector<256x8xf32>
    %reduce_sum3A = arith.constant dense<0.000000e+00> : vector<256xf32>
    %reduce_sum3A_60 = vector.multi_reduction <add>, %mul3A_59, %reduce_sum3A [1] : vector<256x8xf32> to vector<256xf32>
    %broadcast_in_dim3A = vector.shape_cast %reduce_sum3A_60 : vector<256xf32> to vector<256x1xf32>
    %mul3A_61 = arith.mulf %get3A_4, %get3A_4 : vector<8x256xf32>
    %reduce_sum3A_62 = arith.constant dense<0.000000e+00> : vector<256xf32>
    %reduce_sum3A_63 = vector.multi_reduction <add>, %mul3A_61, %reduce_sum3A_62 [0] : vector<8x256xf32> to vector<256xf32>
    %broadcast_in_dim3A_64 = vector.shape_cast %reduce_sum3A_63 : vector<256xf32> to vector<1x256xf32>
    %add3A_65 = vector.broadcast %broadcast_in_dim3A : vector<256x1xf32> to vector<256x256xf32>
    %add3A_66 = vector.broadcast %broadcast_in_dim3A_64 : vector<1x256xf32> to vector<256x256xf32>
    %add3A_67 = arith.addf %add3A_65, %add3A_66 : vector<256x256xf32>
    %dot_general3A_68 = arith.constant dense<0.000000e+00> : vector<256x256xf32>
    %dot_general3A_69 = tpu.matmul %get3A_1, %get3A_4, %dot_general3A_68 {dimension_numbers = #tpu.dot_dimension_numbers<[1], [0], [0], [1], [0, 0, 1, 1], [], []>, precision = #tpu.contract_precision<fp32>, transpose_lhs_hint = false} : vector<256x8xf32>, vector<8x256xf32>, vector<256x256xf32> -> vector<256x256xf32>
    %mul3A_70 = arith.constant 2.000000e+00 : f32
    %mul3A_71 = vector.broadcast %mul3A_70 : f32 to vector<256x256xf32>
    %mul3A_72 = arith.mulf %mul3A_71, %dot_general3A_69 : vector<256x256xf32>
    %sub3A = arith.subf %add3A_67, %mul3A_72 : vector<256x256xf32>
    %max3A_73 = arith.constant 0.000000e+00 : f32
    %max3A_74 = vector.broadcast %max3A_73 : f32 to vector<256x256xf32>
    %max3A_75 = arith.maximumf %sub3A, %max3A_74 : vector<256x256xf32>
    %iota3A = tpu.iota {dimensions = array<i32: 1>} : vector<256x256xi32>
    %convert_element_type3A = arith.sitofp %iota3A : vector<256x256xi32> to vector<256x256xf32>
    %reduce_min3A = arith.constant dense<0x7F800000> : vector<256xf32>
    %reduce_min3A_76 = vector.multi_reduction <minimumf>, %max3A_75, %reduce_min3A [1] : vector<256x256xf32> to vector<256xf32>
    %broadcast_in_dim3A_77 = vector.shape_cast %reduce_min3A_76 : vector<256xf32> to vector<256x1xf32>
    %le3A = vector.broadcast %broadcast_in_dim3A_77 : vector<256x1xf32> to vector<256x256xf32>
    %le3A_78 = arith.cmpf ole, %max3A_75, %le3A : vector<256x256xf32>
    %jit3A = arith.constant 1.000000e+30 : f32
    %broadcast_in_dim3A_79 = vector.broadcast %jit3A : f32 to vector<256x256xf32>
    %select_n3A = arith.select %le3A_78, %convert_element_type3A, %broadcast_in_dim3A_79 : vector<256x256xi1>, vector<256x256xf32>
    %reduce_min3A_80 = arith.constant dense<0x7F800000> : vector<256xf32>
    %reduce_min3A_81 = vector.multi_reduction <minimumf>, %select_n3A, %reduce_min3A_80 [1] : vector<256x256xf32> to vector<256xf32>
    %broadcast_in_dim3A_82 = vector.shape_cast %reduce_min3A_81 : vector<256xf32> to vector<256x1xf32>
    %add3A_83 = arith.constant 9.99999993E-9 : f32
    %add3A_84 = vector.broadcast %add3A_83 : f32 to vector<256x1xf32>
    %add3A_85 = arith.addf %broadcast_in_dim3A_77, %add3A_84 : vector<256x1xf32>
    %div3A = arith.constant 1.000000e+00 : f32
    %div3A_86 = vector.broadcast %div3A : f32 to vector<256x1xf32>
    %div3A_87 = arith.divf %div3A_86, %add3A_85 : vector<256x1xf32>
    %eq3A = vector.broadcast %broadcast_in_dim3A_82 : vector<256x1xf32> to vector<256x256xf32>
    %eq3A_88 = arith.cmpf oeq, %convert_element_type3A, %eq3A : vector<256x256xf32>
    %eq3A_89 = vector.broadcast %broadcast_in_dim3A_82 : vector<256x1xf32> to vector<256x256xf32>
    %eq3A_90 = arith.cmpf oeq, %convert_element_type3A, %eq3A_89 : vector<256x256xf32>
    %jit3A_91 = arith.constant 1.000000e+30 : f32
    %broadcast_in_dim3A_92 = vector.broadcast %jit3A_91 : f32 to vector<256x256xf32>
    %select_n3A_93 = arith.select %eq3A_90, %broadcast_in_dim3A_92, %max3A_75 : vector<256x256xi1>, vector<256x256xf32>
    %reduce_min3A_94 = arith.constant dense<0x7F800000> : vector<256xf32>
    %reduce_min3A_95 = vector.multi_reduction <minimumf>, %select_n3A_93, %reduce_min3A_94 [1] : vector<256x256xf32> to vector<256xf32>
    %broadcast_in_dim3A_96 = vector.shape_cast %reduce_min3A_95 : vector<256xf32> to vector<256x1xf32>
    %le3A_97 = vector.broadcast %broadcast_in_dim3A_96 : vector<256x1xf32> to vector<256x256xf32>
    %le3A_98 = arith.cmpf ole, %select_n3A_93, %le3A_97 : vector<256x256xf32>
    %jit3A_99 = arith.constant 1.000000e+30 : f32
    %broadcast_in_dim3A_100 = vector.broadcast %jit3A_99 : f32 to vector<256x256xf32>
    %select_n3A_101 = arith.select %le3A_98, %convert_element_type3A, %broadcast_in_dim3A_100 : vector<256x256xi1>, vector<256x256xf32>
    %reduce_min3A_102 = arith.constant dense<0x7F800000> : vector<256xf32>
    %reduce_min3A_103 = vector.multi_reduction <minimumf>, %select_n3A_101, %reduce_min3A_102 [1] : vector<256x256xf32> to vector<256xf32>
    %broadcast_in_dim3A_104 = vector.shape_cast %reduce_min3A_103 : vector<256xf32> to vector<256x1xf32>
    %add3A_105 = arith.constant 9.99999993E-9 : f32
    %add3A_106 = vector.broadcast %add3A_105 : f32 to vector<256x1xf32>
    %add3A_107 = arith.addf %broadcast_in_dim3A_96, %add3A_106 : vector<256x1xf32>
    %div3A_108 = arith.constant 1.000000e+00 : f32
    %div3A_109 = vector.broadcast %div3A_108 : f32 to vector<256x1xf32>
    %div3A_110 = arith.divf %div3A_109, %add3A_107 : vector<256x1xf32>
    %eq3A_111 = vector.broadcast %broadcast_in_dim3A_104 : vector<256x1xf32> to vector<256x256xf32>
    %eq3A_112 = arith.cmpf oeq, %convert_element_type3A, %eq3A_111 : vector<256x256xf32>
    %eq3A_113 = vector.broadcast %broadcast_in_dim3A_104 : vector<256x1xf32> to vector<256x256xf32>
    %eq3A_114 = arith.cmpf oeq, %convert_element_type3A, %eq3A_113 : vector<256x256xf32>
    %jit3A_115 = arith.constant 1.000000e+30 : f32
    %broadcast_in_dim3A_116 = vector.broadcast %jit3A_115 : f32 to vector<256x256xf32>
    %select_n3A_117 = arith.select %eq3A_114, %broadcast_in_dim3A_116, %select_n3A_93 : vector<256x256xi1>, vector<256x256xf32>
    %reduce_min3A_118 = arith.constant dense<0x7F800000> : vector<256xf32>
    %reduce_min3A_119 = vector.multi_reduction <minimumf>, %select_n3A_117, %reduce_min3A_118 [1] : vector<256x256xf32> to vector<256xf32>
    %broadcast_in_dim3A_120 = vector.shape_cast %reduce_min3A_119 : vector<256xf32> to vector<256x1xf32>
    %le3A_121 = vector.broadcast %broadcast_in_dim3A_120 : vector<256x1xf32> to vector<256x256xf32>
    %le3A_122 = arith.cmpf ole, %select_n3A_117, %le3A_121 : vector<256x256xf32>
    %jit3A_123 = arith.constant 1.000000e+30 : f32
    %broadcast_in_dim3A_124 = vector.broadcast %jit3A_123 : f32 to vector<256x256xf32>
    %select_n3A_125 = arith.select %le3A_122, %convert_element_type3A, %broadcast_in_dim3A_124 : vector<256x256xi1>, vector<256x256xf32>
    %reduce_min3A_126 = arith.constant dense<0x7F800000> : vector<256xf32>
    %reduce_min3A_127 = vector.multi_reduction <minimumf>, %select_n3A_125, %reduce_min3A_126 [1] : vector<256x256xf32> to vector<256xf32>
    %broadcast_in_dim3A_128 = vector.shape_cast %reduce_min3A_127 : vector<256xf32> to vector<256x1xf32>
    %add3A_129 = arith.constant 9.99999993E-9 : f32
    %add3A_130 = vector.broadcast %add3A_129 : f32 to vector<256x1xf32>
    %add3A_131 = arith.addf %broadcast_in_dim3A_120, %add3A_130 : vector<256x1xf32>
    %div3A_132 = arith.constant 1.000000e+00 : f32
    %div3A_133 = vector.broadcast %div3A_132 : f32 to vector<256x1xf32>
    %div3A_134 = arith.divf %div3A_133, %add3A_131 : vector<256x1xf32>
    %eq3A_135 = vector.broadcast %broadcast_in_dim3A_128 : vector<256x1xf32> to vector<256x256xf32>
    %eq3A_136 = arith.cmpf oeq, %convert_element_type3A, %eq3A_135 : vector<256x256xf32>
    %add3A_137 = arith.addf %div3A_87, %div3A_110 : vector<256x1xf32>
    %add3A_138 = arith.addf %add3A_137, %div3A_134 : vector<256x1xf32>
    %div3A_139 = arith.divf %div3A_87, %add3A_138 : vector<256x1xf32>
    %jit3A_140 = arith.constant 0.000000e+00 : f32
    %broadcast_in_dim3A_141 = vector.shape_cast %div3A_139 : vector<256x1xf32> to vector<256x1xf32>
    %broadcast_in_dim3A_142 = vector.broadcast %broadcast_in_dim3A_141 : vector<256x1xf32> to vector<256x256xf32>
    %broadcast_in_dim3A_143 = vector.broadcast %jit3A_140 : f32 to vector<256x256xf32>
    %select_n3A_144 = arith.select %eq3A_88, %broadcast_in_dim3A_142, %broadcast_in_dim3A_143 : vector<256x256xi1>, vector<256x256xf32>
    %div3A_145 = arith.divf %div3A_110, %add3A_138 : vector<256x1xf32>
    %jit3A_146 = arith.constant 0.000000e+00 : f32
    %broadcast_in_dim3A_147 = vector.shape_cast %div3A_145 : vector<256x1xf32> to vector<256x1xf32>
    %broadcast_in_dim3A_148 = vector.broadcast %broadcast_in_dim3A_147 : vector<256x1xf32> to vector<256x256xf32>
    %broadcast_in_dim3A_149 = vector.broadcast %jit3A_146 : f32 to vector<256x256xf32>
    %select_n3A_150 = arith.select %eq3A_112, %broadcast_in_dim3A_148, %broadcast_in_dim3A_149 : vector<256x256xi1>, vector<256x256xf32>
    %add3A_151 = arith.addf %select_n3A_144, %select_n3A_150 : vector<256x256xf32>
    %div3A_152 = arith.divf %div3A_134, %add3A_138 : vector<256x1xf32>
    %jit3A_153 = arith.constant 0.000000e+00 : f32
    %broadcast_in_dim3A_154 = vector.shape_cast %div3A_152 : vector<256x1xf32> to vector<256x1xf32>
    %broadcast_in_dim3A_155 = vector.broadcast %broadcast_in_dim3A_154 : vector<256x1xf32> to vector<256x256xf32>
    %broadcast_in_dim3A_156 = vector.broadcast %jit3A_153 : f32 to vector<256x256xf32>
    %select_n3A_157 = arith.select %eq3A_136, %broadcast_in_dim3A_155, %broadcast_in_dim3A_156 : vector<256x256xi1>, vector<256x256xf32>
    %add3A_158 = arith.addf %add3A_151, %select_n3A_157 : vector<256x256xf32>
    %dot_general3A_159 = arith.constant dense<0.000000e+00> : vector<256x64xf32>
    %dot_general3A_160 = tpu.matmul %add3A_158, %max3A_58, %dot_general3A_159 {dimension_numbers = #tpu.dot_dimension_numbers<[1], [0], [0], [1], [0, 0, 1, 1], [], []>, transpose_lhs_hint = false} : vector<256x256xf32>, vector<256x64xf32>, vector<256x64xf32> -> vector<256x64xf32>
    %add3A_161 = arith.addf %dot_general3A_160, %max3A_44 : vector<256x64xf32>
    %swap3A = arith.constant 0 : index
    %swap3A_162 = arith.constant 0 : index
    %swap3A_163 = vector.load %arg13[%swap3A, %swap3A_162] : memref<256x64xf32, #tpu.memory_space<vmem>>, vector<256x64xf32>
    tpu.vector_store %arg13[%swap3A, %swap3A_162], %add3A_161 {strides = array<i32>} : memref<256x64xf32, #tpu.memory_space<vmem>>, vector<256x64xf32>,
    return
  }
  func.func @transform_0(%arg0: i32) -> (i32, i32) {
    %c0_i32 = arith.constant 0 : i32
    %c0_i32_0 = arith.constant 0 : i32
    return %arg0, %c0_i32 : i32, i32
  }
  func.func @transform_1(%arg0: i32) -> (i32, i32) {
    %c0_i32 = arith.constant 0 : i32
    %c0_i32_0 = arith.constant 0 : i32
    %c0_i32_1 = arith.constant 0 : i32
    return %c0_i32, %c0_i32_0 : i32, i32
  }
  func.func @transform_2(%arg0: i32) -> (i32, i32) {
    %c0_i32 = arith.constant 0 : i32
    %c0_i32_0 = arith.constant 0 : i32
    %c0_i32_1 = arith.constant 0 : i32
    return %c0_i32, %c0_i32_0 : i32, i32
  }
  func.func @transform_3(%arg0: i32) -> (i32, i32) {
    %c0_i32 = arith.constant 0 : i32
    %c0_i32_0 = arith.constant 0 : i32
    return %arg0, %c0_i32 : i32, i32
  }
  func.func @transform_4(%arg0: i32) -> (i32, i32) {
    %c0_i32 = arith.constant 0 : i32
    %c0_i32_0 = arith.constant 0 : i32
    %c0_i32_1 = arith.constant 0 : i32
    return %c0_i32, %c0_i32_0 : i32, i32
  }
  func.func @transform_5(%arg0: i32) -> (i32, i32) {
    %c0_i32 = arith.constant 0 : i32
    %c0_i32_0 = arith.constant 0 : i32
    %c0_i32_1 = arith.constant 0 : i32
    return %c0_i32, %c0_i32_0 : i32, i32
  }
  func.func @transform_6(%arg0: i32) -> (i32, i32) {
    %c0_i32 = arith.constant 0 : i32
    %c0_i32_0 = arith.constant 0 : i32
    %c0_i32_1 = arith.constant 0 : i32
    return %c0_i32, %c0_i32_0 : i32, i32
  }
  func.func @transform_7(%arg0: i32) -> (i32, i32) {
    %c0_i32 = arith.constant 0 : i32
    %c0_i32_0 = arith.constant 0 : i32
    %c0_i32_1 = arith.constant 0 : i32
    return %c0_i32, %c0_i32_0 : i32, i32
  }
  func.func @transform_8(%arg0: i32) -> (i32, i32) {
    %c0_i32 = arith.constant 0 : i32
    %c0_i32_0 = arith.constant 0 : i32
    %c0_i32_1 = arith.constant 0 : i32
    return %c0_i32, %c0_i32_0 : i32, i32
  }
  func.func @transform_9(%arg0: i32) -> (i32, i32) {
    %c0_i32 = arith.constant 0 : i32
    %c0_i32_0 = arith.constant 0 : i32
    %c0_i32_1 = arith.constant 0 : i32
    return %c0_i32, %c0_i32_0 : i32, i32
  }
  func.func @transform_10(%arg0: i32) -> (i32, i32) {
    %c0_i32 = arith.constant 0 : i32
    %c0_i32_0 = arith.constant 0 : i32
    %c0_i32_1 = arith.constant 0 : i32
    return %c0_i32, %c0_i32_0 : i32, i32
  }
  func.func @transform_11(%arg0: i32) -> (i32, i32) {
    %c0_i32 = arith.constant 0 : i32
    %c0_i32_0 = arith.constant 0 : i32
    %c0_i32_1 = arith.constant 0 : i32
    return %c0_i32, %c0_i32_0 : i32, i32
  }
  func.func @transform_12(%arg0: i32) -> (i32, i32) {
    %c0_i32 = arith.constant 0 : i32
    %c0_i32_0 = arith.constant 0 : i32
    return %arg0, %c0_i32 : i32, i32
  }
}

module attributes {stable_mosaic.version = 14 : i64} {
  func.func @_pre_body(%arg0: i32, %arg1: memref<512x64xf32, #tpu.memory_space<vmem>>, %arg2: memref<512x128xf32, #tpu.memory_space<vmem>>, %arg3: memref<64x256xf32, #tpu.memory_space<vmem>>, %arg4: memref<1x256xf32, #tpu.memory_space<vmem>>, %arg5: memref<256x256xf32, #tpu.memory_space<vmem>>, %arg6: memref<256x256xf32, #tpu.memory_space<vmem>>, %arg7: memref<256x256xf32, #tpu.memory_space<vmem>>, %arg8: memref<512x256xf32, #tpu.memory_space<vmem>>, %arg9: memref<512x640xf32, #tpu.memory_space<vmem>>) attributes {dimension_semantics = [#tpu.dimension_semantics<parallel>], iteration_bounds = array<i64: 2>, scalar_prefetch = 0 : i64, scratch_operands = 0 : i64, tpu.core_type = #tpu.core_type<tc>, window_params = [{transform_indices = @transform_0, window_bounds = array<i64: 512, 64>}, {transform_indices = @transform_1, window_bounds = array<i64: 512, 128>}, {pipeline_mode = #tpu.pipeline_mode<synchronous>, transform_indices = @transform_2, window_bounds = array<i64: 64, 256>}, {pipeline_mode = #tpu.pipeline_mode<synchronous>, transform_indices = @transform_3, window_bounds = array<i64: 1, 256>}, {pipeline_mode = #tpu.pipeline_mode<synchronous>, transform_indices = @transform_4, window_bounds = array<i64: 256, 256>}, {pipeline_mode = #tpu.pipeline_mode<synchronous>, transform_indices = @transform_5, window_bounds = array<i64: 256, 256>}, {pipeline_mode = #tpu.pipeline_mode<synchronous>, transform_indices = @transform_6, window_bounds = array<i64: 256, 256>}, {transform_indices = @transform_7, window_bounds = array<i64: 512, 256>}, {transform_indices = @transform_8, window_bounds = array<i64: 512, 640>}]} {
    %get3A = arith.constant 0 : index
    %get3A_0 = arith.constant 0 : index
    %get3A_1 = vector.load %arg1[%get3A, %get3A_0] : memref<512x64xf32, #tpu.memory_space<vmem>>, vector<512x64xf32>
    %get3A_2 = arith.constant 0 : index
    %get3A_3 = arith.constant 0 : index
    %get3A_4 = vector.load %arg3[%get3A_2, %get3A_3] : memref<64x256xf32, #tpu.memory_space<vmem>>, vector<64x256xf32>
    %dot_general3A = arith.constant dense<0.000000e+00> : vector<512x256xf32>
    %dot_general3A_5 = tpu.matmul %get3A_1, %get3A_4, %dot_general3A {dimension_numbers = #tpu.dot_dimension_numbers<[1], [0], [0], [1], [0, 0, 1, 1], [], []>, transpose_lhs_hint = false} : vector<512x64xf32>, vector<64x256xf32>, vector<512x256xf32> -> vector<512x256xf32>
    %get3A_6 = arith.constant 0 : index
    %get3A_7 = arith.constant 0 : index
    %get3A_8 = vector.load %arg4[%get3A_6, %get3A_7] : memref<1x256xf32, #tpu.memory_space<vmem>>, vector<1x256xf32>
    %add3A = vector.broadcast %get3A_8 : vector<1x256xf32> to vector<512x256xf32>
    %add3A_9 = arith.addf %dot_general3A_5, %add3A : vector<512x256xf32>
    %get3A_10 = arith.constant 0 : index
    %get3A_11 = arith.constant 0 : index
    %get3A_12 = vector.load %arg5[%get3A_10, %get3A_11] : memref<256x256xf32, #tpu.memory_space<vmem>>, vector<256x256xf32>
    %dot_general3A_13 = arith.constant dense<0.000000e+00> : vector<512x256xf32>
    %dot_general3A_14 = tpu.matmul %add3A_9, %get3A_12, %dot_general3A_13 {dimension_numbers = #tpu.dot_dimension_numbers<[1], [0], [0], [1], [0, 0, 1, 1], [], []>, transpose_lhs_hint = false} : vector<512x256xf32>, vector<256x256xf32>, vector<512x256xf32> -> vector<512x256xf32>
    %swap3A = arith.constant 0 : index
    %swap3A_15 = arith.constant 0 : index
    %swap3A_16 = vector.load %arg8[%swap3A, %swap3A_15] : memref<512x256xf32, #tpu.memory_space<vmem>>, vector<512x256xf32>
    tpu.vector_store %arg8[%swap3A, %swap3A_15], %dot_general3A_14 {strides = array<i32>} : memref<512x256xf32, #tpu.memory_space<vmem>>, vector<512x256xf32>,
    %get3A_17 = arith.constant 0 : index
    %get3A_18 = arith.constant 0 : index
    %get3A_19 = vector.load %arg6[%get3A_17, %get3A_18] : memref<256x256xf32, #tpu.memory_space<vmem>>, vector<256x256xf32>
    %dot_general3A_20 = arith.constant dense<0.000000e+00> : vector<512x256xf32>
    %dot_general3A_21 = tpu.matmul %add3A_9, %get3A_19, %dot_general3A_20 {dimension_numbers = #tpu.dot_dimension_numbers<[1], [0], [0], [1], [0, 0, 1, 1], [], []>, transpose_lhs_hint = false} : vector<512x256xf32>, vector<256x256xf32>, vector<512x256xf32> -> vector<512x256xf32>
    %swap3A_22 = arith.constant 0 : index
    %swap3A_23 = arith.constant 0 : index
    %swap3A_24 = vector.load %arg9[%swap3A_22, %swap3A_23] : memref<512x640xf32, #tpu.memory_space<vmem>>, vector<512x256xf32>
    tpu.vector_store %arg9[%swap3A_22, %swap3A_23], %dot_general3A_21 {strides = array<i32>} : memref<512x640xf32, #tpu.memory_space<vmem>>, vector<512x256xf32>,
    %get3A_25 = arith.constant 0 : index
    %get3A_26 = arith.constant 0 : index
    %get3A_27 = vector.load %arg7[%get3A_25, %get3A_26] : memref<256x256xf32, #tpu.memory_space<vmem>>, vector<256x256xf32>
    %dot_general3A_28 = arith.constant dense<0.000000e+00> : vector<512x256xf32>
    %dot_general3A_29 = tpu.matmul %add3A_9, %get3A_27, %dot_general3A_28 {dimension_numbers = #tpu.dot_dimension_numbers<[1], [0], [0], [1], [0, 0, 1, 1], [], []>, transpose_lhs_hint = false} : vector<512x256xf32>, vector<256x256xf32>, vector<512x256xf32> -> vector<512x256xf32>
    %swap3A_30 = arith.constant 0 : index
    %swap3A_31 = arith.constant 256 : index
    %swap3A_32 = vector.load %arg9[%swap3A_30, %swap3A_31] : memref<512x640xf32, #tpu.memory_space<vmem>>, vector<512x256xf32>
    tpu.vector_store %arg9[%swap3A_30, %swap3A_31], %dot_general3A_29 {strides = array<i32>} : memref<512x640xf32, #tpu.memory_space<vmem>>, vector<512x256xf32>,
    %get3A_33 = arith.constant 0 : index
    %get3A_34 = arith.constant 0 : index
    %get3A_35 = vector.load %arg2[%get3A_33, %get3A_34] : memref<512x128xf32, #tpu.memory_space<vmem>>, vector<512x128xf32>
    %swap3A_36 = arith.constant 0 : index
    %swap3A_37 = arith.constant 512 : index
    %swap3A_38 = vector.load %arg9[%swap3A_36, %swap3A_37] : memref<512x640xf32, #tpu.memory_space<vmem>>, vector<512x128xf32>
    tpu.vector_store %arg9[%swap3A_36, %swap3A_37], %get3A_35 {strides = array<i32>} : memref<512x640xf32, #tpu.memory_space<vmem>>, vector<512x128xf32>,
    return
  }
  func.func @transform_0(%arg0: i32) -> (i32, i32) {
    %c0_i32 = arith.constant 0 : i32
    %c0_i32_0 = arith.constant 0 : i32
    return %arg0, %c0_i32 : i32, i32
  }
  func.func @transform_1(%arg0: i32) -> (i32, i32) {
    %c0_i32 = arith.constant 0 : i32
    %c0_i32_0 = arith.constant 0 : i32
    return %arg0, %c0_i32 : i32, i32
  }
  func.func @transform_2(%arg0: i32) -> (i32, i32) {
    %c0_i32 = arith.constant 0 : i32
    %c0_i32_0 = arith.constant 0 : i32
    %c0_i32_1 = arith.constant 0 : i32
    return %c0_i32, %c0_i32_0 : i32, i32
  }
  func.func @transform_3(%arg0: i32) -> (i32, i32) {
    %c0_i32 = arith.constant 0 : i32
    %c0_i32_0 = arith.constant 0 : i32
    %c0_i32_1 = arith.constant 0 : i32
    return %c0_i32, %c0_i32_0 : i32, i32
  }
  func.func @transform_4(%arg0: i32) -> (i32, i32) {
    %c0_i32 = arith.constant 0 : i32
    %c0_i32_0 = arith.constant 0 : i32
    %c0_i32_1 = arith.constant 0 : i32
    return %c0_i32, %c0_i32_0 : i32, i32
  }
  func.func @transform_5(%arg0: i32) -> (i32, i32) {
    %c0_i32 = arith.constant 0 : i32
    %c0_i32_0 = arith.constant 0 : i32
    %c0_i32_1 = arith.constant 0 : i32
    return %c0_i32, %c0_i32_0 : i32, i32
  }
  func.func @transform_6(%arg0: i32) -> (i32, i32) {
    %c0_i32 = arith.constant 0 : i32
    %c0_i32_0 = arith.constant 0 : i32
    %c0_i32_1 = arith.constant 0 : i32
    return %c0_i32, %c0_i32_0 : i32, i32
  }
  func.func @transform_7(%arg0: i32) -> (i32, i32) {
    %c0_i32 = arith.constant 0 : i32
    %c0_i32_0 = arith.constant 0 : i32
    return %arg0, %c0_i32 : i32, i32
  }
  func.func @transform_8(%arg0: i32) -> (i32, i32) {
    %c0_i32 = arith.constant 0 : i32
    %c0_i32_0 = arith.constant 0 : i32
    return %arg0, %c0_i32 : i32, i32
  }
}

module attributes {stable_mosaic.version = 14 : i64} {
  func.func @_knn_body(%arg0: i32, %arg1: memref<256x8xf32, #tpu.memory_space<vmem>>, %arg2: memref<8x4096xf32, #tpu.memory_space<vmem>>, %arg3: memref<256x16xi32, #tpu.memory_space<vmem>>) attributes {dimension_semantics = [#tpu.dimension_semantics<parallel>], iteration_bounds = array<i64: 16>, scalar_prefetch = 0 : i64, scratch_operands = 0 : i64, tpu.core_type = #tpu.core_type<tc>, window_params = [{transform_indices = @transform_0, window_bounds = array<i64: 256, 8>}, {pipeline_mode = #tpu.pipeline_mode<synchronous>, transform_indices = @transform_1, window_bounds = array<i64: 8, 4096>}, {transform_indices = @transform_2, window_bounds = array<i64: 256, 16>}]} {
    %get3A = arith.constant 0 : index
    %get3A_0 = arith.constant 0 : index
    %get3A_1 = vector.load %arg1[%get3A, %get3A_0] : memref<256x8xf32, #tpu.memory_space<vmem>>, vector<256x8xf32>
    %get3A_2 = arith.constant 0 : index
    %get3A_3 = arith.constant 0 : index
    %get3A_4 = vector.load %arg2[%get3A_2, %get3A_3] : memref<8x4096xf32, #tpu.memory_space<vmem>>, vector<8x4096xf32>
    %mul3A = arith.mulf %get3A_1, %get3A_1 : vector<256x8xf32>
    %reduce_sum3A = arith.constant dense<0.000000e+00> : vector<256xf32>
    %reduce_sum3A_5 = vector.multi_reduction <add>, %mul3A, %reduce_sum3A [1] : vector<256x8xf32> to vector<256xf32>
    %broadcast_in_dim3A = vector.shape_cast %reduce_sum3A_5 : vector<256xf32> to vector<256x1xf32>
    %mul3A_6 = arith.mulf %get3A_4, %get3A_4 : vector<8x4096xf32>
    %reduce_sum3A_7 = arith.constant dense<0.000000e+00> : vector<4096xf32>
    %reduce_sum3A_8 = vector.multi_reduction <add>, %mul3A_6, %reduce_sum3A_7 [0] : vector<8x4096xf32> to vector<4096xf32>
    %broadcast_in_dim3A_9 = vector.shape_cast %reduce_sum3A_8 : vector<4096xf32> to vector<1x4096xf32>
    %add3A = vector.broadcast %broadcast_in_dim3A : vector<256x1xf32> to vector<256x4096xf32>
    %add3A_10 = vector.broadcast %broadcast_in_dim3A_9 : vector<1x4096xf32> to vector<256x4096xf32>
    %add3A_11 = arith.addf %add3A, %add3A_10 : vector<256x4096xf32>
    %dot_general3A = arith.constant dense<0.000000e+00> : vector<256x4096xf32>
    %dot_general3A_12 = tpu.matmul %get3A_1, %get3A_4, %dot_general3A {dimension_numbers = #tpu.dot_dimension_numbers<[1], [0], [0], [1], [0, 0, 1, 1], [], []>, precision = #tpu.contract_precision<fp32>, transpose_lhs_hint = false} : vector<256x8xf32>, vector<8x4096xf32>, vector<256x4096xf32> -> vector<256x4096xf32>
    %mul3A_13 = arith.constant 2.000000e+00 : f32
    %mul3A_14 = vector.broadcast %mul3A_13 : f32 to vector<256x4096xf32>
    %mul3A_15 = arith.mulf %mul3A_14, %dot_general3A_12 : vector<256x4096xf32>
    %sub3A = arith.subf %add3A_11, %mul3A_15 : vector<256x4096xf32>
    %iota3A = tpu.iota {dimensions = array<i32: 1>} : vector<256x4096xi32>
    %convert_element_type3A = arith.sitofp %iota3A : vector<256x4096xi32> to vector<256x4096xf32>
    %reduce_min3A = arith.constant dense<0x7F800000> : vector<256xf32>
    %reduce_min3A_16 = vector.multi_reduction <minimumf>, %sub3A, %reduce_min3A [1] : vector<256x4096xf32> to vector<256xf32>
    %broadcast_in_dim3A_17 = vector.shape_cast %reduce_min3A_16 : vector<256xf32> to vector<256x1xf32>
    %le3A = vector.broadcast %broadcast_in_dim3A_17 : vector<256x1xf32> to vector<256x4096xf32>
    %le3A_18 = arith.cmpf ole, %sub3A, %le3A : vector<256x4096xf32>
    %jit3A = arith.constant 1.000000e+30 : f32
    %broadcast_in_dim3A_19 = vector.broadcast %jit3A : f32 to vector<256x4096xf32>
    %select_n3A = arith.select %le3A_18, %convert_element_type3A, %broadcast_in_dim3A_19 : vector<256x4096xi1>, vector<256x4096xf32>
    %reduce_min3A_20 = arith.constant dense<0x7F800000> : vector<256xf32>
    %reduce_min3A_21 = vector.multi_reduction <minimumf>, %select_n3A, %reduce_min3A_20 [1] : vector<256x4096xf32> to vector<256xf32>
    %broadcast_in_dim3A_22 = vector.shape_cast %reduce_min3A_21 : vector<256xf32> to vector<256x1xf32>
    %eq3A = vector.broadcast %broadcast_in_dim3A_22 : vector<256x1xf32> to vector<256x4096xf32>
    %eq3A_23 = arith.cmpf oeq, %convert_element_type3A, %eq3A : vector<256x4096xf32>
    %jit3A_24 = arith.constant 1.000000e+30 : f32
    %broadcast_in_dim3A_25 = vector.broadcast %jit3A_24 : f32 to vector<256x4096xf32>
    %select_n3A_26 = arith.select %eq3A_23, %broadcast_in_dim3A_25, %sub3A : vector<256x4096xi1>, vector<256x4096xf32>
    %reduce_min3A_27 = arith.constant dense<0x7F800000> : vector<256xf32>
    %reduce_min3A_28 = vector.multi_reduction <minimumf>, %select_n3A_26, %reduce_min3A_27 [1] : vector<256x4096xf32> to vector<256xf32>
    %broadcast_in_dim3A_29 = vector.shape_cast %reduce_min3A_28 : vector<256xf32> to vector<256x1xf32>
    %le3A_30 = vector.broadcast %broadcast_in_dim3A_29 : vector<256x1xf32> to vector<256x4096xf32>
    %le3A_31 = arith.cmpf ole, %select_n3A_26, %le3A_30 : vector<256x4096xf32>
    %jit3A_32 = arith.constant 1.000000e+30 : f32
    %broadcast_in_dim3A_33 = vector.broadcast %jit3A_32 : f32 to vector<256x4096xf32>
    %select_n3A_34 = arith.select %le3A_31, %convert_element_type3A, %broadcast_in_dim3A_33 : vector<256x4096xi1>, vector<256x4096xf32>
    %reduce_min3A_35 = arith.constant dense<0x7F800000> : vector<256xf32>
    %reduce_min3A_36 = vector.multi_reduction <minimumf>, %select_n3A_34, %reduce_min3A_35 [1] : vector<256x4096xf32> to vector<256xf32>
    %broadcast_in_dim3A_37 = vector.shape_cast %reduce_min3A_36 : vector<256xf32> to vector<256x1xf32>
    %eq3A_38 = vector.broadcast %broadcast_in_dim3A_37 : vector<256x1xf32> to vector<256x4096xf32>
    %eq3A_39 = arith.cmpf oeq, %convert_element_type3A, %eq3A_38 : vector<256x4096xf32>
    %jit3A_40 = arith.constant 1.000000e+30 : f32
    %broadcast_in_dim3A_41 = vector.broadcast %jit3A_40 : f32 to vector<256x4096xf32>
    %select_n3A_42 = arith.select %eq3A_39, %broadcast_in_dim3A_41, %select_n3A_26 : vector<256x4096xi1>, vector<256x4096xf32>
    %reduce_min3A_43 = arith.constant dense<0x7F800000> : vector<256xf32>
    %reduce_min3A_44 = vector.multi_reduction <minimumf>, %select_n3A_42, %reduce_min3A_43 [1] : vector<256x4096xf32> to vector<256xf32>
    %broadcast_in_dim3A_45 = vector.shape_cast %reduce_min3A_44 : vector<256xf32> to vector<256x1xf32>
    %le3A_46 = vector.broadcast %broadcast_in_dim3A_45 : vector<256x1xf32> to vector<256x4096xf32>
    %le3A_47 = arith.cmpf ole, %select_n3A_42, %le3A_46 : vector<256x4096xf32>
    %jit3A_48 = arith.constant 1.000000e+30 : f32
    %broadcast_in_dim3A_49 = vector.broadcast %jit3A_48 : f32 to vector<256x4096xf32>
    %select_n3A_50 = arith.select %le3A_47, %convert_element_type3A, %broadcast_in_dim3A_49 : vector<256x4096xi1>, vector<256x4096xf32>
    %reduce_min3A_51 = arith.constant dense<0x7F800000> : vector<256xf32>
    %reduce_min3A_52 = vector.multi_reduction <minimumf>, %select_n3A_50, %reduce_min3A_51 [1] : vector<256x4096xf32> to vector<256xf32>
    %broadcast_in_dim3A_53 = vector.shape_cast %reduce_min3A_52 : vector<256xf32> to vector<256x1xf32>
    %eq3A_54 = vector.broadcast %broadcast_in_dim3A_53 : vector<256x1xf32> to vector<256x4096xf32>
    %eq3A_55 = arith.cmpf oeq, %convert_element_type3A, %eq3A_54 : vector<256x4096xf32>
    %jit3A_56 = arith.constant 1.000000e+30 : f32
    %broadcast_in_dim3A_57 = vector.broadcast %jit3A_56 : f32 to vector<256x4096xf32>
    %select_n3A_58 = arith.select %eq3A_55, %broadcast_in_dim3A_57, %select_n3A_42 : vector<256x4096xi1>, vector<256x4096xf32>
    %reduce_min3A_59 = arith.constant dense<0x7F800000> : vector<256xf32>
    %reduce_min3A_60 = vector.multi_reduction <minimumf>, %select_n3A_58, %reduce_min3A_59 [1] : vector<256x4096xf32> to vector<256xf32>
    %broadcast_in_dim3A_61 = vector.shape_cast %reduce_min3A_60 : vector<256xf32> to vector<256x1xf32>
    %le3A_62 = vector.broadcast %broadcast_in_dim3A_61 : vector<256x1xf32> to vector<256x4096xf32>
    %le3A_63 = arith.cmpf ole, %select_n3A_58, %le3A_62 : vector<256x4096xf32>
    %jit3A_64 = arith.constant 1.000000e+30 : f32
    %broadcast_in_dim3A_65 = vector.broadcast %jit3A_64 : f32 to vector<256x4096xf32>
    %select_n3A_66 = arith.select %le3A_63, %convert_element_type3A, %broadcast_in_dim3A_65 : vector<256x4096xi1>, vector<256x4096xf32>
    %reduce_min3A_67 = arith.constant dense<0x7F800000> : vector<256xf32>
    %reduce_min3A_68 = vector.multi_reduction <minimumf>, %select_n3A_66, %reduce_min3A_67 [1] : vector<256x4096xf32> to vector<256xf32>
    %broadcast_in_dim3A_69 = vector.shape_cast %reduce_min3A_68 : vector<256xf32> to vector<256x1xf32>
    %eq3A_70 = vector.broadcast %broadcast_in_dim3A_69 : vector<256x1xf32> to vector<256x4096xf32>
    %eq3A_71 = arith.cmpf oeq, %convert_element_type3A, %eq3A_70 : vector<256x4096xf32>
    %jit3A_72 = arith.constant 1.000000e+30 : f32
    %broadcast_in_dim3A_73 = vector.broadcast %jit3A_72 : f32 to vector<256x4096xf32>
    %select_n3A_74 = arith.select %eq3A_71, %broadcast_in_dim3A_73, %select_n3A_58 : vector<256x4096xi1>, vector<256x4096xf32>
    %reduce_min3A_75 = arith.constant dense<0x7F800000> : vector<256xf32>
    %reduce_min3A_76 = vector.multi_reduction <minimumf>, %select_n3A_74, %reduce_min3A_75 [1] : vector<256x4096xf32> to vector<256xf32>
    %broadcast_in_dim3A_77 = vector.shape_cast %reduce_min3A_76 : vector<256xf32> to vector<256x1xf32>
    %le3A_78 = vector.broadcast %broadcast_in_dim3A_77 : vector<256x1xf32> to vector<256x4096xf32>
    %le3A_79 = arith.cmpf ole, %select_n3A_74, %le3A_78 : vector<256x4096xf32>
    %jit3A_80 = arith.constant 1.000000e+30 : f32
    %broadcast_in_dim3A_81 = vector.broadcast %jit3A_80 : f32 to vector<256x4096xf32>
    %select_n3A_82 = arith.select %le3A_79, %convert_element_type3A, %broadcast_in_dim3A_81 : vector<256x4096xi1>, vector<256x4096xf32>
    %reduce_min3A_83 = arith.constant dense<0x7F800000> : vector<256xf32>
    %reduce_min3A_84 = vector.multi_reduction <minimumf>, %select_n3A_82, %reduce_min3A_83 [1] : vector<256x4096xf32> to vector<256xf32>
    %broadcast_in_dim3A_85 = vector.shape_cast %reduce_min3A_84 : vector<256xf32> to vector<256x1xf32>
    %eq3A_86 = vector.broadcast %broadcast_in_dim3A_85 : vector<256x1xf32> to vector<256x4096xf32>
    %eq3A_87 = arith.cmpf oeq, %convert_element_type3A, %eq3A_86 : vector<256x4096xf32>
    %jit3A_88 = arith.constant 1.000000e+30 : f32
    %broadcast_in_dim3A_89 = vector.broadcast %jit3A_88 : f32 to vector<256x4096xf32>
    %select_n3A_90 = arith.select %eq3A_87, %broadcast_in_dim3A_89, %select_n3A_74 : vector<256x4096xi1>, vector<256x4096xf32>
    %reduce_min3A_91 = arith.constant dense<0x7F800000> : vector<256xf32>
    %reduce_min3A_92 = vector.multi_reduction <minimumf>, %select_n3A_90, %reduce_min3A_91 [1] : vector<256x4096xf32> to vector<256xf32>
    %broadcast_in_dim3A_93 = vector.shape_cast %reduce_min3A_92 : vector<256xf32> to vector<256x1xf32>
    %le3A_94 = vector.broadcast %broadcast_in_dim3A_93 : vector<256x1xf32> to vector<256x4096xf32>
    %le3A_95 = arith.cmpf ole, %select_n3A_90, %le3A_94 : vector<256x4096xf32>
    %jit3A_96 = arith.constant 1.000000e+30 : f32
    %broadcast_in_dim3A_97 = vector.broadcast %jit3A_96 : f32 to vector<256x4096xf32>
    %select_n3A_98 = arith.select %le3A_95, %convert_element_type3A, %broadcast_in_dim3A_97 : vector<256x4096xi1>, vector<256x4096xf32>
    %reduce_min3A_99 = arith.constant dense<0x7F800000> : vector<256xf32>
    %reduce_min3A_100 = vector.multi_reduction <minimumf>, %select_n3A_98, %reduce_min3A_99 [1] : vector<256x4096xf32> to vector<256xf32>
    %broadcast_in_dim3A_101 = vector.shape_cast %reduce_min3A_100 : vector<256xf32> to vector<256x1xf32>
    %eq3A_102 = vector.broadcast %broadcast_in_dim3A_101 : vector<256x1xf32> to vector<256x4096xf32>
    %eq3A_103 = arith.cmpf oeq, %convert_element_type3A, %eq3A_102 : vector<256x4096xf32>
    %jit3A_104 = arith.constant 1.000000e+30 : f32
    %broadcast_in_dim3A_105 = vector.broadcast %jit3A_104 : f32 to vector<256x4096xf32>
    %select_n3A_106 = arith.select %eq3A_103, %broadcast_in_dim3A_105, %select_n3A_90 : vector<256x4096xi1>, vector<256x4096xf32>
    %reduce_min3A_107 = arith.constant dense<0x7F800000> : vector<256xf32>
    %reduce_min3A_108 = vector.multi_reduction <minimumf>, %select_n3A_106, %reduce_min3A_107 [1] : vector<256x4096xf32> to vector<256xf32>
    %broadcast_in_dim3A_109 = vector.shape_cast %reduce_min3A_108 : vector<256xf32> to vector<256x1xf32>
    %le3A_110 = vector.broadcast %broadcast_in_dim3A_109 : vector<256x1xf32> to vector<256x4096xf32>
    %le3A_111 = arith.cmpf ole, %select_n3A_106, %le3A_110 : vector<256x4096xf32>
    %jit3A_112 = arith.constant 1.000000e+30 : f32
    %broadcast_in_dim3A_113 = vector.broadcast %jit3A_112 : f32 to vector<256x4096xf32>
    %select_n3A_114 = arith.select %le3A_111, %convert_element_type3A, %broadcast_in_dim3A_113 : vector<256x4096xi1>, vector<256x4096xf32>
    %reduce_min3A_115 = arith.constant dense<0x7F800000> : vector<256xf32>
    %reduce_min3A_116 = vector.multi_reduction <minimumf>, %select_n3A_114, %reduce_min3A_115 [1] : vector<256x4096xf32> to vector<256xf32>
    %broadcast_in_dim3A_117 = vector.shape_cast %reduce_min3A_116 : vector<256xf32> to vector<256x1xf32>
    %eq3A_118 = vector.broadcast %broadcast_in_dim3A_117 : vector<256x1xf32> to vector<256x4096xf32>
    %eq3A_119 = arith.cmpf oeq, %convert_element_type3A, %eq3A_118 : vector<256x4096xf32>
    %jit3A_120 = arith.constant 1.000000e+30 : f32
    %broadcast_in_dim3A_121 = vector.broadcast %jit3A_120 : f32 to vector<256x4096xf32>
    %select_n3A_122 = arith.select %eq3A_119, %broadcast_in_dim3A_121, %select_n3A_106 : vector<256x4096xi1>, vector<256x4096xf32>
    %reduce_min3A_123 = arith.constant dense<0x7F800000> : vector<256xf32>
    %reduce_min3A_124 = vector.multi_reduction <minimumf>, %select_n3A_122, %reduce_min3A_123 [1] : vector<256x4096xf32> to vector<256xf32>
    %broadcast_in_dim3A_125 = vector.shape_cast %reduce_min3A_124 : vector<256xf32> to vector<256x1xf32>
    %le3A_126 = vector.broadcast %broadcast_in_dim3A_125 : vector<256x1xf32> to vector<256x4096xf32>
    %le3A_127 = arith.cmpf ole, %select_n3A_122, %le3A_126 : vector<256x4096xf32>
    %jit3A_128 = arith.constant 1.000000e+30 : f32
    %broadcast_in_dim3A_129 = vector.broadcast %jit3A_128 : f32 to vector<256x4096xf32>
    %select_n3A_130 = arith.select %le3A_127, %convert_element_type3A, %broadcast_in_dim3A_129 : vector<256x4096xi1>, vector<256x4096xf32>
    %reduce_min3A_131 = arith.constant dense<0x7F800000> : vector<256xf32>
    %reduce_min3A_132 = vector.multi_reduction <minimumf>, %select_n3A_130, %reduce_min3A_131 [1] : vector<256x4096xf32> to vector<256xf32>
    %broadcast_in_dim3A_133 = vector.shape_cast %reduce_min3A_132 : vector<256xf32> to vector<256x1xf32>
    %eq3A_134 = vector.broadcast %broadcast_in_dim3A_133 : vector<256x1xf32> to vector<256x4096xf32>
    %eq3A_135 = arith.cmpf oeq, %convert_element_type3A, %eq3A_134 : vector<256x4096xf32>
    %jit3A_136 = arith.constant 1.000000e+30 : f32
    %broadcast_in_dim3A_137 = vector.broadcast %jit3A_136 : f32 to vector<256x4096xf32>
    %select_n3A_138 = arith.select %eq3A_135, %broadcast_in_dim3A_137, %select_n3A_122 : vector<256x4096xi1>, vector<256x4096xf32>
    %reduce_min3A_139 = arith.constant dense<0x7F800000> : vector<256xf32>
    %reduce_min3A_140 = vector.multi_reduction <minimumf>, %select_n3A_138, %reduce_min3A_139 [1] : vector<256x4096xf32> to vector<256xf32>
    %broadcast_in_dim3A_141 = vector.shape_cast %reduce_min3A_140 : vector<256xf32> to vector<256x1xf32>
    %le3A_142 = vector.broadcast %broadcast_in_dim3A_141 : vector<256x1xf32> to vector<256x4096xf32>
    %le3A_143 = arith.cmpf ole, %select_n3A_138, %le3A_142 : vector<256x4096xf32>
    %jit3A_144 = arith.constant 1.000000e+30 : f32
    %broadcast_in_dim3A_145 = vector.broadcast %jit3A_144 : f32 to vector<256x4096xf32>
    %select_n3A_146 = arith.select %le3A_143, %convert_element_type3A, %broadcast_in_dim3A_145 : vector<256x4096xi1>, vector<256x4096xf32>
    %reduce_min3A_147 = arith.constant dense<0x7F800000> : vector<256xf32>
    %reduce_min3A_148 = vector.multi_reduction <minimumf>, %select_n3A_146, %reduce_min3A_147 [1] : vector<256x4096xf32> to vector<256xf32>
    %broadcast_in_dim3A_149 = vector.shape_cast %reduce_min3A_148 : vector<256xf32> to vector<256x1xf32>
    %eq3A_150 = vector.broadcast %broadcast_in_dim3A_149 : vector<256x1xf32> to vector<256x4096xf32>
    %eq3A_151 = arith.cmpf oeq, %convert_element_type3A, %eq3A_150 : vector<256x4096xf32>
    %jit3A_152 = arith.constant 1.000000e+30 : f32
    %broadcast_in_dim3A_153 = vector.broadcast %jit3A_152 : f32 to vector<256x4096xf32>
    %select_n3A_154 = arith.select %eq3A_151, %broadcast_in_dim3A_153, %select_n3A_138 : vector<256x4096xi1>, vector<256x4096xf32>
    %reduce_min3A_155 = arith.constant dense<0x7F800000> : vector<256xf32>
    %reduce_min3A_156 = vector.multi_reduction <minimumf>, %select_n3A_154, %reduce_min3A_155 [1] : vector<256x4096xf32> to vector<256xf32>
    %broadcast_in_dim3A_157 = vector.shape_cast %reduce_min3A_156 : vector<256xf32> to vector<256x1xf32>
    %le3A_158 = vector.broadcast %broadcast_in_dim3A_157 : vector<256x1xf32> to vector<256x4096xf32>
    %le3A_159 = arith.cmpf ole, %select_n3A_154, %le3A_158 : vector<256x4096xf32>
    %jit3A_160 = arith.constant 1.000000e+30 : f32
    %broadcast_in_dim3A_161 = vector.broadcast %jit3A_160 : f32 to vector<256x4096xf32>
    %select_n3A_162 = arith.select %le3A_159, %convert_element_type3A, %broadcast_in_dim3A_161 : vector<256x4096xi1>, vector<256x4096xf32>
    %reduce_min3A_163 = arith.constant dense<0x7F800000> : vector<256xf32>
    %reduce_min3A_164 = vector.multi_reduction <minimumf>, %select_n3A_162, %reduce_min3A_163 [1] : vector<256x4096xf32> to vector<256xf32>
    %broadcast_in_dim3A_165 = vector.shape_cast %reduce_min3A_164 : vector<256xf32> to vector<256x1xf32>
    %eq3A_166 = vector.broadcast %broadcast_in_dim3A_165 : vector<256x1xf32> to vector<256x4096xf32>
    %eq3A_167 = arith.cmpf oeq, %convert_element_type3A, %eq3A_166 : vector<256x4096xf32>
    %jit3A_168 = arith.constant 1.000000e+30 : f32
    %broadcast_in_dim3A_169 = vector.broadcast %jit3A_168 : f32 to vector<256x4096xf32>
    %select_n3A_170 = arith.select %eq3A_167, %broadcast_in_dim3A_169, %select_n3A_154 : vector<256x4096xi1>, vector<256x4096xf32>
    %reduce_min3A_171 = arith.constant dense<0x7F800000> : vector<256xf32>
    %reduce_min3A_172 = vector.multi_reduction <minimumf>, %select_n3A_170, %reduce_min3A_171 [1] : vector<256x4096xf32> to vector<256xf32>
    %broadcast_in_dim3A_173 = vector.shape_cast %reduce_min3A_172 : vector<256xf32> to vector<256x1xf32>
    %le3A_174 = vector.broadcast %broadcast_in_dim3A_173 : vector<256x1xf32> to vector<256x4096xf32>
    %le3A_175 = arith.cmpf ole, %select_n3A_170, %le3A_174 : vector<256x4096xf32>
    %jit3A_176 = arith.constant 1.000000e+30 : f32
    %broadcast_in_dim3A_177 = vector.broadcast %jit3A_176 : f32 to vector<256x4096xf32>
    %select_n3A_178 = arith.select %le3A_175, %convert_element_type3A, %broadcast_in_dim3A_177 : vector<256x4096xi1>, vector<256x4096xf32>
    %reduce_min3A_179 = arith.constant dense<0x7F800000> : vector<256xf32>
    %reduce_min3A_180 = vector.multi_reduction <minimumf>, %select_n3A_178, %reduce_min3A_179 [1] : vector<256x4096xf32> to vector<256xf32>
    %broadcast_in_dim3A_181 = vector.shape_cast %reduce_min3A_180 : vector<256xf32> to vector<256x1xf32>
    %eq3A_182 = vector.broadcast %broadcast_in_dim3A_181 : vector<256x1xf32> to vector<256x4096xf32>
    %eq3A_183 = arith.cmpf oeq, %convert_element_type3A, %eq3A_182 : vector<256x4096xf32>
    %jit3A_184 = arith.constant 1.000000e+30 : f32
    %broadcast_in_dim3A_185 = vector.broadcast %jit3A_184 : f32 to vector<256x4096xf32>
    %select_n3A_186 = arith.select %eq3A_183, %broadcast_in_dim3A_185, %select_n3A_170 : vector<256x4096xi1>, vector<256x4096xf32>
    %reduce_min3A_187 = arith.constant dense<0x7F800000> : vector<256xf32>
    %reduce_min3A_188 = vector.multi_reduction <minimumf>, %select_n3A_186, %reduce_min3A_187 [1] : vector<256x4096xf32> to vector<256xf32>
    %broadcast_in_dim3A_189 = vector.shape_cast %reduce_min3A_188 : vector<256xf32> to vector<256x1xf32>
    %le3A_190 = vector.broadcast %broadcast_in_dim3A_189 : vector<256x1xf32> to vector<256x4096xf32>
    %le3A_191 = arith.cmpf ole, %select_n3A_186, %le3A_190 : vector<256x4096xf32>
    %jit3A_192 = arith.constant 1.000000e+30 : f32
    %broadcast_in_dim3A_193 = vector.broadcast %jit3A_192 : f32 to vector<256x4096xf32>
    %select_n3A_194 = arith.select %le3A_191, %convert_element_type3A, %broadcast_in_dim3A_193 : vector<256x4096xi1>, vector<256x4096xf32>
    %reduce_min3A_195 = arith.constant dense<0x7F800000> : vector<256xf32>
    %reduce_min3A_196 = vector.multi_reduction <minimumf>, %select_n3A_194, %reduce_min3A_195 [1] : vector<256x4096xf32> to vector<256xf32>
    %broadcast_in_dim3A_197 = vector.shape_cast %reduce_min3A_196 : vector<256xf32> to vector<256x1xf32>
    %eq3A_198 = vector.broadcast %broadcast_in_dim3A_197 : vector<256x1xf32> to vector<256x4096xf32>
    %eq3A_199 = arith.cmpf oeq, %convert_element_type3A, %eq3A_198 : vector<256x4096xf32>
    %jit3A_200 = arith.constant 1.000000e+30 : f32
    %broadcast_in_dim3A_201 = vector.broadcast %jit3A_200 : f32 to vector<256x4096xf32>
    %select_n3A_202 = arith.select %eq3A_199, %broadcast_in_dim3A_201, %select_n3A_186 : vector<256x4096xi1>, vector<256x4096xf32>
    %reduce_min3A_203 = arith.constant dense<0x7F800000> : vector<256xf32>
    %reduce_min3A_204 = vector.multi_reduction <minimumf>, %select_n3A_202, %reduce_min3A_203 [1] : vector<256x4096xf32> to vector<256xf32>
    %broadcast_in_dim3A_205 = vector.shape_cast %reduce_min3A_204 : vector<256xf32> to vector<256x1xf32>
    %le3A_206 = vector.broadcast %broadcast_in_dim3A_205 : vector<256x1xf32> to vector<256x4096xf32>
    %le3A_207 = arith.cmpf ole, %select_n3A_202, %le3A_206 : vector<256x4096xf32>
    %jit3A_208 = arith.constant 1.000000e+30 : f32
    %broadcast_in_dim3A_209 = vector.broadcast %jit3A_208 : f32 to vector<256x4096xf32>
    %select_n3A_210 = arith.select %le3A_207, %convert_element_type3A, %broadcast_in_dim3A_209 : vector<256x4096xi1>, vector<256x4096xf32>
    %reduce_min3A_211 = arith.constant dense<0x7F800000> : vector<256xf32>
    %reduce_min3A_212 = vector.multi_reduction <minimumf>, %select_n3A_210, %reduce_min3A_211 [1] : vector<256x4096xf32> to vector<256xf32>
    %broadcast_in_dim3A_213 = vector.shape_cast %reduce_min3A_212 : vector<256xf32> to vector<256x1xf32>
    %eq3A_214 = vector.broadcast %broadcast_in_dim3A_213 : vector<256x1xf32> to vector<256x4096xf32>
    %eq3A_215 = arith.cmpf oeq, %convert_element_type3A, %eq3A_214 : vector<256x4096xf32>
    %jit3A_216 = arith.constant 1.000000e+30 : f32
    %broadcast_in_dim3A_217 = vector.broadcast %jit3A_216 : f32 to vector<256x4096xf32>
    %select_n3A_218 = arith.select %eq3A_215, %broadcast_in_dim3A_217, %select_n3A_202 : vector<256x4096xi1>, vector<256x4096xf32>
    %reduce_min3A_219 = arith.constant dense<0x7F800000> : vector<256xf32>
    %reduce_min3A_220 = vector.multi_reduction <minimumf>, %select_n3A_218, %reduce_min3A_219 [1] : vector<256x4096xf32> to vector<256xf32>
    %broadcast_in_dim3A_221 = vector.shape_cast %reduce_min3A_220 : vector<256xf32> to vector<256x1xf32>
    %le3A_222 = vector.broadcast %broadcast_in_dim3A_221 : vector<256x1xf32> to vector<256x4096xf32>
    %le3A_223 = arith.cmpf ole, %select_n3A_218, %le3A_222 : vector<256x4096xf32>
    %jit3A_224 = arith.constant 1.000000e+30 : f32
    %broadcast_in_dim3A_225 = vector.broadcast %jit3A_224 : f32 to vector<256x4096xf32>
    %select_n3A_226 = arith.select %le3A_223, %convert_element_type3A, %broadcast_in_dim3A_225 : vector<256x4096xi1>, vector<256x4096xf32>
    %reduce_min3A_227 = arith.constant dense<0x7F800000> : vector<256xf32>
    %reduce_min3A_228 = vector.multi_reduction <minimumf>, %select_n3A_226, %reduce_min3A_227 [1] : vector<256x4096xf32> to vector<256xf32>
    %broadcast_in_dim3A_229 = vector.shape_cast %reduce_min3A_228 : vector<256xf32> to vector<256x1xf32>
    %eq3A_230 = vector.broadcast %broadcast_in_dim3A_229 : vector<256x1xf32> to vector<256x4096xf32>
    %eq3A_231 = arith.cmpf oeq, %convert_element_type3A, %eq3A_230 : vector<256x4096xf32>
    %jit3A_232 = arith.constant 1.000000e+30 : f32
    %broadcast_in_dim3A_233 = vector.broadcast %jit3A_232 : f32 to vector<256x4096xf32>
    %select_n3A_234 = arith.select %eq3A_231, %broadcast_in_dim3A_233, %select_n3A_218 : vector<256x4096xi1>, vector<256x4096xf32>
    %reduce_min3A_235 = arith.constant dense<0x7F800000> : vector<256xf32>
    %reduce_min3A_236 = vector.multi_reduction <minimumf>, %select_n3A_234, %reduce_min3A_235 [1] : vector<256x4096xf32> to vector<256xf32>
    %broadcast_in_dim3A_237 = vector.shape_cast %reduce_min3A_236 : vector<256xf32> to vector<256x1xf32>
    %le3A_238 = vector.broadcast %broadcast_in_dim3A_237 : vector<256x1xf32> to vector<256x4096xf32>
    %le3A_239 = arith.cmpf ole, %select_n3A_234, %le3A_238 : vector<256x4096xf32>
    %jit3A_240 = arith.constant 1.000000e+30 : f32
    %broadcast_in_dim3A_241 = vector.broadcast %jit3A_240 : f32 to vector<256x4096xf32>
    %select_n3A_242 = arith.select %le3A_239, %convert_element_type3A, %broadcast_in_dim3A_241 : vector<256x4096xi1>, vector<256x4096xf32>
    %reduce_min3A_243 = arith.constant dense<0x7F800000> : vector<256xf32>
    %reduce_min3A_244 = vector.multi_reduction <minimumf>, %select_n3A_242, %reduce_min3A_243 [1] : vector<256x4096xf32> to vector<256xf32>
    %broadcast_in_dim3A_245 = vector.shape_cast %reduce_min3A_244 : vector<256xf32> to vector<256x1xf32>
    %eq3A_246 = vector.broadcast %broadcast_in_dim3A_245 : vector<256x1xf32> to vector<256x4096xf32>
    %eq3A_247 = arith.cmpf oeq, %convert_element_type3A, %eq3A_246 : vector<256x4096xf32>
    %jit3A_248 = arith.constant 1.000000e+30 : f32
    %broadcast_in_dim3A_249 = vector.broadcast %jit3A_248 : f32 to vector<256x4096xf32>
    %select_n3A_250 = arith.select %eq3A_247, %broadcast_in_dim3A_249, %select_n3A_234 : vector<256x4096xi1>, vector<256x4096xf32>
    %reduce_min3A_251 = arith.constant dense<0x7F800000> : vector<256xf32>
    %reduce_min3A_252 = vector.multi_reduction <minimumf>, %select_n3A_250, %reduce_min3A_251 [1] : vector<256x4096xf32> to vector<256xf32>
    %broadcast_in_dim3A_253 = vector.shape_cast %reduce_min3A_252 : vector<256xf32> to vector<256x1xf32>
    %le3A_254 = vector.broadcast %broadcast_in_dim3A_253 : vector<256x1xf32> to vector<256x4096xf32>
    %le3A_255 = arith.cmpf ole, %select_n3A_250, %le3A_254 : vector<256x4096xf32>
    %jit3A_256 = arith.constant 1.000000e+30 : f32
    %broadcast_in_dim3A_257 = vector.broadcast %jit3A_256 : f32 to vector<256x4096xf32>
    %select_n3A_258 = arith.select %le3A_255, %convert_element_type3A, %broadcast_in_dim3A_257 : vector<256x4096xi1>, vector<256x4096xf32>
    %reduce_min3A_259 = arith.constant dense<0x7F800000> : vector<256xf32>
    %reduce_min3A_260 = vector.multi_reduction <minimumf>, %select_n3A_258, %reduce_min3A_259 [1] : vector<256x4096xf32> to vector<256xf32>
    %broadcast_in_dim3A_261 = vector.shape_cast %reduce_min3A_260 : vector<256xf32> to vector<256x1xf32>
    %concatenate3A = tpu.concatenate %broadcast_in_dim3A_22, %broadcast_in_dim3A_37, %broadcast_in_dim3A_53, %broadcast_in_dim3A_69, %broadcast_in_dim3A_85, %broadcast_in_dim3A_101, %broadcast_in_dim3A_117, %broadcast_in_dim3A_133, %broadcast_in_dim3A_149, %broadcast_in_dim3A_165, %broadcast_in_dim3A_181, %broadcast_in_dim3A_197, %broadcast_in_dim3A_213, %broadcast_in_dim3A_229, %broadcast_in_dim3A_245, %broadcast_in_dim3A_261 in 1 : vector<256x1xf32>, vector<256x1xf32>, vector<256x1xf32>, vector<256x1xf32>, vector<256x1xf32>, vector<256x1xf32>, vector<256x1xf32>, vector<256x1xf32>, vector<256x1xf32>, vector<256x1xf32>, vector<256x1xf32>, vector<256x1xf32>, vector<256x1xf32>, vector<256x1xf32>, vector<256x1xf32>, vector<256x1xf32> -> vector<256x16xf32>
    %convert_element_type3A_262 = arith.fptosi %concatenate3A : vector<256x16xf32> to vector<256x16xi32>
    %swap3A = arith.constant 0 : index
    %swap3A_263 = arith.constant 0 : index
    %swap3A_264 = vector.load %arg3[%swap3A, %swap3A_263] : memref<256x16xi32, #tpu.memory_space<vmem>>, vector<256x16xi32>
    tpu.vector_store %arg3[%swap3A, %swap3A_263], %convert_element_type3A_262 {strides = array<i32>} : memref<256x16xi32, #tpu.memory_space<vmem>>, vector<256x16xi32>,
    return
  }
  func.func @transform_0(%arg0: i32) -> (i32, i32) {
    %c0_i32 = arith.constant 0 : i32
    %c0_i32_0 = arith.constant 0 : i32
    return %arg0, %c0_i32 : i32, i32
  }
  func.func @transform_1(%arg0: i32) -> (i32, i32) {
    %c0_i32 = arith.constant 0 : i32
    %c0_i32_0 = arith.constant 0 : i32
    %c0_i32_1 = arith.constant 0 : i32
    return %c0_i32, %c0_i32_0 : i32, i32
  }
  func.func @transform_2(%arg0: i32) -> (i32, i32) {
    %c0_i32 = arith.constant 0 : i32
    %c0_i32_0 = arith.constant 0 : i32
    return %arg0, %c0_i32 : i32, i32
  }
}

module attributes {stable_mosaic.version = 14 : i64} {
  func.func @_attn_body(%arg0: i32, %arg1: memref<2048x640xf32, #tpu.memory_space<vmem>>, %arg2: memref<128x256xf32, #tpu.memory_space<vmem>>, %arg3: memref<128x128xf32, #tpu.memory_space<vmem>>, %arg4: memref<128x64xf32, #tpu.memory_space<vmem>>, %arg5: memref<128x256xf32, #tpu.memory_space<vmem>>, %arg6: memref<1x256xf32, #tpu.memory_space<vmem>>, %arg7: memref<256x256xf32, #tpu.memory_space<vmem>>, %arg8: memref<1x256xf32, #tpu.memory_space<vmem>>, %arg9: memref<256x256xf32, #tpu.memory_space<vmem>>, %arg10: memref<1x256xf32, #tpu.memory_space<vmem>>, %arg11: memref<256x256xf32, #tpu.memory_space<vmem>>, %arg12: memref<1x256xf32, #tpu.memory_space<vmem>>, %arg13: memref<256x64xf32, #tpu.memory_space<vmem>>, %arg14: memref<1x64xf32, #tpu.memory_space<vmem>>, %arg15: memref<128x64xf32, #tpu.memory_space<vmem>>) attributes {dimension_semantics = [#tpu.dimension_semantics<parallel>], iteration_bounds = array<i64: 8>, scalar_prefetch = 0 : i64, scratch_operands = 0 : i64, tpu.core_type = #tpu.core_type<tc>, window_params = [{transform_indices = @transform_0, window_bounds = array<i64: 2048, 640>}, {transform_indices = @transform_1, window_bounds = array<i64: 128, 256>}, {transform_indices = @transform_2, window_bounds = array<i64: 128, 128>}, {transform_indices = @transform_3, window_bounds = array<i64: 128, 64>}, {pipeline_mode = #tpu.pipeline_mode<synchronous>, transform_indices = @transform_4, window_bounds = array<i64: 128, 256>}, {pipeline_mode = #tpu.pipeline_mode<synchronous>, transform_indices = @transform_5, window_bounds = array<i64: 1, 256>}, {pipeline_mode = #tpu.pipeline_mode<synchronous>, transform_indices = @transform_6, window_bounds = array<i64: 256, 256>}, {pipeline_mode = #tpu.pipeline_mode<synchronous>, transform_indices = @transform_7, window_bounds = array<i64: 1, 256>}, {pipeline_mode = #tpu.pipeline_mode<synchronous>, transform_indices = @transform_8, window_bounds = array<i64: 256, 256>}, {pipeline_mode = #tpu.pipeline_mode<synchronous>, transform_indices = @transform_9, window_bounds = array<i64: 1, 256>}, {pipeline_mode = #tpu.pipeline_mode<synchronous>, transform_indices = @transform_10, window_bounds = array<i64: 256, 256>}, {pipeline_mode = #tpu.pipeline_mode<synchronous>, transform_indices = @transform_11, window_bounds = array<i64: 1, 256>}, {pipeline_mode = #tpu.pipeline_mode<synchronous>, transform_indices = @transform_12, window_bounds = array<i64: 256, 64>}, {pipeline_mode = #tpu.pipeline_mode<synchronous>, transform_indices = @transform_13, window_bounds = array<i64: 1, 64>}, {transform_indices = @transform_14, window_bounds = array<i64: 128, 64>}]} {
    %get3A = arith.constant 0 : index
    %get3A_0 = arith.constant 0 : index
    %get3A_1 = vector.load %arg1[%get3A, %get3A_0] : memref<2048x640xf32, #tpu.memory_space<vmem>>, vector<2048x256xf32>
    %get3A_2 = arith.constant 0 : index
    %get3A_3 = arith.constant 256 : index
    %get3A_4 = vector.load %arg1[%get3A_2, %get3A_3] : memref<2048x640xf32, #tpu.memory_space<vmem>>, vector<2048x256xf32>
    %get3A_5 = arith.constant 0 : index
    %get3A_6 = arith.constant 512 : index
    %get3A_7 = vector.load %arg1[%get3A_5, %get3A_6] : memref<2048x640xf32, #tpu.memory_space<vmem>>, vector<2048x128xf32>
    %get3A_8 = arith.constant 0 : index
    %get3A_9 = arith.constant 0 : index
    %get3A_10 = vector.load %arg2[%get3A_8, %get3A_9] : memref<128x256xf32, #tpu.memory_space<vmem>>, vector<128x256xf32>
    %broadcast_in_dim3A = vector.shape_cast %get3A_10 : vector<128x256xf32> to vector<128x1x256xf32>
    %broadcast_in_dim3A_11 = vector.shape_cast %broadcast_in_dim3A : vector<128x1x256xf32> to vector<128x1x256xf32>
    %broadcast_in_dim3A_12 = vector.broadcast %broadcast_in_dim3A_11 : vector<128x1x256xf32> to vector<128x16x256xf32>
    %reshape3A = vector.shape_cast %broadcast_in_dim3A_12 : vector<128x16x256xf32> to vector<2048x256xf32>
    %get3A_13 = arith.constant 0 : index
    %get3A_14 = arith.constant 0 : index
    %get3A_15 = vector.load %arg3[%get3A_13, %get3A_14] : memref<128x128xf32, #tpu.memory_space<vmem>>, vector<128x128xf32>
    %broadcast_in_dim3A_16 = vector.shape_cast %get3A_15 : vector<128x128xf32> to vector<128x1x128xf32>
    %broadcast_in_dim3A_17 = vector.shape_cast %broadcast_in_dim3A_16 : vector<128x1x128xf32> to vector<128x1x128xf32>
    %broadcast_in_dim3A_18 = vector.broadcast %broadcast_in_dim3A_17 : vector<128x1x128xf32> to vector<128x16x128xf32>
    %reshape3A_19 = vector.shape_cast %broadcast_in_dim3A_18 : vector<128x16x128xf32> to vector<2048x128xf32>
    %sub3A = arith.subf %reshape3A_19, %get3A_7 : vector<2048x128xf32>
    %get3A_20 = arith.constant 0 : index
    %get3A_21 = arith.constant 0 : index
    %get3A_22 = vector.load %arg5[%get3A_20, %get3A_21] : memref<128x256xf32, #tpu.memory_space<vmem>>, vector<128x256xf32>
    %convert_element_type3A = arith.truncf %sub3A : vector<2048x128xf32> to vector<2048x128xbf16>
    %convert_element_type3A_23 = arith.truncf %get3A_22 : vector<128x256xf32> to vector<128x256xbf16>
    %dot_general3A = arith.constant dense<0.000000e+00> : vector<2048x256xf32>
    %dot_general3A_24 = tpu.matmul %convert_element_type3A, %convert_element_type3A_23, %dot_general3A {dimension_numbers = #tpu.dot_dimension_numbers<[1], [0], [0], [1], [0, 0, 1, 1], [], []>, transpose_lhs_hint = false} : vector<2048x128xbf16>, vector<128x256xbf16>, vector<2048x256xf32> -> vector<2048x256xf32>
    %get3A_25 = arith.constant 0 : index
    %get3A_26 = arith.constant 0 : index
    %get3A_27 = vector.load %arg6[%get3A_25, %get3A_26] : memref<1x256xf32, #tpu.memory_space<vmem>>, vector<1x256xf32>
    %add3A = vector.broadcast %get3A_27 : vector<1x256xf32> to vector<2048x256xf32>
    %add3A_28 = arith.addf %dot_general3A_24, %add3A : vector<2048x256xf32>
    %max3A = arith.constant 0.000000e+00 : f32
    %max3A_29 = vector.broadcast %max3A : f32 to vector<2048x256xf32>
    %max3A_30 = arith.maximumf %add3A_28, %max3A_29 : vector<2048x256xf32>
    %get3A_31 = arith.constant 0 : index
    %get3A_32 = arith.constant 0 : index
    %get3A_33 = vector.load %arg7[%get3A_31, %get3A_32] : memref<256x256xf32, #tpu.memory_space<vmem>>, vector<256x256xf32>
    %get3A_34 = arith.constant 0 : index
    %get3A_35 = arith.constant 0 : index
    %get3A_36 = vector.load %arg8[%get3A_34, %get3A_35] : memref<1x256xf32, #tpu.memory_space<vmem>>, vector<1x256xf32>
    %get3A_37 = arith.constant 0 : index
    %get3A_38 = arith.constant 0 : index
    %get3A_39 = vector.load %arg9[%get3A_37, %get3A_38] : memref<256x256xf32, #tpu.memory_space<vmem>>, vector<256x256xf32>
    %get3A_40 = arith.constant 0 : index
    %get3A_41 = arith.constant 0 : index
    %get3A_42 = vector.load %arg10[%get3A_40, %get3A_41] : memref<1x256xf32, #tpu.memory_space<vmem>>, vector<1x256xf32>
    %get3A_43 = arith.constant 0 : index
    %get3A_44 = arith.constant 0 : index
    %get3A_45 = vector.load %arg11[%get3A_43, %get3A_44] : memref<256x256xf32, #tpu.memory_space<vmem>>, vector<256x256xf32>
    %get3A_46 = arith.constant 0 : index
    %get3A_47 = arith.constant 0 : index
    %get3A_48 = vector.load %arg12[%get3A_46, %get3A_47] : memref<1x256xf32, #tpu.memory_space<vmem>>, vector<1x256xf32>
    %convert_element_type3A_49 = arith.truncf %max3A_30 : vector<2048x256xf32> to vector<2048x256xbf16>
    %convert_element_type3A_50 = arith.truncf %get3A_33 : vector<256x256xf32> to vector<256x256xbf16>
    %dot_general3A_51 = arith.constant dense<0.000000e+00> : vector<2048x256xf32>
    %dot_general3A_52 = tpu.matmul %convert_element_type3A_49, %convert_element_type3A_50, %dot_general3A_51 {dimension_numbers = #tpu.dot_dimension_numbers<[1], [0], [0], [1], [0, 0, 1, 1], [], []>, transpose_lhs_hint = false} : vector<2048x256xbf16>, vector<256x256xbf16>, vector<2048x256xf32> -> vector<2048x256xf32>
    %add3A_53 = vector.broadcast %get3A_36 : vector<1x256xf32> to vector<2048x256xf32>
    %add3A_54 = arith.addf %dot_general3A_52, %add3A_53 : vector<2048x256xf32>
    %sub3A_55 = arith.subf %reshape3A, %get3A_1 : vector<2048x256xf32>
    %add3A_56 = arith.addf %sub3A_55, %add3A_54 : vector<2048x256xf32>
    %convert_element_type3A_57 = arith.truncf %add3A_56 : vector<2048x256xf32> to vector<2048x256xbf16>
    %convert_element_type3A_58 = arith.truncf %get3A_39 : vector<256x256xf32> to vector<256x256xbf16>
    %dot_general3A_59 = arith.constant dense<0.000000e+00> : vector<2048x256xf32>
    %dot_general3A_60 = tpu.matmul %convert_element_type3A_57, %convert_element_type3A_58, %dot_general3A_59 {dimension_numbers = #tpu.dot_dimension_numbers<[1], [0], [0], [1], [0, 0, 1, 1], [], []>, transpose_lhs_hint = false} : vector<2048x256xbf16>, vector<256x256xbf16>, vector<2048x256xf32> -> vector<2048x256xf32>
    %add3A_61 = vector.broadcast %get3A_42 : vector<1x256xf32> to vector<2048x256xf32>
    %add3A_62 = arith.addf %dot_general3A_60, %add3A_61 : vector<2048x256xf32>
    %max3A_63 = arith.constant 0.000000e+00 : f32
    %max3A_64 = vector.broadcast %max3A_63 : f32 to vector<2048x256xf32>
    %max3A_65 = arith.maximumf %add3A_62, %max3A_64 : vector<2048x256xf32>
    %convert_element_type3A_66 = arith.truncf %max3A_65 : vector<2048x256xf32> to vector<2048x256xbf16>
    %convert_element_type3A_67 = arith.truncf %get3A_45 : vector<256x256xf32> to vector<256x256xbf16>
    %dot_general3A_68 = arith.constant dense<0.000000e+00> : vector<2048x256xf32>
    %dot_general3A_69 = tpu.matmul %convert_element_type3A_66, %convert_element_type3A_67, %dot_general3A_68 {dimension_numbers = #tpu.dot_dimension_numbers<[1], [0], [0], [1], [0, 0, 1, 1], [], []>, transpose_lhs_hint = false} : vector<2048x256xbf16>, vector<256x256xbf16>, vector<2048x256xf32> -> vector<2048x256xf32>
    %add3A_70 = vector.broadcast %get3A_48 : vector<1x256xf32> to vector<2048x256xf32>
    %add3A_71 = arith.addf %dot_general3A_69, %add3A_70 : vector<2048x256xf32>
    %mul3A = arith.constant 6.250000e-02 : f32
    %mul3A_72 = vector.broadcast %mul3A : f32 to vector<2048x256xf32>
    %mul3A_73 = arith.mulf %add3A_71, %mul3A_72 : vector<2048x256xf32>
    %reshape3A_74 = vector.shape_cast %mul3A_73 : vector<2048x256xf32> to vector<128x16x256xf32>
    %reduce_max3A = arith.constant dense<0xFF800000> : vector<128x256xf32>
    %reduce_max3A_75 = vector.multi_reduction <maximumf>, %reshape3A_74, %reduce_max3A [1] : vector<128x16x256xf32> to vector<128x256xf32>
    %broadcast_in_dim3A_76 = vector.shape_cast %reduce_max3A_75 : vector<128x256xf32> to vector<128x1x256xf32>
    %sub3A_77 = vector.broadcast %broadcast_in_dim3A_76 : vector<128x1x256xf32> to vector<128x16x256xf32>
    %sub3A_78 = arith.subf %reshape3A_74, %sub3A_77 : vector<128x16x256xf32>
    %exp3A = math.exp %sub3A_78 : vector<128x16x256xf32>
    %reduce_sum3A = arith.constant dense<0.000000e+00> : vector<128x256xf32>
    %reduce_sum3A_79 = vector.multi_reduction <add>, %exp3A, %reduce_sum3A [1] : vector<128x16x256xf32> to vector<128x256xf32>
    %broadcast_in_dim3A_80 = vector.shape_cast %reduce_sum3A_79 : vector<128x256xf32> to vector<128x1x256xf32>
    %add3A_81 = arith.addf %get3A_4, %add3A_54 : vector<2048x256xf32>
    %reshape3A_82 = vector.shape_cast %add3A_81 : vector<2048x256xf32> to vector<128x16x256xf32>
    %div3A = vector.broadcast %broadcast_in_dim3A_80 : vector<128x1x256xf32> to vector<128x16x256xf32>
    %div3A_83 = arith.divf %exp3A, %div3A : vector<128x16x256xf32>
    %mul3A_84 = arith.mulf %div3A_83, %reshape3A_82 : vector<128x16x256xf32>
    %reduce_sum3A_85 = arith.constant dense<0.000000e+00> : vector<128x256xf32>
    %reduce_sum3A_86 = vector.multi_reduction <add>, %mul3A_84, %reduce_sum3A_85 [1] : vector<128x16x256xf32> to vector<128x256xf32>
    %get3A_87 = arith.constant 0 : index
    %get3A_88 = arith.constant 0 : index
    %get3A_89 = vector.load %arg13[%get3A_87, %get3A_88] : memref<256x64xf32, #tpu.memory_space<vmem>>, vector<256x64xf32>
    %dot_general3A_90 = arith.constant dense<0.000000e+00> : vector<128x64xf32>
    %dot_general3A_91 = tpu.matmul %reduce_sum3A_86, %get3A_89, %dot_general3A_90 {dimension_numbers = #tpu.dot_dimension_numbers<[1], [0], [0], [1], [0, 0, 1, 1], [], []>, transpose_lhs_hint = false} : vector<128x256xf32>, vector<256x64xf32>, vector<128x64xf32> -> vector<128x64xf32>
    %get3A_92 = arith.constant 0 : index
    %get3A_93 = arith.constant 0 : index
    %get3A_94 = vector.load %arg14[%get3A_92, %get3A_93] : memref<1x64xf32, #tpu.memory_space<vmem>>, vector<1x64xf32>
    %add3A_95 = vector.broadcast %get3A_94 : vector<1x64xf32> to vector<128x64xf32>
    %add3A_96 = arith.addf %dot_general3A_91, %add3A_95 : vector<128x64xf32>
    %get3A_97 = arith.constant 0 : index
    %get3A_98 = arith.constant 0 : index
    %get3A_99 = vector.load %arg4[%get3A_97, %get3A_98] : memref<128x64xf32, #tpu.memory_space<vmem>>, vector<128x64xf32>
    %add3A_100 = arith.addf %add3A_96, %get3A_99 : vector<128x64xf32>
    %swap3A = arith.constant 0 : index
    %swap3A_101 = arith.constant 0 : index
    %swap3A_102 = vector.load %arg15[%swap3A, %swap3A_101] : memref<128x64xf32, #tpu.memory_space<vmem>>, vector<128x64xf32>
    tpu.vector_store %arg15[%swap3A, %swap3A_101], %add3A_100 {strides = array<i32>} : memref<128x64xf32, #tpu.memory_space<vmem>>, vector<128x64xf32>,
    return
  }
  func.func @transform_0(%arg0: i32) -> (i32, i32) {
    %c0_i32 = arith.constant 0 : i32
    %c0_i32_0 = arith.constant 0 : i32
    return %arg0, %c0_i32 : i32, i32
  }
  func.func @transform_1(%arg0: i32) -> (i32, i32) {
    %c0_i32 = arith.constant 0 : i32
    %c0_i32_0 = arith.constant 0 : i32
    return %arg0, %c0_i32 : i32, i32
  }
  func.func @transform_2(%arg0: i32) -> (i32, i32) {
    %c0_i32 = arith.constant 0 : i32
    %c0_i32_0 = arith.constant 0 : i32
    return %arg0, %c0_i32 : i32, i32
  }
  func.func @transform_3(%arg0: i32) -> (i32, i32) {
    %c0_i32 = arith.constant 0 : i32
    %c0_i32_0 = arith.constant 0 : i32
    return %arg0, %c0_i32 : i32, i32
  }
  func.func @transform_4(%arg0: i32) -> (i32, i32) {
    %c0_i32 = arith.constant 0 : i32
    %c0_i32_0 = arith.constant 0 : i32
    %c0_i32_1 = arith.constant 0 : i32
    return %c0_i32, %c0_i32_0 : i32, i32
  }
  func.func @transform_5(%arg0: i32) -> (i32, i32) {
    %c0_i32 = arith.constant 0 : i32
    %c0_i32_0 = arith.constant 0 : i32
    %c0_i32_1 = arith.constant 0 : i32
    return %c0_i32, %c0_i32_0 : i32, i32
  }
  func.func @transform_6(%arg0: i32) -> (i32, i32) {
    %c0_i32 = arith.constant 0 : i32
    %c0_i32_0 = arith.constant 0 : i32
    %c0_i32_1 = arith.constant 0 : i32
    return %c0_i32, %c0_i32_0 : i32, i32
  }
  func.func @transform_7(%arg0: i32) -> (i32, i32) {
    %c0_i32 = arith.constant 0 : i32
    %c0_i32_0 = arith.constant 0 : i32
    %c0_i32_1 = arith.constant 0 : i32
    return %c0_i32, %c0_i32_0 : i32, i32
  }
  func.func @transform_8(%arg0: i32) -> (i32, i32) {
    %c0_i32 = arith.constant 0 : i32
    %c0_i32_0 = arith.constant 0 : i32
    %c0_i32_1 = arith.constant 0 : i32
    return %c0_i32, %c0_i32_0 : i32, i32
  }
  func.func @transform_9(%arg0: i32) -> (i32, i32) {
    %c0_i32 = arith.constant 0 : i32
    %c0_i32_0 = arith.constant 0 : i32
    %c0_i32_1 = arith.constant 0 : i32
    return %c0_i32, %c0_i32_0 : i32, i32
  }
  func.func @transform_10(%arg0: i32) -> (i32, i32) {
    %c0_i32 = arith.constant 0 : i32
    %c0_i32_0 = arith.constant 0 : i32
    %c0_i32_1 = arith.constant 0 : i32
    return %c0_i32, %c0_i32_0 : i32, i32
  }
  func.func @transform_11(%arg0: i32) -> (i32, i32) {
    %c0_i32 = arith.constant 0 : i32
    %c0_i32_0 = arith.constant 0 : i32
    %c0_i32_1 = arith.constant 0 : i32
    return %c0_i32, %c0_i32_0 : i32, i32
  }
  func.func @transform_12(%arg0: i32) -> (i32, i32) {
    %c0_i32 = arith.constant 0 : i32
    %c0_i32_0 = arith.constant 0 : i32
    %c0_i32_1 = arith.constant 0 : i32
    return %c0_i32, %c0_i32_0 : i32, i32
  }
  func.func @transform_13(%arg0: i32) -> (i32, i32) {
    %c0_i32 = arith.constant 0 : i32
    %c0_i32_0 = arith.constant 0 : i32
    %c0_i32_1 = arith.constant 0 : i32
    return %c0_i32, %c0_i32_0 : i32, i32
  }
  func.func @transform_14(%arg0: i32) -> (i32, i32) {
    %c0_i32 = arith.constant 0 : i32
    %c0_i32_0 = arith.constant 0 : i32
    return %arg0, %c0_i32 : i32, i32
  }
}

module attributes {stable_mosaic.version = 14 : i64} {
  func.func @_tu_body(%arg0: i32, %arg1: memref<256x8xf32, #tpu.memory_space<vmem>>, %arg2: memref<8x1024xf32, #tpu.memory_space<vmem>>, %arg3: memref<1024x64xf32, #tpu.memory_space<vmem>>, %arg4: memref<256x32xf32, #tpu.memory_space<vmem>>, %arg5: memref<64x32xf32, #tpu.memory_space<vmem>>, %arg6: memref<1x32xf32, #tpu.memory_space<vmem>>, %arg7: memref<1x32xf32, #tpu.memory_space<vmem>>, %arg8: memref<1x32xf32, #tpu.memory_space<vmem>>, %arg9: memref<32x32xf32, #tpu.memory_space<vmem>>, %arg10: memref<1x32xf32, #tpu.memory_space<vmem>>, %arg11: memref<1x32xf32, #tpu.memory_space<vmem>>, %arg12: memref<1x32xf32, #tpu.memory_space<vmem>>, %arg13: memref<256x32xf32, #tpu.memory_space<vmem>>) attributes {dimension_semantics = [#tpu.dimension_semantics<parallel>], iteration_bounds = array<i64: 16>, scalar_prefetch = 0 : i64, scratch_operands = 0 : i64, tpu.core_type = #tpu.core_type<tc>, window_params = [{transform_indices = @transform_0, window_bounds = array<i64: 256, 8>}, {pipeline_mode = #tpu.pipeline_mode<synchronous>, transform_indices = @transform_1, window_bounds = array<i64: 8, 1024>}, {pipeline_mode = #tpu.pipeline_mode<synchronous>, transform_indices = @transform_2, window_bounds = array<i64: 1024, 64>}, {transform_indices = @transform_3, window_bounds = array<i64: 256, 32>}, {pipeline_mode = #tpu.pipeline_mode<synchronous>, transform_indices = @transform_4, window_bounds = array<i64: 64, 32>}, {pipeline_mode = #tpu.pipeline_mode<synchronous>, transform_indices = @transform_5, window_bounds = array<i64: 1, 32>}, {pipeline_mode = #tpu.pipeline_mode<synchronous>, transform_indices = @transform_6, window_bounds = array<i64: 1, 32>}, {pipeline_mode = #tpu.pipeline_mode<synchronous>, transform_indices = @transform_7, window_bounds = array<i64: 1, 32>}, {pipeline_mode = #tpu.pipeline_mode<synchronous>, transform_indices = @transform_8, window_bounds = array<i64: 32, 32>}, {pipeline_mode = #tpu.pipeline_mode<synchronous>, transform_indices = @transform_9, window_bounds = array<i64: 1, 32>}, {pipeline_mode = #tpu.pipeline_mode<synchronous>, transform_indices = @transform_10, window_bounds = array<i64: 1, 32>}, {pipeline_mode = #tpu.pipeline_mode<synchronous>, transform_indices = @transform_11, window_bounds = array<i64: 1, 32>}, {transform_indices = @transform_12, window_bounds = array<i64: 256, 32>}]} {
    %get3A = arith.constant 0 : index
    %get3A_0 = arith.constant 0 : index
    %get3A_1 = vector.load %arg1[%get3A, %get3A_0] : memref<256x8xf32, #tpu.memory_space<vmem>>, vector<256x8xf32>
    %get3A_2 = arith.constant 0 : index
    %get3A_3 = arith.constant 0 : index
    %get3A_4 = vector.load %arg2[%get3A_2, %get3A_3] : memref<8x1024xf32, #tpu.memory_space<vmem>>, vector<8x1024xf32>
    %get3A_5 = arith.constant 0 : index
    %get3A_6 = arith.constant 0 : index
    %get3A_7 = vector.load %arg3[%get3A_5, %get3A_6] : memref<1024x64xf32, #tpu.memory_space<vmem>>, vector<1024x64xf32>
    %get3A_8 = arith.constant 0 : index
    %get3A_9 = arith.constant 0 : index
    %get3A_10 = vector.load %arg4[%get3A_8, %get3A_9] : memref<256x32xf32, #tpu.memory_space<vmem>>, vector<256x32xf32>
    %get3A_11 = arith.constant 0 : index
    %get3A_12 = arith.constant 0 : index
    %get3A_13 = vector.load %arg5[%get3A_11, %get3A_12] : memref<64x32xf32, #tpu.memory_space<vmem>>, vector<64x32xf32>
    %get3A_14 = arith.constant 0 : index
    %get3A_15 = arith.constant 0 : index
    %get3A_16 = vector.load %arg6[%get3A_14, %get3A_15] : memref<1x32xf32, #tpu.memory_space<vmem>>, vector<1x32xf32>
    %get3A_17 = arith.constant 0 : index
    %get3A_18 = arith.constant 0 : index
    %get3A_19 = vector.load %arg7[%get3A_17, %get3A_18] : memref<1x32xf32, #tpu.memory_space<vmem>>, vector<1x32xf32>
    %get3A_20 = arith.constant 0 : index
    %get3A_21 = arith.constant 0 : index
    %get3A_22 = vector.load %arg8[%get3A_20, %get3A_21] : memref<1x32xf32, #tpu.memory_space<vmem>>, vector<1x32xf32>
    %get3A_23 = arith.constant 0 : index
    %get3A_24 = arith.constant 0 : index
    %get3A_25 = vector.load %arg9[%get3A_23, %get3A_24] : memref<32x32xf32, #tpu.memory_space<vmem>>, vector<32x32xf32>
    %get3A_26 = arith.constant 0 : index
    %get3A_27 = arith.constant 0 : index
    %get3A_28 = vector.load %arg10[%get3A_26, %get3A_27] : memref<1x32xf32, #tpu.memory_space<vmem>>, vector<1x32xf32>
    %get3A_29 = arith.constant 0 : index
    %get3A_30 = arith.constant 0 : index
    %get3A_31 = vector.load %arg11[%get3A_29, %get3A_30] : memref<1x32xf32, #tpu.memory_space<vmem>>, vector<1x32xf32>
    %get3A_32 = arith.constant 0 : index
    %get3A_33 = arith.constant 0 : index
    %get3A_34 = vector.load %arg12[%get3A_32, %get3A_33] : memref<1x32xf32, #tpu.memory_space<vmem>>, vector<1x32xf32>
    %dot_general3A = arith.constant dense<0.000000e+00> : vector<256x32xf32>
    %dot_general3A_35 = tpu.matmul %get3A_10, %get3A_25, %dot_general3A {dimension_numbers = #tpu.dot_dimension_numbers<[1], [0], [0], [1], [0, 0, 1, 1], [], []>, transpose_lhs_hint = false} : vector<256x32xf32>, vector<32x32xf32>, vector<256x32xf32> -> vector<256x32xf32>
    %add3A = vector.broadcast %get3A_28 : vector<1x32xf32> to vector<256x32xf32>
    %add3A_36 = arith.addf %dot_general3A_35, %add3A : vector<256x32xf32>
    %mul3A = arith.constant 0.999994993 : f32
    %mul3A_37 = vector.broadcast %mul3A : f32 to vector<1x32xf32>
    %mul3A_38 = arith.mulf %get3A_31, %mul3A_37 : vector<1x32xf32>
    %mul3A_39 = vector.broadcast %mul3A_38 : vector<1x32xf32> to vector<256x32xf32>
    %mul3A_40 = arith.mulf %add3A_36, %mul3A_39 : vector<256x32xf32>
    %add3A_41 = vector.broadcast %get3A_34 : vector<1x32xf32> to vector<256x32xf32>
    %add3A_42 = arith.addf %mul3A_40, %add3A_41 : vector<256x32xf32>
    %max3A = arith.constant 0.000000e+00 : f32
    %max3A_43 = vector.broadcast %max3A : f32 to vector<256x32xf32>
    %max3A_44 = arith.maximumf %add3A_42, %max3A_43 : vector<256x32xf32>
    %dot_general3A_45 = arith.constant dense<0.000000e+00> : vector<1024x32xf32>
    %dot_general3A_46 = tpu.matmul %get3A_7, %get3A_13, %dot_general3A_45 {dimension_numbers = #tpu.dot_dimension_numbers<[1], [0], [0], [1], [0, 0, 1, 1], [], []>, transpose_lhs_hint = false} : vector<1024x64xf32>, vector<64x32xf32>, vector<1024x32xf32> -> vector<1024x32xf32>
    %add3A_47 = vector.broadcast %get3A_16 : vector<1x32xf32> to vector<1024x32xf32>
    %add3A_48 = arith.addf %dot_general3A_46, %add3A_47 : vector<1024x32xf32>
    %mul3A_49 = arith.constant 0.999994993 : f32
    %mul3A_50 = vector.broadcast %mul3A_49 : f32 to vector<1x32xf32>
    %mul3A_51 = arith.mulf %get3A_19, %mul3A_50 : vector<1x32xf32>
    %mul3A_52 = vector.broadcast %mul3A_51 : vector<1x32xf32> to vector<1024x32xf32>
    %mul3A_53 = arith.mulf %add3A_48, %mul3A_52 : vector<1024x32xf32>
    %add3A_54 = vector.broadcast %get3A_22 : vector<1x32xf32> to vector<1024x32xf32>
    %add3A_55 = arith.addf %mul3A_53, %add3A_54 : vector<1024x32xf32>
    %max3A_56 = arith.constant 0.000000e+00 : f32
    %max3A_57 = vector.broadcast %max3A_56 : f32 to vector<1024x32xf32>
    %max3A_58 = arith.maximumf %add3A_55, %max3A_57 : vector<1024x32xf32>
    %mul3A_59 = arith.mulf %get3A_1, %get3A_1 : vector<256x8xf32>
    %reduce_sum3A = arith.constant dense<0.000000e+00> : vector<256xf32>
    %reduce_sum3A_60 = vector.multi_reduction <add>, %mul3A_59, %reduce_sum3A [1] : vector<256x8xf32> to vector<256xf32>
    %broadcast_in_dim3A = vector.shape_cast %reduce_sum3A_60 : vector<256xf32> to vector<256x1xf32>
    %mul3A_61 = arith.mulf %get3A_4, %get3A_4 : vector<8x1024xf32>
    %reduce_sum3A_62 = arith.constant dense<0.000000e+00> : vector<1024xf32>
    %reduce_sum3A_63 = vector.multi_reduction <add>, %mul3A_61, %reduce_sum3A_62 [0] : vector<8x1024xf32> to vector<1024xf32>
    %broadcast_in_dim3A_64 = vector.shape_cast %reduce_sum3A_63 : vector<1024xf32> to vector<1x1024xf32>
    %add3A_65 = vector.broadcast %broadcast_in_dim3A : vector<256x1xf32> to vector<256x1024xf32>
    %add3A_66 = vector.broadcast %broadcast_in_dim3A_64 : vector<1x1024xf32> to vector<256x1024xf32>
    %add3A_67 = arith.addf %add3A_65, %add3A_66 : vector<256x1024xf32>
    %dot_general3A_68 = arith.constant dense<0.000000e+00> : vector<256x1024xf32>
    %dot_general3A_69 = tpu.matmul %get3A_1, %get3A_4, %dot_general3A_68 {dimension_numbers = #tpu.dot_dimension_numbers<[1], [0], [0], [1], [0, 0, 1, 1], [], []>, precision = #tpu.contract_precision<fp32>, transpose_lhs_hint = false} : vector<256x8xf32>, vector<8x1024xf32>, vector<256x1024xf32> -> vector<256x1024xf32>
    %mul3A_70 = arith.constant 2.000000e+00 : f32
    %mul3A_71 = vector.broadcast %mul3A_70 : f32 to vector<256x1024xf32>
    %mul3A_72 = arith.mulf %mul3A_71, %dot_general3A_69 : vector<256x1024xf32>
    %sub3A = arith.subf %add3A_67, %mul3A_72 : vector<256x1024xf32>
    %max3A_73 = arith.constant 0.000000e+00 : f32
    %max3A_74 = vector.broadcast %max3A_73 : f32 to vector<256x1024xf32>
    %max3A_75 = arith.maximumf %sub3A, %max3A_74 : vector<256x1024xf32>
    %iota3A = tpu.iota {dimensions = array<i32: 1>} : vector<256x1024xi32>
    %convert_element_type3A = arith.sitofp %iota3A : vector<256x1024xi32> to vector<256x1024xf32>
    %reduce_min3A = arith.constant dense<0x7F800000> : vector<256xf32>
    %reduce_min3A_76 = vector.multi_reduction <minimumf>, %max3A_75, %reduce_min3A [1] : vector<256x1024xf32> to vector<256xf32>
    %broadcast_in_dim3A_77 = vector.shape_cast %reduce_min3A_76 : vector<256xf32> to vector<256x1xf32>
    %le3A = vector.broadcast %broadcast_in_dim3A_77 : vector<256x1xf32> to vector<256x1024xf32>
    %le3A_78 = arith.cmpf ole, %max3A_75, %le3A : vector<256x1024xf32>
    %jit3A = arith.constant 1.000000e+30 : f32
    %broadcast_in_dim3A_79 = vector.broadcast %jit3A : f32 to vector<256x1024xf32>
    %select_n3A = arith.select %le3A_78, %convert_element_type3A, %broadcast_in_dim3A_79 : vector<256x1024xi1>, vector<256x1024xf32>
    %reduce_min3A_80 = arith.constant dense<0x7F800000> : vector<256xf32>
    %reduce_min3A_81 = vector.multi_reduction <minimumf>, %select_n3A, %reduce_min3A_80 [1] : vector<256x1024xf32> to vector<256xf32>
    %broadcast_in_dim3A_82 = vector.shape_cast %reduce_min3A_81 : vector<256xf32> to vector<256x1xf32>
    %add3A_83 = arith.constant 9.99999993E-9 : f32
    %add3A_84 = vector.broadcast %add3A_83 : f32 to vector<256x1xf32>
    %add3A_85 = arith.addf %broadcast_in_dim3A_77, %add3A_84 : vector<256x1xf32>
    %div3A = arith.constant 1.000000e+00 : f32
    %div3A_86 = vector.broadcast %div3A : f32 to vector<256x1xf32>
    %div3A_87 = arith.divf %div3A_86, %add3A_85 : vector<256x1xf32>
    %eq3A = vector.broadcast %broadcast_in_dim3A_82 : vector<256x1xf32> to vector<256x1024xf32>
    %eq3A_88 = arith.cmpf oeq, %convert_element_type3A, %eq3A : vector<256x1024xf32>
    %eq3A_89 = vector.broadcast %broadcast_in_dim3A_82 : vector<256x1xf32> to vector<256x1024xf32>
    %eq3A_90 = arith.cmpf oeq, %convert_element_type3A, %eq3A_89 : vector<256x1024xf32>
    %jit3A_91 = arith.constant 1.000000e+30 : f32
    %broadcast_in_dim3A_92 = vector.broadcast %jit3A_91 : f32 to vector<256x1024xf32>
    %select_n3A_93 = arith.select %eq3A_90, %broadcast_in_dim3A_92, %max3A_75 : vector<256x1024xi1>, vector<256x1024xf32>
    %reduce_min3A_94 = arith.constant dense<0x7F800000> : vector<256xf32>
    %reduce_min3A_95 = vector.multi_reduction <minimumf>, %select_n3A_93, %reduce_min3A_94 [1] : vector<256x1024xf32> to vector<256xf32>
    %broadcast_in_dim3A_96 = vector.shape_cast %reduce_min3A_95 : vector<256xf32> to vector<256x1xf32>
    %le3A_97 = vector.broadcast %broadcast_in_dim3A_96 : vector<256x1xf32> to vector<256x1024xf32>
    %le3A_98 = arith.cmpf ole, %select_n3A_93, %le3A_97 : vector<256x1024xf32>
    %jit3A_99 = arith.constant 1.000000e+30 : f32
    %broadcast_in_dim3A_100 = vector.broadcast %jit3A_99 : f32 to vector<256x1024xf32>
    %select_n3A_101 = arith.select %le3A_98, %convert_element_type3A, %broadcast_in_dim3A_100 : vector<256x1024xi1>, vector<256x1024xf32>
    %reduce_min3A_102 = arith.constant dense<0x7F800000> : vector<256xf32>
    %reduce_min3A_103 = vector.multi_reduction <minimumf>, %select_n3A_101, %reduce_min3A_102 [1] : vector<256x1024xf32> to vector<256xf32>
    %broadcast_in_dim3A_104 = vector.shape_cast %reduce_min3A_103 : vector<256xf32> to vector<256x1xf32>
    %add3A_105 = arith.constant 9.99999993E-9 : f32
    %add3A_106 = vector.broadcast %add3A_105 : f32 to vector<256x1xf32>
    %add3A_107 = arith.addf %broadcast_in_dim3A_96, %add3A_106 : vector<256x1xf32>
    %div3A_108 = arith.constant 1.000000e+00 : f32
    %div3A_109 = vector.broadcast %div3A_108 : f32 to vector<256x1xf32>
    %div3A_110 = arith.divf %div3A_109, %add3A_107 : vector<256x1xf32>
    %eq3A_111 = vector.broadcast %broadcast_in_dim3A_104 : vector<256x1xf32> to vector<256x1024xf32>
    %eq3A_112 = arith.cmpf oeq, %convert_element_type3A, %eq3A_111 : vector<256x1024xf32>
    %eq3A_113 = vector.broadcast %broadcast_in_dim3A_104 : vector<256x1xf32> to vector<256x1024xf32>
    %eq3A_114 = arith.cmpf oeq, %convert_element_type3A, %eq3A_113 : vector<256x1024xf32>
    %jit3A_115 = arith.constant 1.000000e+30 : f32
    %broadcast_in_dim3A_116 = vector.broadcast %jit3A_115 : f32 to vector<256x1024xf32>
    %select_n3A_117 = arith.select %eq3A_114, %broadcast_in_dim3A_116, %select_n3A_93 : vector<256x1024xi1>, vector<256x1024xf32>
    %reduce_min3A_118 = arith.constant dense<0x7F800000> : vector<256xf32>
    %reduce_min3A_119 = vector.multi_reduction <minimumf>, %select_n3A_117, %reduce_min3A_118 [1] : vector<256x1024xf32> to vector<256xf32>
    %broadcast_in_dim3A_120 = vector.shape_cast %reduce_min3A_119 : vector<256xf32> to vector<256x1xf32>
    %le3A_121 = vector.broadcast %broadcast_in_dim3A_120 : vector<256x1xf32> to vector<256x1024xf32>
    %le3A_122 = arith.cmpf ole, %select_n3A_117, %le3A_121 : vector<256x1024xf32>
    %jit3A_123 = arith.constant 1.000000e+30 : f32
    %broadcast_in_dim3A_124 = vector.broadcast %jit3A_123 : f32 to vector<256x1024xf32>
    %select_n3A_125 = arith.select %le3A_122, %convert_element_type3A, %broadcast_in_dim3A_124 : vector<256x1024xi1>, vector<256x1024xf32>
    %reduce_min3A_126 = arith.constant dense<0x7F800000> : vector<256xf32>
    %reduce_min3A_127 = vector.multi_reduction <minimumf>, %select_n3A_125, %reduce_min3A_126 [1] : vector<256x1024xf32> to vector<256xf32>
    %broadcast_in_dim3A_128 = vector.shape_cast %reduce_min3A_127 : vector<256xf32> to vector<256x1xf32>
    %add3A_129 = arith.constant 9.99999993E-9 : f32
    %add3A_130 = vector.broadcast %add3A_129 : f32 to vector<256x1xf32>
    %add3A_131 = arith.addf %broadcast_in_dim3A_120, %add3A_130 : vector<256x1xf32>
    %div3A_132 = arith.constant 1.000000e+00 : f32
    %div3A_133 = vector.broadcast %div3A_132 : f32 to vector<256x1xf32>
    %div3A_134 = arith.divf %div3A_133, %add3A_131 : vector<256x1xf32>
    %eq3A_135 = vector.broadcast %broadcast_in_dim3A_128 : vector<256x1xf32> to vector<256x1024xf32>
    %eq3A_136 = arith.cmpf oeq, %convert_element_type3A, %eq3A_135 : vector<256x1024xf32>
    %add3A_137 = arith.addf %div3A_87, %div3A_110 : vector<256x1xf32>
    %add3A_138 = arith.addf %add3A_137, %div3A_134 : vector<256x1xf32>
    %div3A_139 = arith.divf %div3A_87, %add3A_138 : vector<256x1xf32>
    %jit3A_140 = arith.constant 0.000000e+00 : f32
    %broadcast_in_dim3A_141 = vector.shape_cast %div3A_139 : vector<256x1xf32> to vector<256x1xf32>
    %broadcast_in_dim3A_142 = vector.broadcast %broadcast_in_dim3A_141 : vector<256x1xf32> to vector<256x1024xf32>
    %broadcast_in_dim3A_143 = vector.broadcast %jit3A_140 : f32 to vector<256x1024xf32>
    %select_n3A_144 = arith.select %eq3A_88, %broadcast_in_dim3A_142, %broadcast_in_dim3A_143 : vector<256x1024xi1>, vector<256x1024xf32>
    %div3A_145 = arith.divf %div3A_110, %add3A_138 : vector<256x1xf32>
    %jit3A_146 = arith.constant 0.000000e+00 : f32
    %broadcast_in_dim3A_147 = vector.shape_cast %div3A_145 : vector<256x1xf32> to vector<256x1xf32>
    %broadcast_in_dim3A_148 = vector.broadcast %broadcast_in_dim3A_147 : vector<256x1xf32> to vector<256x1024xf32>
    %broadcast_in_dim3A_149 = vector.broadcast %jit3A_146 : f32 to vector<256x1024xf32>
    %select_n3A_150 = arith.select %eq3A_112, %broadcast_in_dim3A_148, %broadcast_in_dim3A_149 : vector<256x1024xi1>, vector<256x1024xf32>
    %add3A_151 = arith.addf %select_n3A_144, %select_n3A_150 : vector<256x1024xf32>
    %div3A_152 = arith.divf %div3A_134, %add3A_138 : vector<256x1xf32>
    %jit3A_153 = arith.constant 0.000000e+00 : f32
    %broadcast_in_dim3A_154 = vector.shape_cast %div3A_152 : vector<256x1xf32> to vector<256x1xf32>
    %broadcast_in_dim3A_155 = vector.broadcast %broadcast_in_dim3A_154 : vector<256x1xf32> to vector<256x1024xf32>
    %broadcast_in_dim3A_156 = vector.broadcast %jit3A_153 : f32 to vector<256x1024xf32>
    %select_n3A_157 = arith.select %eq3A_136, %broadcast_in_dim3A_155, %broadcast_in_dim3A_156 : vector<256x1024xi1>, vector<256x1024xf32>
    %add3A_158 = arith.addf %add3A_151, %select_n3A_157 : vector<256x1024xf32>
    %dot_general3A_159 = arith.constant dense<0.000000e+00> : vector<256x32xf32>
    %dot_general3A_160 = tpu.matmul %add3A_158, %max3A_58, %dot_general3A_159 {dimension_numbers = #tpu.dot_dimension_numbers<[1], [0], [0], [1], [0, 0, 1, 1], [], []>, transpose_lhs_hint = false} : vector<256x1024xf32>, vector<1024x32xf32>, vector<256x32xf32> -> vector<256x32xf32>
    %add3A_161 = arith.addf %dot_general3A_160, %max3A_44 : vector<256x32xf32>
    %swap3A = arith.constant 0 : index
    %swap3A_162 = arith.constant 0 : index
    %swap3A_163 = vector.load %arg13[%swap3A, %swap3A_162] : memref<256x32xf32, #tpu.memory_space<vmem>>, vector<256x32xf32>
    tpu.vector_store %arg13[%swap3A, %swap3A_162], %add3A_161 {strides = array<i32>} : memref<256x32xf32, #tpu.memory_space<vmem>>, vector<256x32xf32>,
    return
  }
  func.func @transform_0(%arg0: i32) -> (i32, i32) {
    %c0_i32 = arith.constant 0 : i32
    %c0_i32_0 = arith.constant 0 : i32
    return %arg0, %c0_i32 : i32, i32
  }
  func.func @transform_1(%arg0: i32) -> (i32, i32) {
    %c0_i32 = arith.constant 0 : i32
    %c0_i32_0 = arith.constant 0 : i32
    %c0_i32_1 = arith.constant 0 : i32
    return %c0_i32, %c0_i32_0 : i32, i32
  }
  func.func @transform_2(%arg0: i32) -> (i32, i32) {
    %c0_i32 = arith.constant 0 : i32
    %c0_i32_0 = arith.constant 0 : i32
    %c0_i32_1 = arith.constant 0 : i32
    return %c0_i32, %c0_i32_0 : i32, i32
  }
  func.func @transform_3(%arg0: i32) -> (i32, i32) {
    %c0_i32 = arith.constant 0 : i32
    %c0_i32_0 = arith.constant 0 : i32
    return %arg0, %c0_i32 : i32, i32
  }
  func.func @transform_4(%arg0: i32) -> (i32, i32) {
    %c0_i32 = arith.constant 0 : i32
    %c0_i32_0 = arith.constant 0 : i32
    %c0_i32_1 = arith.constant 0 : i32
    return %c0_i32, %c0_i32_0 : i32, i32
  }
  func.func @transform_5(%arg0: i32) -> (i32, i32) {
    %c0_i32 = arith.constant 0 : i32
    %c0_i32_0 = arith.constant 0 : i32
    %c0_i32_1 = arith.constant 0 : i32
    return %c0_i32, %c0_i32_0 : i32, i32
  }
  func.func @transform_6(%arg0: i32) -> (i32, i32) {
    %c0_i32 = arith.constant 0 : i32
    %c0_i32_0 = arith.constant 0 : i32
    %c0_i32_1 = arith.constant 0 : i32
    return %c0_i32, %c0_i32_0 : i32, i32
  }
  func.func @transform_7(%arg0: i32) -> (i32, i32) {
    %c0_i32 = arith.constant 0 : i32
    %c0_i32_0 = arith.constant 0 : i32
    %c0_i32_1 = arith.constant 0 : i32
    return %c0_i32, %c0_i32_0 : i32, i32
  }
  func.func @transform_8(%arg0: i32) -> (i32, i32) {
    %c0_i32 = arith.constant 0 : i32
    %c0_i32_0 = arith.constant 0 : i32
    %c0_i32_1 = arith.constant 0 : i32
    return %c0_i32, %c0_i32_0 : i32, i32
  }
  func.func @transform_9(%arg0: i32) -> (i32, i32) {
    %c0_i32 = arith.constant 0 : i32
    %c0_i32_0 = arith.constant 0 : i32
    %c0_i32_1 = arith.constant 0 : i32
    return %c0_i32, %c0_i32_0 : i32, i32
  }
  func.func @transform_10(%arg0: i32) -> (i32, i32) {
    %c0_i32 = arith.constant 0 : i32
    %c0_i32_0 = arith.constant 0 : i32
    %c0_i32_1 = arith.constant 0 : i32
    return %c0_i32, %c0_i32_0 : i32, i32
  }
  func.func @transform_11(%arg0: i32) -> (i32, i32) {
    %c0_i32 = arith.constant 0 : i32
    %c0_i32_0 = arith.constant 0 : i32
    %c0_i32_1 = arith.constant 0 : i32
    return %c0_i32, %c0_i32_0 : i32, i32
  }
  func.func @transform_12(%arg0: i32) -> (i32, i32) {
    %c0_i32 = arith.constant 0 : i32
    %c0_i32_0 = arith.constant 0 : i32
    return %arg0, %c0_i32 : i32, i32
  }
}

module attributes {stable_mosaic.version = 14 : i64} {
  func.func @_pre_body(%arg0: i32, %arg1: memref<512x32xf32, #tpu.memory_space<vmem>>, %arg2: memref<512x128xf32, #tpu.memory_space<vmem>>, %arg3: memref<32x256xf32, #tpu.memory_space<vmem>>, %arg4: memref<1x256xf32, #tpu.memory_space<vmem>>, %arg5: memref<256x256xf32, #tpu.memory_space<vmem>>, %arg6: memref<256x256xf32, #tpu.memory_space<vmem>>, %arg7: memref<256x256xf32, #tpu.memory_space<vmem>>, %arg8: memref<512x256xf32, #tpu.memory_space<vmem>>, %arg9: memref<512x640xf32, #tpu.memory_space<vmem>>) attributes {dimension_semantics = [#tpu.dimension_semantics<parallel>], iteration_bounds = array<i64: 8>, scalar_prefetch = 0 : i64, scratch_operands = 0 : i64, tpu.core_type = #tpu.core_type<tc>, window_params = [{transform_indices = @transform_0, window_bounds = array<i64: 512, 32>}, {transform_indices = @transform_1, window_bounds = array<i64: 512, 128>}, {pipeline_mode = #tpu.pipeline_mode<synchronous>, transform_indices = @transform_2, window_bounds = array<i64: 32, 256>}, {pipeline_mode = #tpu.pipeline_mode<synchronous>, transform_indices = @transform_3, window_bounds = array<i64: 1, 256>}, {pipeline_mode = #tpu.pipeline_mode<synchronous>, transform_indices = @transform_4, window_bounds = array<i64: 256, 256>}, {pipeline_mode = #tpu.pipeline_mode<synchronous>, transform_indices = @transform_5, window_bounds = array<i64: 256, 256>}, {pipeline_mode = #tpu.pipeline_mode<synchronous>, transform_indices = @transform_6, window_bounds = array<i64: 256, 256>}, {transform_indices = @transform_7, window_bounds = array<i64: 512, 256>}, {transform_indices = @transform_8, window_bounds = array<i64: 512, 640>}]} {
    %get3A = arith.constant 0 : index
    %get3A_0 = arith.constant 0 : index
    %get3A_1 = vector.load %arg1[%get3A, %get3A_0] : memref<512x32xf32, #tpu.memory_space<vmem>>, vector<512x32xf32>
    %get3A_2 = arith.constant 0 : index
    %get3A_3 = arith.constant 0 : index
    %get3A_4 = vector.load %arg3[%get3A_2, %get3A_3] : memref<32x256xf32, #tpu.memory_space<vmem>>, vector<32x256xf32>
    %dot_general3A = arith.constant dense<0.000000e+00> : vector<512x256xf32>
    %dot_general3A_5 = tpu.matmul %get3A_1, %get3A_4, %dot_general3A {dimension_numbers = #tpu.dot_dimension_numbers<[1], [0], [0], [1], [0, 0, 1, 1], [], []>, transpose_lhs_hint = false} : vector<512x32xf32>, vector<32x256xf32>, vector<512x256xf32> -> vector<512x256xf32>
    %get3A_6 = arith.constant 0 : index
    %get3A_7 = arith.constant 0 : index
    %get3A_8 = vector.load %arg4[%get3A_6, %get3A_7] : memref<1x256xf32, #tpu.memory_space<vmem>>, vector<1x256xf32>
    %add3A = vector.broadcast %get3A_8 : vector<1x256xf32> to vector<512x256xf32>
    %add3A_9 = arith.addf %dot_general3A_5, %add3A : vector<512x256xf32>
    %get3A_10 = arith.constant 0 : index
    %get3A_11 = arith.constant 0 : index
    %get3A_12 = vector.load %arg5[%get3A_10, %get3A_11] : memref<256x256xf32, #tpu.memory_space<vmem>>, vector<256x256xf32>
    %dot_general3A_13 = arith.constant dense<0.000000e+00> : vector<512x256xf32>
    %dot_general3A_14 = tpu.matmul %add3A_9, %get3A_12, %dot_general3A_13 {dimension_numbers = #tpu.dot_dimension_numbers<[1], [0], [0], [1], [0, 0, 1, 1], [], []>, transpose_lhs_hint = false} : vector<512x256xf32>, vector<256x256xf32>, vector<512x256xf32> -> vector<512x256xf32>
    %swap3A = arith.constant 0 : index
    %swap3A_15 = arith.constant 0 : index
    %swap3A_16 = vector.load %arg8[%swap3A, %swap3A_15] : memref<512x256xf32, #tpu.memory_space<vmem>>, vector<512x256xf32>
    tpu.vector_store %arg8[%swap3A, %swap3A_15], %dot_general3A_14 {strides = array<i32>} : memref<512x256xf32, #tpu.memory_space<vmem>>, vector<512x256xf32>,
    %get3A_17 = arith.constant 0 : index
    %get3A_18 = arith.constant 0 : index
    %get3A_19 = vector.load %arg6[%get3A_17, %get3A_18] : memref<256x256xf32, #tpu.memory_space<vmem>>, vector<256x256xf32>
    %dot_general3A_20 = arith.constant dense<0.000000e+00> : vector<512x256xf32>
    %dot_general3A_21 = tpu.matmul %add3A_9, %get3A_19, %dot_general3A_20 {dimension_numbers = #tpu.dot_dimension_numbers<[1], [0], [0], [1], [0, 0, 1, 1], [], []>, transpose_lhs_hint = false} : vector<512x256xf32>, vector<256x256xf32>, vector<512x256xf32> -> vector<512x256xf32>
    %swap3A_22 = arith.constant 0 : index
    %swap3A_23 = arith.constant 0 : index
    %swap3A_24 = vector.load %arg9[%swap3A_22, %swap3A_23] : memref<512x640xf32, #tpu.memory_space<vmem>>, vector<512x256xf32>
    tpu.vector_store %arg9[%swap3A_22, %swap3A_23], %dot_general3A_21 {strides = array<i32>} : memref<512x640xf32, #tpu.memory_space<vmem>>, vector<512x256xf32>,
    %get3A_25 = arith.constant 0 : index
    %get3A_26 = arith.constant 0 : index
    %get3A_27 = vector.load %arg7[%get3A_25, %get3A_26] : memref<256x256xf32, #tpu.memory_space<vmem>>, vector<256x256xf32>
    %dot_general3A_28 = arith.constant dense<0.000000e+00> : vector<512x256xf32>
    %dot_general3A_29 = tpu.matmul %add3A_9, %get3A_27, %dot_general3A_28 {dimension_numbers = #tpu.dot_dimension_numbers<[1], [0], [0], [1], [0, 0, 1, 1], [], []>, transpose_lhs_hint = false} : vector<512x256xf32>, vector<256x256xf32>, vector<512x256xf32> -> vector<512x256xf32>
    %swap3A_30 = arith.constant 0 : index
    %swap3A_31 = arith.constant 256 : index
    %swap3A_32 = vector.load %arg9[%swap3A_30, %swap3A_31] : memref<512x640xf32, #tpu.memory_space<vmem>>, vector<512x256xf32>
    tpu.vector_store %arg9[%swap3A_30, %swap3A_31], %dot_general3A_29 {strides = array<i32>} : memref<512x640xf32, #tpu.memory_space<vmem>>, vector<512x256xf32>,
    %get3A_33 = arith.constant 0 : index
    %get3A_34 = arith.constant 0 : index
    %get3A_35 = vector.load %arg2[%get3A_33, %get3A_34] : memref<512x128xf32, #tpu.memory_space<vmem>>, vector<512x128xf32>
    %swap3A_36 = arith.constant 0 : index
    %swap3A_37 = arith.constant 512 : index
    %swap3A_38 = vector.load %arg9[%swap3A_36, %swap3A_37] : memref<512x640xf32, #tpu.memory_space<vmem>>, vector<512x128xf32>
    tpu.vector_store %arg9[%swap3A_36, %swap3A_37], %get3A_35 {strides = array<i32>} : memref<512x640xf32, #tpu.memory_space<vmem>>, vector<512x128xf32>,
    return
  }
  func.func @transform_0(%arg0: i32) -> (i32, i32) {
    %c0_i32 = arith.constant 0 : i32
    %c0_i32_0 = arith.constant 0 : i32
    return %arg0, %c0_i32 : i32, i32
  }
  func.func @transform_1(%arg0: i32) -> (i32, i32) {
    %c0_i32 = arith.constant 0 : i32
    %c0_i32_0 = arith.constant 0 : i32
    return %arg0, %c0_i32 : i32, i32
  }
  func.func @transform_2(%arg0: i32) -> (i32, i32) {
    %c0_i32 = arith.constant 0 : i32
    %c0_i32_0 = arith.constant 0 : i32
    %c0_i32_1 = arith.constant 0 : i32
    return %c0_i32, %c0_i32_0 : i32, i32
  }
  func.func @transform_3(%arg0: i32) -> (i32, i32) {
    %c0_i32 = arith.constant 0 : i32
    %c0_i32_0 = arith.constant 0 : i32
    %c0_i32_1 = arith.constant 0 : i32
    return %c0_i32, %c0_i32_0 : i32, i32
  }
  func.func @transform_4(%arg0: i32) -> (i32, i32) {
    %c0_i32 = arith.constant 0 : i32
    %c0_i32_0 = arith.constant 0 : i32
    %c0_i32_1 = arith.constant 0 : i32
    return %c0_i32, %c0_i32_0 : i32, i32
  }
  func.func @transform_5(%arg0: i32) -> (i32, i32) {
    %c0_i32 = arith.constant 0 : i32
    %c0_i32_0 = arith.constant 0 : i32
    %c0_i32_1 = arith.constant 0 : i32
    return %c0_i32, %c0_i32_0 : i32, i32
  }
  func.func @transform_6(%arg0: i32) -> (i32, i32) {
    %c0_i32 = arith.constant 0 : i32
    %c0_i32_0 = arith.constant 0 : i32
    %c0_i32_1 = arith.constant 0 : i32
    return %c0_i32, %c0_i32_0 : i32, i32
  }
  func.func @transform_7(%arg0: i32) -> (i32, i32) {
    %c0_i32 = arith.constant 0 : i32
    %c0_i32_0 = arith.constant 0 : i32
    return %arg0, %c0_i32 : i32, i32
  }
  func.func @transform_8(%arg0: i32) -> (i32, i32) {
    %c0_i32 = arith.constant 0 : i32
    %c0_i32_0 = arith.constant 0 : i32
    return %arg0, %c0_i32 : i32, i32
  }
}

module attributes {stable_mosaic.version = 14 : i64} {
  func.func @_attn_body(%arg0: i32, %arg1: memref<2048x640xf32, #tpu.memory_space<vmem>>, %arg2: memref<128x256xf32, #tpu.memory_space<vmem>>, %arg3: memref<128x128xf32, #tpu.memory_space<vmem>>, %arg4: memref<128x32xf32, #tpu.memory_space<vmem>>, %arg5: memref<128x256xf32, #tpu.memory_space<vmem>>, %arg6: memref<1x256xf32, #tpu.memory_space<vmem>>, %arg7: memref<256x256xf32, #tpu.memory_space<vmem>>, %arg8: memref<1x256xf32, #tpu.memory_space<vmem>>, %arg9: memref<256x256xf32, #tpu.memory_space<vmem>>, %arg10: memref<1x256xf32, #tpu.memory_space<vmem>>, %arg11: memref<256x256xf32, #tpu.memory_space<vmem>>, %arg12: memref<1x256xf32, #tpu.memory_space<vmem>>, %arg13: memref<256x32xf32, #tpu.memory_space<vmem>>, %arg14: memref<1x32xf32, #tpu.memory_space<vmem>>, %arg15: memref<128x32xf32, #tpu.memory_space<vmem>>) attributes {dimension_semantics = [#tpu.dimension_semantics<parallel>], iteration_bounds = array<i64: 32>, scalar_prefetch = 0 : i64, scratch_operands = 0 : i64, tpu.core_type = #tpu.core_type<tc>, window_params = [{transform_indices = @transform_0, window_bounds = array<i64: 2048, 640>}, {transform_indices = @transform_1, window_bounds = array<i64: 128, 256>}, {transform_indices = @transform_2, window_bounds = array<i64: 128, 128>}, {transform_indices = @transform_3, window_bounds = array<i64: 128, 32>}, {pipeline_mode = #tpu.pipeline_mode<synchronous>, transform_indices = @transform_4, window_bounds = array<i64: 128, 256>}, {pipeline_mode = #tpu.pipeline_mode<synchronous>, transform_indices = @transform_5, window_bounds = array<i64: 1, 256>}, {pipeline_mode = #tpu.pipeline_mode<synchronous>, transform_indices = @transform_6, window_bounds = array<i64: 256, 256>}, {pipeline_mode = #tpu.pipeline_mode<synchronous>, transform_indices = @transform_7, window_bounds = array<i64: 1, 256>}, {pipeline_mode = #tpu.pipeline_mode<synchronous>, transform_indices = @transform_8, window_bounds = array<i64: 256, 256>}, {pipeline_mode = #tpu.pipeline_mode<synchronous>, transform_indices = @transform_9, window_bounds = array<i64: 1, 256>}, {pipeline_mode = #tpu.pipeline_mode<synchronous>, transform_indices = @transform_10, window_bounds = array<i64: 256, 256>}, {pipeline_mode = #tpu.pipeline_mode<synchronous>, transform_indices = @transform_11, window_bounds = array<i64: 1, 256>}, {pipeline_mode = #tpu.pipeline_mode<synchronous>, transform_indices = @transform_12, window_bounds = array<i64: 256, 32>}, {pipeline_mode = #tpu.pipeline_mode<synchronous>, transform_indices = @transform_13, window_bounds = array<i64: 1, 32>}, {transform_indices = @transform_14, window_bounds = array<i64: 128, 32>}]} {
    %get3A = arith.constant 0 : index
    %get3A_0 = arith.constant 0 : index
    %get3A_1 = vector.load %arg1[%get3A, %get3A_0] : memref<2048x640xf32, #tpu.memory_space<vmem>>, vector<2048x256xf32>
    %get3A_2 = arith.constant 0 : index
    %get3A_3 = arith.constant 256 : index
    %get3A_4 = vector.load %arg1[%get3A_2, %get3A_3] : memref<2048x640xf32, #tpu.memory_space<vmem>>, vector<2048x256xf32>
    %get3A_5 = arith.constant 0 : index
    %get3A_6 = arith.constant 512 : index
    %get3A_7 = vector.load %arg1[%get3A_5, %get3A_6] : memref<2048x640xf32, #tpu.memory_space<vmem>>, vector<2048x128xf32>
    %get3A_8 = arith.constant 0 : index
    %get3A_9 = arith.constant 0 : index
    %get3A_10 = vector.load %arg2[%get3A_8, %get3A_9] : memref<128x256xf32, #tpu.memory_space<vmem>>, vector<128x256xf32>
    %broadcast_in_dim3A = vector.shape_cast %get3A_10 : vector<128x256xf32> to vector<128x1x256xf32>
    %broadcast_in_dim3A_11 = vector.shape_cast %broadcast_in_dim3A : vector<128x1x256xf32> to vector<128x1x256xf32>
    %broadcast_in_dim3A_12 = vector.broadcast %broadcast_in_dim3A_11 : vector<128x1x256xf32> to vector<128x16x256xf32>
    %reshape3A = vector.shape_cast %broadcast_in_dim3A_12 : vector<128x16x256xf32> to vector<2048x256xf32>
    %get3A_13 = arith.constant 0 : index
    %get3A_14 = arith.constant 0 : index
    %get3A_15 = vector.load %arg3[%get3A_13, %get3A_14] : memref<128x128xf32, #tpu.memory_space<vmem>>, vector<128x128xf32>
    %broadcast_in_dim3A_16 = vector.shape_cast %get3A_15 : vector<128x128xf32> to vector<128x1x128xf32>
    %broadcast_in_dim3A_17 = vector.shape_cast %broadcast_in_dim3A_16 : vector<128x1x128xf32> to vector<128x1x128xf32>
    %broadcast_in_dim3A_18 = vector.broadcast %broadcast_in_dim3A_17 : vector<128x1x128xf32> to vector<128x16x128xf32>
    %reshape3A_19 = vector.shape_cast %broadcast_in_dim3A_18 : vector<128x16x128xf32> to vector<2048x128xf32>
    %sub3A = arith.subf %reshape3A_19, %get3A_7 : vector<2048x128xf32>
    %get3A_20 = arith.constant 0 : index
    %get3A_21 = arith.constant 0 : index
    %get3A_22 = vector.load %arg5[%get3A_20, %get3A_21] : memref<128x256xf32, #tpu.memory_space<vmem>>, vector<128x256xf32>
    %convert_element_type3A = arith.truncf %sub3A : vector<2048x128xf32> to vector<2048x128xbf16>
    %convert_element_type3A_23 = arith.truncf %get3A_22 : vector<128x256xf32> to vector<128x256xbf16>
    %dot_general3A = arith.constant dense<0.000000e+00> : vector<2048x256xf32>
    %dot_general3A_24 = tpu.matmul %convert_element_type3A, %convert_element_type3A_23, %dot_general3A {dimension_numbers = #tpu.dot_dimension_numbers<[1], [0], [0], [1], [0, 0, 1, 1], [], []>, transpose_lhs_hint = false} : vector<2048x128xbf16>, vector<128x256xbf16>, vector<2048x256xf32> -> vector<2048x256xf32>
    %get3A_25 = arith.constant 0 : index
    %get3A_26 = arith.constant 0 : index
    %get3A_27 = vector.load %arg6[%get3A_25, %get3A_26] : memref<1x256xf32, #tpu.memory_space<vmem>>, vector<1x256xf32>
    %add3A = vector.broadcast %get3A_27 : vector<1x256xf32> to vector<2048x256xf32>
    %add3A_28 = arith.addf %dot_general3A_24, %add3A : vector<2048x256xf32>
    %max3A = arith.constant 0.000000e+00 : f32
    %max3A_29 = vector.broadcast %max3A : f32 to vector<2048x256xf32>
    %max3A_30 = arith.maximumf %add3A_28, %max3A_29 : vector<2048x256xf32>
    %get3A_31 = arith.constant 0 : index
    %get3A_32 = arith.constant 0 : index
    %get3A_33 = vector.load %arg7[%get3A_31, %get3A_32] : memref<256x256xf32, #tpu.memory_space<vmem>>, vector<256x256xf32>
    %get3A_34 = arith.constant 0 : index
    %get3A_35 = arith.constant 0 : index
    %get3A_36 = vector.load %arg8[%get3A_34, %get3A_35] : memref<1x256xf32, #tpu.memory_space<vmem>>, vector<1x256xf32>
    %get3A_37 = arith.constant 0 : index
    %get3A_38 = arith.constant 0 : index
    %get3A_39 = vector.load %arg9[%get3A_37, %get3A_38] : memref<256x256xf32, #tpu.memory_space<vmem>>, vector<256x256xf32>
    %get3A_40 = arith.constant 0 : index
    %get3A_41 = arith.constant 0 : index
    %get3A_42 = vector.load %arg10[%get3A_40, %get3A_41] : memref<1x256xf32, #tpu.memory_space<vmem>>, vector<1x256xf32>
    %get3A_43 = arith.constant 0 : index
    %get3A_44 = arith.constant 0 : index
    %get3A_45 = vector.load %arg11[%get3A_43, %get3A_44] : memref<256x256xf32, #tpu.memory_space<vmem>>, vector<256x256xf32>
    %get3A_46 = arith.constant 0 : index
    %get3A_47 = arith.constant 0 : index
    %get3A_48 = vector.load %arg12[%get3A_46, %get3A_47] : memref<1x256xf32, #tpu.memory_space<vmem>>, vector<1x256xf32>
    %convert_element_type3A_49 = arith.truncf %max3A_30 : vector<2048x256xf32> to vector<2048x256xbf16>
    %convert_element_type3A_50 = arith.truncf %get3A_33 : vector<256x256xf32> to vector<256x256xbf16>
    %dot_general3A_51 = arith.constant dense<0.000000e+00> : vector<2048x256xf32>
    %dot_general3A_52 = tpu.matmul %convert_element_type3A_49, %convert_element_type3A_50, %dot_general3A_51 {dimension_numbers = #tpu.dot_dimension_numbers<[1], [0], [0], [1], [0, 0, 1, 1], [], []>, transpose_lhs_hint = false} : vector<2048x256xbf16>, vector<256x256xbf16>, vector<2048x256xf32> -> vector<2048x256xf32>
    %add3A_53 = vector.broadcast %get3A_36 : vector<1x256xf32> to vector<2048x256xf32>
    %add3A_54 = arith.addf %dot_general3A_52, %add3A_53 : vector<2048x256xf32>
    %sub3A_55 = arith.subf %reshape3A, %get3A_1 : vector<2048x256xf32>
    %add3A_56 = arith.addf %sub3A_55, %add3A_54 : vector<2048x256xf32>
    %convert_element_type3A_57 = arith.truncf %add3A_56 : vector<2048x256xf32> to vector<2048x256xbf16>
    %convert_element_type3A_58 = arith.truncf %get3A_39 : vector<256x256xf32> to vector<256x256xbf16>
    %dot_general3A_59 = arith.constant dense<0.000000e+00> : vector<2048x256xf32>
    %dot_general3A_60 = tpu.matmul %convert_element_type3A_57, %convert_element_type3A_58, %dot_general3A_59 {dimension_numbers = #tpu.dot_dimension_numbers<[1], [0], [0], [1], [0, 0, 1, 1], [], []>, transpose_lhs_hint = false} : vector<2048x256xbf16>, vector<256x256xbf16>, vector<2048x256xf32> -> vector<2048x256xf32>
    %add3A_61 = vector.broadcast %get3A_42 : vector<1x256xf32> to vector<2048x256xf32>
    %add3A_62 = arith.addf %dot_general3A_60, %add3A_61 : vector<2048x256xf32>
    %max3A_63 = arith.constant 0.000000e+00 : f32
    %max3A_64 = vector.broadcast %max3A_63 : f32 to vector<2048x256xf32>
    %max3A_65 = arith.maximumf %add3A_62, %max3A_64 : vector<2048x256xf32>
    %convert_element_type3A_66 = arith.truncf %max3A_65 : vector<2048x256xf32> to vector<2048x256xbf16>
    %convert_element_type3A_67 = arith.truncf %get3A_45 : vector<256x256xf32> to vector<256x256xbf16>
    %dot_general3A_68 = arith.constant dense<0.000000e+00> : vector<2048x256xf32>
    %dot_general3A_69 = tpu.matmul %convert_element_type3A_66, %convert_element_type3A_67, %dot_general3A_68 {dimension_numbers = #tpu.dot_dimension_numbers<[1], [0], [0], [1], [0, 0, 1, 1], [], []>, transpose_lhs_hint = false} : vector<2048x256xbf16>, vector<256x256xbf16>, vector<2048x256xf32> -> vector<2048x256xf32>
    %add3A_70 = vector.broadcast %get3A_48 : vector<1x256xf32> to vector<2048x256xf32>
    %add3A_71 = arith.addf %dot_general3A_69, %add3A_70 : vector<2048x256xf32>
    %mul3A = arith.constant 6.250000e-02 : f32
    %mul3A_72 = vector.broadcast %mul3A : f32 to vector<2048x256xf32>
    %mul3A_73 = arith.mulf %add3A_71, %mul3A_72 : vector<2048x256xf32>
    %reshape3A_74 = vector.shape_cast %mul3A_73 : vector<2048x256xf32> to vector<128x16x256xf32>
    %reduce_max3A = arith.constant dense<0xFF800000> : vector<128x256xf32>
    %reduce_max3A_75 = vector.multi_reduction <maximumf>, %reshape3A_74, %reduce_max3A [1] : vector<128x16x256xf32> to vector<128x256xf32>
    %broadcast_in_dim3A_76 = vector.shape_cast %reduce_max3A_75 : vector<128x256xf32> to vector<128x1x256xf32>
    %sub3A_77 = vector.broadcast %broadcast_in_dim3A_76 : vector<128x1x256xf32> to vector<128x16x256xf32>
    %sub3A_78 = arith.subf %reshape3A_74, %sub3A_77 : vector<128x16x256xf32>
    %exp3A = math.exp %sub3A_78 : vector<128x16x256xf32>
    %reduce_sum3A = arith.constant dense<0.000000e+00> : vector<128x256xf32>
    %reduce_sum3A_79 = vector.multi_reduction <add>, %exp3A, %reduce_sum3A [1] : vector<128x16x256xf32> to vector<128x256xf32>
    %broadcast_in_dim3A_80 = vector.shape_cast %reduce_sum3A_79 : vector<128x256xf32> to vector<128x1x256xf32>
    %add3A_81 = arith.addf %get3A_4, %add3A_54 : vector<2048x256xf32>
    %reshape3A_82 = vector.shape_cast %add3A_81 : vector<2048x256xf32> to vector<128x16x256xf32>
    %div3A = vector.broadcast %broadcast_in_dim3A_80 : vector<128x1x256xf32> to vector<128x16x256xf32>
    %div3A_83 = arith.divf %exp3A, %div3A : vector<128x16x256xf32>
    %mul3A_84 = arith.mulf %div3A_83, %reshape3A_82 : vector<128x16x256xf32>
    %reduce_sum3A_85 = arith.constant dense<0.000000e+00> : vector<128x256xf32>
    %reduce_sum3A_86 = vector.multi_reduction <add>, %mul3A_84, %reduce_sum3A_85 [1] : vector<128x16x256xf32> to vector<128x256xf32>
    %get3A_87 = arith.constant 0 : index
    %get3A_88 = arith.constant 0 : index
    %get3A_89 = vector.load %arg13[%get3A_87, %get3A_88] : memref<256x32xf32, #tpu.memory_space<vmem>>, vector<256x32xf32>
    %dot_general3A_90 = arith.constant dense<0.000000e+00> : vector<128x32xf32>
    %dot_general3A_91 = tpu.matmul %reduce_sum3A_86, %get3A_89, %dot_general3A_90 {dimension_numbers = #tpu.dot_dimension_numbers<[1], [0], [0], [1], [0, 0, 1, 1], [], []>, transpose_lhs_hint = false} : vector<128x256xf32>, vector<256x32xf32>, vector<128x32xf32> -> vector<128x32xf32>
    %get3A_92 = arith.constant 0 : index
    %get3A_93 = arith.constant 0 : index
    %get3A_94 = vector.load %arg14[%get3A_92, %get3A_93] : memref<1x32xf32, #tpu.memory_space<vmem>>, vector<1x32xf32>
    %add3A_95 = vector.broadcast %get3A_94 : vector<1x32xf32> to vector<128x32xf32>
    %add3A_96 = arith.addf %dot_general3A_91, %add3A_95 : vector<128x32xf32>
    %get3A_97 = arith.constant 0 : index
    %get3A_98 = arith.constant 0 : index
    %get3A_99 = vector.load %arg4[%get3A_97, %get3A_98] : memref<128x32xf32, #tpu.memory_space<vmem>>, vector<128x32xf32>
    %add3A_100 = arith.addf %add3A_96, %get3A_99 : vector<128x32xf32>
    %swap3A = arith.constant 0 : index
    %swap3A_101 = arith.constant 0 : index
    %swap3A_102 = vector.load %arg15[%swap3A, %swap3A_101] : memref<128x32xf32, #tpu.memory_space<vmem>>, vector<128x32xf32>
    tpu.vector_store %arg15[%swap3A, %swap3A_101], %add3A_100 {strides = array<i32>} : memref<128x32xf32, #tpu.memory_space<vmem>>, vector<128x32xf32>,
    return
  }
  func.func @transform_0(%arg0: i32) -> (i32, i32) {
    %c0_i32 = arith.constant 0 : i32
    %c0_i32_0 = arith.constant 0 : i32
    return %arg0, %c0_i32 : i32, i32
  }
  func.func @transform_1(%arg0: i32) -> (i32, i32) {
    %c0_i32 = arith.constant 0 : i32
    %c0_i32_0 = arith.constant 0 : i32
    return %arg0, %c0_i32 : i32, i32
  }
  func.func @transform_2(%arg0: i32) -> (i32, i32) {
    %c0_i32 = arith.constant 0 : i32
    %c0_i32_0 = arith.constant 0 : i32
    return %arg0, %c0_i32 : i32, i32
  }
  func.func @transform_3(%arg0: i32) -> (i32, i32) {
    %c0_i32 = arith.constant 0 : i32
    %c0_i32_0 = arith.constant 0 : i32
    return %arg0, %c0_i32 : i32, i32
  }
  func.func @transform_4(%arg0: i32) -> (i32, i32) {
    %c0_i32 = arith.constant 0 : i32
    %c0_i32_0 = arith.constant 0 : i32
    %c0_i32_1 = arith.constant 0 : i32
    return %c0_i32, %c0_i32_0 : i32, i32
  }
  func.func @transform_5(%arg0: i32) -> (i32, i32) {
    %c0_i32 = arith.constant 0 : i32
    %c0_i32_0 = arith.constant 0 : i32
    %c0_i32_1 = arith.constant 0 : i32
    return %c0_i32, %c0_i32_0 : i32, i32
  }
  func.func @transform_6(%arg0: i32) -> (i32, i32) {
    %c0_i32 = arith.constant 0 : i32
    %c0_i32_0 = arith.constant 0 : i32
    %c0_i32_1 = arith.constant 0 : i32
    return %c0_i32, %c0_i32_0 : i32, i32
  }
  func.func @transform_7(%arg0: i32) -> (i32, i32) {
    %c0_i32 = arith.constant 0 : i32
    %c0_i32_0 = arith.constant 0 : i32
    %c0_i32_1 = arith.constant 0 : i32
    return %c0_i32, %c0_i32_0 : i32, i32
  }
  func.func @transform_8(%arg0: i32) -> (i32, i32) {
    %c0_i32 = arith.constant 0 : i32
    %c0_i32_0 = arith.constant 0 : i32
    %c0_i32_1 = arith.constant 0 : i32
    return %c0_i32, %c0_i32_0 : i32, i32
  }
  func.func @transform_9(%arg0: i32) -> (i32, i32) {
    %c0_i32 = arith.constant 0 : i32
    %c0_i32_0 = arith.constant 0 : i32
    %c0_i32_1 = arith.constant 0 : i32
    return %c0_i32, %c0_i32_0 : i32, i32
  }
  func.func @transform_10(%arg0: i32) -> (i32, i32) {
    %c0_i32 = arith.constant 0 : i32
    %c0_i32_0 = arith.constant 0 : i32
    %c0_i32_1 = arith.constant 0 : i32
    return %c0_i32, %c0_i32_0 : i32, i32
  }
  func.func @transform_11(%arg0: i32) -> (i32, i32) {
    %c0_i32 = arith.constant 0 : i32
    %c0_i32_0 = arith.constant 0 : i32
    %c0_i32_1 = arith.constant 0 : i32
    return %c0_i32, %c0_i32_0 : i32, i32
  }
  func.func @transform_12(%arg0: i32) -> (i32, i32) {
    %c0_i32 = arith.constant 0 : i32
    %c0_i32_0 = arith.constant 0 : i32
    %c0_i32_1 = arith.constant 0 : i32
    return %c0_i32, %c0_i32_0 : i32, i32
  }
  func.func @transform_13(%arg0: i32) -> (i32, i32) {
    %c0_i32 = arith.constant 0 : i32
    %c0_i32_0 = arith.constant 0 : i32
    %c0_i32_1 = arith.constant 0 : i32
    return %c0_i32, %c0_i32_0 : i32, i32
  }
  func.func @transform_14(%arg0: i32) -> (i32, i32) {
    %c0_i32 = arith.constant 0 : i32
    %c0_i32_0 = arith.constant 0 : i32
    return %arg0, %c0_i32 : i32, i32
  }
}

</mosaic_0001>

<sc_bundles>
// kernel: kernel.15.cloned.1.call-start
scs
__scs_entry_jumppad:
0x0: {  	(pc) =	sbr.rel $0x88, $3  }
0x1: {  	(tag) =	ssettag $0x0;
	lr =	simm.s32 $0x1  }
0x2: {  	[smem:$0x3F26] =	sst lr;
	_ =	strace $0xD0000000  }
0x3: {  	_ = 	snop  }
0x4: {  	_ = 	snop  }
0x5: {  	_ = 	snop  }
0x6: {  	_ = 	snop  }
0x7: {  	_ = 	snop  }
__scs_overlays_trampoline_lowered:
0x8: {  	[smem:$0x3F35] =	sst s0  }
0x9: {  	[smem:$0x3F36] =	sst s1  }
0xa: {  	[smem:$0x3F37] =	sst s2  }
0xb: {  	[smem:$0x3F38] =	sst s3  }
0xc: {  	[smem:$0x3F39] =	sst s4  }
0xd: {  	[smem:$0x3F3A] =	sst s5  }
0xe: {  	[smem:$0x3F3B] =	sst s6  }
0xf: {  	[smem:$0x3F3C] =	sst s7  }
0x10: {  	[smem:$0x3F3D] =	sst s8  }
0x11: {  	[smem:$0x3F3E] =	sst s9;
	s0 =	simm.s32 @!p0 $0x0  }
0x12: {  	s1 =	sld [smem:$0x3F24];
	s0 =	simm.s32 @p0 $0x1  }
0x13: {  	[smem:$0x3F3F] =	sst s0;
	s0 =	simm.s32 @!p1 $0x0  }
0x14: {  	s2 =	sld [smem:$0x3F23];
	s0 =	simm.s32 @p1 $0x1  }
0x15: {  	[smem:$0x3F40] =	sst s0;
	s0 =	simm.s32 @!p2 $0x0  }
0x16: {  	s3 =	sld [smem:$0x3FDB];
	s0 =	simm.s32 @p2 $0x1  }
0x17: {  	s4 =	simm.s32 $0x1BF5;
	[smem:$0x3F42] =	sst s0  }
0x18: {  	s0 =	sld [smem:$0x3F25];
	_ =	swait.ge [sflag:s4], $0x0  }
0x19: {  	s7 =	sld [smem:$0x3F26]  }
0x1a: {  	s8 =	sadd.s32 $0xFFFFE003, lr  }
0x1b: {  	s9 =	sadd.s32 $0xFFFFFEF7, lr;
	s5 =	simm.s32 $0xFFFFFFFF;
	p2 =	slt.u32 s8, $0xFFFFF086  }
0x1c: {  	p1 =	slt.u32 s9, $0xF7A;
	s5 =	simm.s32 @!p2 $0x0  }
0x1d: {  	s5 =	simm.s32 @p1 $0x1;
	p0 =	seq.s32 s7, s2  }
0x1e: {  	s7 =	smul.u32 @!p0 $0xF7A, s2;
	p2 =	seq.s32 @!p0 s5, $0x0  }
0x1f: {  	s9 =	smul.u32 $0xF7A, s1;
	s8 =	simm.s32 @!p0 $0x1BF5;
	p2 =	por !p2, p0  }
0x20: {  	[sflag:s8] =	ssyncset.s32 @!p0 $0xFFFFF086;
	s6 =	sadd.s32 @!p0 s3, s7;
	s7 =	simm.s32 @!p0 $0x108  }
0x21: {  	s3 =	sadd.s32 s3, s9;
	s6 =	sadd.s32 @!p0 $0x88, s6;
	s7 =	simm.s32 @p2 $0x1082  }
0x22: {  	[simem:s7], [sflag:s8] =	dma.local @!p0 [hbm:s6], $0xF7A  }
0x23: {  	s9 =	sor.u32 $0xD0000000, s2;
	s6 =	simm.s32 $0x108;
	_ =	swait.ge @!p0 [sflag:s8], $0x0  }
0x24: {  	s3 =	sadd.s32 $0x88, s3;
	s6 =	simm.s32 @!p1 $0x1082;
	[sflag:s4] =	ssyncset.s32 $0xFFFFF086  }
0x25: {  	[simem:s6], [sflag:s4] =	dma.local [hbm:s3], $0xF7A  }
0x26: {  	[smem:$0x3F26] =	sst s1;
	(tag) =	ssettag s2;
	_ =	strace s9  }
0x27: {  	s1 =	sld [smem:$0x3F36]  }
0x28: {  	s2 =	sld [smem:$0x3F37]  }
0x29: {  	s4 =	sld [smem:$0x3F39]  }
0x2a: {  	p0 =	seq.s32 s5, $0x0;
	s5 =	sld [smem:$0x3F3A]  }
0x2b: {  	s6 =	sld [smem:$0x3F3B]  }
0x2c: {  	s7 =	sld [smem:$0x3F3C]  }
0x2d: {  	s3 =	simm.s32 $0x108;
	s8 =	sld [smem:$0x3F3D]  }
0x2e: {  	s3 =	simm.s32 @!p0 $0x1082;
	s9 =	sld [smem:$0x3F3E]  }
0x2f: {  	lr =	sadd.s32 s0, s3;
	s0 =	sld [smem:$0x3F35]  }
0x30: {  	s3 =	sld [smem:$0x3F38]  }
0x31: {  	[smem:$0x3F41] =	sst s10  }
0x32: {  	s10 =	sld [smem:$0x3F3F];
	_ =	sdelay $0x3  }
0x33: {  	p0 =	seq.s32 s10, $0x1;
	s10 =	sld [smem:$0x3F41];
	_ =	sdelay $0x3  }
0x34: {  	[smem:$0x3F41] =	sst s10  }
0x35: {  	s10 =	sld [smem:$0x3F40];
	_ =	sdelay $0x3  }
0x36: {  	p1 =	seq.s32 s10, $0x1;
	s10 =	sld [smem:$0x3F41];
	_ =	sdelay $0x3  }
0x37: {  	[smem:$0x3F41] =	sst s10  }
0x38: {  	s10 =	sld [smem:$0x3F42]  }
0x39: {  	_ = 	snop;
	(pc) =	sbr.ind lr, $3  }
0x3a: {  	_ = 	snop  }
0x3b: {  	_ = 	snop  }
0x3c: {  	p2 =	seq.s32 s10, $0x1;
	s10 =	sld [smem:$0x3F41]  }
0x3d: {  	_ =	shalt  }
0x3e: {  	_ =	shalt  }
0x3f: {  	_ =	shalt  }
0x40: {  	_ =	shalt  }
0x41: {  	_ =	shalt  }
0x42: {  	_ =	shalt  }
0x43: {  	_ =	shalt  }
0x44: {  	_ =	shalt  }
0x45: {  	_ =	shalt  }
0x46: {  	_ =	shalt  }
0x47: {  	_ =	shalt  }
0x48: {  	_ =	shalt  }
0x49: {  	_ =	shalt  }
0x4a: {  	_ =	shalt  }
0x4b: {  	_ =	shalt  }
0x4c: {  	_ =	shalt  }
0x4d: {  	_ =	shalt  }
0x4e: {  	_ =	shalt  }
0x4f: {  	_ =	shalt  }
0x50: {  	_ =	shalt  }
0x51: {  	_ =	shalt  }
0x52: {  	_ =	shalt  }
0x53: {  	_ =	shalt  }
0x54: {  	_ =	shalt  }
0x55: {  	_ =	shalt  }
0x56: {  	_ =	shalt  }
0x57: {  	_ =	shalt  }
0x58: {  	_ =	shalt  }
0x59: {  	_ =	shalt  }
0x5a: {  	_ =	shalt  }
0x5b: {  	_ =	shalt  }
0x5c: {  	_ =	shalt  }
0x5d: {  	_ =	shalt  }
0x5e: {  	_ =	shalt  }
0x5f: {  	_ =	shalt  }
0x60: {  	_ =	shalt  }
0x61: {  	_ =	shalt  }
0x62: {  	_ =	shalt  }
0x63: {  	_ =	shalt  }
0x64: {  	_ =	shalt  }
0x65: {  	_ =	shalt  }
0x66: {  	_ =	shalt  }
0x67: {  	_ =	shalt  }
0x68: {  	_ =	shalt  }
0x69: {  	_ =	shalt  }
0x6a: {  	_ =	shalt  }
0x6b: {  	_ =	shalt  }
0x6c: {  	_ =	shalt  }
0x6d: {  	_ =	shalt  }
0x6e: {  	_ =	shalt  }
0x6f: {  	_ =	shalt  }
0x70: {  	_ =	shalt  }
0x71: {  	_ =	shalt  }
0x72: {  	_ =	shalt  }
0x73: {  	_ =	shalt  }
0x74: {  	_ =	shalt  }
0x75: {  	_ =	shalt  }
0x76: {  	_ =	shalt  }
0x77: {  	_ =	shalt  }
0x78: {  	_ =	shalt  }
0x79: {  	_ =	shalt  }
0x7a: {  	_ =	shalt  }
0x7b: {  	_ =	shalt  }
0x7c: {  	_ =	shalt  }
0x7d: {  	_ =	shalt  }
0x7e: {  	_ =	shalt  }
0x7f: {  	_ =	shalt  }
0x80: {  	_ =	shalt  }
0x81: {  	_ =	shalt  }
0x82: {  	_ =	shalt  }
0x83: {  	_ =	shalt  }
0x84: {  	_ =	shalt  }
0x85: {  	_ =	shalt  }
0x86: {  	_ =	shalt  }
0x87: {  	_ =	shalt  }
.Lfunc_end0:
.L_simem_size_0:
called_computation_lowered:
.L_overlay_start_0:
0x88: {  	s2 =	sld [smem:$0x3FD9]  }
0x89: {  	s3 =	sld [smem:$0x3FFE];
	_ =	sdelay $0x1  }
0x8a: {  	s1 =	srdreg.scid  }
0x8b: {  	s0 =	sand.u32 $0x1, s1  }
0x8c: {  	s16 =	sshll.u32 s0, $0xA;
	s2 =	sadd.s32 s3, s2  }
0x8d: {  	s2 =	sadd.s32 s2, s16  }
0x8e: {  	[smem:$0x3F4D] =	sst s2  }
0x8f: {  	_ = 	snop  }
0x90: {  	(tm) =	ssettm $0x1  }
0x91: {  	s17 =	sld [smem:$0x3FFB];
	_ =	sdelay $0x3  }
0x92: {  	_ =	strace s17  }
0x93: {  	s2 =	sld [smem:$0x3FFC];
	_ =	sdelay $0x3  }
0x94: {  	_ =	strace s2  }
0x95: {  	s2 =	sld [smem:$0x3FFD];
	_ =	sdelay $0x3  }
0x96: {  	_ =	strace s2  }
0x97: {  	_ =	strace $0x8FFFFFFF  }
0x98: {  	s18 =	sld [smem:$0x3FDB];
	_ =	sdelay $0x1  }
0x99: {  	s19 =	simm.s32 $_scs_section_size  }
0x9a: {  	s4 =	simm.s32 $_size__tile_overlayer_lowered;
	s5 =	simm.s32 $_tile_overlayer_lowered  }
0x9b: {  	s22 =	simm.s32 $0x1BFF;
	s21 =	sshll.u32 s5, $0x1;
	s2 =	sadd.s32 s19, s18  }
0x9c: {  	s6 =	simm.s32 $0x0;
	s20 =	sshll.u32 s4, $0x1;
	s4 =	sadd.s32 s21, s2  }
0x9d: {  	[timem:s6], [sflag:s22] =	dma.local [hbm:s4], s20  }
0x9e: {  	_ =	swait.ge [sflag:s22], s20  }
0x9f: {  	s3 =	ssub.s32 $0x0, s20;
	[sflag:s22] =	ssyncset.done $0x0  }
0xa0: {  	[sflag:s22] =	ssyncadd.s32 s3;
	_ =	sdelay $0x1  }
0xa1: {  	s23 =	simm.s32 $0x1B8B  }
0xa2: {  	_ =	swait.ge [sflag:s23], $0x1  }
0xa3: {  	[sflag:s23] =	ssyncset.done $0x0  }
0xa4: {  	s25 =	simm.s32 $0x1B8E;
	s24 =	sld [smem:$0x3FFE];
	[sflag:s23] =	ssyncadd.s32 $0xFFFFFFFF  }
0xa5: {  	s26 =	simm.s32 $execute0_lowered;
	[smem:$0x3FD2] =	sst s25  }
0xa6: {  	s4 =	sshll.u32 s26, $0x1;
	_ =	strace $0x80000046;
	[dreg:$0x1] =	wrdreg $0xFFFFFFFF  }
0xa7: {  	s28 =	simm.s32 $_size_execute0_lowered;
	s2 =	sadd.s32 s2, s4;
	[dreg:$0x0] =	wrdreg $0x0  }
0xa8: {  	s4 =	sshll.u32 s28, $0x1;
	[dreg:$0x2] =	wrdreg s2  }
0xa9: {  	[dreg:$0x3] =	wrdreg s4  }
0xaa: {  	[dreg:$0x4] =	wrdreg $0xC0  }
0xab: {  	_ =	task [dreg:s6], $0x5FFFF  }
0xac: {  	[dreg:$0x1] =	wrdreg $0xFFFFFFFF  }
0xad: {  	[dreg:$0x0] =	wrdreg $0x60  }
0xae: {  	[dreg:$0x2] =	wrdreg s24  }
0xaf: {  	[dreg:$0x3] =	wrdreg $0x9  }
0xb0: {  	_ =	task.clear_ibuf [dreg:s6], $0x4FFFF;
	_ =	strace $0x90000046  }
0xb1: {  	s29 =	simm.s32 $0x9;
	_ =	strace $0x80000048  }
0xb2: {  	_ =	swait.ge [sflag:s29], $0x1  }
0xb3: {  	[sflag:s29] =	ssyncadd.s32 $0xFFFFFFFF  }
0xb4: {  	_ =	strace $0x90000048  }
0xb5: {  	_ =	sfence  }
0xb6: {  	s30 =	sld [smem:$0x0];
	_ =	sdelay $0x2  }
0xb7: {  	s31 =	sshll.u32 s1, $0xD;
	s1 =	sshrl.u32 s1, $0x2  }
0xb8: {  	s3 =	sand.u32 $0x4000, s31;
	s1 =	sadd.s32 s1, s30  }
0xb9: {  	s0 =	sor.u32 s3, s0;
	s1 =	sshll.u32 s1, $0x11  }
0xba: {  	s0 =	sor.u32 s1, s0  }
0xbb: {  	s0 =	sadd.s32 $0x8F2B, s0  }
0xbc: {  	[sflag:s0] =	ssyncadd.remote.s32 $0x1  }
0xbd: {  	_ =	sfence.sel $0xFFFF  }
0xbe: {  	[dreg:$0x0] =	wrdreg $0xFFFFFFFF;
	(pc) =	sbr.abs _section_cstart, $3  }
0xbf: {  	[dreg:$0x1] =	wrdreg $0xFFFFFFFF  }
0xc0: {  	_ =	task.clear_ibuf [dreg:s6], $0x2FFFF;
	_ =	strace $0x9FFFFFFF  }
0xc1: {  	(tm) =	ssettm $0x7FFFFFFF  }
tec
execute0_lowered:
.L_overlay_start_1:
0x0: {  	(tag) =	ssettag $0x1  }
0x1: {  	s0 =	srdreg.scid  }
0x2: {  	s2 =	stileid.u32;
	s1 =	sand.u32 $0x1, s0  }
0x3: {  	s2 =	sshll.u32 s2, $0xA;
	s3 =	sshll.u32 s1, $0x9  }
0x4: {  	s0 =	rddreg [dreg:$0x0];
	s3 =	sor.u32 s3, s2;
	s2 =	simm.s32 $0x0  }
0x5: {  	s21 =	simm.s32 $0x900;
	[smem:$0x7FF] =	sst s2  }
0x6: {  	s22 =	simm.s32 $0x1100;
	_ =	strace $0x80000047;
	[dreg:$0x3] =	wrdreg s21  }
0x7: {  	s23 =	simm.s32 $0x1500;
	[dreg:$0x4] =	wrdreg s22  }
0x8: {  	s24 =	simm.s32 $0x1D00;
	[dreg:$0x5] =	wrdreg s23  }
0x9: {  	s25 =	simm.s32 $0x2500;
	[dreg:$0x6] =	wrdreg s24  }
0xa: {  	s26 =	simm.s32 $0x2900;
	[dreg:$0x7] =	wrdreg s25  }
0xb: {  	s29 =	simm.s32 $0x3100;
	[dreg:$0x8] =	wrdreg s26  }
0xc: {  	s31 =	simm.s32 $0x3900;
	[dreg:$0x9] =	wrdreg s29  }
0xd: {  	s5 =	simm.s32 $0x3D00;
	[dreg:$0xa] =	wrdreg s31  }
0xe: {  	s6 =	simm.s32 $0x4500;
	[dreg:$0xb] =	wrdreg s5  }
0xf: {  	s7 =	simm.s32 $0x4D00;
	[dreg:$0xc] =	wrdreg s6  }
0x10: {  	s8 =	simm.s32 $0x5100;
	[dreg:$0xd] =	wrdreg s7  }
0x11: {  	s9 =	simm.s32 $0x5900;
	[dreg:$0xe] =	wrdreg s8  }
0x12: {  	s10 =	simm.s32 $0x6100;
	[dreg:$0xf] =	wrdreg s9  }
0x13: {  	s11 =	simm.s32 $0x6500;
	s12 =	simm.s32 $0x6D00;
	[dreg:$0x10] =	wrdreg s10  }
0x14: {  	s13 =	simm.s32 $0x7500;
	s14 =	simm.s32 $0x7900;
	[dreg:$0x11] =	wrdreg s11  }
0x15: {  	s15 =	simm.s32 $0x8100;
	s16 =	simm.s32 $0x8900;
	[dreg:$0x12] =	wrdreg s12  }
0x16: {  	s17 =	simm.s32 $0x8D00;
	s18 =	simm.s32 $0x9500;
	[dreg:$0x13] =	wrdreg s13  }
0x17: {  	s19 =	simm.s32 $0x9D00;
	s28 =	simm.s32 $0x13D00;
	[dreg:$0x14] =	wrdreg s14  }
0x18: {  	s30 =	simm.s32 $0x0;
	s1 =	ssub.s32 $0x2, s1;
	[dreg:$0x15] =	wrdreg s15  }
0x19: {  	s20 =	sshrl.u32 s1, $0x1;
	s3 =	sshrl.u32 s3, $0x3;
	[dreg:$0x16] =	wrdreg s16  }
0x1a: {  	s1 =	ssub.s32 s1, s20;
	s20 =	simm.s32 $0x10D00;
	[dreg:$0x17] =	wrdreg s17  }
0x1b: {  	s4 =	sadd.s32 s3, s0;
	s5 =	smul.u32 $0x280, s3;
	[dreg:$0x18] =	wrdreg s18  }
0x1c: {  	s3 =	sadd.s32 $0x11400, s0;
	[dreg:$0x19] =	wrdreg s19;
	s21 =	simm.s32 $0x80  }
0x1d: {  	s22 =	simm.s32 $0xA900;
	s7 =	simm.s32 $0xB100;
	s23 =	simm.s32 $0xB500  }
0x1e: {  	s1 =	smax.u32 s1, $0x1;
	s24 =	simm.s32 $0xBD00;
	[dreg:$0x1a] =	wrdreg s21  }
0x1f: {  	s26 =	simm.s32 $0xC500;
	s8 =	simm.s32 $0x3;
	[dreg:$0x1b] =	wrdreg s22  }
0x20: {  	s29 =	simm.s32 $0xC900;
	s9 =	simm.s32 $0x100;
	[dreg:$0x1c] =	wrdreg s7  }
0x21: {  	s31 =	simm.s32 $0xD100;
	s10 =	simm.s32 $0x1;
	[smem:$0x7FA] =	sst s1  }
0x22: {  	s11 =	simm.s32 $0xA100;
	s12 =	simm.s32 $0xD900;
	[dreg:$0x1d] =	wrdreg s23  }
0x23: {  	s13 =	simm.s32 $0xDD00;
	s14 =	simm.s32 $0xE500;
	[dreg:$0x1e] =	wrdreg s24  }
0x24: {  	s15 =	simm.s32 $0xED00;
	s16 =	simm.s32 $0xF100;
	[dreg:$0x1f] =	wrdreg s26  }
0x25: {  	s17 =	simm.s32 $0xF900;
	s18 =	simm.s32 $0x10100;
	[smem:$0x7FC] =	sst s29  }
0x26: {  	s19 =	simm.s32 $0x10500;
	s4 =	sadd.s32 $0x10C00, s4;
	[smem:$0x7FD] =	sst s31  }
0x27: {  	s21 =	simm.s32 $0x11500;
	s22 =	simm.s32 $0x11900;
	s23 =	simm.s32 $0x12100  }
0x28: {  	v2 =	vlaneseq.u32;
	s24 =	simm.s32 $0x12900;
	s26 =	simm.s32 $0x13500;
	s6 =	sadd.s32 s5, s0  }
0x29: {  	vm0 =	vmmov $0xffff;
	vm1 =	vmmov $0xff;
	v1 =	vshrl.u32 v2, $0x3;
	[dreg:$0x2] =	wrdreg s4;
	s4 =	sadd.s32 $0x11500, s0;
	s25 =	sadd.s32 $0x26800, s6  }
0x2a: {  	v0 =	vand.u32 $0x7, v2;
	v2 =	vor.u32 $0x8, v2;
	v1 =	vmul.u32 $0x8, v1;
	s5 =	sadd.s32 $0x11600, s0;
	[smem:$0x7FB] =	sst s25;
	s25 =	simm.s32 $0x12D00  }
.LBB2_1:
0x2b: {  	s31 =	sld [smem:$0x7FB];
	s1 =	simm.s32 $0x0  }
.LBB2_2:
0x2c: {  	p0 =	seq.s32 s1, $0x0  }
0x2d: {  	s0 =	simm.s32 @!p0 $0x2  }
0x2e: {  	_ =	swait.ge @!p0 [sflag:s0], $0xA000  }
0x2f: {  	s6 =	rddreg [dreg:$0x2];
	[sflag:s0] =	ssyncset.done @!p0 $0x0  }
0x30: {  	[sflag:s0] =	ssyncadd.s32 @!p0 $0xFFFF6000;
	s6 =	sadd.s32 s1, s6  }
0x31: {  	[tilespmem:s2], [sflag:$0x3] =	stream.linear.gather [hbm4b:s6+s2], $0x40, $0x38;
	[tilespmem:$0x14100] =	vst v63  }
0x32: {  	_ =	swait.ge [sflag:s8], $0x40  }
0x33: {  	[sflag:s8] =	ssyncset.done $0x0  }
0x34: {  	[sflag:s8] =	ssyncadd.s32 $0xFFFFFFC0  }
0x35: {  	v3 =	vld [tilespmem:$0x0];
	_ =	sdelay $0x4  }
0x36: {  	v4 =	vshrl.u32 v3, $0x3  }
0x37: {  	v4 =	vmul.u32 $0x28, v4  }
0x38: {  	v3 =	vand.u32 $0x7, v3  }
0x39: {  	v3 =	vor.u32 v3, v4  }
0x3a: {  	v4 =	vperm.xlane v3, v0;
	_ =	sdelay $0x1  }
0x3b: {  	v4 =	vadd.s32 v1, v4;
	_ =	sdelay $0x3  }
0x3c: {  	v3 =	vperm.xlane v3, v2  }
0x3d: {  	[tilespmem:s9], [sflag:$0x1] =	stream.indirect_vreg.gather [hbm4b:s3+s2], $0x80, v4, vm0, $0xb8;
	[tilespmem:$0x14100] =	vst v63  }
0x3e: {  	s7 =	rddreg [dreg:$0x3];
	v3 =	vadd.s32 v1, v3  }
0x3f: {  	[tilespmem:s7], [sflag:$0x1] =	stream.indirect_vreg.gather [hbm4b:s4+s2], $0x80, v4, vm0, $0xb8;
	[tilespmem:$0x14100] =	vst v63  }
0x40: {  	s29 =	rddreg [dreg:$0x4]  }
0x41: {  	[tilespmem:s29], [sflag:$0x1] =	stream.indirect_vreg.gather [hbm4b:s5+s2], $0x80, v4, vm1, $0xb8;
	[tilespmem:$0x14100] =	vst v63  }
0x42: {  	s7 =	rddreg [dreg:$0x5]  }
0x43: {  	[tilespmem:s7], [sflag:$0x1] =	stream.indirect_vreg.gather [hbm4b:s3+s2], $0x80, v3, vm0, $0xb8;
	[tilespmem:$0x14100] =	vst v63  }
0x44: {  	s29 =	rddreg [dreg:$0x6]  }
0x45: {  	[tilespmem:s29], [sflag:$0x1] =	stream.indirect_vreg.gather [hbm4b:s4+s2], $0x80, v3, vm0, $0xb8;
	[tilespmem:$0x14100] =	vst v63  }
0x46: {  	s7 =	rddreg [dreg:$0x7]  }
0x47: {  	[tilespmem:s7], [sflag:$0x1] =	stream.indirect_vreg.gather [hbm4b:s5+s2], $0x80, v3, vm1, $0xb8;
	[tilespmem:$0x14100] =	vst v63  }
0x48: {  	v3 =	vld [tilespmem:$0x10];
	_ =	sdelay $0x4  }
0x49: {  	v57 =	vshrl.u32 v3, $0x3  }
0x4a: {  	v4 =	vmul.u32 $0x28, v57  }
0x4b: {  	v3 =	vand.u32 $0x7, v3  }
0x4c: {  	v3 =	vor.u32 v3, v4  }
0x4d: {  	v4 =	vperm.xlane v3, v0;
	_ =	sdelay $0x1  }
0x4e: {  	v4 =	vadd.s32 v1, v4;
	_ =	sdelay $0x3  }
0x4f: {  	s7 =	rddreg [dreg:$0x8];
	v3 =	vperm.xlane v3, v2  }
0x50: {  	[tilespmem:s7], [sflag:$0x1] =	stream.indirect_vreg.gather [hbm4b:s3+s2], $0x80, v4, vm0, $0xb8;
	[tilespmem:$0x14100] =	vst v63  }
0x51: {  	s29 =	rddreg [dreg:$0x9];
	v3 =	vadd.s32 v1, v3  }
0x52: {  	[tilespmem:s29], [sflag:$0x1] =	stream.indirect_vreg.gather [hbm4b:s4+s2], $0x80, v4, vm0, $0xb8;
	[tilespmem:$0x14100] =	vst v63  }
0x53: {  	s7 =	rddreg [dreg:$0xa]  }
0x54: {  	[tilespmem:s7], [sflag:$0x1] =	stream.indirect_vreg.gather [hbm4b:s5+s2], $0x80, v4, vm1, $0xb8;
	[tilespmem:$0x14100] =	vst v63  }
0x55: {  	s29 =	rddreg [dreg:$0xb]  }
0x56: {  	[tilespmem:s29], [sflag:$0x1] =	stream.indirect_vreg.gather [hbm4b:s3+s2], $0x80, v3, vm0, $0xb8;
	[tilespmem:$0x14100] =	vst v63  }
0x57: {  	s7 =	rddreg [dreg:$0xc]  }
0x58: {  	[tilespmem:s7], [sflag:$0x1] =	stream.indirect_vreg.gather [hbm4b:s4+s2], $0x80, v3, vm0, $0xb8;
	[tilespmem:$0x14100] =	vst v63  }
0x59: {  	s29 =	rddreg [dreg:$0xd]  }
0x5a: {  	[tilespmem:s29], [sflag:$0x1] =	stream.indirect_vreg.gather [hbm4b:s5+s2], $0x80, v3, vm1, $0xb8;
	[tilespmem:$0x14100] =	vst v63  }
0x5b: {  	v3 =	vld [tilespmem:$0x20];
	_ =	sdelay $0x4  }
0x5c: {  	v58 =	vshrl.u32 v3, $0x3  }
0x5d: {  	v4 =	vmul.u32 $0x28, v58  }
0x5e: {  	v3 =	vand.u32 $0x7, v3  }
0x5f: {  	v3 =	vor.u32 v3, v4  }
0x60: {  	v4 =	vperm.xlane v3, v0;
	_ =	sdelay $0x1  }
0x61: {  	v4 =	vadd.s32 v1, v4;
	_ =	sdelay $0x3  }
0x62: {  	s7 =	rddreg [dreg:$0xe];
	v3 =	vperm.xlane v3, v2  }
0x63: {  	[tilespmem:s7], [sflag:$0x1] =	stream.indirect_vreg.gather [hbm4b:s3+s2], $0x80, v4, vm0, $0xb8;
	[tilespmem:$0x14100] =	vst v63  }
0x64: {  	s29 =	rddreg [dreg:$0xf];
	v3 =	vadd.s32 v1, v3  }
0x65: {  	[tilespmem:s29], [sflag:$0x1] =	stream.indirect_vreg.gather [hbm4b:s4+s2], $0x80, v4, vm0, $0xb8;
	[tilespmem:$0x14100] =	vst v63  }
0x66: {  	s7 =	rddreg [dreg:$0x10]  }
0x67: {  	[tilespmem:s7], [sflag:$0x1] =	stream.indirect_vreg.gather [hbm4b:s5+s2], $0x80, v4, vm1, $0xb8;
	[tilespmem:$0x14100] =	vst v63  }
0x68: {  	s29 =	rddreg [dreg:$0x11]  }
0x69: {  	[tilespmem:s29], [sflag:$0x1] =	stream.indirect_vreg.gather [hbm4b:s3+s2], $0x80, v3, vm0, $0xb8;
	[tilespmem:$0x14100] =	vst v63  }
0x6a: {  	s7 =	rddreg [dreg:$0x12]  }
0x6b: {  	[tilespmem:s7], [sflag:$0x1] =	stream.indirect_vreg.gather [hbm4b:s4+s2], $0x80, v3, vm0, $0xb8;
	[tilespmem:$0x14100] =	vst v63  }
0x6c: {  	s29 =	rddreg [dreg:$0x13]  }
0x6d: {  	[tilespmem:s29], [sflag:$0x1] =	stream.indirect_vreg.gather [hbm4b:s5+s2], $0x80, v3, vm1, $0xb8;
	[tilespmem:$0x14100] =	vst v63  }
0x6e: {  	v3 =	vld [tilespmem:$0x30];
	_ =	sdelay $0x4  }
0x6f: {  	v59 =	vshrl.u32 v3, $0x3  }
0x70: {  	v4 =	vmul.u32 $0x28, v59  }
0x71: {  	v3 =	vand.u32 $0x7, v3  }
0x72: {  	v3 =	vor.u32 v3, v4  }
0x73: {  	v4 =	vperm.xlane v3, v0;
	_ =	sdelay $0x1  }
0x74: {  	v4 =	vadd.s32 v1, v4;
	_ =	sdelay $0x3  }
0x75: {  	s7 =	rddreg [dreg:$0x14];
	v3 =	vperm.xlane v3, v2  }
0x76: {  	[tilespmem:s7], [sflag:$0x1] =	stream.indirect_vreg.gather [hbm4b:s3+s2], $0x80, v4, vm0, $0xb8;
	[tilespmem:$0x14100] =	vst v63  }
0x77: {  	s29 =	rddreg [dreg:$0x15];
	v3 =	vadd.s32 v1, v3  }
0x78: {  	[tilespmem:s29], [sflag:$0x1] =	stream.indirect_vreg.gather [hbm4b:s4+s2], $0x80, v4, vm0, $0xb8;
	[tilespmem:$0x14100] =	vst v63  }
0x79: {  	s7 =	rddreg [dreg:$0x16]  }
0x7a: {  	[tilespmem:s7], [sflag:$0x1] =	stream.indirect_vreg.gather [hbm4b:s5+s2], $0x80, v4, vm1, $0xb8;
	[tilespmem:$0x14100] =	vst v63  }
0x7b: {  	s29 =	rddreg [dreg:$0x17]  }
0x7c: {  	[tilespmem:s29], [sflag:$0x1] =	stream.indirect_vreg.gather [hbm4b:s3+s2], $0x80, v3, vm0, $0xb8;
	[tilespmem:$0x14100] =	vst v63  }
0x7d: {  	s7 =	rddreg [dreg:$0x18]  }
0x7e: {  	[tilespmem:s7], [sflag:$0x1] =	stream.indirect_vreg.gather [hbm4b:s4+s2], $0x80, v3, vm0, $0xb8;
	[tilespmem:$0x14100] =	vst v63  }
0x7f: {  	s29 =	rddreg [dreg:$0x19]  }
0x80: {  	[tilespmem:s29], [sflag:$0x1] =	stream.indirect_vreg.gather [hbm4b:s5+s2], $0x80, v3, vm1, $0xb8;
	[tilespmem:$0x14100] =	vst v63  }
0x81: {  	_ =	swait.ge [sflag:s10], $0xA000  }
0x82: {  	[sflag:s10] =	ssyncset.done $0x0  }
0x83: {  	s29 =	sadd.s32 $0xFFFFEC00, s31;
	[sflag:s10] =	ssyncadd.s32 $0xFFFF6000  }
0x84: {  	[hbm4b:s29+s2] =	stream.linear.scatter [tilespmem:s9], [sflag:$0x2], $0xA000, $0x38;
	[tilespmem:$0x14100] =	vst v63  }
0x85: {  	_ =	swait.ge @!p0 [sflag:s0], $0xA000  }
0x86: {  	[sflag:s0] =	ssyncset.done @!p0 $0x0  }
0x87: {  	s29 =	sadd.s32 $0x8, s6;
	s7 =	rddreg [dreg:$0x1a];
	[sflag:s0] =	ssyncadd.s32 @!p0 $0xFFFF6000  }
0x88: {  	[tilespmem:s7], [sflag:$0x3] =	stream.linear.gather [hbm4b:s29+s2], $0x40, $0x38;
	[tilespmem:$0x14100] =	vst v63  }
0x89: {  	_ =	swait.ge [sflag:s8], $0x40  }
0x8a: {  	[sflag:s8] =	ssyncset.done $0x0  }
0x8b: {  	[sflag:s8] =	ssyncadd.s32 $0xFFFFFFC0  }
0x8c: {  	v3 =	vld [tilespmem:$0x80];
	_ =	sdelay $0x4  }
0x8d: {  	v60 =	vshrl.u32 v3, $0x3  }
0x8e: {  	v4 =	vmul.u32 $0x28, v60  }
0x8f: {  	v3 =	vand.u32 $0x7, v3  }
0x90: {  	v3 =	vor.u32 v3, v4  }
0x91: {  	v4 =	vperm.xlane v3, v0;
	_ =	sdelay $0x1  }
0x92: {  	v4 =	vadd.s32 v1, v4;
	_ =	sdelay $0x3  }
0x93: {  	v3 =	vperm.xlane v3, v2  }
0x94: {  	[tilespmem:s11], [sflag:$0x1] =	stream.indirect_vreg.gather [hbm4b:s3+s2], $0x80, v4, vm0, $0xb8;
	[tilespmem:$0x14100] =	vst v63  }
0x95: {  	s6 =	rddreg [dreg:$0x1b];
	v3 =	vadd.s32 v1, v3  }
0x96: {  	[tilespmem:s6], [sflag:$0x1] =	stream.indirect_vreg.gather [hbm4b:s4+s2], $0x80, v4, vm0, $0xb8;
	[tilespmem:$0x14100] =	vst v63  }
0x97: {  	s7 =	rddreg [dreg:$0x1c]  }
0x98: {  	[tilespmem:s7], [sflag:$0x1] =	stream.indirect_vreg.gather [hbm4b:s5+s2], $0x80, v4, vm1, $0xb8;
	[tilespmem:$0x14100] =	vst v63  }
0x99: {  	s29 =	rddreg [dreg:$0x1d]  }
0x9a: {  	[tilespmem:s29], [sflag:$0x1] =	stream.indirect_vreg.gather [hbm4b:s3+s2], $0x80, v3, vm0, $0xb8;
	[tilespmem:$0x14100] =	vst v63  }
0x9b: {  	s7 =	rddreg [dreg:$0x1e]  }
0x9c: {  	[tilespmem:s7], [sflag:$0x1] =	stream.indirect_vreg.gather [hbm4b:s4+s2], $0x80, v3, vm0, $0xb8;
	[tilespmem:$0x14100] =	vst v63  }
0x9d: {  	s29 =	rddreg [dreg:$0x1f]  }
0x9e: {  	[tilespmem:s29], [sflag:$0x1] =	stream.indirect_vreg.gather [hbm4b:s5+s2], $0x80, v3, vm1, $0xb8;
	[tilespmem:$0x14100] =	vst v63  }
0x9f: {  	v3 =	vld [tilespmem:$0x90];
	_ =	sdelay $0x4  }
0xa0: {  	v61 =	vshrl.u32 v3, $0x3  }
0xa1: {  	v4 =	vmul.u32 $0x28, v61  }
0xa2: {  	v3 =	vand.u32 $0x7, v3  }
0xa3: {  	v3 =	vor.u32 v3, v4  }
0xa4: {  	v4 =	vperm.xlane v3, v0;
	_ =	sdelay $0x1  }
0xa5: {  	v4 =	vadd.s32 v1, v4;
	_ =	sdelay $0x1  }
0xa6: {  	s7 =	sld [smem:$0x7FC];
	_ =	sdelay $0x1  }
0xa7: {  	s29 =	sld [smem:$0x7FD];
	v3 =	vperm.xlane v3, v2  }
0xa8: {  	[tilespmem:s7], [sflag:$0x1] =	stream.indirect_vreg.gather [hbm4b:s3+s2], $0x80, v4, vm0, $0xb8;
	[tilespmem:$0x14100] =	vst v63  }
0xa9: {  	v3 =	vadd.s32 v1, v3  }
0xaa: {  	[tilespmem:s29], [sflag:$0x1] =	stream.indirect_vreg.gather [hbm4b:s4+s2], $0x80, v4, vm0, $0xb8;
	[tilespmem:$0x14100] =	vst v63  }
0xab: {  	_ = 	snop  }
0xac: {  	[tilespmem:s12], [sflag:$0x1] =	stream.indirect_vreg.gather [hbm4b:s5+s2], $0x80, v4, vm1, $0xb8;
	[tilespmem:$0x14100] =	vst v63  }
0xad: {  	_ = 	snop  }
0xae: {  	[tilespmem:s13], [sflag:$0x1] =	stream.indirect_vreg.gather [hbm4b:s3+s2], $0x80, v3, vm0, $0xb8;
	[tilespmem:$0x14100] =	vst v63  }
0xaf: {  	_ = 	snop  }
0xb0: {  	[tilespmem:s14], [sflag:$0x1] =	stream.indirect_vreg.gather [hbm4b:s4+s2], $0x80, v3, vm0, $0xb8;
	[tilespmem:$0x14100] =	vst v63  }
0xb1: {  	_ = 	snop  }
0xb2: {  	[tilespmem:s15], [sflag:$0x1] =	stream.indirect_vreg.gather [hbm4b:s5+s2], $0x80, v3, vm1, $0xb8;
	[tilespmem:$0x14100] =	vst v63  }
0xb3: {  	v3 =	vld [tilespmem:$0xA0];
	_ =	sdelay $0x4  }
0xb4: {  	v62 =	vshrl.u32 v3, $0x3  }
0xb5: {  	v4 =	vmul.u32 $0x28, v62  }
0xb6: {  	v3 =	vand.u32 $0x7, v3  }
0xb7: {  	v3 =	vor.u32 v3, v4  }
0xb8: {  	v4 =	vperm.xlane v3, v0;
	_ =	sdelay $0x1  }
0xb9: {  	v4 =	vadd.s32 v1, v4;
	_ =	sdelay $0x3  }
0xba: {  	v3 =	vperm.xlane v3, v2  }
0xbb: {  	[tilespmem:s16], [sflag:$0x1] =	stream.indirect_vreg.gather [hbm4b:s3+s2], $0x80, v4, vm0, $0xb8;
	[tilespmem:$0x14100] =	vst v63  }
0xbc: {  	v3 =	vadd.s32 v1, v3  }
0xbd: {  	[tilespmem:s17], [sflag:$0x1] =	stream.indirect_vreg.gather [hbm4b:s4+s2], $0x80, v4, vm0, $0xb8;
	[tilespmem:$0x14100] =	vst v63  }
0xbe: {  	_ = 	snop  }
0xbf: {  	[tilespmem:s18], [sflag:$0x1] =	stream.indirect_vreg.gather [hbm4b:s5+s2], $0x80, v4, vm1, $0xb8;
	[tilespmem:$0x14100] =	vst v63  }
0xc0: {  	_ = 	snop  }
0xc1: {  	[tilespmem:s19], [sflag:$0x1] =	stream.indirect_vreg.gather [hbm4b:s3+s2], $0x80, v3, vm0, $0xb8;
	[tilespmem:$0x14100] =	vst v63  }
0xc2: {  	_ = 	snop  }
0xc3: {  	[tilespmem:s20], [sflag:$0x1] =	stream.indirect_vreg.gather [hbm4b:s4+s2], $0x80, v3, vm0, $0xb8;
	[tilespmem:$0x14100] =	vst v63  }
0xc4: {  	_ = 	snop  }
0xc5: {  	[tilespmem:s21], [sflag:$0x1] =	stream.indirect_vreg.gather [hbm4b:s5+s2], $0x80, v3, vm1, $0xb8;
	[tilespmem:$0x14100] =	vst v63  }
0xc6: {  	v3 =	vld [tilespmem:$0xB0];
	_ =	sdelay $0x4  }
0xc7: {  	v63 =	vshrl.u32 v3, $0x3  }
0xc8: {  	v4 =	vmul.u32 $0x28, v63  }
0xc9: {  	v3 =	vand.u32 $0x7, v3  }
0xca: {  	v3 =	vor.u32 v3, v4  }
0xcb: {  	v4 =	vperm.xlane v3, v0;
	_ =	sdelay $0x1  }
0xcc: {  	v4 =	vadd.s32 v1, v4;
	_ =	sdelay $0x3  }
0xcd: {  	v3 =	vperm.xlane v3, v2  }
0xce: {  	[tilespmem:s22], [sflag:$0x1] =	stream.indirect_vreg.gather [hbm4b:s3+s2], $0x80, v4, vm0, $0xb8;
	[tilespmem:$0x14100] =	vst v63  }
0xcf: {  	v3 =	vadd.s32 v1, v3  }
0xd0: {  	[tilespmem:s23], [sflag:$0x1] =	stream.indirect_vreg.gather [hbm4b:s4+s2], $0x80, v4, vm0, $0xb8;
	[tilespmem:$0x14100] =	vst v63  }
0xd1: {  	_ = 	snop  }
0xd2: {  	[tilespmem:s24], [sflag:$0x1] =	stream.indirect_vreg.gather [hbm4b:s5+s2], $0x80, v4, vm1, $0xb8;
	[tilespmem:$0x14100] =	vst v63  }
0xd3: {  	_ = 	snop  }
0xd4: {  	[tilespmem:s25], [sflag:$0x1] =	stream.indirect_vreg.gather [hbm4b:s3+s2], $0x80, v3, vm0, $0xb8;
	[tilespmem:$0x14100] =	vst v63  }
0xd5: {  	s1 =	sadd.s32 $0x10, s1  }
0xd6: {  	[tilespmem:s26], [sflag:$0x1] =	stream.indirect_vreg.gather [hbm4b:s4+s2], $0x80, v3, vm0, $0xb8;
	[tilespmem:$0x14100] =	vst v63  }
0xd7: {  	p0 =	sne.s32 s1, $0x40  }
0xd8: {  	[tilespmem:s28], [sflag:$0x1] =	stream.indirect_vreg.gather [hbm4b:s5+s2], $0x80, v3, vm1, $0xb8;
	[tilespmem:$0x14100] =	vst v63  }
.Ltmp0:
0xd9: {  	_ =	swait.ge [sflag:s10], $0xA000;
	(pc) =	sbr.rel @p0 .LBB2_2-.Ltmp0, $4  }
0xda: {  	[sflag:s10] =	ssyncset.done $0x0  }
0xdb: {  	[sflag:s10] =	ssyncadd.s32 $0xFFFF6000  }
0xdc: {  	[hbm4b:s31+s2] =	stream.linear.scatter [tilespmem:s11], [sflag:$0x2], $0xA000, $0x38;
	[tilespmem:$0x14100] =	vst v63  }
0xdd: {  	s31 =	sadd.s32 $0x2800, s31  }
0xde: {  	s1 =	simm.s32 $0x2  }
0xdf: {  	_ =	swait.ge [sflag:s1], $0xA000  }
0xe0: {  	[sflag:s1] =	ssyncset.done $0x0  }
0xe1: {  	[sflag:s1] =	ssyncadd.s32 $0xFFFF6000  }
0xe2: {  	_ =	swait.ge [sflag:s1], $0xA000  }
0xe3: {  	s0 =	sld [smem:$0x7FA];
	_ =	sdelay $0x1  }
0xe4: {  	s30 =	sadd.s32 $0x1, s30  }
0xe5: {  	p0 =	sne.s32 s30, s0  }
.Ltmp1:
0xe6: {  	_ = 	snop;
	(pc) =	sbr.rel @p0 .LBB2_1-.Ltmp1, $3  }
0xe7: {  	_ =	sdelay $0x1  }
0xe8: {  	[sflag:s1] =	ssyncset.done $0x0  }
0xe9: {  	[sflag:s1] =	ssyncadd.s32 $0xFFFF6000  }
0xea: {  	_ =	sfence.sel $0x180000  }
0xeb: {  	[bflag:$0x0] =	sbarrier.arrive $0xFFFF  }
0xec: {  	_ =	strace $0x90000047  }
0xed: {  	s0 =	stileid.u32;
	[bflag:$0x2] =	sbarrier.arrive $0xFFFF  }
0xee: {  	p0 =	sne.s32 s0, $0x0;
	s0 =	rddreg [dreg:$0x1]  }
0xef: {  	s0 =	sadd.s32 @!p0 $0x100000, s0  }
0xf0: {  	[sflag:s0] =	ssyncadd.tile.s32 @!p0 $0x1;
	_ =	shalt  }
.Lfunc_end2:
_tile_overlayer_lowered:
.L_overlay_start_2:
0xf1: {  	(tag) =	ssettag $0x2  }
0xf2: {  	s0 =	rddreg [dreg:$0x0];
	s2 =	stileid.u32  }
0xf3: {  	s1 =	rddreg [dreg:$0x1];
	p0 =	sne.s32 s2, $0x0  }
0xf4: {  	s3 =	rddreg [dreg:$0x2];
	[bflag:$0x3] =	sbarrier.arrive $0xFFFF;
	s2 =	simm.s32 @!p0 $0x1C03  }
0xf5: {  	[timem:s3], [sflag:s2] =	dma.local @!p0 [hbm:s0], s1  }
0xf6: {  	s0 =	simm.s32 @!p0 $0x3  }
0xf7: {  	_ =	swait.ge @!p0 [sflag:s0], s1  }
0xf8: {  	s1 =	ssub.s32 @!p0 $0x0, s1;
	[sflag:s0] =	ssyncset.done @!p0 $0x0  }
0xf9: {  	[sflag:s0] =	ssyncadd.s32 @!p0 s1  }
0xfa: {  	[bflag:$0x3] =	sbarrier.arrive $0xFFFF  }
0xfb: {  	_ =	shalt  }

// kernel: kernel.18.cloned.1.call-start
scs
__scs_entry_jumppad:
0x0: {  	(pc) =	sbr.rel $0x88, $3  }
0x1: {  	(tag) =	ssettag $0x0;
	lr =	simm.s32 $0x1  }
0x2: {  	[smem:$0x3F26] =	sst lr;
	_ =	strace $0xD0000000  }
0x3: {  	_ = 	snop  }
0x4: {  	_ = 	snop  }
0x5: {  	_ = 	snop  }
0x6: {  	_ = 	snop  }
0x7: {  	_ = 	snop  }
__scs_overlays_trampoline_lowered:
0x8: {  	[smem:$0x3F35] =	sst s0  }
0x9: {  	[smem:$0x3F36] =	sst s1  }
0xa: {  	[smem:$0x3F37] =	sst s2  }
0xb: {  	[smem:$0x3F38] =	sst s3  }
0xc: {  	[smem:$0x3F39] =	sst s4  }
0xd: {  	[smem:$0x3F3A] =	sst s5  }
0xe: {  	[smem:$0x3F3B] =	sst s6  }
0xf: {  	[smem:$0x3F3C] =	sst s7  }
0x10: {  	[smem:$0x3F3D] =	sst s8  }
0x11: {  	[smem:$0x3F3E] =	sst s9;
	s0 =	simm.s32 @!p0 $0x0  }
0x12: {  	s1 =	sld [smem:$0x3F24];
	s0 =	simm.s32 @p0 $0x1  }
0x13: {  	[smem:$0x3F3F] =	sst s0;
	s0 =	simm.s32 @!p1 $0x0  }
0x14: {  	s2 =	sld [smem:$0x3F23];
	s0 =	simm.s32 @p1 $0x1  }
0x15: {  	[smem:$0x3F40] =	sst s0;
	s0 =	simm.s32 @!p2 $0x0  }
0x16: {  	s3 =	sld [smem:$0x3FDB];
	s0 =	simm.s32 @p2 $0x1  }
0x17: {  	s4 =	simm.s32 $0x1BF5;
	[smem:$0x3F42] =	sst s0  }
0x18: {  	s0 =	sld [smem:$0x3F25];
	_ =	swait.ge [sflag:s4], $0x0  }
0x19: {  	s7 =	sld [smem:$0x3F26]  }
0x1a: {  	s8 =	sadd.s32 $0xFFFFE003, lr  }
0x1b: {  	s9 =	sadd.s32 $0xFFFFFEF7, lr;
	s5 =	simm.s32 $0xFFFFFFFF;
	p2 =	slt.u32 s8, $0xFFFFF086  }
0x1c: {  	p1 =	slt.u32 s9, $0xF7A;
	s5 =	simm.s32 @!p2 $0x0  }
0x1d: {  	s5 =	simm.s32 @p1 $0x1;
	p0 =	seq.s32 s7, s2  }
0x1e: {  	s7 =	smul.u32 @!p0 $0xF7A, s2;
	p2 =	seq.s32 @!p0 s5, $0x0  }
0x1f: {  	s9 =	smul.u32 $0xF7A, s1;
	s8 =	simm.s32 @!p0 $0x1BF5;
	p2 =	por !p2, p0  }
0x20: {  	[sflag:s8] =	ssyncset.s32 @!p0 $0xFFFFF086;
	s6 =	sadd.s32 @!p0 s3, s7;
	s7 =	simm.s32 @!p0 $0x108  }
0x21: {  	s3 =	sadd.s32 s3, s9;
	s6 =	sadd.s32 @!p0 $0x88, s6;
	s7 =	simm.s32 @p2 $0x1082  }
0x22: {  	[simem:s7], [sflag:s8] =	dma.local @!p0 [hbm:s6], $0xF7A  }
0x23: {  	s9 =	sor.u32 $0xD0000000, s2;
	s6 =	simm.s32 $0x108;
	_ =	swait.ge @!p0 [sflag:s8], $0x0  }
0x24: {  	s3 =	sadd.s32 $0x88, s3;
	s6 =	simm.s32 @!p1 $0x1082;
	[sflag:s4] =	ssyncset.s32 $0xFFFFF086  }
0x25: {  	[simem:s6], [sflag:s4] =	dma.local [hbm:s3], $0xF7A  }
0x26: {  	[smem:$0x3F26] =	sst s1;
	(tag) =	ssettag s2;
	_ =	strace s9  }
0x27: {  	s1 =	sld [smem:$0x3F36]  }
0x28: {  	s2 =	sld [smem:$0x3F37]  }
0x29: {  	s4 =	sld [smem:$0x3F39]  }
0x2a: {  	p0 =	seq.s32 s5, $0x0;
	s5 =	sld [smem:$0x3F3A]  }
0x2b: {  	s6 =	sld [smem:$0x3F3B]  }
0x2c: {  	s7 =	sld [smem:$0x3F3C]  }
0x2d: {  	s3 =	simm.s32 $0x108;
	s8 =	sld [smem:$0x3F3D]  }
0x2e: {  	s3 =	simm.s32 @!p0 $0x1082;
	s9 =	sld [smem:$0x3F3E]  }
0x2f: {  	lr =	sadd.s32 s0, s3;
	s0 =	sld [smem:$0x3F35]  }
0x30: {  	s3 =	sld [smem:$0x3F38]  }
0x31: {  	[smem:$0x3F41] =	sst s10  }
0x32: {  	s10 =	sld [smem:$0x3F3F];
	_ =	sdelay $0x3  }
0x33: {  	p0 =	seq.s32 s10, $0x1;
	s10 =	sld [smem:$0x3F41];
	_ =	sdelay $0x3  }
0x34: {  	[smem:$0x3F41] =	sst s10  }
0x35: {  	s10 =	sld [smem:$0x3F40];
	_ =	sdelay $0x3  }
0x36: {  	p1 =	seq.s32 s10, $0x1;
	s10 =	sld [smem:$0x3F41];
	_ =	sdelay $0x3  }
0x37: {  	[smem:$0x3F41] =	sst s10  }
0x38: {  	s10 =	sld [smem:$0x3F42]  }
0x39: {  	_ = 	snop;
	(pc) =	sbr.ind lr, $3  }
0x3a: {  	_ = 	snop  }
0x3b: {  	_ = 	snop  }
0x3c: {  	p2 =	seq.s32 s10, $0x1;
	s10 =	sld [smem:$0x3F41]  }
0x3d: {  	_ =	shalt  }
0x3e: {  	_ =	shalt  }
0x3f: {  	_ =	shalt  }
0x40: {  	_ =	shalt  }
0x41: {  	_ =	shalt  }
0x42: {  	_ =	shalt  }
0x43: {  	_ =	shalt  }
0x44: {  	_ =	shalt  }
0x45: {  	_ =	shalt  }
0x46: {  	_ =	shalt  }
0x47: {  	_ =	shalt  }
0x48: {  	_ =	shalt  }
0x49: {  	_ =	shalt  }
0x4a: {  	_ =	shalt  }
0x4b: {  	_ =	shalt  }
0x4c: {  	_ =	shalt  }
0x4d: {  	_ =	shalt  }
0x4e: {  	_ =	shalt  }
0x4f: {  	_ =	shalt  }
0x50: {  	_ =	shalt  }
0x51: {  	_ =	shalt  }
0x52: {  	_ =	shalt  }
0x53: {  	_ =	shalt  }
0x54: {  	_ =	shalt  }
0x55: {  	_ =	shalt  }
0x56: {  	_ =	shalt  }
0x57: {  	_ =	shalt  }
0x58: {  	_ =	shalt  }
0x59: {  	_ =	shalt  }
0x5a: {  	_ =	shalt  }
0x5b: {  	_ =	shalt  }
0x5c: {  	_ =	shalt  }
0x5d: {  	_ =	shalt  }
0x5e: {  	_ =	shalt  }
0x5f: {  	_ =	shalt  }
0x60: {  	_ =	shalt  }
0x61: {  	_ =	shalt  }
0x62: {  	_ =	shalt  }
0x63: {  	_ =	shalt  }
0x64: {  	_ =	shalt  }
0x65: {  	_ =	shalt  }
0x66: {  	_ =	shalt  }
0x67: {  	_ =	shalt  }
0x68: {  	_ =	shalt  }
0x69: {  	_ =	shalt  }
0x6a: {  	_ =	shalt  }
0x6b: {  	_ =	shalt  }
0x6c: {  	_ =	shalt  }
0x6d: {  	_ =	shalt  }
0x6e: {  	_ =	shalt  }
0x6f: {  	_ =	shalt  }
0x70: {  	_ =	shalt  }
0x71: {  	_ =	shalt  }
0x72: {  	_ =	shalt  }
0x73: {  	_ =	shalt  }
0x74: {  	_ =	shalt  }
0x75: {  	_ =	shalt  }
0x76: {  	_ =	shalt  }
0x77: {  	_ =	shalt  }
0x78: {  	_ =	shalt  }
0x79: {  	_ =	shalt  }
0x7a: {  	_ =	shalt  }
0x7b: {  	_ =	shalt  }
0x7c: {  	_ =	shalt  }
0x7d: {  	_ =	shalt  }
0x7e: {  	_ =	shalt  }
0x7f: {  	_ =	shalt  }
0x80: {  	_ =	shalt  }
0x81: {  	_ =	shalt  }
0x82: {  	_ =	shalt  }
0x83: {  	_ =	shalt  }
0x84: {  	_ =	shalt  }
0x85: {  	_ =	shalt  }
0x86: {  	_ =	shalt  }
0x87: {  	_ =	shalt  }
.Lfunc_end0:
.L_simem_size_0:
called_computation.1_lowered:
.L_overlay_start_0:
0x88: {  	s2 =	sld [smem:$0x3FD9]  }
0x89: {  	s3 =	sld [smem:$0x3FFE];
	_ =	sdelay $0x1  }
0x8a: {  	s1 =	srdreg.scid  }
0x8b: {  	s0 =	sand.u32 $0x1, s1  }
0x8c: {  	s17 =	sshll.u32 s0, $0xA;
	s2 =	sadd.s32 s3, s2  }
0x8d: {  	s2 =	sadd.s32 s2, s17  }
0x8e: {  	[smem:$0x3F4D] =	sst s2  }
0x8f: {  	_ = 	snop  }
0x90: {  	s2 =	sld [smem:$0x3FD0];
	(tm) =	ssettm $0x1  }
0x91: {  	s18 =	sld [smem:$0x3FFB];
	_ =	sdelay $0x3  }
0x92: {  	_ =	strace s18  }
0x93: {  	s3 =	sld [smem:$0x3FFC];
	_ =	sdelay $0x3  }
0x94: {  	_ =	strace s3  }
0x95: {  	s3 =	sld [smem:$0x3FFD];
	_ =	sdelay $0x3  }
0x96: {  	_ =	strace s3  }
0x97: {  	_ =	strace $0x8FFFFFFF  }
0x98: {  	s19 =	sld [smem:$0x3FDB];
	_ =	sdelay $0x1  }
0x99: {  	s4 =	simm.s32 $_scs_section_size  }
0x9a: {  	s5 =	simm.s32 $_size__tile_overlayer_lowered;
	s6 =	simm.s32 $_tile_overlayer_lowered  }
0x9b: {  	s22 =	simm.s32 $0x1BFF;
	s21 =	sshll.u32 s6, $0x1;
	s3 =	sadd.s32 s4, s19  }
0x9c: {  	s7 =	simm.s32 $0x0;
	s20 =	sshll.u32 s5, $0x1;
	s5 =	sadd.s32 s21, s3  }
0x9d: {  	[timem:s7], [sflag:s22] =	dma.local [hbm:s5], s20  }
0x9e: {  	_ =	swait.ge [sflag:s22], s20  }
0x9f: {  	s4 =	ssub.s32 $0x0, s20;
	[sflag:s22] =	ssyncset.done $0x0  }
0xa0: {  	[sflag:s22] =	ssyncadd.s32 s4;
	_ =	sdelay $0x1  }
0xa1: {  	s23 =	simm.s32 $0x1B8B  }
0xa2: {  	_ =	swait.ge [sflag:s23], $0x1  }
0xa3: {  	[sflag:s23] =	ssyncset.done $0x0  }
0xa4: {  	s25 =	simm.s32 $0x1B8E;
	s24 =	sld [smem:$0x3FFE];
	[sflag:s23] =	ssyncadd.s32 $0xFFFFFFFF  }
0xa5: {  	s26 =	simm.s32 $execute0_lowered;
	[smem:$0x3FD2] =	sst s25  }
0xa6: {  	s5 =	sshll.u32 s26, $0x1;
	_ =	strace $0x80000049;
	[dreg:$0x1] =	wrdreg $0xFFFFFFFF  }
0xa7: {  	s28 =	simm.s32 $_size_execute0_lowered;
	s3 =	sadd.s32 s3, s5;
	[dreg:$0x0] =	wrdreg $0x0  }
0xa8: {  	s5 =	sshll.u32 s28, $0x1;
	[dreg:$0x2] =	wrdreg s3  }
0xa9: {  	[dreg:$0x3] =	wrdreg s5  }
0xaa: {  	[dreg:$0x4] =	wrdreg $0xC0  }
0xab: {  	_ =	task [dreg:s7], $0x5FFFF  }
0xac: {  	[dreg:$0x1] =	wrdreg $0xFFFFFFFF  }
0xad: {  	[dreg:$0x0] =	wrdreg $0x60  }
0xae: {  	[dreg:$0x2] =	wrdreg s24  }
0xaf: {  	[dreg:$0x3] =	wrdreg s2  }
0xb0: {  	[dreg:$0x4] =	wrdreg $0x9  }
0xb1: {  	_ =	task.clear_ibuf [dreg:s7], $0x5FFFF;
	_ =	strace $0x90000049  }
0xb2: {  	s29 =	simm.s32 $0x9;
	_ =	strace $0x8000004B  }
0xb3: {  	_ =	swait.ge [sflag:s29], $0x1  }
0xb4: {  	[sflag:s29] =	ssyncadd.s32 $0xFFFFFFFF  }
0xb5: {  	_ =	strace $0x9000004B  }
0xb6: {  	_ =	sfence  }
0xb7: {  	s30 =	sld [smem:$0x0];
	_ =	sdelay $0x2  }
0xb8: {  	s31 =	sshll.u32 s1, $0xD;
	s1 =	sshrl.u32 s1, $0x2  }
0xb9: {  	s3 =	sand.u32 $0x4000, s31;
	s1 =	sadd.s32 s1, s30  }
0xba: {  	s0 =	sor.u32 s3, s0;
	s1 =	sshll.u32 s1, $0x11  }
0xbb: {  	s0 =	sor.u32 s1, s0  }
0xbc: {  	s0 =	sadd.s32 $0x8F2B, s0  }
0xbd: {  	[sflag:s0] =	ssyncadd.remote.s32 $0x1  }
0xbe: {  	_ =	sfence.sel $0xFFFF  }
0xbf: {  	[dreg:$0x0] =	wrdreg $0xFFFFFFFF;
	(pc) =	sbr.abs _section_cstart, $3  }
0xc0: {  	[dreg:$0x1] =	wrdreg $0xFFFFFFFF  }
0xc1: {  	_ =	task.clear_ibuf [dreg:s7], $0x2FFFF;
	_ =	strace $0x9FFFFFFF  }
0xc2: {  	(tm) =	ssettm $0x7FFFFFFF  }
0xc3: {  	_ =	shalt  }
tec
execute0_lowered:
.L_overlay_start_1:
0x0: {  	(tag) =	ssettag $0x1  }
0x1: {  	s0 =	rddreg [dreg:$0x0];
	s2 =	stileid.u32  }
0x2: {  	s3 =	rddreg [dreg:$0x1];
	s4 =	sshll.u32 s2, $0xC;
	s2 =	simm.s32 $0x0  }
0x3: {  	s21 =	simm.s32 $0x900;
	[smem:$0x7FF] =	sst s2  }
0x4: {  	s22 =	simm.s32 $0x1100;
	_ =	strace $0x8000004A;
	[dreg:$0x4] =	wrdreg s21  }
0x5: {  	s23 =	simm.s32 $0x1500;
	[dreg:$0x5] =	wrdreg s22  }
0x6: {  	s24 =	simm.s32 $0x1D00;
	[dreg:$0x6] =	wrdreg s23  }
0x7: {  	s25 =	simm.s32 $0x2500;
	[dreg:$0x7] =	wrdreg s24  }
0x8: {  	s26 =	simm.s32 $0x2900;
	[dreg:$0x8] =	wrdreg s25  }
0x9: {  	s29 =	simm.s32 $0x3100;
	[dreg:$0x9] =	wrdreg s26  }
0xa: {  	s31 =	simm.s32 $0x3900;
	[dreg:$0xa] =	wrdreg s29  }
0xb: {  	s6 =	simm.s32 $0x4500;
	[dreg:$0xb] =	wrdreg s31  }
0xc: {  	s7 =	simm.s32 $0x4D00;
	[dreg:$0xd] =	wrdreg s6  }
0xd: {  	s8 =	simm.s32 $0x5100;
	[dreg:$0xe] =	wrdreg s7  }
0xe: {  	s9 =	simm.s32 $0x5900;
	[dreg:$0xf] =	wrdreg s8  }
0xf: {  	s10 =	simm.s32 $0x6100;
	[dreg:$0x10] =	wrdreg s9  }
0x10: {  	s11 =	simm.s32 $0x6500;
	[dreg:$0x11] =	wrdreg s10  }
0x11: {  	s1 =	srdreg.scid;
	s12 =	simm.s32 $0x6D00;
	[dreg:$0x12] =	wrdreg s11  }
0x12: {  	s13 =	simm.s32 $0x7500;
	s14 =	simm.s32 $0x7900;
	[dreg:$0x13] =	wrdreg s12  }
0x13: {  	s15 =	simm.s32 $0x8100;
	s16 =	simm.s32 $0x8900;
	[dreg:$0x14] =	wrdreg s13  }
0x14: {  	s17 =	simm.s32 $0x8D00;
	s18 =	simm.s32 $0x9500;
	[dreg:$0x15] =	wrdreg s14  }
0x15: {  	s19 =	simm.s32 $0x9D00;
	s28 =	simm.s32 $0x13D00;
	[dreg:$0x16] =	wrdreg s15  }
0x16: {  	s30 =	simm.s32 $0x0;
	s1 =	sand.u32 $0x1, s1;
	[dreg:$0x17] =	wrdreg s16  }
0x17: {  	s5 =	sshll.u32 s1, $0xB;
	s1 =	ssub.s32 $0x2, s1;
	[dreg:$0x18] =	wrdreg s17  }
0x18: {  	s4 =	sor.u32 s5, s4;
	s5 =	simm.s32 $0x3D00;
	[dreg:$0x19] =	wrdreg s18  }
0x19: {  	s20 =	sshrl.u32 s1, $0x1;
	[dreg:$0x1a] =	wrdreg s19;
	s21 =	simm.s32 $0x80  }
0x1a: {  	s22 =	simm.s32 $0xA900;
	s7 =	simm.s32 $0xB100;
	s23 =	simm.s32 $0xB500  }
0x1b: {  	s24 =	simm.s32 $0xBD00;
	s26 =	simm.s32 $0xC500;
	s8 =	simm.s32 $0x3  }
0x1c: {  	s29 =	simm.s32 $0xC900;
	s9 =	simm.s32 $0x100;
	[dreg:$0xc] =	wrdreg s5  }
0x1d: {  	s31 =	simm.s32 $0xD100;
	s10 =	simm.s32 $0x1;
	[dreg:$0x1b] =	wrdreg s21  }
0x1e: {  	s11 =	simm.s32 $0xA100;
	s12 =	simm.s32 $0xD900;
	[dreg:$0x1c] =	wrdreg s22  }
0x1f: {  	s13 =	simm.s32 $0xDD00;
	s14 =	simm.s32 $0xE500;
	[dreg:$0x1d] =	wrdreg s7  }
0x20: {  	s15 =	simm.s32 $0xED00;
	s16 =	simm.s32 $0xF100;
	[dreg:$0x1e] =	wrdreg s23  }
0x21: {  	s17 =	simm.s32 $0xF900;
	s18 =	simm.s32 $0x10100;
	[dreg:$0x1f] =	wrdreg s24  }
0x22: {  	s19 =	simm.s32 $0x10500;
	s4 =	sshrl.u32 s4, $0x3;
	[smem:$0x7FB] =	sst s26  }
0x23: {  	s1 =	ssub.s32 s1, s20;
	s5 =	sadd.s32 $0x20E00, s0;
	[smem:$0x7FC] =	sst s29  }
0x24: {  	[smem:$0x7FD] =	sst s31;
	s20 =	simm.s32 $0x10D00;
	s21 =	simm.s32 $0x11500  }
0x25: {  	s22 =	simm.s32 $0x11900;
	s3 =	sadd.s32 s4, s3;
	s4 =	smul.u32 $0x280, s4  }
0x26: {  	s23 =	simm.s32 $0x12100;
	s24 =	simm.s32 $0x12900;
	s26 =	simm.s32 $0x13500  }
0x27: {  	v2 =	vlaneseq.u32;
	s1 =	smax.u32 s1, $0x1;
	[dreg:$0x3] =	wrdreg s3;
	s6 =	sadd.s32 s4, s0  }
0x28: {  	vm0 =	vmmov $0xffff;
	vm1 =	vmmov $0xff;
	v1 =	vshrl.u32 v2, $0x3;
	s3 =	sadd.s32 $0x20C00, s0;
	[smem:$0x7F9] =	sst s1;
	s25 =	sadd.s32 $0x176800, s6  }
0x29: {  	v0 =	vand.u32 $0x7, v2;
	v2 =	vor.u32 $0x8, v2;
	v1 =	vmul.u32 $0x8, v1;
	s4 =	sadd.s32 $0x20D00, s0;
	[smem:$0x7FA] =	sst s25;
	s25 =	simm.s32 $0x12D00  }
.LBB2_1:
0x2a: {  	s31 =	sld [smem:$0x7FA];
	s1 =	simm.s32 $0x0  }
.LBB2_2:
0x2b: {  	p0 =	seq.s32 s1, $0x0  }
0x2c: {  	s0 =	simm.s32 @!p0 $0x2  }
0x2d: {  	_ =	swait.ge @!p0 [sflag:s0], $0xA000  }
0x2e: {  	s6 =	rddreg [dreg:$0x3];
	[sflag:s0] =	ssyncset.done @!p0 $0x0  }
0x2f: {  	[sflag:s0] =	ssyncadd.s32 @!p0 $0xFFFF6000;
	s6 =	sadd.s32 s1, s6  }
0x30: {  	[tilespmem:s2], [sflag:$0x3] =	stream.linear.gather [hbm4b:s6+s2], $0x40, $0x38;
	[tilespmem:$0x14100] =	vst v63  }
0x31: {  	_ =	swait.ge [sflag:s8], $0x40  }
0x32: {  	[sflag:s8] =	ssyncset.done $0x0  }
0x33: {  	[sflag:s8] =	ssyncadd.s32 $0xFFFFFFC0  }
0x34: {  	v3 =	vld [tilespmem:$0x0];
	_ =	sdelay $0x4  }
0x35: {  	v4 =	vshrl.u32 v3, $0x3  }
0x36: {  	v4 =	vmul.u32 $0x28, v4  }
0x37: {  	v3 =	vand.u32 $0x7, v3  }
0x38: {  	v3 =	vor.u32 v3, v4  }
0x39: {  	v4 =	vperm.xlane v3, v0;
	_ =	sdelay $0x1  }
0x3a: {  	v4 =	vadd.s32 v1, v4;
	_ =	sdelay $0x3  }
0x3b: {  	v3 =	vperm.xlane v3, v2  }
0x3c: {  	[tilespmem:s9], [sflag:$0x1] =	stream.indirect_vreg.gather [hbm4b:s3+s2], $0x80, v4, vm0, $0xb8;
	[tilespmem:$0x14100] =	vst v63  }
0x3d: {  	s7 =	rddreg [dreg:$0x4];
	v3 =	vadd.s32 v1, v3  }
0x3e: {  	[tilespmem:s7], [sflag:$0x1] =	stream.indirect_vreg.gather [hbm4b:s4+s2], $0x80, v4, vm0, $0xb8;
	[tilespmem:$0x14100] =	vst v63  }
0x3f: {  	s29 =	rddreg [dreg:$0x5]  }
0x40: {  	[tilespmem:s29], [sflag:$0x1] =	stream.indirect_vreg.gather [hbm4b:s5+s2], $0x80, v4, vm1, $0xb8;
	[tilespmem:$0x14100] =	vst v63  }
0x41: {  	s7 =	rddreg [dreg:$0x6]  }
0x42: {  	[tilespmem:s7], [sflag:$0x1] =	stream.indirect_vreg.gather [hbm4b:s3+s2], $0x80, v3, vm0, $0xb8;
	[tilespmem:$0x14100] =	vst v63  }
0x43: {  	s29 =	rddreg [dreg:$0x7]  }
0x44: {  	[tilespmem:s29], [sflag:$0x1] =	stream.indirect_vreg.gather [hbm4b:s4+s2], $0x80, v3, vm0, $0xb8;
	[tilespmem:$0x14100] =	vst v63  }
0x45: {  	s7 =	rddreg [dreg:$0x8]  }
0x46: {  	[tilespmem:s7], [sflag:$0x1] =	stream.indirect_vreg.gather [hbm4b:s5+s2], $0x80, v3, vm1, $0xb8;
	[tilespmem:$0x14100] =	vst v63  }
0x47: {  	v3 =	vld [tilespmem:$0x10];
	_ =	sdelay $0x4  }
0x48: {  	v57 =	vshrl.u32 v3, $0x3  }
0x49: {  	v4 =	vmul.u32 $0x28, v57  }
0x4a: {  	v3 =	vand.u32 $0x7, v3  }
0x4b: {  	v3 =	vor.u32 v3, v4  }
0x4c: {  	v4 =	vperm.xlane v3, v0;
	_ =	sdelay $0x1  }
0x4d: {  	v4 =	vadd.s32 v1, v4;
	_ =	sdelay $0x3  }
0x4e: {  	s7 =	rddreg [dreg:$0x9];
	v3 =	vperm.xlane v3, v2  }
0x4f: {  	[tilespmem:s7], [sflag:$0x1] =	stream.indirect_vreg.gather [hbm4b:s3+s2], $0x80, v4, vm0, $0xb8;
	[tilespmem:$0x14100] =	vst v63  }
0x50: {  	s29 =	rddreg [dreg:$0xa];
	v3 =	vadd.s32 v1, v3  }
0x51: {  	[tilespmem:s29], [sflag:$0x1] =	stream.indirect_vreg.gather [hbm4b:s4+s2], $0x80, v4, vm0, $0xb8;
	[tilespmem:$0x14100] =	vst v63  }
0x52: {  	s7 =	rddreg [dreg:$0xb]  }
0x53: {  	[tilespmem:s7], [sflag:$0x1] =	stream.indirect_vreg.gather [hbm4b:s5+s2], $0x80, v4, vm1, $0xb8;
	[tilespmem:$0x14100] =	vst v63  }
0x54: {  	s29 =	rddreg [dreg:$0xc]  }
0x55: {  	[tilespmem:s29], [sflag:$0x1] =	stream.indirect_vreg.gather [hbm4b:s3+s2], $0x80, v3, vm0, $0xb8;
	[tilespmem:$0x14100] =	vst v63  }
0x56: {  	s7 =	rddreg [dreg:$0xd]  }
0x57: {  	[tilespmem:s7], [sflag:$0x1] =	stream.indirect_vreg.gather [hbm4b:s4+s2], $0x80, v3, vm0, $0xb8;
	[tilespmem:$0x14100] =	vst v63  }
0x58: {  	s29 =	rddreg [dreg:$0xe]  }
0x59: {  	[tilespmem:s29], [sflag:$0x1] =	stream.indirect_vreg.gather [hbm4b:s5+s2], $0x80, v3, vm1, $0xb8;
	[tilespmem:$0x14100] =	vst v63  }
0x5a: {  	v3 =	vld [tilespmem:$0x20];
	_ =	sdelay $0x4  }
0x5b: {  	v58 =	vshrl.u32 v3, $0x3  }
0x5c: {  	v4 =	vmul.u32 $0x28, v58  }
0x5d: {  	v3 =	vand.u32 $0x7, v3  }
0x5e: {  	v3 =	vor.u32 v3, v4  }
0x5f: {  	v4 =	vperm.xlane v3, v0;
	_ =	sdelay $0x1  }
0x60: {  	v4 =	vadd.s32 v1, v4;
	_ =	sdelay $0x3  }
0x61: {  	s7 =	rddreg [dreg:$0xf];
	v3 =	vperm.xlane v3, v2  }
0x62: {  	[tilespmem:s7], [sflag:$0x1] =	stream.indirect_vreg.gather [hbm4b:s3+s2], $0x80, v4, vm0, $0xb8;
	[tilespmem:$0x14100] =	vst v63  }
0x63: {  	s29 =	rddreg [dreg:$0x10];
	v3 =	vadd.s32 v1, v3  }
0x64: {  	[tilespmem:s29], [sflag:$0x1] =	stream.indirect_vreg.gather [hbm4b:s4+s2], $0x80, v4, vm0, $0xb8;
	[tilespmem:$0x14100] =	vst v63  }
0x65: {  	s7 =	rddreg [dreg:$0x11]  }
0x66: {  	[tilespmem:s7], [sflag:$0x1] =	stream.indirect_vreg.gather [hbm4b:s5+s2], $0x80, v4, vm1, $0xb8;
	[tilespmem:$0x14100] =	vst v63  }
0x67: {  	s29 =	rddreg [dreg:$0x12]  }
0x68: {  	[tilespmem:s29], [sflag:$0x1] =	stream.indirect_vreg.gather [hbm4b:s3+s2], $0x80, v3, vm0, $0xb8;
	[tilespmem:$0x14100] =	vst v63  }
0x69: {  	s7 =	rddreg [dreg:$0x13]  }
0x6a: {  	[tilespmem:s7], [sflag:$0x1] =	stream.indirect_vreg.gather [hbm4b:s4+s2], $0x80, v3, vm0, $0xb8;
	[tilespmem:$0x14100] =	vst v63  }
0x6b: {  	s29 =	rddreg [dreg:$0x14]  }
0x6c: {  	[tilespmem:s29], [sflag:$0x1] =	stream.indirect_vreg.gather [hbm4b:s5+s2], $0x80, v3, vm1, $0xb8;
	[tilespmem:$0x14100] =	vst v63  }
0x6d: {  	v3 =	vld [tilespmem:$0x30];
	_ =	sdelay $0x4  }
0x6e: {  	v59 =	vshrl.u32 v3, $0x3  }
0x6f: {  	v4 =	vmul.u32 $0x28, v59  }
0x70: {  	v3 =	vand.u32 $0x7, v3  }
0x71: {  	v3 =	vor.u32 v3, v4  }
0x72: {  	v4 =	vperm.xlane v3, v0;
	_ =	sdelay $0x1  }
0x73: {  	v4 =	vadd.s32 v1, v4;
	_ =	sdelay $0x3  }
0x74: {  	s7 =	rddreg [dreg:$0x15];
	v3 =	vperm.xlane v3, v2  }
0x75: {  	[tilespmem:s7], [sflag:$0x1] =	stream.indirect_vreg.gather [hbm4b:s3+s2], $0x80, v4, vm0, $0xb8;
	[tilespmem:$0x14100] =	vst v63  }
0x76: {  	s29 =	rddreg [dreg:$0x16];
	v3 =	vadd.s32 v1, v3  }
0x77: {  	[tilespmem:s29], [sflag:$0x1] =	stream.indirect_vreg.gather [hbm4b:s4+s2], $0x80, v4, vm0, $0xb8;
	[tilespmem:$0x14100] =	vst v63  }
0x78: {  	s7 =	rddreg [dreg:$0x17]  }
0x79: {  	[tilespmem:s7], [sflag:$0x1] =	stream.indirect_vreg.gather [hbm4b:s5+s2], $0x80, v4, vm1, $0xb8;
	[tilespmem:$0x14100] =	vst v63  }
0x7a: {  	s29 =	rddreg [dreg:$0x18]  }
0x7b: {  	[tilespmem:s29], [sflag:$0x1] =	stream.indirect_vreg.gather [hbm4b:s3+s2], $0x80, v3, vm0, $0xb8;
	[tilespmem:$0x14100] =	vst v63  }
0x7c: {  	s7 =	rddreg [dreg:$0x19]  }
0x7d: {  	[tilespmem:s7], [sflag:$0x1] =	stream.indirect_vreg.gather [hbm4b:s4+s2], $0x80, v3, vm0, $0xb8;
	[tilespmem:$0x14100] =	vst v63  }
0x7e: {  	s29 =	rddreg [dreg:$0x1a]  }
0x7f: {  	[tilespmem:s29], [sflag:$0x1] =	stream.indirect_vreg.gather [hbm4b:s5+s2], $0x80, v3, vm1, $0xb8;
	[tilespmem:$0x14100] =	vst v63  }
0x80: {  	_ =	swait.ge [sflag:s10], $0xA000  }
0x81: {  	[sflag:s10] =	ssyncset.done $0x0  }
0x82: {  	s29 =	sadd.s32 $0xFFFFEC00, s31;
	[sflag:s10] =	ssyncadd.s32 $0xFFFF6000  }
0x83: {  	[hbm4b:s29+s2] =	stream.linear.scatter [tilespmem:s9], [sflag:$0x2], $0xA000, $0x38;
	[tilespmem:$0x14100] =	vst v63  }
0x84: {  	_ =	swait.ge @!p0 [sflag:s0], $0xA000  }
0x85: {  	[sflag:s0] =	ssyncset.done @!p0 $0x0  }
0x86: {  	s29 =	sadd.s32 $0x8, s6;
	s7 =	rddreg [dreg:$0x1b];
	[sflag:s0] =	ssyncadd.s32 @!p0 $0xFFFF6000  }
0x87: {  	[tilespmem:s7], [sflag:$0x3] =	stream.linear.gather [hbm4b:s29+s2], $0x40, $0x38;
	[tilespmem:$0x14100] =	vst v63  }
0x88: {  	_ =	swait.ge [sflag:s8], $0x40  }
0x89: {  	[sflag:s8] =	ssyncset.done $0x0  }
0x8a: {  	[sflag:s8] =	ssyncadd.s32 $0xFFFFFFC0  }
0x8b: {  	v3 =	vld [tilespmem:$0x80];
	_ =	sdelay $0x4  }
0x8c: {  	v60 =	vshrl.u32 v3, $0x3  }
0x8d: {  	v4 =	vmul.u32 $0x28, v60  }
0x8e: {  	v3 =	vand.u32 $0x7, v3  }
0x8f: {  	v3 =	vor.u32 v3, v4  }
0x90: {  	v4 =	vperm.xlane v3, v0;
	_ =	sdelay $0x1  }
0x91: {  	v4 =	vadd.s32 v1, v4;
	_ =	sdelay $0x3  }
0x92: {  	s6 =	rddreg [dreg:$0x1c];
	v3 =	vperm.xlane v3, v2  }
0x93: {  	[tilespmem:s11], [sflag:$0x1] =	stream.indirect_vreg.gather [hbm4b:s3+s2], $0x80, v4, vm0, $0xb8;
	[tilespmem:$0x14100] =	vst v63  }
0x94: {  	s7 =	rddreg [dreg:$0x1d];
	v3 =	vadd.s32 v1, v3  }
0x95: {  	[tilespmem:s6], [sflag:$0x1] =	stream.indirect_vreg.gather [hbm4b:s4+s2], $0x80, v4, vm0, $0xb8;
	[tilespmem:$0x14100] =	vst v63  }
0x96: {  	s29 =	rddreg [dreg:$0x1e]  }
0x97: {  	[tilespmem:s7], [sflag:$0x1] =	stream.indirect_vreg.gather [hbm4b:s5+s2], $0x80, v4, vm1, $0xb8;
	[tilespmem:$0x14100] =	vst v63  }
0x98: {  	s7 =	rddreg [dreg:$0x1f]  }
0x99: {  	[tilespmem:s29], [sflag:$0x1] =	stream.indirect_vreg.gather [hbm4b:s3+s2], $0x80, v3, vm0, $0xb8;
	[tilespmem:$0x14100] =	vst v63  }
0x9a: {  	s29 =	sld [smem:$0x7FB]  }
0x9b: {  	[tilespmem:s7], [sflag:$0x1] =	stream.indirect_vreg.gather [hbm4b:s4+s2], $0x80, v3, vm0, $0xb8;
	[tilespmem:$0x14100] =	vst v63  }
0x9c: {  	_ = 	snop  }
0x9d: {  	[tilespmem:s29], [sflag:$0x1] =	stream.indirect_vreg.gather [hbm4b:s5+s2], $0x80, v3, vm1, $0xb8;
	[tilespmem:$0x14100] =	vst v63  }
0x9e: {  	v3 =	vld [tilespmem:$0x90];
	_ =	sdelay $0x4  }
0x9f: {  	v61 =	vshrl.u32 v3, $0x3  }
0xa0: {  	v4 =	vmul.u32 $0x28, v61  }
0xa1: {  	v3 =	vand.u32 $0x7, v3  }
0xa2: {  	v3 =	vor.u32 v3, v4  }
0xa3: {  	v4 =	vperm.xlane v3, v0;
	_ =	sdelay $0x1  }
0xa4: {  	v4 =	vadd.s32 v1, v4;
	_ =	sdelay $0x1  }
0xa5: {  	s7 =	sld [smem:$0x7FC];
	_ =	sdelay $0x1  }
0xa6: {  	s29 =	sld [smem:$0x7FD];
	v3 =	vperm.xlane v3, v2  }
0xa7: {  	[tilespmem:s7], [sflag:$0x1] =	stream.indirect_vreg.gather [hbm4b:s3+s2], $0x80, v4, vm0, $0xb8;
	[tilespmem:$0x14100] =	vst v63  }
0xa8: {  	v3 =	vadd.s32 v1, v3  }
0xa9: {  	[tilespmem:s29], [sflag:$0x1] =	stream.indirect_vreg.gather [hbm4b:s4+s2], $0x80, v4, vm0, $0xb8;
	[tilespmem:$0x14100] =	vst v63  }
0xaa: {  	_ = 	snop  }
0xab: {  	[tilespmem:s12], [sflag:$0x1] =	stream.indirect_vreg.gather [hbm4b:s5+s2], $0x80, v4, vm1, $0xb8;
	[tilespmem:$0x14100] =	vst v63  }
0xac: {  	_ = 	snop  }
0xad: {  	[tilespmem:s13], [sflag:$0x1] =	stream.indirect_vreg.gather [hbm4b:s3+s2], $0x80, v3, vm0, $0xb8;
	[tilespmem:$0x14100] =	vst v63  }
0xae: {  	_ = 	snop  }
0xaf: {  	[tilespmem:s14], [sflag:$0x1] =	stream.indirect_vreg.gather [hbm4b:s4+s2], $0x80, v3, vm0, $0xb8;
	[tilespmem:$0x14100] =	vst v63  }
0xb0: {  	_ = 	snop  }
0xb1: {  	[tilespmem:s15], [sflag:$0x1] =	stream.indirect_vreg.gather [hbm4b:s5+s2], $0x80, v3, vm1, $0xb8;
	[tilespmem:$0x14100] =	vst v63  }
0xb2: {  	v3 =	vld [tilespmem:$0xA0];
	_ =	sdelay $0x4  }
0xb3: {  	v62 =	vshrl.u32 v3, $0x3  }
0xb4: {  	v4 =	vmul.u32 $0x28, v62  }
0xb5: {  	v3 =	vand.u32 $0x7, v3  }
0xb6: {  	v3 =	vor.u32 v3, v4  }
0xb7: {  	v4 =	vperm.xlane v3, v0;
	_ =	sdelay $0x1  }
0xb8: {  	v4 =	vadd.s32 v1, v4;
	_ =	sdelay $0x3  }
0xb9: {  	v3 =	vperm.xlane v3, v2  }
0xba: {  	[tilespmem:s16], [sflag:$0x1] =	stream.indirect_vreg.gather [hbm4b:s3+s2], $0x80, v4, vm0, $0xb8;
	[tilespmem:$0x14100] =	vst v63  }
0xbb: {  	v3 =	vadd.s32 v1, v3  }
0xbc: {  	[tilespmem:s17], [sflag:$0x1] =	stream.indirect_vreg.gather [hbm4b:s4+s2], $0x80, v4, vm0, $0xb8;
	[tilespmem:$0x14100] =	vst v63  }
0xbd: {  	_ = 	snop  }
0xbe: {  	[tilespmem:s18], [sflag:$0x1] =	stream.indirect_vreg.gather [hbm4b:s5+s2], $0x80, v4, vm1, $0xb8;
	[tilespmem:$0x14100] =	vst v63  }
0xbf: {  	_ = 	snop  }
0xc0: {  	[tilespmem:s19], [sflag:$0x1] =	stream.indirect_vreg.gather [hbm4b:s3+s2], $0x80, v3, vm0, $0xb8;
	[tilespmem:$0x14100] =	vst v63  }
0xc1: {  	_ = 	snop  }
0xc2: {  	[tilespmem:s20], [sflag:$0x1] =	stream.indirect_vreg.gather [hbm4b:s4+s2], $0x80, v3, vm0, $0xb8;
	[tilespmem:$0x14100] =	vst v63  }
0xc3: {  	_ = 	snop  }
0xc4: {  	[tilespmem:s21], [sflag:$0x1] =	stream.indirect_vreg.gather [hbm4b:s5+s2], $0x80, v3, vm1, $0xb8;
	[tilespmem:$0x14100] =	vst v63  }
0xc5: {  	v3 =	vld [tilespmem:$0xB0];
	_ =	sdelay $0x4  }
0xc6: {  	v63 =	vshrl.u32 v3, $0x3  }
0xc7: {  	v4 =	vmul.u32 $0x28, v63  }
0xc8: {  	v3 =	vand.u32 $0x7, v3  }
0xc9: {  	v3 =	vor.u32 v3, v4  }
0xca: {  	v4 =	vperm.xlane v3, v0;
	_ =	sdelay $0x1  }
0xcb: {  	v4 =	vadd.s32 v1, v4;
	_ =	sdelay $0x3  }
0xcc: {  	v3 =	vperm.xlane v3, v2  }
0xcd: {  	[tilespmem:s22], [sflag:$0x1] =	stream.indirect_vreg.gather [hbm4b:s3+s2], $0x80, v4, vm0, $0xb8;
	[tilespmem:$0x14100] =	vst v63  }
0xce: {  	v3 =	vadd.s32 v1, v3  }
0xcf: {  	[tilespmem:s23], [sflag:$0x1] =	stream.indirect_vreg.gather [hbm4b:s4+s2], $0x80, v4, vm0, $0xb8;
	[tilespmem:$0x14100] =	vst v63  }
0xd0: {  	_ = 	snop  }
0xd1: {  	[tilespmem:s24], [sflag:$0x1] =	stream.indirect_vreg.gather [hbm4b:s5+s2], $0x80, v4, vm1, $0xb8;
	[tilespmem:$0x14100] =	vst v63  }
0xd2: {  	_ = 	snop  }
0xd3: {  	[tilespmem:s25], [sflag:$0x1] =	stream.indirect_vreg.gather [hbm4b:s3+s2], $0x80, v3, vm0, $0xb8;
	[tilespmem:$0x14100] =	vst v63  }
0xd4: {  	s1 =	sadd.s32 $0x10, s1  }
0xd5: {  	[tilespmem:s26], [sflag:$0x1] =	stream.indirect_vreg.gather [hbm4b:s4+s2], $0x80, v3, vm0, $0xb8;
	[tilespmem:$0x14100] =	vst v63  }
0xd6: {  	p0 =	sne.s32 s1, $0x100  }
0xd7: {  	[tilespmem:s28], [sflag:$0x1] =	stream.indirect_vreg.gather [hbm4b:s5+s2], $0x80, v3, vm1, $0xb8;
	[tilespmem:$0x14100] =	vst v63  }
.Ltmp0:
0xd8: {  	_ =	swait.ge [sflag:s10], $0xA000;
	(pc) =	sbr.rel @p0 .LBB2_2-.Ltmp0, $4  }
0xd9: {  	[sflag:s10] =	ssyncset.done $0x0  }
0xda: {  	[sflag:s10] =	ssyncadd.s32 $0xFFFF6000  }
0xdb: {  	[hbm4b:s31+s2] =	stream.linear.scatter [tilespmem:s11], [sflag:$0x2], $0xA000, $0x38;
	[tilespmem:$0x14100] =	vst v63  }
0xdc: {  	s31 =	sadd.s32 $0x2800, s31  }
0xdd: {  	s1 =	simm.s32 $0x2  }
0xde: {  	_ =	swait.ge [sflag:s1], $0xA000  }
0xdf: {  	[sflag:s1] =	ssyncset.done $0x0  }
0xe0: {  	[sflag:s1] =	ssyncadd.s32 $0xFFFF6000  }
0xe1: {  	_ =	swait.ge [sflag:s1], $0xA000  }
0xe2: {  	s0 =	sld [smem:$0x7F9];
	_ =	sdelay $0x1  }
0xe3: {  	s30 =	sadd.s32 $0x1, s30  }
0xe4: {  	p0 =	sne.s32 s30, s0  }
.Ltmp1:
0xe5: {  	_ = 	snop;
	(pc) =	sbr.rel @p0 .LBB2_1-.Ltmp1, $3  }
0xe6: {  	_ =	sdelay $0x1  }
0xe7: {  	[sflag:s1] =	ssyncset.done $0x0  }
0xe8: {  	[sflag:s1] =	ssyncadd.s32 $0xFFFF6000  }
0xe9: {  	_ =	sfence.sel $0x180000  }
0xea: {  	[bflag:$0x0] =	sbarrier.arrive $0xFFFF  }
0xeb: {  	_ =	strace $0x9000004A  }
0xec: {  	s0 =	stileid.u32;
	[bflag:$0x2] =	sbarrier.arrive $0xFFFF  }
0xed: {  	p0 =	sne.s32 s0, $0x0;
	s0 =	rddreg [dreg:$0x2]  }
0xee: {  	s0 =	sadd.s32 @!p0 $0x100000, s0  }
0xef: {  	[sflag:s0] =	ssyncadd.tile.s32 @!p0 $0x1;
	_ =	shalt  }
.Lfunc_end2:
_tile_overlayer_lowered:
.L_overlay_start_2:
0xf0: {  	(tag) =	ssettag $0x2  }
0xf1: {  	s0 =	rddreg [dreg:$0x0];
	s2 =	stileid.u32  }
0xf2: {  	s1 =	rddreg [dreg:$0x1];
	p0 =	sne.s32 s2, $0x0  }
0xf3: {  	s3 =	rddreg [dreg:$0x2];
	[bflag:$0x3] =	sbarrier.arrive $0xFFFF;
	s2 =	simm.s32 @!p0 $0x1C03  }
0xf4: {  	[timem:s3], [sflag:s2] =	dma.local @!p0 [hbm:s0], s1  }
0xf5: {  	s0 =	simm.s32 @!p0 $0x3  }
0xf6: {  	_ =	swait.ge @!p0 [sflag:s0], s1  }
0xf7: {  	s1 =	ssub.s32 @!p0 $0x0, s1;
	[sflag:s0] =	ssyncset.done @!p0 $0x0  }
0xf8: {  	[sflag:s0] =	ssyncadd.s32 @!p0 s1  }
0xf9: {  	[bflag:$0x3] =	sbarrier.arrive $0xFFFF  }
0xfa: {  	_ =	shalt  }

</sc_bundles>
